<compile_context>
chip_gen: v7x
topology: tpu7x:2x2x1
jax: 0.10.2.dev20260603
libtpu: 0.0.44.dev20260713+nightly
codegen_flags: <defaults>
</compile_context>

<pallas_src>
import functools

import jax
import jax.numpy as jnp
from jax import lax
from jax.experimental import pallas as pl
from jax.experimental.pallas import tpu as pltpu
from jax.experimental.pallas import tpu_sc as plsc

_NEG_INF = float("-inf")

_NC = 2
_NS = 16
_CHUNK = 3200


def _matvec_body(x_ref, w_ref, o_ref):
    r = jax.lax.dot_general(
        w_ref[...], x_ref[...], (((1,), (1,)), ((), ())),
        preferred_element_type=jnp.float32)
    o_ref[...] = r[None]


def _series_matvec(loss_series, W_series):
    n, w = loss_series.shape
    br = 4000 if n % 4000 == 0 else n
    out = pl.pallas_call(
        _matvec_body,
        grid=(n // br,),
        in_specs=[
            pl.BlockSpec((br, w), lambda i: (i, 0)),
            pl.BlockSpec((1, w), lambda i: (0, 0)),
        ],
        out_specs=pl.BlockSpec((1, 1, br), lambda i: (i, 0, 0)),
        out_shape=jax.ShapeDtypeStruct((n // br, 1, br), jnp.float32),
    )(loss_series, W_series)
    return out.reshape(-1)


def _combine_body(n, h_ref, pre_ref, suc_ref, wg_ref, o_ref):
    h = h_ref[...]
    pre = pre_ref[...]
    suc = suc_ref[...]
    r = h.shape[0]
    gid = (jax.lax.broadcasted_iota(jnp.int32, (r, 128), 0) * 128
           + jax.lax.broadcasted_iota(jnp.int32, (r, 128), 1))
    valid = gid < n
    pre = jnp.where(pre == _NEG_INF, 0.0, pre)
    suc = jnp.where(suc == _NEG_INF, 0.0, suc)
    x = h + wg_ref[0, 0] * pre + wg_ref[0, 1] * suc
    x = jnp.where(valid, x, _NEG_INF)
    m = jnp.max(x)
    e = jnp.exp(x - m)
    o_ref[...] = e / jnp.sum(e)


def _combine_softmax(n, h, pre, suc, W_graph):
    r = h.shape[0] // 128
    out = pl.pallas_call(
        functools.partial(_combine_body, n),
        in_specs=[
            pl.BlockSpec((r, 128), lambda: (0, 0)),
            pl.BlockSpec((r, 128), lambda: (0, 0)),
            pl.BlockSpec((r, 128), lambda: (0, 0)),
            pl.BlockSpec(memory_space=pltpu.SMEM),
        ],
        out_specs=pl.BlockSpec((r, 128), lambda: (0, 0)),
        out_shape=jax.ShapeDtypeStruct((r, 128), jnp.float32),
    )(h.reshape(r, 128), pre.reshape(r, 128), suc.reshape(r, 128), W_graph)
    return out.reshape(-1)[:n]


def _sc_scatter_max(feat, ei_flat):
    n = feat.shape[0]
    npad = ((n + _NS * 16 - 1) // (_NS * 16)) * (_NS * 16)
    e = ei_flat.shape[0] // 2
    sl = npad // _NS
    assert sl % 8 == 0
    ept = e // _NS
    assert ept * _NS == e and ept % _CHUNK == 0
    nchunk = ept // _CHUNK
    nvec = _CHUNK // 16
    q = n // 4
    assert q * 4 == n and q % 8 == 0

    assert nchunk >= 3
    G = 4
    assert nvec % G == 0
    rh0 = ((sl // 2 + 15) // 16) * 16
    rh0 = min(rh0, _CHUNK)
    rh1 = sl - rh0
    assert rh0 % 16 == 0 and rh1 % 16 == 0 and rh0 % 8 == 0
    assert 0 < rh1 <= _CHUNK

    def body(feat_hbm, ei_hbm, pre_hbm, suc_hbm, parts_hbm,
             feat_s, acc,
             srcb0, srcb1, dstb0, dstb1, vals0, vals1,
             slin0, slin1, sind0, sind1):
        srcbs = (srcb0, srcb1)
        dstbs = (dstb0, dstb1)
        valss = (vals0, vals1)
        slins = (slin0, slin1)
        sinds = (sind0, sind1)
        c = lax.axis_index("c")
        s = lax.axis_index("s")
        is_pre = c == 0
        base0 = s * ept
        ncl = nchunk - 1

        def issue_lin(k, si):
            base = base0 + jnp.minimum(k, ncl) * _CHUNK
            @pl.when(is_pre)
            def _():
                pltpu.async_copy(ei_hbm.at[pl.ds(base, _CHUNK)], srcbs[si],
                                 slins[si])
                pltpu.async_copy(ei_hbm.at[pl.ds(e + base, _CHUNK)],
                                 dstbs[si], slins[si])
            @pl.when(jnp.logical_not(is_pre))
            def _():
                pltpu.async_copy(ei_hbm.at[pl.ds(e + base, _CHUNK)],
                                 srcbs[si], slins[si])
                pltpu.async_copy(ei_hbm.at[pl.ds(base, _CHUNK)], dstbs[si],
                                 slins[si])

        def wait_lin(si):
            pltpu.make_async_copy(ei_hbm.at[pl.ds(0, _CHUNK)], srcbs[si],
                                  slins[si]).wait()
            pltpu.make_async_copy(ei_hbm.at[pl.ds(0, _CHUNK)], dstbs[si],
                                  slins[si]).wait()

        issue_lin(0, 0)
        issue_lin(1, 1)

        @pl.when(s < 4)
        def _():
            pltpu.sync_copy(feat_hbm.at[pl.ds(s * q, q)], acc.at[pl.ds(0, q)])
            pltpu.sync_copy(acc.at[pl.ds(0, q)], feat_s.at[pl.ds(s * q, q)])

        neg = jnp.full((16,), _NEG_INF, jnp.float32)
        assert npad % (16 * 8) == 0
        def init_j(j, carry):
            o = j * 128
            for u in range(8):
                acc[pl.ds(o + u * 16, 16)] = neg
            return carry
        lax.fori_loop(0, npad // 128, init_j, 0)

        plsc.subcore_barrier()

        def fire_ind(si):
            for m in range(_CHUNK // 128):
                pltpu.async_copy(
                    feat_s.at[srcbs[si].at[pl.ds(m * 128, 128)]],
                    valss[si].at[pl.ds(m * 128, 128)], sinds[si])

        def drain_ind(si):
            pltpu.make_async_copy(feat_hbm.at[pl.ds(0, _CHUNK)], valss[si],
                                  sinds[si]).wait()

        def compute(si):
            srcb, dstb, vals = srcbs[si], dstbs[si], valss[si]

            def step(j, bad):
                offb = j * (16 * G)
                keys, masks, vls, wins = [], [], [], []
                for g in range(G):
                    o = offb + g * 16
                    sv = srcb[pl.ds(o, 16)]
                    key = dstb[pl.ds(o, 16)]
                    vl = vals[pl.ds(o, 16)]
                    mask = sv != key
                    cur = plsc.load_gather(acc, [key])
                    keys.append(key)
                    masks.append(mask)
                    vls.append(vl)
                    wins.append(jnp.logical_and(mask, vl > cur))
                for g in range(G):
                    plsc.store_scatter(acc, [keys[g]], vls[g], mask=wins[g])
                for g in range(G):
                    cur2 = plsc.load_gather(acc, [keys[g]])
                    bad = bad + jnp.where(
                        jnp.logical_and(masks[g], vls[g] > cur2), 1, 0)
                return bad

            badv = lax.fori_loop(0, nvec // G, step,
                                 jnp.zeros((16,), jnp.int32))

            def fix(t):
                bv = lax.fori_loop(0, nvec // G, step,
                                   jnp.zeros((16,), jnp.int32))
                return jnp.max(bv)

            lax.while_loop(lambda t: t > 0, fix, jnp.max(badv))

        wait_lin(0)
        fire_ind(0)

        def substep(k, si):
            sj = (si + 1) % 2
            drain_ind(si)
            wait_lin(sj)
            fire_ind(sj)
            compute(si)
            issue_lin(k + 2, si)

        def group_body(gidx, carry):
            k = gidx * 2
            substep(k, 0)
            substep(k + 1, 1)
            return carry

        ngroup = nchunk // 2
        lax.fori_loop(0, ngroup, group_body, 0)
        for k in range(ngroup * 2, nchunk):
            substep(k, k % 2)

        lin_iss = [0, 0]
        lin_wt = [0, 0]
        ind_iss = [0, 0]
        ind_wt = [0, 0]
        lin_iss[0] += 1; lin_iss[1] += 1
        lin_wt[0] += 1
        ind_iss[0] += 1
        for k in range(nchunk):
            si = k % 2
            sj = (si + 1) % 2
            ind_wt[si] += 1
            lin_wt[sj] += 1
            ind_iss[sj] += 1
            lin_iss[si] += 1
        for si in range(2):
            for _ in range(ind_iss[si] - ind_wt[si]):
                drain_ind(si)
            for _ in range(lin_iss[si] - lin_wt[si]):
                wait_lin(si)

        pbase = (c * _NS + s) * npad
        pltpu.sync_copy(acc, parts_hbm.at[pl.ds(pbase, npad)])
        plsc.subcore_barrier()

        off = s * sl
        cbase = c * _NS * npad
        pltpu.sync_copy(parts_hbm.at[pl.ds(cbase + off, sl)],
                        acc.at[pl.ds(0, sl)])
        seq = [(t, h) for t in range(1, _NS) for h in range(2)]
        def rseg(i):
            t, h = seq[i]
            roff = cbase + t * npad + off + h * rh0
            rlen = rh0 if h == 0 else rh1
            return roff, rlen, valss[i % 2], slins[i % 2]
        def rissue(i):
            roff, rlen, dstv, sem = rseg(i)
            pltpu.async_copy(parts_hbm.at[pl.ds(roff, rlen)],
                             dstv.at[pl.ds(0, rlen)], sem)
        def rwait(i):
            roff, rlen, dstv, sem = rseg(i)
            pltpu.make_async_copy(parts_hbm.at[pl.ds(roff, rlen)],
                                  dstv.at[pl.ds(0, rlen)], sem).wait()
        for i in range(min(2, len(seq))):
            rissue(i)
        for i, (t, h) in enumerate(seq):
            rwait(i)
            _, rlen, dstv, _sem = rseg(i)
            abase = 0 if h == 0 else rh0
            def red_j(j, carry, _dstv=dstv, _abase=abase):
                o = j * 16
                acc[pl.ds(_abase + o, 16)] = jnp.maximum(
                    acc[pl.ds(_abase + o, 16)], _dstv[pl.ds(o, 16)])
                return carry
            lax.fori_loop(0, rlen // 16, red_j, 0)
            if i + 2 < len(seq):
                rissue(i + 2)

        @pl.when(is_pre)
        def _():
            pltpu.sync_copy(acc.at[pl.ds(0, sl)], pre_hbm.at[pl.ds(off, sl)])
        @pl.when(jnp.logical_not(is_pre))
        def _():
            pltpu.sync_copy(acc.at[pl.ds(0, sl)], suc_hbm.at[pl.ds(off, sl)])

    mesh = plsc.VectorSubcoreMesh(core_axis_name="c", subcore_axis_name="s",
                                  num_cores=_NC, num_subcores=_NS)
    pre, suc, _ = pl.kernel(
        body,
        out_type=[jax.ShapeDtypeStruct((npad,), jnp.float32),
                  jax.ShapeDtypeStruct((npad,), jnp.float32),
                  jax.ShapeDtypeStruct((_NC * _NS * npad,), jnp.float32)],
        mesh=mesh,
        compiler_params=pltpu.CompilerParams(needs_layout_passes=False),
        scratch_types=(
            [pltpu.VMEM_SHARED((n,), jnp.float32),
             pltpu.VMEM((npad,), jnp.float32)]
            + [pltpu.VMEM((_CHUNK,), jnp.int32)] * 4
            + [pltpu.VMEM((_CHUNK,), jnp.float32)] * 2
            + [pltpu.SemaphoreType.DMA] * 4
        ),
    )(feat, ei_flat)
    return pre, suc


def kernel(loss_series, edge_index, W_series, W_graph):
    n = loss_series.shape[0]
    npad = ((n + _NS * 16 - 1) // (_NS * 16)) * (_NS * 16)
    feat = _series_matvec(loss_series, W_series)
    ei_flat = edge_index.reshape(-1)
    pre_p, suc_p = _sc_scatter_max(feat, ei_flat)
    hp = jnp.pad(feat, (0, npad - n))
    out = _combine_softmax(n, hp, pre_p, suc_p, W_graph)
    return out[:, None]

# --- scband reference (transcript-rebuilt; emitter-appended) ---
"""Pipeline reference for scband-rcscorer-29180007809584 (READ-ONLY COPY).

The authoritative reference and input builder live on the scoring server;
editing this copy changes nothing except your own understanding.
"""

import jax, jax.numpy as jnp
import numpy as np

N_NODES = 100000
N_EDGES = 6400000
WINDOW = 128

def setup_inputs(seed: int = 0) -> dict:
    key = jax.random.key(seed)
    k1, k2 = jax.random.split(key)
    loss_series = jax.random.normal(k1, (N_NODES, WINDOW), dtype=jnp.float32)
    edge_index = jax.random.randint(k2, (2, N_EDGES), 0, N_NODES, dtype=jnp.int32)
    # Parameters, initialized exactly as in the torch module __init__
    W_series = jnp.full((1, WINDOW), 1.0 / WINDOW, dtype=jnp.float32)  # series_linear.weight
    W_graph = jnp.zeros((1, 2), dtype=jnp.float32)                      # graph_linear.weight = [0, -0]
    return {"loss_series": loss_series, "edge_index": edge_index, "W_series": W_series, "W_graph": W_graph}

def reference(loss_series, edge_index, W_series, W_graph):
    src = edge_index[0]
    dst = edge_index[1]
    # aggregate_series: Linear(window_size -> 1, no bias)
    series_h = loss_series @ W_series.T  # [N, 1]
    feat = series_h
    # remove self loops: mask self-loop messages with -inf (identity for max)
    self_loop = (src == dst)
    neg_inf = jnp.float32(-jnp.inf)
    # update_all(copy_u 'feat' -> max) on graph without self loops: pre_feat[v] = max over edges (u->v) of feat[u]
    msg_pre = jnp.where(self_loop[:, None], neg_inf, feat[src])
    pre = jax.ops.segment_max(msg_pre, dst, num_segments=N_NODES)
    pre = jnp.where(jnp.isneginf(pre), 0.0, pre)  # DGL fills nodes with no in-edges with 0
    # reversed graph: suc_max[u] = max over edges (u->v) of feat[v]
    msg_suc = jnp.where(self_loop[:, None], neg_inf, feat[dst])
    suc = jax.ops.segment_max(msg_suc, src, num_segments=N_NODES)
    suc = jnp.where(jnp.isneginf(suc), 0.0, suc)
    agg = jnp.concatenate([pre, suc], axis=1)  # [N, 2]
    graph_h = agg @ W_graph.T  # [N, 1]
    out = jax.nn.softmax(series_h + graph_h, axis=0)  # softmax over node dim (dim=0)
    return out

if __name__ == "__main__":
    import jax
    _d = setup_inputs()
    print(jax.jit(kernel)(*tuple(_d.values())))

</pallas_src>

<mosaic_0001>
#map = affine_map<(d0, d1) -> (0)>
module attributes {stable_mosaic.version = 14 : i64} {
  func.func @body(%arg0: i32, %arg1: i32, %arg2: memref<100000xf32, #tpu.memory_space<hbm>>, %arg3: memref<12800000xi32, #tpu.memory_space<hbm>>, %arg4: memref<100096xf32, #tpu.memory_space<hbm>>, %arg5: memref<100096xf32, #tpu.memory_space<hbm>>, %arg6: memref<3203072xf32, #tpu.memory_space<hbm>>, %arg7: memref<100000xf32, #tpu.memory_space<vmem_shared>>, %arg8: memref<100096xf32, #tpu.memory_space<vmem>>, %arg9: memref<3200xi32, #tpu.memory_space<vmem>>, %arg10: memref<3200xi32, #tpu.memory_space<vmem>>, %arg11: memref<3200xi32, #tpu.memory_space<vmem>>, %arg12: memref<3200xi32, #tpu.memory_space<vmem>>, %arg13: memref<3200xf32, #tpu.memory_space<vmem>>, %arg14: memref<3200xf32, #tpu.memory_space<vmem>>, %arg15: memref<!tpu.dma_semaphore, #tpu.memory_space<semaphore_mem>>, %arg16: memref<!tpu.dma_semaphore, #tpu.memory_space<semaphore_mem>>, %arg17: memref<!tpu.dma_semaphore, #tpu.memory_space<semaphore_mem>>, %arg18: memref<!tpu.dma_semaphore, #tpu.memory_space<semaphore_mem>>) attributes {dimension_semantics = [#tpu.dimension_semantics<core_parallel>, #tpu.dimension_semantics<subcore_parallel>], iteration_bounds = array<i64: 2, 16>, scalar_prefetch = 0 : i64, scratch_operands = 12 : i64, tpu.core_type = #tpu.core_type<sc_vector_subcore>, window_params = [{transform_indices = #map}, {transform_indices = #map}, {transform_indices = #map}, {transform_indices = #map}, {transform_indices = #map}]} {
    %eq3A = arith.constant 0 : i32
    %eq3A_0 = arith.cmpi eq, %arg0, %eq3A : i32
    %mul3A = arith.constant 400000 : i32
    %mul3A_1 = arith.muli %arg1, %mul3A : i32
    %min3A = arith.constant 0 : i32
    %min3A_2 = arith.constant 124 : i32
    %min3A_3 = arith.minsi %min3A, %min3A_2 : i32
    %mul3A_4 = arith.constant 3200 : i32
    %mul3A_5 = arith.muli %min3A_3, %mul3A_4 : i32
    %add3A = arith.addi %mul3A_1, %mul3A_5 : i32
    %convert_element_type3A = arith.extui %eq3A_0 : i1 to i32
    %cond3A = arith.constant 0 : i32
    %cond3A_6 = arith.cmpi ne, %convert_element_type3A, %cond3A : i32
    scf.if %cond3A_6 {
      %dma_start3A_1411 = tpu.memref_slice %arg3[%add3A] : memref<12800000xi32, #tpu.memory_space<hbm>> -> memref<3200xi32, #tpu.memory_space<hbm>>
      %dma_start3A_1412 = tpu.memref_slice %arg3[%add3A] : memref<12800000xi32, #tpu.memory_space<hbm>> -> memref<3200xi32, #tpu.memory_space<hbm>>
      tpu.enqueue_dma source(%dma_start3A_1412 : memref<3200xi32, #tpu.memory_space<hbm>>) target(%arg9 : memref<3200xi32, #tpu.memory_space<vmem>>) target_semaphore(%arg15 : memref<!tpu.dma_semaphore, #tpu.memory_space<semaphore_mem>>)
      %add3A_1413 = arith.constant 6400000 : i32
      %add3A_1414 = arith.addi %add3A_1413, %add3A : i32
      %dma_start3A_1415 = tpu.memref_slice %arg3[%add3A_1414] : memref<12800000xi32, #tpu.memory_space<hbm>> -> memref<3200xi32, #tpu.memory_space<hbm>>
      %dma_start3A_1416 = tpu.memref_slice %arg3[%add3A_1414] : memref<12800000xi32, #tpu.memory_space<hbm>> -> memref<3200xi32, #tpu.memory_space<hbm>>
      tpu.enqueue_dma source(%dma_start3A_1416 : memref<3200xi32, #tpu.memory_space<hbm>>) target(%arg11 : memref<3200xi32, #tpu.memory_space<vmem>>) target_semaphore(%arg15 : memref<!tpu.dma_semaphore, #tpu.memory_space<semaphore_mem>>)
    } else {
    }
    %not3A = arith.constant true
    %not3A_7 = arith.xori %eq3A_0, %not3A : i1
    %convert_element_type3A_8 = arith.extui %not3A_7 : i1 to i32
    %cond3A_9 = arith.constant 0 : i32
    %cond3A_10 = arith.cmpi ne, %convert_element_type3A_8, %cond3A_9 : i32
    scf.if %cond3A_10 {
      %add3A_1411 = arith.constant 6400000 : i32
      %add3A_1412 = arith.addi %add3A_1411, %add3A : i32
      %dma_start3A_1413 = tpu.memref_slice %arg3[%add3A_1412] : memref<12800000xi32, #tpu.memory_space<hbm>> -> memref<3200xi32, #tpu.memory_space<hbm>>
      %dma_start3A_1414 = tpu.memref_slice %arg3[%add3A_1412] : memref<12800000xi32, #tpu.memory_space<hbm>> -> memref<3200xi32, #tpu.memory_space<hbm>>
      tpu.enqueue_dma source(%dma_start3A_1414 : memref<3200xi32, #tpu.memory_space<hbm>>) target(%arg9 : memref<3200xi32, #tpu.memory_space<vmem>>) target_semaphore(%arg15 : memref<!tpu.dma_semaphore, #tpu.memory_space<semaphore_mem>>)
      %dma_start3A_1415 = tpu.memref_slice %arg3[%add3A] : memref<12800000xi32, #tpu.memory_space<hbm>> -> memref<3200xi32, #tpu.memory_space<hbm>>
      %dma_start3A_1416 = tpu.memref_slice %arg3[%add3A] : memref<12800000xi32, #tpu.memory_space<hbm>> -> memref<3200xi32, #tpu.memory_space<hbm>>
      tpu.enqueue_dma source(%dma_start3A_1416 : memref<3200xi32, #tpu.memory_space<hbm>>) target(%arg11 : memref<3200xi32, #tpu.memory_space<vmem>>) target_semaphore(%arg15 : memref<!tpu.dma_semaphore, #tpu.memory_space<semaphore_mem>>)
    } else {
    }
    %min3A_11 = arith.constant 1 : i32
    %min3A_12 = arith.constant 124 : i32
    %min3A_13 = arith.minsi %min3A_11, %min3A_12 : i32
    %mul3A_14 = arith.constant 3200 : i32
    %mul3A_15 = arith.muli %min3A_13, %mul3A_14 : i32
    %add3A_16 = arith.addi %mul3A_1, %mul3A_15 : i32
    %convert_element_type3A_17 = arith.extui %eq3A_0 : i1 to i32
    %cond3A_18 = arith.constant 0 : i32
    %cond3A_19 = arith.cmpi ne, %convert_element_type3A_17, %cond3A_18 : i32
    scf.if %cond3A_19 {
      %dma_start3A_1411 = tpu.memref_slice %arg3[%add3A_16] : memref<12800000xi32, #tpu.memory_space<hbm>> -> memref<3200xi32, #tpu.memory_space<hbm>>
      %dma_start3A_1412 = tpu.memref_slice %arg3[%add3A_16] : memref<12800000xi32, #tpu.memory_space<hbm>> -> memref<3200xi32, #tpu.memory_space<hbm>>
      tpu.enqueue_dma source(%dma_start3A_1412 : memref<3200xi32, #tpu.memory_space<hbm>>) target(%arg10 : memref<3200xi32, #tpu.memory_space<vmem>>) target_semaphore(%arg16 : memref<!tpu.dma_semaphore, #tpu.memory_space<semaphore_mem>>)
      %add3A_1413 = arith.constant 6400000 : i32
      %add3A_1414 = arith.addi %add3A_1413, %add3A_16 : i32
      %dma_start3A_1415 = tpu.memref_slice %arg3[%add3A_1414] : memref<12800000xi32, #tpu.memory_space<hbm>> -> memref<3200xi32, #tpu.memory_space<hbm>>
      %dma_start3A_1416 = tpu.memref_slice %arg3[%add3A_1414] : memref<12800000xi32, #tpu.memory_space<hbm>> -> memref<3200xi32, #tpu.memory_space<hbm>>
      tpu.enqueue_dma source(%dma_start3A_1416 : memref<3200xi32, #tpu.memory_space<hbm>>) target(%arg12 : memref<3200xi32, #tpu.memory_space<vmem>>) target_semaphore(%arg16 : memref<!tpu.dma_semaphore, #tpu.memory_space<semaphore_mem>>)
    } else {
    }
    %not3A_20 = arith.constant true
    %not3A_21 = arith.xori %eq3A_0, %not3A_20 : i1
    %convert_element_type3A_22 = arith.extui %not3A_21 : i1 to i32
    %cond3A_23 = arith.constant 0 : i32
    %cond3A_24 = arith.cmpi ne, %convert_element_type3A_22, %cond3A_23 : i32
    scf.if %cond3A_24 {
      %add3A_1411 = arith.constant 6400000 : i32
      %add3A_1412 = arith.addi %add3A_1411, %add3A_16 : i32
      %dma_start3A_1413 = tpu.memref_slice %arg3[%add3A_1412] : memref<12800000xi32, #tpu.memory_space<hbm>> -> memref<3200xi32, #tpu.memory_space<hbm>>
      %dma_start3A_1414 = tpu.memref_slice %arg3[%add3A_1412] : memref<12800000xi32, #tpu.memory_space<hbm>> -> memref<3200xi32, #tpu.memory_space<hbm>>
      tpu.enqueue_dma source(%dma_start3A_1414 : memref<3200xi32, #tpu.memory_space<hbm>>) target(%arg10 : memref<3200xi32, #tpu.memory_space<vmem>>) target_semaphore(%arg16 : memref<!tpu.dma_semaphore, #tpu.memory_space<semaphore_mem>>)
      %dma_start3A_1415 = tpu.memref_slice %arg3[%add3A_16] : memref<12800000xi32, #tpu.memory_space<hbm>> -> memref<3200xi32, #tpu.memory_space<hbm>>
      %dma_start3A_1416 = tpu.memref_slice %arg3[%add3A_16] : memref<12800000xi32, #tpu.memory_space<hbm>> -> memref<3200xi32, #tpu.memory_space<hbm>>
      tpu.enqueue_dma source(%dma_start3A_1416 : memref<3200xi32, #tpu.memory_space<hbm>>) target(%arg12 : memref<3200xi32, #tpu.memory_space<vmem>>) target_semaphore(%arg16 : memref<!tpu.dma_semaphore, #tpu.memory_space<semaphore_mem>>)
    } else {
    }
    %lt3A = arith.constant 4 : i32
    %lt3A_25 = arith.cmpi slt, %arg1, %lt3A : i32
    %convert_element_type3A_26 = arith.extui %lt3A_25 : i1 to i32
    %cond3A_27 = arith.constant 0 : i32
    %cond3A_28 = arith.cmpi ne, %convert_element_type3A_26, %cond3A_27 : i32
    scf.if %cond3A_28 {
      %mul3A_1411 = arith.constant 25000 : i32
      %mul3A_1412 = arith.muli %arg1, %mul3A_1411 : i32
      "tpu.region"() ({
        %run_scoped3A = tpu.sem_alloc : memref<!tpu.dma_semaphore, #tpu.memory_space<semaphore_mem>>
        %dma_start3A_1415 = arith.constant 0 : i32
        %dma_start3A_1416 = tpu.memref_slice %arg8[%dma_start3A_1415] : memref<100096xf32, #tpu.memory_space<vmem>> -> memref<25000xf32, #tpu.memory_space<vmem>>
        %dma_start3A_1417 = tpu.memref_slice %arg2[%mul3A_1412] : memref<100000xf32, #tpu.memory_space<hbm>> -> memref<25000xf32, #tpu.memory_space<hbm>>
        %dma_start3A_1418 = arith.constant 0 : i32
        %dma_start3A_1419 = tpu.memref_slice %arg8[%dma_start3A_1418] : memref<100096xf32, #tpu.memory_space<vmem>> -> memref<25000xf32, #tpu.memory_space<vmem>>
        %dma_start3A_1420 = tpu.memref_slice %arg2[%mul3A_1412] : memref<100000xf32, #tpu.memory_space<hbm>> -> memref<25000xf32, #tpu.memory_space<hbm>>
        tpu.enqueue_dma source(%dma_start3A_1420 : memref<25000xf32, #tpu.memory_space<hbm>>) target(%dma_start3A_1419 : memref<25000xf32, #tpu.memory_space<vmem>>) target_semaphore(%run_scoped3A : memref<!tpu.dma_semaphore, #tpu.memory_space<semaphore_mem>>)
        %dma_wait3A_1421 = arith.constant 0 : i32
        %dma_wait3A_1422 = tpu.memref_slice %arg8[%dma_wait3A_1421] : memref<100096xf32, #tpu.memory_space<vmem>> -> memref<25000xf32, #tpu.memory_space<vmem>>
        %dma_wait3A_1423 = tpu.memref_slice %arg2[%mul3A_1412] : memref<100000xf32, #tpu.memory_space<hbm>> -> memref<25000xf32, #tpu.memory_space<hbm>>
        %dma_wait3A_1424 = arith.constant 0 : i32
        %dma_wait3A_1425 = tpu.memref_slice %arg8[%dma_wait3A_1424] : memref<100096xf32, #tpu.memory_space<vmem>> -> memref<25000xf32, #tpu.memory_space<vmem>>
        %dma_wait3A_1426 = tpu.memref_slice %arg2[%mul3A_1412] : memref<100000xf32, #tpu.memory_space<hbm>> -> memref<25000xf32, #tpu.memory_space<hbm>>
        tpu.wait_dma2 semaphore(%run_scoped3A : memref<!tpu.dma_semaphore, #tpu.memory_space<semaphore_mem>>) src(%dma_wait3A_1426 : memref<25000xf32, #tpu.memory_space<hbm>>) dst(%dma_wait3A_1425 : memref<25000xf32, #tpu.memory_space<vmem>>)
        tpu.yield
      }) : () -> ()
      %mul3A_1413 = arith.constant 25000 : i32
      %mul3A_1414 = arith.muli %arg1, %mul3A_1413 : i32
      "tpu.region"() ({
        %run_scoped3A = tpu.sem_alloc : memref<!tpu.dma_semaphore, #tpu.memory_space<semaphore_mem>>
        %dma_start3A_1415 = arith.constant 0 : i32
        %dma_start3A_1416 = tpu.memref_slice %arg8[%dma_start3A_1415] : memref<100096xf32, #tpu.memory_space<vmem>> -> memref<25000xf32, #tpu.memory_space<vmem>>
        %dma_start3A_1417 = tpu.memref_slice %arg7[%mul3A_1414] : memref<100000xf32, #tpu.memory_space<vmem_shared>> -> memref<25000xf32, #tpu.memory_space<vmem_shared>>
        %dma_start3A_1418 = tpu.memref_slice %arg7[%mul3A_1414] : memref<100000xf32, #tpu.memory_space<vmem_shared>> -> memref<25000xf32, #tpu.memory_space<vmem_shared>>
        %dma_start3A_1419 = arith.constant 0 : i32
        %dma_start3A_1420 = tpu.memref_slice %arg8[%dma_start3A_1419] : memref<100096xf32, #tpu.memory_space<vmem>> -> memref<25000xf32, #tpu.memory_space<vmem>>
        tpu.enqueue_dma source(%dma_start3A_1420 : memref<25000xf32, #tpu.memory_space<vmem>>) target(%dma_start3A_1418 : memref<25000xf32, #tpu.memory_space<vmem_shared>>) target_semaphore(%run_scoped3A : memref<!tpu.dma_semaphore, #tpu.memory_space<semaphore_mem>>)
        %dma_wait3A_1421 = arith.constant 0 : i32
        %dma_wait3A_1422 = tpu.memref_slice %arg8[%dma_wait3A_1421] : memref<100096xf32, #tpu.memory_space<vmem>> -> memref<25000xf32, #tpu.memory_space<vmem>>
        %dma_wait3A_1423 = tpu.memref_slice %arg7[%mul3A_1414] : memref<100000xf32, #tpu.memory_space<vmem_shared>> -> memref<25000xf32, #tpu.memory_space<vmem_shared>>
        %dma_wait3A_1424 = tpu.memref_slice %arg7[%mul3A_1414] : memref<100000xf32, #tpu.memory_space<vmem_shared>> -> memref<25000xf32, #tpu.memory_space<vmem_shared>>
        %dma_wait3A_1425 = arith.constant 0 : i32
        %dma_wait3A_1426 = tpu.memref_slice %arg8[%dma_wait3A_1425] : memref<100096xf32, #tpu.memory_space<vmem>> -> memref<25000xf32, #tpu.memory_space<vmem>>
        tpu.wait_dma2 semaphore(%run_scoped3A : memref<!tpu.dma_semaphore, #tpu.memory_space<semaphore_mem>>) src(%dma_wait3A_1426 : memref<25000xf32, #tpu.memory_space<vmem>>) dst(%dma_wait3A_1424 : memref<25000xf32, #tpu.memory_space<vmem_shared>>)
        tpu.yield
      }) : () -> ()
    } else {
    }
    %broadcast_in_dim3A = arith.constant 0xFF800000 : f32
    %broadcast_in_dim3A_29 = vector.broadcast %broadcast_in_dim3A : f32 to vector<16xf32>
    %scan3A = arith.constant 0 : i32
    %scan3A_30 = arith.constant 0 : i32
    %scan3A_31 = arith.constant 782 : i32
    %scan3A_32 = arith.addi %scan3A_30, %scan3A_31 : i32
    %scan3A_33 = arith.constant 1 : i32
    scf.for %scan3A_1411 = %scan3A_30 to %scan3A_32 step %scan3A_33  : i32 {
      %mul3A_1412 = arith.constant 128 : i32
      %mul3A_1413 = arith.muli %scan3A_1411, %mul3A_1412 : i32
      %add3A_1414 = arith.constant 0 : i32
      %add3A_1415 = arith.addi %mul3A_1413, %add3A_1414 : i32
      %swap3A = arith.index_cast %add3A_1415 : i32 to index
      %swap3A_1416 = tpu.vector_load %arg8[%swap3A] {strides = array<i32>} : memref<100096xf32, #tpu.memory_space<vmem>>, vector<16xf32>,
      tpu.vector_store %arg8[%swap3A], %broadcast_in_dim3A_29 {strides = array<i32>} : memref<100096xf32, #tpu.memory_space<vmem>>, vector<16xf32>,
      %add3A_1417 = arith.constant 16 : i32
      %add3A_1418 = arith.addi %mul3A_1413, %add3A_1417 : i32
      %swap3A_1419 = arith.index_cast %add3A_1418 : i32 to index
      %swap3A_1420 = tpu.vector_load %arg8[%swap3A_1419] {strides = array<i32>} : memref<100096xf32, #tpu.memory_space<vmem>>, vector<16xf32>,
      tpu.vector_store %arg8[%swap3A_1419], %broadcast_in_dim3A_29 {strides = array<i32>} : memref<100096xf32, #tpu.memory_space<vmem>>, vector<16xf32>,
      %add3A_1421 = arith.constant 32 : i32
      %add3A_1422 = arith.addi %mul3A_1413, %add3A_1421 : i32
      %swap3A_1423 = arith.index_cast %add3A_1422 : i32 to index
      %swap3A_1424 = tpu.vector_load %arg8[%swap3A_1423] {strides = array<i32>} : memref<100096xf32, #tpu.memory_space<vmem>>, vector<16xf32>,
      tpu.vector_store %arg8[%swap3A_1423], %broadcast_in_dim3A_29 {strides = array<i32>} : memref<100096xf32, #tpu.memory_space<vmem>>, vector<16xf32>,
      %add3A_1425 = arith.constant 48 : i32
      %add3A_1426 = arith.addi %mul3A_1413, %add3A_1425 : i32
      %swap3A_1427 = arith.index_cast %add3A_1426 : i32 to index
      %swap3A_1428 = tpu.vector_load %arg8[%swap3A_1427] {strides = array<i32>} : memref<100096xf32, #tpu.memory_space<vmem>>, vector<16xf32>,
      tpu.vector_store %arg8[%swap3A_1427], %broadcast_in_dim3A_29 {strides = array<i32>} : memref<100096xf32, #tpu.memory_space<vmem>>, vector<16xf32>,
      %add3A_1429 = arith.constant 64 : i32
      %add3A_1430 = arith.addi %mul3A_1413, %add3A_1429 : i32
      %swap3A_1431 = arith.index_cast %add3A_1430 : i32 to index
      %swap3A_1432 = tpu.vector_load %arg8[%swap3A_1431] {strides = array<i32>} : memref<100096xf32, #tpu.memory_space<vmem>>, vector<16xf32>,
      tpu.vector_store %arg8[%swap3A_1431], %broadcast_in_dim3A_29 {strides = array<i32>} : memref<100096xf32, #tpu.memory_space<vmem>>, vector<16xf32>,
      %add3A_1433 = arith.constant 80 : i32
      %add3A_1434 = arith.addi %mul3A_1413, %add3A_1433 : i32
      %swap3A_1435 = arith.index_cast %add3A_1434 : i32 to index
      %swap3A_1436 = tpu.vector_load %arg8[%swap3A_1435] {strides = array<i32>} : memref<100096xf32, #tpu.memory_space<vmem>>, vector<16xf32>,
      tpu.vector_store %arg8[%swap3A_1435], %broadcast_in_dim3A_29 {strides = array<i32>} : memref<100096xf32, #tpu.memory_space<vmem>>, vector<16xf32>,
      %add3A_1437 = arith.constant 96 : i32
      %add3A_1438 = arith.addi %mul3A_1413, %add3A_1437 : i32
      %swap3A_1439 = arith.index_cast %add3A_1438 : i32 to index
      %swap3A_1440 = tpu.vector_load %arg8[%swap3A_1439] {strides = array<i32>} : memref<100096xf32, #tpu.memory_space<vmem>>, vector<16xf32>,
      tpu.vector_store %arg8[%swap3A_1439], %broadcast_in_dim3A_29 {strides = array<i32>} : memref<100096xf32, #tpu.memory_space<vmem>>, vector<16xf32>,
      %add3A_1441 = arith.constant 112 : i32
      %add3A_1442 = arith.addi %mul3A_1413, %add3A_1441 : i32
      %swap3A_1443 = arith.index_cast %add3A_1442 : i32 to index
      %swap3A_1444 = tpu.vector_load %arg8[%swap3A_1443] {strides = array<i32>} : memref<100096xf32, #tpu.memory_space<vmem>>, vector<16xf32>,
      tpu.vector_store %arg8[%swap3A_1443], %broadcast_in_dim3A_29 {strides = array<i32>} : memref<100096xf32, #tpu.memory_space<vmem>>, vector<16xf32>,
    }
    %scan3A_34 = arith.constant 782 : i32
    %barrier3A = arith.constant 0 : index
    tpu.barrier barrier_id(%barrier3A)
    %dma_wait3A = arith.constant 0 : i32
    %dma_wait3A_35 = tpu.memref_slice %arg3[%dma_wait3A] : memref<12800000xi32, #tpu.memory_space<hbm>> -> memref<3200xi32, #tpu.memory_space<hbm>>
    %dma_wait3A_36 = arith.constant 0 : i32
    %dma_wait3A_37 = tpu.memref_slice %arg3[%dma_wait3A_36] : memref<12800000xi32, #tpu.memory_space<hbm>> -> memref<3200xi32, #tpu.memory_space<hbm>>
    tpu.wait_dma2 semaphore(%arg15 : memref<!tpu.dma_semaphore, #tpu.memory_space<semaphore_mem>>) src(%dma_wait3A_37 : memref<3200xi32, #tpu.memory_space<hbm>>) dst(%arg9 : memref<3200xi32, #tpu.memory_space<vmem>>)
    %dma_wait3A_38 = arith.constant 0 : i32
    %dma_wait3A_39 = tpu.memref_slice %arg3[%dma_wait3A_38] : memref<12800000xi32, #tpu.memory_space<hbm>> -> memref<3200xi32, #tpu.memory_space<hbm>>
    %dma_wait3A_40 = arith.constant 0 : i32
    %dma_wait3A_41 = tpu.memref_slice %arg3[%dma_wait3A_40] : memref<12800000xi32, #tpu.memory_space<hbm>> -> memref<3200xi32, #tpu.memory_space<hbm>>
    tpu.wait_dma2 semaphore(%arg15 : memref<!tpu.dma_semaphore, #tpu.memory_space<semaphore_mem>>) src(%dma_wait3A_41 : memref<3200xi32, #tpu.memory_space<hbm>>) dst(%arg11 : memref<3200xi32, #tpu.memory_space<vmem>>)
    %dma_start3A = arith.constant 0 : i32
    %dma_start3A_42 = tpu.memref_slice %arg13[%dma_start3A] : memref<3200xf32, #tpu.memory_space<vmem>> -> memref<128xf32, #tpu.memory_space<vmem>>
    %dma_start3A_43 = arith.constant 0 : i32
    %dma_start3A_44 = tpu.memref_slice %arg9[%dma_start3A_43] : memref<3200xi32, #tpu.memory_space<vmem>> -> memref<128xi32, #tpu.memory_space<vmem>>
    %dma_start3A_45 = arith.constant 0 : i32
    %dma_start3A_46 = tpu.memref_slice %arg7[%dma_start3A_45] : memref<100000xf32, #tpu.memory_space<vmem_shared>> -> memref<100000xf32, #tpu.memory_space<vmem_shared>>
    tpu.enqueue_indirect_dma source(%dma_start3A_46 : memref<100000xf32, #tpu.memory_space<vmem_shared>>) target(%dma_start3A_42 : memref<128xf32, #tpu.memory_space<vmem>>) offsets(%dma_start3A_44 : memref<128xi32, #tpu.memory_space<vmem>>) semaphore(%arg17 : memref<!tpu.dma_semaphore, #tpu.memory_space<semaphore_mem>>)
    %dma_start3A_47 = arith.constant 128 : i32
    %dma_start3A_48 = tpu.memref_slice %arg13[%dma_start3A_47] : memref<3200xf32, #tpu.memory_space<vmem>> -> memref<128xf32, #tpu.memory_space<vmem>>
    %dma_start3A_49 = arith.constant 128 : i32
    %dma_start3A_50 = tpu.memref_slice %arg9[%dma_start3A_49] : memref<3200xi32, #tpu.memory_space<vmem>> -> memref<128xi32, #tpu.memory_space<vmem>>
    %dma_start3A_51 = arith.constant 0 : i32
    %dma_start3A_52 = tpu.memref_slice %arg7[%dma_start3A_51] : memref<100000xf32, #tpu.memory_space<vmem_shared>> -> memref<100000xf32, #tpu.memory_space<vmem_shared>>
    tpu.enqueue_indirect_dma source(%dma_start3A_52 : memref<100000xf32, #tpu.memory_space<vmem_shared>>) target(%dma_start3A_48 : memref<128xf32, #tpu.memory_space<vmem>>) offsets(%dma_start3A_50 : memref<128xi32, #tpu.memory_space<vmem>>) semaphore(%arg17 : memref<!tpu.dma_semaphore, #tpu.memory_space<semaphore_mem>>)
    %dma_start3A_53 = arith.constant 256 : i32
    %dma_start3A_54 = tpu.memref_slice %arg13[%dma_start3A_53] : memref<3200xf32, #tpu.memory_space<vmem>> -> memref<128xf32, #tpu.memory_space<vmem>>
    %dma_start3A_55 = arith.constant 256 : i32
    %dma_start3A_56 = tpu.memref_slice %arg9[%dma_start3A_55] : memref<3200xi32, #tpu.memory_space<vmem>> -> memref<128xi32, #tpu.memory_space<vmem>>
    %dma_start3A_57 = arith.constant 0 : i32
    %dma_start3A_58 = tpu.memref_slice %arg7[%dma_start3A_57] : memref<100000xf32, #tpu.memory_space<vmem_shared>> -> memref<100000xf32, #tpu.memory_space<vmem_shared>>
    tpu.enqueue_indirect_dma source(%dma_start3A_58 : memref<100000xf32, #tpu.memory_space<vmem_shared>>) target(%dma_start3A_54 : memref<128xf32, #tpu.memory_space<vmem>>) offsets(%dma_start3A_56 : memref<128xi32, #tpu.memory_space<vmem>>) semaphore(%arg17 : memref<!tpu.dma_semaphore, #tpu.memory_space<semaphore_mem>>)
    %dma_start3A_59 = arith.constant 384 : i32
    %dma_start3A_60 = tpu.memref_slice %arg13[%dma_start3A_59] : memref<3200xf32, #tpu.memory_space<vmem>> -> memref<128xf32, #tpu.memory_space<vmem>>
    %dma_start3A_61 = arith.constant 384 : i32
    %dma_start3A_62 = tpu.memref_slice %arg9[%dma_start3A_61] : memref<3200xi32, #tpu.memory_space<vmem>> -> memref<128xi32, #tpu.memory_space<vmem>>
    %dma_start3A_63 = arith.constant 0 : i32
    %dma_start3A_64 = tpu.memref_slice %arg7[%dma_start3A_63] : memref<100000xf32, #tpu.memory_space<vmem_shared>> -> memref<100000xf32, #tpu.memory_space<vmem_shared>>
    tpu.enqueue_indirect_dma source(%dma_start3A_64 : memref<100000xf32, #tpu.memory_space<vmem_shared>>) target(%dma_start3A_60 : memref<128xf32, #tpu.memory_space<vmem>>) offsets(%dma_start3A_62 : memref<128xi32, #tpu.memory_space<vmem>>) semaphore(%arg17 : memref<!tpu.dma_semaphore, #tpu.memory_space<semaphore_mem>>)
    %dma_start3A_65 = arith.constant 512 : i32
    %dma_start3A_66 = tpu.memref_slice %arg13[%dma_start3A_65] : memref<3200xf32, #tpu.memory_space<vmem>> -> memref<128xf32, #tpu.memory_space<vmem>>
    %dma_start3A_67 = arith.constant 512 : i32
    %dma_start3A_68 = tpu.memref_slice %arg9[%dma_start3A_67] : memref<3200xi32, #tpu.memory_space<vmem>> -> memref<128xi32, #tpu.memory_space<vmem>>
    %dma_start3A_69 = arith.constant 0 : i32
    %dma_start3A_70 = tpu.memref_slice %arg7[%dma_start3A_69] : memref<100000xf32, #tpu.memory_space<vmem_shared>> -> memref<100000xf32, #tpu.memory_space<vmem_shared>>
    tpu.enqueue_indirect_dma source(%dma_start3A_70 : memref<100000xf32, #tpu.memory_space<vmem_shared>>) target(%dma_start3A_66 : memref<128xf32, #tpu.memory_space<vmem>>) offsets(%dma_start3A_68 : memref<128xi32, #tpu.memory_space<vmem>>) semaphore(%arg17 : memref<!tpu.dma_semaphore, #tpu.memory_space<semaphore_mem>>)
    %dma_start3A_71 = arith.constant 640 : i32
    %dma_start3A_72 = tpu.memref_slice %arg13[%dma_start3A_71] : memref<3200xf32, #tpu.memory_space<vmem>> -> memref<128xf32, #tpu.memory_space<vmem>>
    %dma_start3A_73 = arith.constant 640 : i32
    %dma_start3A_74 = tpu.memref_slice %arg9[%dma_start3A_73] : memref<3200xi32, #tpu.memory_space<vmem>> -> memref<128xi32, #tpu.memory_space<vmem>>
    %dma_start3A_75 = arith.constant 0 : i32
    %dma_start3A_76 = tpu.memref_slice %arg7[%dma_start3A_75] : memref<100000xf32, #tpu.memory_space<vmem_shared>> -> memref<100000xf32, #tpu.memory_space<vmem_shared>>
    tpu.enqueue_indirect_dma source(%dma_start3A_76 : memref<100000xf32, #tpu.memory_space<vmem_shared>>) target(%dma_start3A_72 : memref<128xf32, #tpu.memory_space<vmem>>) offsets(%dma_start3A_74 : memref<128xi32, #tpu.memory_space<vmem>>) semaphore(%arg17 : memref<!tpu.dma_semaphore, #tpu.memory_space<semaphore_mem>>)
    %dma_start3A_77 = arith.constant 768 : i32
    %dma_start3A_78 = tpu.memref_slice %arg13[%dma_start3A_77] : memref<3200xf32, #tpu.memory_space<vmem>> -> memref<128xf32, #tpu.memory_space<vmem>>
    %dma_start3A_79 = arith.constant 768 : i32
    %dma_start3A_80 = tpu.memref_slice %arg9[%dma_start3A_79] : memref<3200xi32, #tpu.memory_space<vmem>> -> memref<128xi32, #tpu.memory_space<vmem>>
    %dma_start3A_81 = arith.constant 0 : i32
    %dma_start3A_82 = tpu.memref_slice %arg7[%dma_start3A_81] : memref<100000xf32, #tpu.memory_space<vmem_shared>> -> memref<100000xf32, #tpu.memory_space<vmem_shared>>
    tpu.enqueue_indirect_dma source(%dma_start3A_82 : memref<100000xf32, #tpu.memory_space<vmem_shared>>) target(%dma_start3A_78 : memref<128xf32, #tpu.memory_space<vmem>>) offsets(%dma_start3A_80 : memref<128xi32, #tpu.memory_space<vmem>>) semaphore(%arg17 : memref<!tpu.dma_semaphore, #tpu.memory_space<semaphore_mem>>)
    %dma_start3A_83 = arith.constant 896 : i32
    %dma_start3A_84 = tpu.memref_slice %arg13[%dma_start3A_83] : memref<3200xf32, #tpu.memory_space<vmem>> -> memref<128xf32, #tpu.memory_space<vmem>>
    %dma_start3A_85 = arith.constant 896 : i32
    %dma_start3A_86 = tpu.memref_slice %arg9[%dma_start3A_85] : memref<3200xi32, #tpu.memory_space<vmem>> -> memref<128xi32, #tpu.memory_space<vmem>>
    %dma_start3A_87 = arith.constant 0 : i32
    %dma_start3A_88 = tpu.memref_slice %arg7[%dma_start3A_87] : memref<100000xf32, #tpu.memory_space<vmem_shared>> -> memref<100000xf32, #tpu.memory_space<vmem_shared>>
    tpu.enqueue_indirect_dma source(%dma_start3A_88 : memref<100000xf32, #tpu.memory_space<vmem_shared>>) target(%dma_start3A_84 : memref<128xf32, #tpu.memory_space<vmem>>) offsets(%dma_start3A_86 : memref<128xi32, #tpu.memory_space<vmem>>) semaphore(%arg17 : memref<!tpu.dma_semaphore, #tpu.memory_space<semaphore_mem>>)
    %dma_start3A_89 = arith.constant 1024 : i32
    %dma_start3A_90 = tpu.memref_slice %arg13[%dma_start3A_89] : memref<3200xf32, #tpu.memory_space<vmem>> -> memref<128xf32, #tpu.memory_space<vmem>>
    %dma_start3A_91 = arith.constant 1024 : i32
    %dma_start3A_92 = tpu.memref_slice %arg9[%dma_start3A_91] : memref<3200xi32, #tpu.memory_space<vmem>> -> memref<128xi32, #tpu.memory_space<vmem>>
    %dma_start3A_93 = arith.constant 0 : i32
    %dma_start3A_94 = tpu.memref_slice %arg7[%dma_start3A_93] : memref<100000xf32, #tpu.memory_space<vmem_shared>> -> memref<100000xf32, #tpu.memory_space<vmem_shared>>
    tpu.enqueue_indirect_dma source(%dma_start3A_94 : memref<100000xf32, #tpu.memory_space<vmem_shared>>) target(%dma_start3A_90 : memref<128xf32, #tpu.memory_space<vmem>>) offsets(%dma_start3A_92 : memref<128xi32, #tpu.memory_space<vmem>>) semaphore(%arg17 : memref<!tpu.dma_semaphore, #tpu.memory_space<semaphore_mem>>)
    %dma_start3A_95 = arith.constant 1152 : i32
    %dma_start3A_96 = tpu.memref_slice %arg13[%dma_start3A_95] : memref<3200xf32, #tpu.memory_space<vmem>> -> memref<128xf32, #tpu.memory_space<vmem>>
    %dma_start3A_97 = arith.constant 1152 : i32
    %dma_start3A_98 = tpu.memref_slice %arg9[%dma_start3A_97] : memref<3200xi32, #tpu.memory_space<vmem>> -> memref<128xi32, #tpu.memory_space<vmem>>
    %dma_start3A_99 = arith.constant 0 : i32
    %dma_start3A_100 = tpu.memref_slice %arg7[%dma_start3A_99] : memref<100000xf32, #tpu.memory_space<vmem_shared>> -> memref<100000xf32, #tpu.memory_space<vmem_shared>>
    tpu.enqueue_indirect_dma source(%dma_start3A_100 : memref<100000xf32, #tpu.memory_space<vmem_shared>>) target(%dma_start3A_96 : memref<128xf32, #tpu.memory_space<vmem>>) offsets(%dma_start3A_98 : memref<128xi32, #tpu.memory_space<vmem>>) semaphore(%arg17 : memref<!tpu.dma_semaphore, #tpu.memory_space<semaphore_mem>>)
    %dma_start3A_101 = arith.constant 1280 : i32
    %dma_start3A_102 = tpu.memref_slice %arg13[%dma_start3A_101] : memref<3200xf32, #tpu.memory_space<vmem>> -> memref<128xf32, #tpu.memory_space<vmem>>
    %dma_start3A_103 = arith.constant 1280 : i32
    %dma_start3A_104 = tpu.memref_slice %arg9[%dma_start3A_103] : memref<3200xi32, #tpu.memory_space<vmem>> -> memref<128xi32, #tpu.memory_space<vmem>>
    %dma_start3A_105 = arith.constant 0 : i32
    %dma_start3A_106 = tpu.memref_slice %arg7[%dma_start3A_105] : memref<100000xf32, #tpu.memory_space<vmem_shared>> -> memref<100000xf32, #tpu.memory_space<vmem_shared>>
    tpu.enqueue_indirect_dma source(%dma_start3A_106 : memref<100000xf32, #tpu.memory_space<vmem_shared>>) target(%dma_start3A_102 : memref<128xf32, #tpu.memory_space<vmem>>) offsets(%dma_start3A_104 : memref<128xi32, #tpu.memory_space<vmem>>) semaphore(%arg17 : memref<!tpu.dma_semaphore, #tpu.memory_space<semaphore_mem>>)
    %dma_start3A_107 = arith.constant 1408 : i32
    %dma_start3A_108 = tpu.memref_slice %arg13[%dma_start3A_107] : memref<3200xf32, #tpu.memory_space<vmem>> -> memref<128xf32, #tpu.memory_space<vmem>>
    %dma_start3A_109 = arith.constant 1408 : i32
    %dma_start3A_110 = tpu.memref_slice %arg9[%dma_start3A_109] : memref<3200xi32, #tpu.memory_space<vmem>> -> memref<128xi32, #tpu.memory_space<vmem>>
    %dma_start3A_111 = arith.constant 0 : i32
    %dma_start3A_112 = tpu.memref_slice %arg7[%dma_start3A_111] : memref<100000xf32, #tpu.memory_space<vmem_shared>> -> memref<100000xf32, #tpu.memory_space<vmem_shared>>
    tpu.enqueue_indirect_dma source(%dma_start3A_112 : memref<100000xf32, #tpu.memory_space<vmem_shared>>) target(%dma_start3A_108 : memref<128xf32, #tpu.memory_space<vmem>>) offsets(%dma_start3A_110 : memref<128xi32, #tpu.memory_space<vmem>>) semaphore(%arg17 : memref<!tpu.dma_semaphore, #tpu.memory_space<semaphore_mem>>)
    %dma_start3A_113 = arith.constant 1536 : i32
    %dma_start3A_114 = tpu.memref_slice %arg13[%dma_start3A_113] : memref<3200xf32, #tpu.memory_space<vmem>> -> memref<128xf32, #tpu.memory_space<vmem>>
    %dma_start3A_115 = arith.constant 1536 : i32
    %dma_start3A_116 = tpu.memref_slice %arg9[%dma_start3A_115] : memref<3200xi32, #tpu.memory_space<vmem>> -> memref<128xi32, #tpu.memory_space<vmem>>
    %dma_start3A_117 = arith.constant 0 : i32
    %dma_start3A_118 = tpu.memref_slice %arg7[%dma_start3A_117] : memref<100000xf32, #tpu.memory_space<vmem_shared>> -> memref<100000xf32, #tpu.memory_space<vmem_shared>>
    tpu.enqueue_indirect_dma source(%dma_start3A_118 : memref<100000xf32, #tpu.memory_space<vmem_shared>>) target(%dma_start3A_114 : memref<128xf32, #tpu.memory_space<vmem>>) offsets(%dma_start3A_116 : memref<128xi32, #tpu.memory_space<vmem>>) semaphore(%arg17 : memref<!tpu.dma_semaphore, #tpu.memory_space<semaphore_mem>>)
    %dma_start3A_119 = arith.constant 1664 : i32
    %dma_start3A_120 = tpu.memref_slice %arg13[%dma_start3A_119] : memref<3200xf32, #tpu.memory_space<vmem>> -> memref<128xf32, #tpu.memory_space<vmem>>
    %dma_start3A_121 = arith.constant 1664 : i32
    %dma_start3A_122 = tpu.memref_slice %arg9[%dma_start3A_121] : memref<3200xi32, #tpu.memory_space<vmem>> -> memref<128xi32, #tpu.memory_space<vmem>>
    %dma_start3A_123 = arith.constant 0 : i32
    %dma_start3A_124 = tpu.memref_slice %arg7[%dma_start3A_123] : memref<100000xf32, #tpu.memory_space<vmem_shared>> -> memref<100000xf32, #tpu.memory_space<vmem_shared>>
    tpu.enqueue_indirect_dma source(%dma_start3A_124 : memref<100000xf32, #tpu.memory_space<vmem_shared>>) target(%dma_start3A_120 : memref<128xf32, #tpu.memory_space<vmem>>) offsets(%dma_start3A_122 : memref<128xi32, #tpu.memory_space<vmem>>) semaphore(%arg17 : memref<!tpu.dma_semaphore, #tpu.memory_space<semaphore_mem>>)
    %dma_start3A_125 = arith.constant 1792 : i32
    %dma_start3A_126 = tpu.memref_slice %arg13[%dma_start3A_125] : memref<3200xf32, #tpu.memory_space<vmem>> -> memref<128xf32, #tpu.memory_space<vmem>>
    %dma_start3A_127 = arith.constant 1792 : i32
    %dma_start3A_128 = tpu.memref_slice %arg9[%dma_start3A_127] : memref<3200xi32, #tpu.memory_space<vmem>> -> memref<128xi32, #tpu.memory_space<vmem>>
    %dma_start3A_129 = arith.constant 0 : i32
    %dma_start3A_130 = tpu.memref_slice %arg7[%dma_start3A_129] : memref<100000xf32, #tpu.memory_space<vmem_shared>> -> memref<100000xf32, #tpu.memory_space<vmem_shared>>
    tpu.enqueue_indirect_dma source(%dma_start3A_130 : memref<100000xf32, #tpu.memory_space<vmem_shared>>) target(%dma_start3A_126 : memref<128xf32, #tpu.memory_space<vmem>>) offsets(%dma_start3A_128 : memref<128xi32, #tpu.memory_space<vmem>>) semaphore(%arg17 : memref<!tpu.dma_semaphore, #tpu.memory_space<semaphore_mem>>)
    %dma_start3A_131 = arith.constant 1920 : i32
    %dma_start3A_132 = tpu.memref_slice %arg13[%dma_start3A_131] : memref<3200xf32, #tpu.memory_space<vmem>> -> memref<128xf32, #tpu.memory_space<vmem>>
    %dma_start3A_133 = arith.constant 1920 : i32
    %dma_start3A_134 = tpu.memref_slice %arg9[%dma_start3A_133] : memref<3200xi32, #tpu.memory_space<vmem>> -> memref<128xi32, #tpu.memory_space<vmem>>
    %dma_start3A_135 = arith.constant 0 : i32
    %dma_start3A_136 = tpu.memref_slice %arg7[%dma_start3A_135] : memref<100000xf32, #tpu.memory_space<vmem_shared>> -> memref<100000xf32, #tpu.memory_space<vmem_shared>>
    tpu.enqueue_indirect_dma source(%dma_start3A_136 : memref<100000xf32, #tpu.memory_space<vmem_shared>>) target(%dma_start3A_132 : memref<128xf32, #tpu.memory_space<vmem>>) offsets(%dma_start3A_134 : memref<128xi32, #tpu.memory_space<vmem>>) semaphore(%arg17 : memref<!tpu.dma_semaphore, #tpu.memory_space<semaphore_mem>>)
    %dma_start3A_137 = arith.constant 2048 : i32
    %dma_start3A_138 = tpu.memref_slice %arg13[%dma_start3A_137] : memref<3200xf32, #tpu.memory_space<vmem>> -> memref<128xf32, #tpu.memory_space<vmem>>
    %dma_start3A_139 = arith.constant 2048 : i32
    %dma_start3A_140 = tpu.memref_slice %arg9[%dma_start3A_139] : memref<3200xi32, #tpu.memory_space<vmem>> -> memref<128xi32, #tpu.memory_space<vmem>>
    %dma_start3A_141 = arith.constant 0 : i32
    %dma_start3A_142 = tpu.memref_slice %arg7[%dma_start3A_141] : memref<100000xf32, #tpu.memory_space<vmem_shared>> -> memref<100000xf32, #tpu.memory_space<vmem_shared>>
    tpu.enqueue_indirect_dma source(%dma_start3A_142 : memref<100000xf32, #tpu.memory_space<vmem_shared>>) target(%dma_start3A_138 : memref<128xf32, #tpu.memory_space<vmem>>) offsets(%dma_start3A_140 : memref<128xi32, #tpu.memory_space<vmem>>) semaphore(%arg17 : memref<!tpu.dma_semaphore, #tpu.memory_space<semaphore_mem>>)
    %dma_start3A_143 = arith.constant 2176 : i32
    %dma_start3A_144 = tpu.memref_slice %arg13[%dma_start3A_143] : memref<3200xf32, #tpu.memory_space<vmem>> -> memref<128xf32, #tpu.memory_space<vmem>>
    %dma_start3A_145 = arith.constant 2176 : i32
    %dma_start3A_146 = tpu.memref_slice %arg9[%dma_start3A_145] : memref<3200xi32, #tpu.memory_space<vmem>> -> memref<128xi32, #tpu.memory_space<vmem>>
    %dma_start3A_147 = arith.constant 0 : i32
    %dma_start3A_148 = tpu.memref_slice %arg7[%dma_start3A_147] : memref<100000xf32, #tpu.memory_space<vmem_shared>> -> memref<100000xf32, #tpu.memory_space<vmem_shared>>
    tpu.enqueue_indirect_dma source(%dma_start3A_148 : memref<100000xf32, #tpu.memory_space<vmem_shared>>) target(%dma_start3A_144 : memref<128xf32, #tpu.memory_space<vmem>>) offsets(%dma_start3A_146 : memref<128xi32, #tpu.memory_space<vmem>>) semaphore(%arg17 : memref<!tpu.dma_semaphore, #tpu.memory_space<semaphore_mem>>)
    %dma_start3A_149 = arith.constant 2304 : i32
    %dma_start3A_150 = tpu.memref_slice %arg13[%dma_start3A_149] : memref<3200xf32, #tpu.memory_space<vmem>> -> memref<128xf32, #tpu.memory_space<vmem>>
    %dma_start3A_151 = arith.constant 2304 : i32
    %dma_start3A_152 = tpu.memref_slice %arg9[%dma_start3A_151] : memref<3200xi32, #tpu.memory_space<vmem>> -> memref<128xi32, #tpu.memory_space<vmem>>
    %dma_start3A_153 = arith.constant 0 : i32
    %dma_start3A_154 = tpu.memref_slice %arg7[%dma_start3A_153] : memref<100000xf32, #tpu.memory_space<vmem_shared>> -> memref<100000xf32, #tpu.memory_space<vmem_shared>>
    tpu.enqueue_indirect_dma source(%dma_start3A_154 : memref<100000xf32, #tpu.memory_space<vmem_shared>>) target(%dma_start3A_150 : memref<128xf32, #tpu.memory_space<vmem>>) offsets(%dma_start3A_152 : memref<128xi32, #tpu.memory_space<vmem>>) semaphore(%arg17 : memref<!tpu.dma_semaphore, #tpu.memory_space<semaphore_mem>>)
    %dma_start3A_155 = arith.constant 2432 : i32
    %dma_start3A_156 = tpu.memref_slice %arg13[%dma_start3A_155] : memref<3200xf32, #tpu.memory_space<vmem>> -> memref<128xf32, #tpu.memory_space<vmem>>
    %dma_start3A_157 = arith.constant 2432 : i32
    %dma_start3A_158 = tpu.memref_slice %arg9[%dma_start3A_157] : memref<3200xi32, #tpu.memory_space<vmem>> -> memref<128xi32, #tpu.memory_space<vmem>>
    %dma_start3A_159 = arith.constant 0 : i32
    %dma_start3A_160 = tpu.memref_slice %arg7[%dma_start3A_159] : memref<100000xf32, #tpu.memory_space<vmem_shared>> -> memref<100000xf32, #tpu.memory_space<vmem_shared>>
    tpu.enqueue_indirect_dma source(%dma_start3A_160 : memref<100000xf32, #tpu.memory_space<vmem_shared>>) target(%dma_start3A_156 : memref<128xf32, #tpu.memory_space<vmem>>) offsets(%dma_start3A_158 : memref<128xi32, #tpu.memory_space<vmem>>) semaphore(%arg17 : memref<!tpu.dma_semaphore, #tpu.memory_space<semaphore_mem>>)
    %dma_start3A_161 = arith.constant 2560 : i32
    %dma_start3A_162 = tpu.memref_slice %arg13[%dma_start3A_161] : memref<3200xf32, #tpu.memory_space<vmem>> -> memref<128xf32, #tpu.memory_space<vmem>>
    %dma_start3A_163 = arith.constant 2560 : i32
    %dma_start3A_164 = tpu.memref_slice %arg9[%dma_start3A_163] : memref<3200xi32, #tpu.memory_space<vmem>> -> memref<128xi32, #tpu.memory_space<vmem>>
    %dma_start3A_165 = arith.constant 0 : i32
    %dma_start3A_166 = tpu.memref_slice %arg7[%dma_start3A_165] : memref<100000xf32, #tpu.memory_space<vmem_shared>> -> memref<100000xf32, #tpu.memory_space<vmem_shared>>
    tpu.enqueue_indirect_dma source(%dma_start3A_166 : memref<100000xf32, #tpu.memory_space<vmem_shared>>) target(%dma_start3A_162 : memref<128xf32, #tpu.memory_space<vmem>>) offsets(%dma_start3A_164 : memref<128xi32, #tpu.memory_space<vmem>>) semaphore(%arg17 : memref<!tpu.dma_semaphore, #tpu.memory_space<semaphore_mem>>)
    %dma_start3A_167 = arith.constant 2688 : i32
    %dma_start3A_168 = tpu.memref_slice %arg13[%dma_start3A_167] : memref<3200xf32, #tpu.memory_space<vmem>> -> memref<128xf32, #tpu.memory_space<vmem>>
    %dma_start3A_169 = arith.constant 2688 : i32
    %dma_start3A_170 = tpu.memref_slice %arg9[%dma_start3A_169] : memref<3200xi32, #tpu.memory_space<vmem>> -> memref<128xi32, #tpu.memory_space<vmem>>
    %dma_start3A_171 = arith.constant 0 : i32
    %dma_start3A_172 = tpu.memref_slice %arg7[%dma_start3A_171] : memref<100000xf32, #tpu.memory_space<vmem_shared>> -> memref<100000xf32, #tpu.memory_space<vmem_shared>>
    tpu.enqueue_indirect_dma source(%dma_start3A_172 : memref<100000xf32, #tpu.memory_space<vmem_shared>>) target(%dma_start3A_168 : memref<128xf32, #tpu.memory_space<vmem>>) offsets(%dma_start3A_170 : memref<128xi32, #tpu.memory_space<vmem>>) semaphore(%arg17 : memref<!tpu.dma_semaphore, #tpu.memory_space<semaphore_mem>>)
    %dma_start3A_173 = arith.constant 2816 : i32
    %dma_start3A_174 = tpu.memref_slice %arg13[%dma_start3A_173] : memref<3200xf32, #tpu.memory_space<vmem>> -> memref<128xf32, #tpu.memory_space<vmem>>
    %dma_start3A_175 = arith.constant 2816 : i32
    %dma_start3A_176 = tpu.memref_slice %arg9[%dma_start3A_175] : memref<3200xi32, #tpu.memory_space<vmem>> -> memref<128xi32, #tpu.memory_space<vmem>>
    %dma_start3A_177 = arith.constant 0 : i32
    %dma_start3A_178 = tpu.memref_slice %arg7[%dma_start3A_177] : memref<100000xf32, #tpu.memory_space<vmem_shared>> -> memref<100000xf32, #tpu.memory_space<vmem_shared>>
    tpu.enqueue_indirect_dma source(%dma_start3A_178 : memref<100000xf32, #tpu.memory_space<vmem_shared>>) target(%dma_start3A_174 : memref<128xf32, #tpu.memory_space<vmem>>) offsets(%dma_start3A_176 : memref<128xi32, #tpu.memory_space<vmem>>) semaphore(%arg17 : memref<!tpu.dma_semaphore, #tpu.memory_space<semaphore_mem>>)
    %dma_start3A_179 = arith.constant 2944 : i32
    %dma_start3A_180 = tpu.memref_slice %arg13[%dma_start3A_179] : memref<3200xf32, #tpu.memory_space<vmem>> -> memref<128xf32, #tpu.memory_space<vmem>>
    %dma_start3A_181 = arith.constant 2944 : i32
    %dma_start3A_182 = tpu.memref_slice %arg9[%dma_start3A_181] : memref<3200xi32, #tpu.memory_space<vmem>> -> memref<128xi32, #tpu.memory_space<vmem>>
    %dma_start3A_183 = arith.constant 0 : i32
    %dma_start3A_184 = tpu.memref_slice %arg7[%dma_start3A_183] : memref<100000xf32, #tpu.memory_space<vmem_shared>> -> memref<100000xf32, #tpu.memory_space<vmem_shared>>
    tpu.enqueue_indirect_dma source(%dma_start3A_184 : memref<100000xf32, #tpu.memory_space<vmem_shared>>) target(%dma_start3A_180 : memref<128xf32, #tpu.memory_space<vmem>>) offsets(%dma_start3A_182 : memref<128xi32, #tpu.memory_space<vmem>>) semaphore(%arg17 : memref<!tpu.dma_semaphore, #tpu.memory_space<semaphore_mem>>)
    %dma_start3A_185 = arith.constant 3072 : i32
    %dma_start3A_186 = tpu.memref_slice %arg13[%dma_start3A_185] : memref<3200xf32, #tpu.memory_space<vmem>> -> memref<128xf32, #tpu.memory_space<vmem>>
    %dma_start3A_187 = arith.constant 3072 : i32
    %dma_start3A_188 = tpu.memref_slice %arg9[%dma_start3A_187] : memref<3200xi32, #tpu.memory_space<vmem>> -> memref<128xi32, #tpu.memory_space<vmem>>
    %dma_start3A_189 = arith.constant 0 : i32
    %dma_start3A_190 = tpu.memref_slice %arg7[%dma_start3A_189] : memref<100000xf32, #tpu.memory_space<vmem_shared>> -> memref<100000xf32, #tpu.memory_space<vmem_shared>>
    tpu.enqueue_indirect_dma source(%dma_start3A_190 : memref<100000xf32, #tpu.memory_space<vmem_shared>>) target(%dma_start3A_186 : memref<128xf32, #tpu.memory_space<vmem>>) offsets(%dma_start3A_188 : memref<128xi32, #tpu.memory_space<vmem>>) semaphore(%arg17 : memref<!tpu.dma_semaphore, #tpu.memory_space<semaphore_mem>>)
    %scan3A_191 = arith.constant 0 : i32
    %scan3A_192 = arith.constant 0 : i32
    %scan3A_193 = arith.constant 62 : i32
    %scan3A_194 = arith.addi %scan3A_192, %scan3A_193 : i32
    %scan3A_195 = arith.constant 1 : i32
    scf.for %scan3A_1411 = %scan3A_192 to %scan3A_194 step %scan3A_195  : i32 {
      %mul3A_1412 = arith.constant 2 : i32
      %mul3A_1413 = arith.muli %scan3A_1411, %mul3A_1412 : i32
      %dma_wait3A_1414 = arith.constant 0 : i32
      %dma_wait3A_1415 = tpu.memref_slice %arg2[%dma_wait3A_1414] : memref<100000xf32, #tpu.memory_space<hbm>> -> memref<3200xf32, #tpu.memory_space<hbm>>
      %dma_wait3A_1416 = arith.constant 0 : i32
      %dma_wait3A_1417 = tpu.memref_slice %arg2[%dma_wait3A_1416] : memref<100000xf32, #tpu.memory_space<hbm>> -> memref<3200xf32, #tpu.memory_space<hbm>>
      tpu.wait_dma2 semaphore(%arg17 : memref<!tpu.dma_semaphore, #tpu.memory_space<semaphore_mem>>) src(%dma_wait3A_1417 : memref<3200xf32, #tpu.memory_space<hbm>>) dst(%arg13 : memref<3200xf32, #tpu.memory_space<vmem>>)
      %dma_wait3A_1418 = arith.constant 0 : i32
      %dma_wait3A_1419 = tpu.memref_slice %arg3[%dma_wait3A_1418] : memref<12800000xi32, #tpu.memory_space<hbm>> -> memref<3200xi32, #tpu.memory_space<hbm>>
      %dma_wait3A_1420 = arith.constant 0 : i32
      %dma_wait3A_1421 = tpu.memref_slice %arg3[%dma_wait3A_1420] : memref<12800000xi32, #tpu.memory_space<hbm>> -> memref<3200xi32, #tpu.memory_space<hbm>>
      tpu.wait_dma2 semaphore(%arg16 : memref<!tpu.dma_semaphore, #tpu.memory_space<semaphore_mem>>) src(%dma_wait3A_1421 : memref<3200xi32, #tpu.memory_space<hbm>>) dst(%arg10 : memref<3200xi32, #tpu.memory_space<vmem>>)
      %dma_wait3A_1422 = arith.constant 0 : i32
      %dma_wait3A_1423 = tpu.memref_slice %arg3[%dma_wait3A_1422] : memref<12800000xi32, #tpu.memory_space<hbm>> -> memref<3200xi32, #tpu.memory_space<hbm>>
      %dma_wait3A_1424 = arith.constant 0 : i32
      %dma_wait3A_1425 = tpu.memref_slice %arg3[%dma_wait3A_1424] : memref<12800000xi32, #tpu.memory_space<hbm>> -> memref<3200xi32, #tpu.memory_space<hbm>>
      tpu.wait_dma2 semaphore(%arg16 : memref<!tpu.dma_semaphore, #tpu.memory_space<semaphore_mem>>) src(%dma_wait3A_1425 : memref<3200xi32, #tpu.memory_space<hbm>>) dst(%arg12 : memref<3200xi32, #tpu.memory_space<vmem>>)
      %dma_start3A_1426 = arith.constant 0 : i32
      %dma_start3A_1427 = tpu.memref_slice %arg14[%dma_start3A_1426] : memref<3200xf32, #tpu.memory_space<vmem>> -> memref<128xf32, #tpu.memory_space<vmem>>
      %dma_start3A_1428 = arith.constant 0 : i32
      %dma_start3A_1429 = tpu.memref_slice %arg10[%dma_start3A_1428] : memref<3200xi32, #tpu.memory_space<vmem>> -> memref<128xi32, #tpu.memory_space<vmem>>
      %dma_start3A_1430 = arith.constant 0 : i32
      %dma_start3A_1431 = tpu.memref_slice %arg7[%dma_start3A_1430] : memref<100000xf32, #tpu.memory_space<vmem_shared>> -> memref<100000xf32, #tpu.memory_space<vmem_shared>>
      tpu.enqueue_indirect_dma source(%dma_start3A_1431 : memref<100000xf32, #tpu.memory_space<vmem_shared>>) target(%dma_start3A_1427 : memref<128xf32, #tpu.memory_space<vmem>>) offsets(%dma_start3A_1429 : memref<128xi32, #tpu.memory_space<vmem>>) semaphore(%arg18 : memref<!tpu.dma_semaphore, #tpu.memory_space<semaphore_mem>>)
      %dma_start3A_1432 = arith.constant 128 : i32
      %dma_start3A_1433 = tpu.memref_slice %arg14[%dma_start3A_1432] : memref<3200xf32, #tpu.memory_space<vmem>> -> memref<128xf32, #tpu.memory_space<vmem>>
      %dma_start3A_1434 = arith.constant 128 : i32
      %dma_start3A_1435 = tpu.memref_slice %arg10[%dma_start3A_1434] : memref<3200xi32, #tpu.memory_space<vmem>> -> memref<128xi32, #tpu.memory_space<vmem>>
      %dma_start3A_1436 = arith.constant 0 : i32
      %dma_start3A_1437 = tpu.memref_slice %arg7[%dma_start3A_1436] : memref<100000xf32, #tpu.memory_space<vmem_shared>> -> memref<100000xf32, #tpu.memory_space<vmem_shared>>
      tpu.enqueue_indirect_dma source(%dma_start3A_1437 : memref<100000xf32, #tpu.memory_space<vmem_shared>>) target(%dma_start3A_1433 : memref<128xf32, #tpu.memory_space<vmem>>) offsets(%dma_start3A_1435 : memref<128xi32, #tpu.memory_space<vmem>>) semaphore(%arg18 : memref<!tpu.dma_semaphore, #tpu.memory_space<semaphore_mem>>)
      %dma_start3A_1438 = arith.constant 256 : i32
      %dma_start3A_1439 = tpu.memref_slice %arg14[%dma_start3A_1438] : memref<3200xf32, #tpu.memory_space<vmem>> -> memref<128xf32, #tpu.memory_space<vmem>>
      %dma_start3A_1440 = arith.constant 256 : i32
      %dma_start3A_1441 = tpu.memref_slice %arg10[%dma_start3A_1440] : memref<3200xi32, #tpu.memory_space<vmem>> -> memref<128xi32, #tpu.memory_space<vmem>>
      %dma_start3A_1442 = arith.constant 0 : i32
      %dma_start3A_1443 = tpu.memref_slice %arg7[%dma_start3A_1442] : memref<100000xf32, #tpu.memory_space<vmem_shared>> -> memref<100000xf32, #tpu.memory_space<vmem_shared>>
      tpu.enqueue_indirect_dma source(%dma_start3A_1443 : memref<100000xf32, #tpu.memory_space<vmem_shared>>) target(%dma_start3A_1439 : memref<128xf32, #tpu.memory_space<vmem>>) offsets(%dma_start3A_1441 : memref<128xi32, #tpu.memory_space<vmem>>) semaphore(%arg18 : memref<!tpu.dma_semaphore, #tpu.memory_space<semaphore_mem>>)
      %dma_start3A_1444 = arith.constant 384 : i32
      %dma_start3A_1445 = tpu.memref_slice %arg14[%dma_start3A_1444] : memref<3200xf32, #tpu.memory_space<vmem>> -> memref<128xf32, #tpu.memory_space<vmem>>
      %dma_start3A_1446 = arith.constant 384 : i32
      %dma_start3A_1447 = tpu.memref_slice %arg10[%dma_start3A_1446] : memref<3200xi32, #tpu.memory_space<vmem>> -> memref<128xi32, #tpu.memory_space<vmem>>
      %dma_start3A_1448 = arith.constant 0 : i32
      %dma_start3A_1449 = tpu.memref_slice %arg7[%dma_start3A_1448] : memref<100000xf32, #tpu.memory_space<vmem_shared>> -> memref<100000xf32, #tpu.memory_space<vmem_shared>>
      tpu.enqueue_indirect_dma source(%dma_start3A_1449 : memref<100000xf32, #tpu.memory_space<vmem_shared>>) target(%dma_start3A_1445 : memref<128xf32, #tpu.memory_space<vmem>>) offsets(%dma_start3A_1447 : memref<128xi32, #tpu.memory_space<vmem>>) semaphore(%arg18 : memref<!tpu.dma_semaphore, #tpu.memory_space<semaphore_mem>>)
      %dma_start3A_1450 = arith.constant 512 : i32
      %dma_start3A_1451 = tpu.memref_slice %arg14[%dma_start3A_1450] : memref<3200xf32, #tpu.memory_space<vmem>> -> memref<128xf32, #tpu.memory_space<vmem>>
      %dma_start3A_1452 = arith.constant 512 : i32
      %dma_start3A_1453 = tpu.memref_slice %arg10[%dma_start3A_1452] : memref<3200xi32, #tpu.memory_space<vmem>> -> memref<128xi32, #tpu.memory_space<vmem>>
      %dma_start3A_1454 = arith.constant 0 : i32
      %dma_start3A_1455 = tpu.memref_slice %arg7[%dma_start3A_1454] : memref<100000xf32, #tpu.memory_space<vmem_shared>> -> memref<100000xf32, #tpu.memory_space<vmem_shared>>
      tpu.enqueue_indirect_dma source(%dma_start3A_1455 : memref<100000xf32, #tpu.memory_space<vmem_shared>>) target(%dma_start3A_1451 : memref<128xf32, #tpu.memory_space<vmem>>) offsets(%dma_start3A_1453 : memref<128xi32, #tpu.memory_space<vmem>>) semaphore(%arg18 : memref<!tpu.dma_semaphore, #tpu.memory_space<semaphore_mem>>)
      %dma_start3A_1456 = arith.constant 640 : i32
      %dma_start3A_1457 = tpu.memref_slice %arg14[%dma_start3A_1456] : memref<3200xf32, #tpu.memory_space<vmem>> -> memref<128xf32, #tpu.memory_space<vmem>>
      %dma_start3A_1458 = arith.constant 640 : i32
      %dma_start3A_1459 = tpu.memref_slice %arg10[%dma_start3A_1458] : memref<3200xi32, #tpu.memory_space<vmem>> -> memref<128xi32, #tpu.memory_space<vmem>>
      %dma_start3A_1460 = arith.constant 0 : i32
      %dma_start3A_1461 = tpu.memref_slice %arg7[%dma_start3A_1460] : memref<100000xf32, #tpu.memory_space<vmem_shared>> -> memref<100000xf32, #tpu.memory_space<vmem_shared>>
      tpu.enqueue_indirect_dma source(%dma_start3A_1461 : memref<100000xf32, #tpu.memory_space<vmem_shared>>) target(%dma_start3A_1457 : memref<128xf32, #tpu.memory_space<vmem>>) offsets(%dma_start3A_1459 : memref<128xi32, #tpu.memory_space<vmem>>) semaphore(%arg18 : memref<!tpu.dma_semaphore, #tpu.memory_space<semaphore_mem>>)
      %dma_start3A_1462 = arith.constant 768 : i32
      %dma_start3A_1463 = tpu.memref_slice %arg14[%dma_start3A_1462] : memref<3200xf32, #tpu.memory_space<vmem>> -> memref<128xf32, #tpu.memory_space<vmem>>
      %dma_start3A_1464 = arith.constant 768 : i32
      %dma_start3A_1465 = tpu.memref_slice %arg10[%dma_start3A_1464] : memref<3200xi32, #tpu.memory_space<vmem>> -> memref<128xi32, #tpu.memory_space<vmem>>
      %dma_start3A_1466 = arith.constant 0 : i32
      %dma_start3A_1467 = tpu.memref_slice %arg7[%dma_start3A_1466] : memref<100000xf32, #tpu.memory_space<vmem_shared>> -> memref<100000xf32, #tpu.memory_space<vmem_shared>>
      tpu.enqueue_indirect_dma source(%dma_start3A_1467 : memref<100000xf32, #tpu.memory_space<vmem_shared>>) target(%dma_start3A_1463 : memref<128xf32, #tpu.memory_space<vmem>>) offsets(%dma_start3A_1465 : memref<128xi32, #tpu.memory_space<vmem>>) semaphore(%arg18 : memref<!tpu.dma_semaphore, #tpu.memory_space<semaphore_mem>>)
      %dma_start3A_1468 = arith.constant 896 : i32
      %dma_start3A_1469 = tpu.memref_slice %arg14[%dma_start3A_1468] : memref<3200xf32, #tpu.memory_space<vmem>> -> memref<128xf32, #tpu.memory_space<vmem>>
      %dma_start3A_1470 = arith.constant 896 : i32
      %dma_start3A_1471 = tpu.memref_slice %arg10[%dma_start3A_1470] : memref<3200xi32, #tpu.memory_space<vmem>> -> memref<128xi32, #tpu.memory_space<vmem>>
      %dma_start3A_1472 = arith.constant 0 : i32
      %dma_start3A_1473 = tpu.memref_slice %arg7[%dma_start3A_1472] : memref<100000xf32, #tpu.memory_space<vmem_shared>> -> memref<100000xf32, #tpu.memory_space<vmem_shared>>
      tpu.enqueue_indirect_dma source(%dma_start3A_1473 : memref<100000xf32, #tpu.memory_space<vmem_shared>>) target(%dma_start3A_1469 : memref<128xf32, #tpu.memory_space<vmem>>) offsets(%dma_start3A_1471 : memref<128xi32, #tpu.memory_space<vmem>>) semaphore(%arg18 : memref<!tpu.dma_semaphore, #tpu.memory_space<semaphore_mem>>)
      %dma_start3A_1474 = arith.constant 1024 : i32
      %dma_start3A_1475 = tpu.memref_slice %arg14[%dma_start3A_1474] : memref<3200xf32, #tpu.memory_space<vmem>> -> memref<128xf32, #tpu.memory_space<vmem>>
      %dma_start3A_1476 = arith.constant 1024 : i32
      %dma_start3A_1477 = tpu.memref_slice %arg10[%dma_start3A_1476] : memref<3200xi32, #tpu.memory_space<vmem>> -> memref<128xi32, #tpu.memory_space<vmem>>
      %dma_start3A_1478 = arith.constant 0 : i32
      %dma_start3A_1479 = tpu.memref_slice %arg7[%dma_start3A_1478] : memref<100000xf32, #tpu.memory_space<vmem_shared>> -> memref<100000xf32, #tpu.memory_space<vmem_shared>>
      tpu.enqueue_indirect_dma source(%dma_start3A_1479 : memref<100000xf32, #tpu.memory_space<vmem_shared>>) target(%dma_start3A_1475 : memref<128xf32, #tpu.memory_space<vmem>>) offsets(%dma_start3A_1477 : memref<128xi32, #tpu.memory_space<vmem>>) semaphore(%arg18 : memref<!tpu.dma_semaphore, #tpu.memory_space<semaphore_mem>>)
      %dma_start3A_1480 = arith.constant 1152 : i32
      %dma_start3A_1481 = tpu.memref_slice %arg14[%dma_start3A_1480] : memref<3200xf32, #tpu.memory_space<vmem>> -> memref<128xf32, #tpu.memory_space<vmem>>
      %dma_start3A_1482 = arith.constant 1152 : i32
      %dma_start3A_1483 = tpu.memref_slice %arg10[%dma_start3A_1482] : memref<3200xi32, #tpu.memory_space<vmem>> -> memref<128xi32, #tpu.memory_space<vmem>>
      %dma_start3A_1484 = arith.constant 0 : i32
      %dma_start3A_1485 = tpu.memref_slice %arg7[%dma_start3A_1484] : memref<100000xf32, #tpu.memory_space<vmem_shared>> -> memref<100000xf32, #tpu.memory_space<vmem_shared>>
      tpu.enqueue_indirect_dma source(%dma_start3A_1485 : memref<100000xf32, #tpu.memory_space<vmem_shared>>) target(%dma_start3A_1481 : memref<128xf32, #tpu.memory_space<vmem>>) offsets(%dma_start3A_1483 : memref<128xi32, #tpu.memory_space<vmem>>) semaphore(%arg18 : memref<!tpu.dma_semaphore, #tpu.memory_space<semaphore_mem>>)
      %dma_start3A_1486 = arith.constant 1280 : i32
      %dma_start3A_1487 = tpu.memref_slice %arg14[%dma_start3A_1486] : memref<3200xf32, #tpu.memory_space<vmem>> -> memref<128xf32, #tpu.memory_space<vmem>>
      %dma_start3A_1488 = arith.constant 1280 : i32
      %dma_start3A_1489 = tpu.memref_slice %arg10[%dma_start3A_1488] : memref<3200xi32, #tpu.memory_space<vmem>> -> memref<128xi32, #tpu.memory_space<vmem>>
      %dma_start3A_1490 = arith.constant 0 : i32
      %dma_start3A_1491 = tpu.memref_slice %arg7[%dma_start3A_1490] : memref<100000xf32, #tpu.memory_space<vmem_shared>> -> memref<100000xf32, #tpu.memory_space<vmem_shared>>
      tpu.enqueue_indirect_dma source(%dma_start3A_1491 : memref<100000xf32, #tpu.memory_space<vmem_shared>>) target(%dma_start3A_1487 : memref<128xf32, #tpu.memory_space<vmem>>) offsets(%dma_start3A_1489 : memref<128xi32, #tpu.memory_space<vmem>>) semaphore(%arg18 : memref<!tpu.dma_semaphore, #tpu.memory_space<semaphore_mem>>)
      %dma_start3A_1492 = arith.constant 1408 : i32
      %dma_start3A_1493 = tpu.memref_slice %arg14[%dma_start3A_1492] : memref<3200xf32, #tpu.memory_space<vmem>> -> memref<128xf32, #tpu.memory_space<vmem>>
      %dma_start3A_1494 = arith.constant 1408 : i32
      %dma_start3A_1495 = tpu.memref_slice %arg10[%dma_start3A_1494] : memref<3200xi32, #tpu.memory_space<vmem>> -> memref<128xi32, #tpu.memory_space<vmem>>
      %dma_start3A_1496 = arith.constant 0 : i32
      %dma_start3A_1497 = tpu.memref_slice %arg7[%dma_start3A_1496] : memref<100000xf32, #tpu.memory_space<vmem_shared>> -> memref<100000xf32, #tpu.memory_space<vmem_shared>>
      tpu.enqueue_indirect_dma source(%dma_start3A_1497 : memref<100000xf32, #tpu.memory_space<vmem_shared>>) target(%dma_start3A_1493 : memref<128xf32, #tpu.memory_space<vmem>>) offsets(%dma_start3A_1495 : memref<128xi32, #tpu.memory_space<vmem>>) semaphore(%arg18 : memref<!tpu.dma_semaphore, #tpu.memory_space<semaphore_mem>>)
      %dma_start3A_1498 = arith.constant 1536 : i32
      %dma_start3A_1499 = tpu.memref_slice %arg14[%dma_start3A_1498] : memref<3200xf32, #tpu.memory_space<vmem>> -> memref<128xf32, #tpu.memory_space<vmem>>
      %dma_start3A_1500 = arith.constant 1536 : i32
      %dma_start3A_1501 = tpu.memref_slice %arg10[%dma_start3A_1500] : memref<3200xi32, #tpu.memory_space<vmem>> -> memref<128xi32, #tpu.memory_space<vmem>>
      %dma_start3A_1502 = arith.constant 0 : i32
      %dma_start3A_1503 = tpu.memref_slice %arg7[%dma_start3A_1502] : memref<100000xf32, #tpu.memory_space<vmem_shared>> -> memref<100000xf32, #tpu.memory_space<vmem_shared>>
      tpu.enqueue_indirect_dma source(%dma_start3A_1503 : memref<100000xf32, #tpu.memory_space<vmem_shared>>) target(%dma_start3A_1499 : memref<128xf32, #tpu.memory_space<vmem>>) offsets(%dma_start3A_1501 : memref<128xi32, #tpu.memory_space<vmem>>) semaphore(%arg18 : memref<!tpu.dma_semaphore, #tpu.memory_space<semaphore_mem>>)
      %dma_start3A_1504 = arith.constant 1664 : i32
      %dma_start3A_1505 = tpu.memref_slice %arg14[%dma_start3A_1504] : memref<3200xf32, #tpu.memory_space<vmem>> -> memref<128xf32, #tpu.memory_space<vmem>>
      %dma_start3A_1506 = arith.constant 1664 : i32
      %dma_start3A_1507 = tpu.memref_slice %arg10[%dma_start3A_1506] : memref<3200xi32, #tpu.memory_space<vmem>> -> memref<128xi32, #tpu.memory_space<vmem>>
      %dma_start3A_1508 = arith.constant 0 : i32
      %dma_start3A_1509 = tpu.memref_slice %arg7[%dma_start3A_1508] : memref<100000xf32, #tpu.memory_space<vmem_shared>> -> memref<100000xf32, #tpu.memory_space<vmem_shared>>
      tpu.enqueue_indirect_dma source(%dma_start3A_1509 : memref<100000xf32, #tpu.memory_space<vmem_shared>>) target(%dma_start3A_1505 : memref<128xf32, #tpu.memory_space<vmem>>) offsets(%dma_start3A_1507 : memref<128xi32, #tpu.memory_space<vmem>>) semaphore(%arg18 : memref<!tpu.dma_semaphore, #tpu.memory_space<semaphore_mem>>)
      %dma_start3A_1510 = arith.constant 1792 : i32
      %dma_start3A_1511 = tpu.memref_slice %arg14[%dma_start3A_1510] : memref<3200xf32, #tpu.memory_space<vmem>> -> memref<128xf32, #tpu.memory_space<vmem>>
      %dma_start3A_1512 = arith.constant 1792 : i32
      %dma_start3A_1513 = tpu.memref_slice %arg10[%dma_start3A_1512] : memref<3200xi32, #tpu.memory_space<vmem>> -> memref<128xi32, #tpu.memory_space<vmem>>
      %dma_start3A_1514 = arith.constant 0 : i32
      %dma_start3A_1515 = tpu.memref_slice %arg7[%dma_start3A_1514] : memref<100000xf32, #tpu.memory_space<vmem_shared>> -> memref<100000xf32, #tpu.memory_space<vmem_shared>>
      tpu.enqueue_indirect_dma source(%dma_start3A_1515 : memref<100000xf32, #tpu.memory_space<vmem_shared>>) target(%dma_start3A_1511 : memref<128xf32, #tpu.memory_space<vmem>>) offsets(%dma_start3A_1513 : memref<128xi32, #tpu.memory_space<vmem>>) semaphore(%arg18 : memref<!tpu.dma_semaphore, #tpu.memory_space<semaphore_mem>>)
      %dma_start3A_1516 = arith.constant 1920 : i32
      %dma_start3A_1517 = tpu.memref_slice %arg14[%dma_start3A_1516] : memref<3200xf32, #tpu.memory_space<vmem>> -> memref<128xf32, #tpu.memory_space<vmem>>
      %dma_start3A_1518 = arith.constant 1920 : i32
      %dma_start3A_1519 = tpu.memref_slice %arg10[%dma_start3A_1518] : memref<3200xi32, #tpu.memory_space<vmem>> -> memref<128xi32, #tpu.memory_space<vmem>>
      %dma_start3A_1520 = arith.constant 0 : i32
      %dma_start3A_1521 = tpu.memref_slice %arg7[%dma_start3A_1520] : memref<100000xf32, #tpu.memory_space<vmem_shared>> -> memref<100000xf32, #tpu.memory_space<vmem_shared>>
      tpu.enqueue_indirect_dma source(%dma_start3A_1521 : memref<100000xf32, #tpu.memory_space<vmem_shared>>) target(%dma_start3A_1517 : memref<128xf32, #tpu.memory_space<vmem>>) offsets(%dma_start3A_1519 : memref<128xi32, #tpu.memory_space<vmem>>) semaphore(%arg18 : memref<!tpu.dma_semaphore, #tpu.memory_space<semaphore_mem>>)
      %dma_start3A_1522 = arith.constant 2048 : i32
      %dma_start3A_1523 = tpu.memref_slice %arg14[%dma_start3A_1522] : memref<3200xf32, #tpu.memory_space<vmem>> -> memref<128xf32, #tpu.memory_space<vmem>>
      %dma_start3A_1524 = arith.constant 2048 : i32
      %dma_start3A_1525 = tpu.memref_slice %arg10[%dma_start3A_1524] : memref<3200xi32, #tpu.memory_space<vmem>> -> memref<128xi32, #tpu.memory_space<vmem>>
      %dma_start3A_1526 = arith.constant 0 : i32
      %dma_start3A_1527 = tpu.memref_slice %arg7[%dma_start3A_1526] : memref<100000xf32, #tpu.memory_space<vmem_shared>> -> memref<100000xf32, #tpu.memory_space<vmem_shared>>
      tpu.enqueue_indirect_dma source(%dma_start3A_1527 : memref<100000xf32, #tpu.memory_space<vmem_shared>>) target(%dma_start3A_1523 : memref<128xf32, #tpu.memory_space<vmem>>) offsets(%dma_start3A_1525 : memref<128xi32, #tpu.memory_space<vmem>>) semaphore(%arg18 : memref<!tpu.dma_semaphore, #tpu.memory_space<semaphore_mem>>)
      %dma_start3A_1528 = arith.constant 2176 : i32
      %dma_start3A_1529 = tpu.memref_slice %arg14[%dma_start3A_1528] : memref<3200xf32, #tpu.memory_space<vmem>> -> memref<128xf32, #tpu.memory_space<vmem>>
      %dma_start3A_1530 = arith.constant 2176 : i32
      %dma_start3A_1531 = tpu.memref_slice %arg10[%dma_start3A_1530] : memref<3200xi32, #tpu.memory_space<vmem>> -> memref<128xi32, #tpu.memory_space<vmem>>
      %dma_start3A_1532 = arith.constant 0 : i32
      %dma_start3A_1533 = tpu.memref_slice %arg7[%dma_start3A_1532] : memref<100000xf32, #tpu.memory_space<vmem_shared>> -> memref<100000xf32, #tpu.memory_space<vmem_shared>>
      tpu.enqueue_indirect_dma source(%dma_start3A_1533 : memref<100000xf32, #tpu.memory_space<vmem_shared>>) target(%dma_start3A_1529 : memref<128xf32, #tpu.memory_space<vmem>>) offsets(%dma_start3A_1531 : memref<128xi32, #tpu.memory_space<vmem>>) semaphore(%arg18 : memref<!tpu.dma_semaphore, #tpu.memory_space<semaphore_mem>>)
      %dma_start3A_1534 = arith.constant 2304 : i32
      %dma_start3A_1535 = tpu.memref_slice %arg14[%dma_start3A_1534] : memref<3200xf32, #tpu.memory_space<vmem>> -> memref<128xf32, #tpu.memory_space<vmem>>
      %dma_start3A_1536 = arith.constant 2304 : i32
      %dma_start3A_1537 = tpu.memref_slice %arg10[%dma_start3A_1536] : memref<3200xi32, #tpu.memory_space<vmem>> -> memref<128xi32, #tpu.memory_space<vmem>>
      %dma_start3A_1538 = arith.constant 0 : i32
      %dma_start3A_1539 = tpu.memref_slice %arg7[%dma_start3A_1538] : memref<100000xf32, #tpu.memory_space<vmem_shared>> -> memref<100000xf32, #tpu.memory_space<vmem_shared>>
      tpu.enqueue_indirect_dma source(%dma_start3A_1539 : memref<100000xf32, #tpu.memory_space<vmem_shared>>) target(%dma_start3A_1535 : memref<128xf32, #tpu.memory_space<vmem>>) offsets(%dma_start3A_1537 : memref<128xi32, #tpu.memory_space<vmem>>) semaphore(%arg18 : memref<!tpu.dma_semaphore, #tpu.memory_space<semaphore_mem>>)
      %dma_start3A_1540 = arith.constant 2432 : i32
      %dma_start3A_1541 = tpu.memref_slice %arg14[%dma_start3A_1540] : memref<3200xf32, #tpu.memory_space<vmem>> -> memref<128xf32, #tpu.memory_space<vmem>>
      %dma_start3A_1542 = arith.constant 2432 : i32
      %dma_start3A_1543 = tpu.memref_slice %arg10[%dma_start3A_1542] : memref<3200xi32, #tpu.memory_space<vmem>> -> memref<128xi32, #tpu.memory_space<vmem>>
      %dma_start3A_1544 = arith.constant 0 : i32
      %dma_start3A_1545 = tpu.memref_slice %arg7[%dma_start3A_1544] : memref<100000xf32, #tpu.memory_space<vmem_shared>> -> memref<100000xf32, #tpu.memory_space<vmem_shared>>
      tpu.enqueue_indirect_dma source(%dma_start3A_1545 : memref<100000xf32, #tpu.memory_space<vmem_shared>>) target(%dma_start3A_1541 : memref<128xf32, #tpu.memory_space<vmem>>) offsets(%dma_start3A_1543 : memref<128xi32, #tpu.memory_space<vmem>>) semaphore(%arg18 : memref<!tpu.dma_semaphore, #tpu.memory_space<semaphore_mem>>)
      %dma_start3A_1546 = arith.constant 2560 : i32
      %dma_start3A_1547 = tpu.memref_slice %arg14[%dma_start3A_1546] : memref<3200xf32, #tpu.memory_space<vmem>> -> memref<128xf32, #tpu.memory_space<vmem>>
      %dma_start3A_1548 = arith.constant 2560 : i32
      %dma_start3A_1549 = tpu.memref_slice %arg10[%dma_start3A_1548] : memref<3200xi32, #tpu.memory_space<vmem>> -> memref<128xi32, #tpu.memory_space<vmem>>
      %dma_start3A_1550 = arith.constant 0 : i32
      %dma_start3A_1551 = tpu.memref_slice %arg7[%dma_start3A_1550] : memref<100000xf32, #tpu.memory_space<vmem_shared>> -> memref<100000xf32, #tpu.memory_space<vmem_shared>>
      tpu.enqueue_indirect_dma source(%dma_start3A_1551 : memref<100000xf32, #tpu.memory_space<vmem_shared>>) target(%dma_start3A_1547 : memref<128xf32, #tpu.memory_space<vmem>>) offsets(%dma_start3A_1549 : memref<128xi32, #tpu.memory_space<vmem>>) semaphore(%arg18 : memref<!tpu.dma_semaphore, #tpu.memory_space<semaphore_mem>>)
      %dma_start3A_1552 = arith.constant 2688 : i32
      %dma_start3A_1553 = tpu.memref_slice %arg14[%dma_start3A_1552] : memref<3200xf32, #tpu.memory_space<vmem>> -> memref<128xf32, #tpu.memory_space<vmem>>
      %dma_start3A_1554 = arith.constant 2688 : i32
      %dma_start3A_1555 = tpu.memref_slice %arg10[%dma_start3A_1554] : memref<3200xi32, #tpu.memory_space<vmem>> -> memref<128xi32, #tpu.memory_space<vmem>>
      %dma_start3A_1556 = arith.constant 0 : i32
      %dma_start3A_1557 = tpu.memref_slice %arg7[%dma_start3A_1556] : memref<100000xf32, #tpu.memory_space<vmem_shared>> -> memref<100000xf32, #tpu.memory_space<vmem_shared>>
      tpu.enqueue_indirect_dma source(%dma_start3A_1557 : memref<100000xf32, #tpu.memory_space<vmem_shared>>) target(%dma_start3A_1553 : memref<128xf32, #tpu.memory_space<vmem>>) offsets(%dma_start3A_1555 : memref<128xi32, #tpu.memory_space<vmem>>) semaphore(%arg18 : memref<!tpu.dma_semaphore, #tpu.memory_space<semaphore_mem>>)
      %dma_start3A_1558 = arith.constant 2816 : i32
      %dma_start3A_1559 = tpu.memref_slice %arg14[%dma_start3A_1558] : memref<3200xf32, #tpu.memory_space<vmem>> -> memref<128xf32, #tpu.memory_space<vmem>>
      %dma_start3A_1560 = arith.constant 2816 : i32
      %dma_start3A_1561 = tpu.memref_slice %arg10[%dma_start3A_1560] : memref<3200xi32, #tpu.memory_space<vmem>> -> memref<128xi32, #tpu.memory_space<vmem>>
      %dma_start3A_1562 = arith.constant 0 : i32
      %dma_start3A_1563 = tpu.memref_slice %arg7[%dma_start3A_1562] : memref<100000xf32, #tpu.memory_space<vmem_shared>> -> memref<100000xf32, #tpu.memory_space<vmem_shared>>
      tpu.enqueue_indirect_dma source(%dma_start3A_1563 : memref<100000xf32, #tpu.memory_space<vmem_shared>>) target(%dma_start3A_1559 : memref<128xf32, #tpu.memory_space<vmem>>) offsets(%dma_start3A_1561 : memref<128xi32, #tpu.memory_space<vmem>>) semaphore(%arg18 : memref<!tpu.dma_semaphore, #tpu.memory_space<semaphore_mem>>)
      %dma_start3A_1564 = arith.constant 2944 : i32
      %dma_start3A_1565 = tpu.memref_slice %arg14[%dma_start3A_1564] : memref<3200xf32, #tpu.memory_space<vmem>> -> memref<128xf32, #tpu.memory_space<vmem>>
      %dma_start3A_1566 = arith.constant 2944 : i32
      %dma_start3A_1567 = tpu.memref_slice %arg10[%dma_start3A_1566] : memref<3200xi32, #tpu.memory_space<vmem>> -> memref<128xi32, #tpu.memory_space<vmem>>
      %dma_start3A_1568 = arith.constant 0 : i32
      %dma_start3A_1569 = tpu.memref_slice %arg7[%dma_start3A_1568] : memref<100000xf32, #tpu.memory_space<vmem_shared>> -> memref<100000xf32, #tpu.memory_space<vmem_shared>>
      tpu.enqueue_indirect_dma source(%dma_start3A_1569 : memref<100000xf32, #tpu.memory_space<vmem_shared>>) target(%dma_start3A_1565 : memref<128xf32, #tpu.memory_space<vmem>>) offsets(%dma_start3A_1567 : memref<128xi32, #tpu.memory_space<vmem>>) semaphore(%arg18 : memref<!tpu.dma_semaphore, #tpu.memory_space<semaphore_mem>>)
      %dma_start3A_1570 = arith.constant 3072 : i32
      %dma_start3A_1571 = tpu.memref_slice %arg14[%dma_start3A_1570] : memref<3200xf32, #tpu.memory_space<vmem>> -> memref<128xf32, #tpu.memory_space<vmem>>
      %dma_start3A_1572 = arith.constant 3072 : i32
      %dma_start3A_1573 = tpu.memref_slice %arg10[%dma_start3A_1572] : memref<3200xi32, #tpu.memory_space<vmem>> -> memref<128xi32, #tpu.memory_space<vmem>>
      %dma_start3A_1574 = arith.constant 0 : i32
      %dma_start3A_1575 = tpu.memref_slice %arg7[%dma_start3A_1574] : memref<100000xf32, #tpu.memory_space<vmem_shared>> -> memref<100000xf32, #tpu.memory_space<vmem_shared>>
      tpu.enqueue_indirect_dma source(%dma_start3A_1575 : memref<100000xf32, #tpu.memory_space<vmem_shared>>) target(%dma_start3A_1571 : memref<128xf32, #tpu.memory_space<vmem>>) offsets(%dma_start3A_1573 : memref<128xi32, #tpu.memory_space<vmem>>) semaphore(%arg18 : memref<!tpu.dma_semaphore, #tpu.memory_space<semaphore_mem>>)
      %broadcast_in_dim3A_1576 = arith.constant 0 : i32
      %broadcast_in_dim3A_1577 = vector.broadcast %broadcast_in_dim3A_1576 : i32 to vector<16xi32>
      %scan3A_1578 = arith.constant 0 : i32
      %scan3A_1579 = arith.constant 50 : i32
      %scan3A_1580 = arith.addi %scan3A_1578, %scan3A_1579 : i32
      %scan3A_1581 = arith.constant 1 : i32
      %scan3A_1582 = scf.for %scan3A_1804 = %scan3A_1578 to %scan3A_1580 step %scan3A_1581 iter_args(%scan3A_1805 = %broadcast_in_dim3A_1577) -> (vector<16xi32>)  : i32 {
        %mul3A_1806 = arith.constant 64 : i32
        %mul3A_1807 = arith.muli %scan3A_1804, %mul3A_1806 : i32
        %add3A_1808 = arith.constant 0 : i32
        %add3A_1809 = arith.addi %mul3A_1807, %add3A_1808 : i32
        %get3A = arith.index_cast %add3A_1809 : i32 to index
        %get3A_1810 = tpu.vector_load %arg9[%get3A] {strides = array<i32>} : memref<3200xi32, #tpu.memory_space<vmem>>, vector<16xi32>,
        %get3A_1811 = arith.index_cast %add3A_1809 : i32 to index
        %get3A_1812 = tpu.vector_load %arg11[%get3A_1811] {strides = array<i32>} : memref<3200xi32, #tpu.memory_space<vmem>>, vector<16xi32>,
        %get3A_1813 = arith.index_cast %add3A_1809 : i32 to index
        %get3A_1814 = tpu.vector_load %arg13[%get3A_1813] {strides = array<i32>} : memref<3200xf32, #tpu.memory_space<vmem>>, vector<16xf32>,
        %ne3A = arith.cmpi ne, %get3A_1810, %get3A_1812 : vector<16xi32>
        %gather3A = tpu.vector_load_idx %arg8[%get3A_1812] : memref<100096xf32, #tpu.memory_space<vmem>>[vector<16xi32>], vector<16xf32>,
        %gt3A = arith.cmpf ogt, %get3A_1814, %gather3A : vector<16xf32>
        %and3A = arith.andi %ne3A, %gt3A : vector<16xi1>
        %add3A_1815 = arith.constant 16 : i32
        %add3A_1816 = arith.addi %mul3A_1807, %add3A_1815 : i32
        %get3A_1817 = arith.index_cast %add3A_1816 : i32 to index
        %get3A_1818 = tpu.vector_load %arg9[%get3A_1817] {strides = array<i32>} : memref<3200xi32, #tpu.memory_space<vmem>>, vector<16xi32>,
        %get3A_1819 = arith.index_cast %add3A_1816 : i32 to index
        %get3A_1820 = tpu.vector_load %arg11[%get3A_1819] {strides = array<i32>} : memref<3200xi32, #tpu.memory_space<vmem>>, vector<16xi32>,
        %get3A_1821 = arith.index_cast %add3A_1816 : i32 to index
        %get3A_1822 = tpu.vector_load %arg13[%get3A_1821] {strides = array<i32>} : memref<3200xf32, #tpu.memory_space<vmem>>, vector<16xf32>,
        %ne3A_1823 = arith.cmpi ne, %get3A_1818, %get3A_1820 : vector<16xi32>
        %gather3A_1824 = tpu.vector_load_idx %arg8[%get3A_1820] : memref<100096xf32, #tpu.memory_space<vmem>>[vector<16xi32>], vector<16xf32>,
        %gt3A_1825 = arith.cmpf ogt, %get3A_1822, %gather3A_1824 : vector<16xf32>
        %and3A_1826 = arith.andi %ne3A_1823, %gt3A_1825 : vector<16xi1>
        %add3A_1827 = arith.constant 32 : i32
        %add3A_1828 = arith.addi %mul3A_1807, %add3A_1827 : i32
        %get3A_1829 = arith.index_cast %add3A_1828 : i32 to index
        %get3A_1830 = tpu.vector_load %arg9[%get3A_1829] {strides = array<i32>} : memref<3200xi32, #tpu.memory_space<vmem>>, vector<16xi32>,
        %get3A_1831 = arith.index_cast %add3A_1828 : i32 to index
        %get3A_1832 = tpu.vector_load %arg11[%get3A_1831] {strides = array<i32>} : memref<3200xi32, #tpu.memory_space<vmem>>, vector<16xi32>,
        %get3A_1833 = arith.index_cast %add3A_1828 : i32 to index
        %get3A_1834 = tpu.vector_load %arg13[%get3A_1833] {strides = array<i32>} : memref<3200xf32, #tpu.memory_space<vmem>>, vector<16xf32>,
        %ne3A_1835 = arith.cmpi ne, %get3A_1830, %get3A_1832 : vector<16xi32>
        %gather3A_1836 = tpu.vector_load_idx %arg8[%get3A_1832] : memref<100096xf32, #tpu.memory_space<vmem>>[vector<16xi32>], vector<16xf32>,
        %gt3A_1837 = arith.cmpf ogt, %get3A_1834, %gather3A_1836 : vector<16xf32>
        %and3A_1838 = arith.andi %ne3A_1835, %gt3A_1837 : vector<16xi1>
        %add3A_1839 = arith.constant 48 : i32
        %add3A_1840 = arith.addi %mul3A_1807, %add3A_1839 : i32
        %get3A_1841 = arith.index_cast %add3A_1840 : i32 to index
        %get3A_1842 = tpu.vector_load %arg9[%get3A_1841] {strides = array<i32>} : memref<3200xi32, #tpu.memory_space<vmem>>, vector<16xi32>,
        %get3A_1843 = arith.index_cast %add3A_1840 : i32 to index
        %get3A_1844 = tpu.vector_load %arg11[%get3A_1843] {strides = array<i32>} : memref<3200xi32, #tpu.memory_space<vmem>>, vector<16xi32>,
        %get3A_1845 = arith.index_cast %add3A_1840 : i32 to index
        %get3A_1846 = tpu.vector_load %arg13[%get3A_1845] {strides = array<i32>} : memref<3200xf32, #tpu.memory_space<vmem>>, vector<16xf32>,
        %ne3A_1847 = arith.cmpi ne, %get3A_1842, %get3A_1844 : vector<16xi32>
        %gather3A_1848 = tpu.vector_load_idx %arg8[%get3A_1844] : memref<100096xf32, #tpu.memory_space<vmem>>[vector<16xi32>], vector<16xf32>,
        %gt3A_1849 = arith.cmpf ogt, %get3A_1846, %gather3A_1848 : vector<16xf32>
        %and3A_1850 = arith.andi %ne3A_1847, %gt3A_1849 : vector<16xi1>
        tpu.vector_store_idx %arg8[%get3A_1812], %get3A_1814 masked %and3A : memref<100096xf32, #tpu.memory_space<vmem>>[vector<16xi32>], vector<16xf32>, vector<16xi1>
        tpu.vector_store_idx %arg8[%get3A_1820], %get3A_1822 masked %and3A_1826 : memref<100096xf32, #tpu.memory_space<vmem>>[vector<16xi32>], vector<16xf32>, vector<16xi1>
        tpu.vector_store_idx %arg8[%get3A_1832], %get3A_1834 masked %and3A_1838 : memref<100096xf32, #tpu.memory_space<vmem>>[vector<16xi32>], vector<16xf32>, vector<16xi1>
        tpu.vector_store_idx %arg8[%get3A_1844], %get3A_1846 masked %and3A_1850 : memref<100096xf32, #tpu.memory_space<vmem>>[vector<16xi32>], vector<16xf32>, vector<16xi1>
        %gather3A_1851 = tpu.vector_load_idx %arg8[%get3A_1812] : memref<100096xf32, #tpu.memory_space<vmem>>[vector<16xi32>], vector<16xf32>,
        %gt3A_1852 = arith.cmpf ogt, %get3A_1814, %gather3A_1851 : vector<16xf32>
        %and3A_1853 = arith.andi %ne3A, %gt3A_1852 : vector<16xi1>
        %jit3A = arith.constant 1 : i32
        %jit3A_1854 = arith.constant 0 : i32
        %broadcast_in_dim3A_1855 = vector.broadcast %jit3A : i32 to vector<16xi32>
        %broadcast_in_dim3A_1856 = vector.broadcast %jit3A_1854 : i32 to vector<16xi32>
        %select_n3A = arith.select %and3A_1853, %broadcast_in_dim3A_1855, %broadcast_in_dim3A_1856 : vector<16xi1>, vector<16xi32>
        %add3A_1857 = arith.addi %scan3A_1805, %select_n3A : vector<16xi32>
        %gather3A_1858 = tpu.vector_load_idx %arg8[%get3A_1820] : memref<100096xf32, #tpu.memory_space<vmem>>[vector<16xi32>], vector<16xf32>,
        %gt3A_1859 = arith.cmpf ogt, %get3A_1822, %gather3A_1858 : vector<16xf32>
        %and3A_1860 = arith.andi %ne3A_1823, %gt3A_1859 : vector<16xi1>
        %jit3A_1861 = arith.constant 1 : i32
        %jit3A_1862 = arith.constant 0 : i32
        %broadcast_in_dim3A_1863 = vector.broadcast %jit3A_1861 : i32 to vector<16xi32>
        %broadcast_in_dim3A_1864 = vector.broadcast %jit3A_1862 : i32 to vector<16xi32>
        %select_n3A_1865 = arith.select %and3A_1860, %broadcast_in_dim3A_1863, %broadcast_in_dim3A_1864 : vector<16xi1>, vector<16xi32>
        %add3A_1866 = arith.addi %add3A_1857, %select_n3A_1865 : vector<16xi32>
        %gather3A_1867 = tpu.vector_load_idx %arg8[%get3A_1832] : memref<100096xf32, #tpu.memory_space<vmem>>[vector<16xi32>], vector<16xf32>,
        %gt3A_1868 = arith.cmpf ogt, %get3A_1834, %gather3A_1867 : vector<16xf32>
        %and3A_1869 = arith.andi %ne3A_1835, %gt3A_1868 : vector<16xi1>
        %jit3A_1870 = arith.constant 1 : i32
        %jit3A_1871 = arith.constant 0 : i32
        %broadcast_in_dim3A_1872 = vector.broadcast %jit3A_1870 : i32 to vector<16xi32>
        %broadcast_in_dim3A_1873 = vector.broadcast %jit3A_1871 : i32 to vector<16xi32>
        %select_n3A_1874 = arith.select %and3A_1869, %broadcast_in_dim3A_1872, %broadcast_in_dim3A_1873 : vector<16xi1>, vector<16xi32>
        %add3A_1875 = arith.addi %add3A_1866, %select_n3A_1874 : vector<16xi32>
        %gather3A_1876 = tpu.vector_load_idx %arg8[%get3A_1844] : memref<100096xf32, #tpu.memory_space<vmem>>[vector<16xi32>], vector<16xf32>,
        %gt3A_1877 = arith.cmpf ogt, %get3A_1846, %gather3A_1876 : vector<16xf32>
        %and3A_1878 = arith.andi %ne3A_1847, %gt3A_1877 : vector<16xi1>
        %jit3A_1879 = arith.constant 1 : i32
        %jit3A_1880 = arith.constant 0 : i32
        %broadcast_in_dim3A_1881 = vector.broadcast %jit3A_1879 : i32 to vector<16xi32>
        %broadcast_in_dim3A_1882 = vector.broadcast %jit3A_1880 : i32 to vector<16xi32>
        %select_n3A_1883 = arith.select %and3A_1878, %broadcast_in_dim3A_1881, %broadcast_in_dim3A_1882 : vector<16xi1>, vector<16xi32>
        %add3A_1884 = arith.addi %add3A_1875, %select_n3A_1883 : vector<16xi32>
        scf.yield %add3A_1884 : vector<16xi32>
      }
      %scan3A_1583 = arith.constant 50 : i32
      %reduce_max3A_1584 = arith.constant true
      %reduce_max3A_1585 = vector.broadcast %reduce_max3A_1584 : i1 to vector<16xi1>
      %reduce_max3A_1586 = arith.constant -2147483648 : i32
      %reduce_max3A_1587 = vector.broadcast %reduce_max3A_1586 : i32 to vector<16xi32>
      %reduce_max3A_1588 = arith.xori %scan3A_1582, %reduce_max3A_1587 : vector<16xi32>
      %reduce_max3A_1589 = tpu.scan <max>, %reduce_max3A_1588 masked %reduce_max3A_1585 : vector<16xi32>, vector<16xi1> -> vector<16xi32>
      %reduce_max3A_1590 = arith.xori %reduce_max3A_1589, %reduce_max3A_1587 : vector<16xi32>
      %reduce_max3A_1591 = vector.extract %reduce_max3A_1590[15] : i32 from vector<16xi32>
      %while3A_1592 = scf.while (%while3A_1804 = %reduce_max3A_1591) : (i32) -> i32 {
        %gt3A = arith.constant 0 : i32
        %gt3A_1805 = arith.cmpi sgt, %while3A_1804, %gt3A : i32
        scf.condition(%gt3A_1805) %while3A_1804 : i32
      } do {
      ^bb0(%while3A_1804: i32):
        %broadcast_in_dim3A_1805 = arith.constant 0 : i32
        %broadcast_in_dim3A_1806 = vector.broadcast %broadcast_in_dim3A_1805 : i32 to vector<16xi32>
        %scan3A_1807 = arith.constant 0 : i32
        %scan3A_1808 = arith.constant 50 : i32
        %scan3A_1809 = arith.addi %scan3A_1807, %scan3A_1808 : i32
        %scan3A_1810 = arith.constant 1 : i32
        %scan3A_1811 = scf.for %scan3A_1821 = %scan3A_1807 to %scan3A_1809 step %scan3A_1810 iter_args(%scan3A_1822 = %broadcast_in_dim3A_1806) -> (vector<16xi32>)  : i32 {
          %mul3A_1823 = arith.constant 64 : i32
          %mul3A_1824 = arith.muli %scan3A_1821, %mul3A_1823 : i32
          %add3A_1825 = arith.constant 0 : i32
          %add3A_1826 = arith.addi %mul3A_1824, %add3A_1825 : i32
          %get3A = arith.index_cast %add3A_1826 : i32 to index
          %get3A_1827 = tpu.vector_load %arg9[%get3A] {strides = array<i32>} : memref<3200xi32, #tpu.memory_space<vmem>>, vector<16xi32>,
          %get3A_1828 = arith.index_cast %add3A_1826 : i32 to index
          %get3A_1829 = tpu.vector_load %arg11[%get3A_1828] {strides = array<i32>} : memref<3200xi32, #tpu.memory_space<vmem>>, vector<16xi32>,
          %get3A_1830 = arith.index_cast %add3A_1826 : i32 to index
          %get3A_1831 = tpu.vector_load %arg13[%get3A_1830] {strides = array<i32>} : memref<3200xf32, #tpu.memory_space<vmem>>, vector<16xf32>,
          %ne3A = arith.cmpi ne, %get3A_1827, %get3A_1829 : vector<16xi32>
          %gather3A = tpu.vector_load_idx %arg8[%get3A_1829] : memref<100096xf32, #tpu.memory_space<vmem>>[vector<16xi32>], vector<16xf32>,
          %gt3A = arith.cmpf ogt, %get3A_1831, %gather3A : vector<16xf32>
          %and3A = arith.andi %ne3A, %gt3A : vector<16xi1>
          %add3A_1832 = arith.constant 16 : i32
          %add3A_1833 = arith.addi %mul3A_1824, %add3A_1832 : i32
          %get3A_1834 = arith.index_cast %add3A_1833 : i32 to index
          %get3A_1835 = tpu.vector_load %arg9[%get3A_1834] {strides = array<i32>} : memref<3200xi32, #tpu.memory_space<vmem>>, vector<16xi32>,
          %get3A_1836 = arith.index_cast %add3A_1833 : i32 to index
          %get3A_1837 = tpu.vector_load %arg11[%get3A_1836] {strides = array<i32>} : memref<3200xi32, #tpu.memory_space<vmem>>, vector<16xi32>,
          %get3A_1838 = arith.index_cast %add3A_1833 : i32 to index
          %get3A_1839 = tpu.vector_load %arg13[%get3A_1838] {strides = array<i32>} : memref<3200xf32, #tpu.memory_space<vmem>>, vector<16xf32>,
          %ne3A_1840 = arith.cmpi ne, %get3A_1835, %get3A_1837 : vector<16xi32>
          %gather3A_1841 = tpu.vector_load_idx %arg8[%get3A_1837] : memref<100096xf32, #tpu.memory_space<vmem>>[vector<16xi32>], vector<16xf32>,
          %gt3A_1842 = arith.cmpf ogt, %get3A_1839, %gather3A_1841 : vector<16xf32>
          %and3A_1843 = arith.andi %ne3A_1840, %gt3A_1842 : vector<16xi1>
          %add3A_1844 = arith.constant 32 : i32
          %add3A_1845 = arith.addi %mul3A_1824, %add3A_1844 : i32
          %get3A_1846 = arith.index_cast %add3A_1845 : i32 to index
          %get3A_1847 = tpu.vector_load %arg9[%get3A_1846] {strides = array<i32>} : memref<3200xi32, #tpu.memory_space<vmem>>, vector<16xi32>,
          %get3A_1848 = arith.index_cast %add3A_1845 : i32 to index
          %get3A_1849 = tpu.vector_load %arg11[%get3A_1848] {strides = array<i32>} : memref<3200xi32, #tpu.memory_space<vmem>>, vector<16xi32>,
          %get3A_1850 = arith.index_cast %add3A_1845 : i32 to index
          %get3A_1851 = tpu.vector_load %arg13[%get3A_1850] {strides = array<i32>} : memref<3200xf32, #tpu.memory_space<vmem>>, vector<16xf32>,
          %ne3A_1852 = arith.cmpi ne, %get3A_1847, %get3A_1849 : vector<16xi32>
          %gather3A_1853 = tpu.vector_load_idx %arg8[%get3A_1849] : memref<100096xf32, #tpu.memory_space<vmem>>[vector<16xi32>], vector<16xf32>,
          %gt3A_1854 = arith.cmpf ogt, %get3A_1851, %gather3A_1853 : vector<16xf32>
          %and3A_1855 = arith.andi %ne3A_1852, %gt3A_1854 : vector<16xi1>
          %add3A_1856 = arith.constant 48 : i32
          %add3A_1857 = arith.addi %mul3A_1824, %add3A_1856 : i32
          %get3A_1858 = arith.index_cast %add3A_1857 : i32 to index
          %get3A_1859 = tpu.vector_load %arg9[%get3A_1858] {strides = array<i32>} : memref<3200xi32, #tpu.memory_space<vmem>>, vector<16xi32>,
          %get3A_1860 = arith.index_cast %add3A_1857 : i32 to index
          %get3A_1861 = tpu.vector_load %arg11[%get3A_1860] {strides = array<i32>} : memref<3200xi32, #tpu.memory_space<vmem>>, vector<16xi32>,
          %get3A_1862 = arith.index_cast %add3A_1857 : i32 to index
          %get3A_1863 = tpu.vector_load %arg13[%get3A_1862] {strides = array<i32>} : memref<3200xf32, #tpu.memory_space<vmem>>, vector<16xf32>,
          %ne3A_1864 = arith.cmpi ne, %get3A_1859, %get3A_1861 : vector<16xi32>
          %gather3A_1865 = tpu.vector_load_idx %arg8[%get3A_1861] : memref<100096xf32, #tpu.memory_space<vmem>>[vector<16xi32>], vector<16xf32>,
          %gt3A_1866 = arith.cmpf ogt, %get3A_1863, %gather3A_1865 : vector<16xf32>
          %and3A_1867 = arith.andi %ne3A_1864, %gt3A_1866 : vector<16xi1>
          tpu.vector_store_idx %arg8[%get3A_1829], %get3A_1831 masked %and3A : memref<100096xf32, #tpu.memory_space<vmem>>[vector<16xi32>], vector<16xf32>, vector<16xi1>
          tpu.vector_store_idx %arg8[%get3A_1837], %get3A_1839 masked %and3A_1843 : memref<100096xf32, #tpu.memory_space<vmem>>[vector<16xi32>], vector<16xf32>, vector<16xi1>
          tpu.vector_store_idx %arg8[%get3A_1849], %get3A_1851 masked %and3A_1855 : memref<100096xf32, #tpu.memory_space<vmem>>[vector<16xi32>], vector<16xf32>, vector<16xi1>
          tpu.vector_store_idx %arg8[%get3A_1861], %get3A_1863 masked %and3A_1867 : memref<100096xf32, #tpu.memory_space<vmem>>[vector<16xi32>], vector<16xf32>, vector<16xi1>
          %gather3A_1868 = tpu.vector_load_idx %arg8[%get3A_1829] : memref<100096xf32, #tpu.memory_space<vmem>>[vector<16xi32>], vector<16xf32>,
          %gt3A_1869 = arith.cmpf ogt, %get3A_1831, %gather3A_1868 : vector<16xf32>
          %and3A_1870 = arith.andi %ne3A, %gt3A_1869 : vector<16xi1>
          %jit3A = arith.constant 1 : i32
          %jit3A_1871 = arith.constant 0 : i32
          %broadcast_in_dim3A_1872 = vector.broadcast %jit3A : i32 to vector<16xi32>
          %broadcast_in_dim3A_1873 = vector.broadcast %jit3A_1871 : i32 to vector<16xi32>
          %select_n3A = arith.select %and3A_1870, %broadcast_in_dim3A_1872, %broadcast_in_dim3A_1873 : vector<16xi1>, vector<16xi32>
          %add3A_1874 = arith.addi %scan3A_1822, %select_n3A : vector<16xi32>
          %gather3A_1875 = tpu.vector_load_idx %arg8[%get3A_1837] : memref<100096xf32, #tpu.memory_space<vmem>>[vector<16xi32>], vector<16xf32>,
          %gt3A_1876 = arith.cmpf ogt, %get3A_1839, %gather3A_1875 : vector<16xf32>
          %and3A_1877 = arith.andi %ne3A_1840, %gt3A_1876 : vector<16xi1>
          %jit3A_1878 = arith.constant 1 : i32
          %jit3A_1879 = arith.constant 0 : i32
          %broadcast_in_dim3A_1880 = vector.broadcast %jit3A_1878 : i32 to vector<16xi32>
          %broadcast_in_dim3A_1881 = vector.broadcast %jit3A_1879 : i32 to vector<16xi32>
          %select_n3A_1882 = arith.select %and3A_1877, %broadcast_in_dim3A_1880, %broadcast_in_dim3A_1881 : vector<16xi1>, vector<16xi32>
          %add3A_1883 = arith.addi %add3A_1874, %select_n3A_1882 : vector<16xi32>
          %gather3A_1884 = tpu.vector_load_idx %arg8[%get3A_1849] : memref<100096xf32, #tpu.memory_space<vmem>>[vector<16xi32>], vector<16xf32>,
          %gt3A_1885 = arith.cmpf ogt, %get3A_1851, %gather3A_1884 : vector<16xf32>
          %and3A_1886 = arith.andi %ne3A_1852, %gt3A_1885 : vector<16xi1>
          %jit3A_1887 = arith.constant 1 : i32
          %jit3A_1888 = arith.constant 0 : i32
          %broadcast_in_dim3A_1889 = vector.broadcast %jit3A_1887 : i32 to vector<16xi32>
          %broadcast_in_dim3A_1890 = vector.broadcast %jit3A_1888 : i32 to vector<16xi32>
          %select_n3A_1891 = arith.select %and3A_1886, %broadcast_in_dim3A_1889, %broadcast_in_dim3A_1890 : vector<16xi1>, vector<16xi32>
          %add3A_1892 = arith.addi %add3A_1883, %select_n3A_1891 : vector<16xi32>
          %gather3A_1893 = tpu.vector_load_idx %arg8[%get3A_1861] : memref<100096xf32, #tpu.memory_space<vmem>>[vector<16xi32>], vector<16xf32>,
          %gt3A_1894 = arith.cmpf ogt, %get3A_1863, %gather3A_1893 : vector<16xf32>
          %and3A_1895 = arith.andi %ne3A_1864, %gt3A_1894 : vector<16xi1>
          %jit3A_1896 = arith.constant 1 : i32
          %jit3A_1897 = arith.constant 0 : i32
          %broadcast_in_dim3A_1898 = vector.broadcast %jit3A_1896 : i32 to vector<16xi32>
          %broadcast_in_dim3A_1899 = vector.broadcast %jit3A_1897 : i32 to vector<16xi32>
          %select_n3A_1900 = arith.select %and3A_1895, %broadcast_in_dim3A_1898, %broadcast_in_dim3A_1899 : vector<16xi1>, vector<16xi32>
          %add3A_1901 = arith.addi %add3A_1892, %select_n3A_1900 : vector<16xi32>
          scf.yield %add3A_1901 : vector<16xi32>
        }
        %scan3A_1812 = arith.constant 50 : i32
        %reduce_max3A_1813 = arith.constant true
        %reduce_max3A_1814 = vector.broadcast %reduce_max3A_1813 : i1 to vector<16xi1>
        %reduce_max3A_1815 = arith.constant -2147483648 : i32
        %reduce_max3A_1816 = vector.broadcast %reduce_max3A_1815 : i32 to vector<16xi32>
        %reduce_max3A_1817 = arith.xori %scan3A_1811, %reduce_max3A_1816 : vector<16xi32>
        %reduce_max3A_1818 = tpu.scan <max>, %reduce_max3A_1817 masked %reduce_max3A_1814 : vector<16xi32>, vector<16xi1> -> vector<16xi32>
        %reduce_max3A_1819 = arith.xori %reduce_max3A_1818, %reduce_max3A_1816 : vector<16xi32>
        %reduce_max3A_1820 = vector.extract %reduce_max3A_1819[15] : i32 from vector<16xi32>
        scf.yield %reduce_max3A_1820 : i32
      }
      %add3A_1593 = arith.constant 2 : i32
      %add3A_1594 = arith.addi %mul3A_1413, %add3A_1593 : i32
      %min3A_1595 = arith.constant 124 : i32
      %min3A_1596 = arith.minsi %add3A_1594, %min3A_1595 : i32
      %mul3A_1597 = arith.constant 3200 : i32
      %mul3A_1598 = arith.muli %min3A_1596, %mul3A_1597 : i32
      %add3A_1599 = arith.addi %mul3A_1, %mul3A_1598 : i32
      %convert_element_type3A_1600 = arith.extui %eq3A_0 : i1 to i32
      %cond3A_1601 = arith.constant 0 : i32
      %cond3A_1602 = arith.cmpi ne, %convert_element_type3A_1600, %cond3A_1601 : i32
      scf.if %cond3A_1602 {
        %dma_start3A_1804 = tpu.memref_slice %arg3[%add3A_1599] : memref<12800000xi32, #tpu.memory_space<hbm>> -> memref<3200xi32, #tpu.memory_space<hbm>>
        %dma_start3A_1805 = tpu.memref_slice %arg3[%add3A_1599] : memref<12800000xi32, #tpu.memory_space<hbm>> -> memref<3200xi32, #tpu.memory_space<hbm>>
        tpu.enqueue_dma source(%dma_start3A_1805 : memref<3200xi32, #tpu.memory_space<hbm>>) target(%arg9 : memref<3200xi32, #tpu.memory_space<vmem>>) target_semaphore(%arg15 : memref<!tpu.dma_semaphore, #tpu.memory_space<semaphore_mem>>)
        %add3A_1806 = arith.constant 6400000 : i32
        %add3A_1807 = arith.addi %add3A_1806, %add3A_1599 : i32
        %dma_start3A_1808 = tpu.memref_slice %arg3[%add3A_1807] : memref<12800000xi32, #tpu.memory_space<hbm>> -> memref<3200xi32, #tpu.memory_space<hbm>>
        %dma_start3A_1809 = tpu.memref_slice %arg3[%add3A_1807] : memref<12800000xi32, #tpu.memory_space<hbm>> -> memref<3200xi32, #tpu.memory_space<hbm>>
        tpu.enqueue_dma source(%dma_start3A_1809 : memref<3200xi32, #tpu.memory_space<hbm>>) target(%arg11 : memref<3200xi32, #tpu.memory_space<vmem>>) target_semaphore(%arg15 : memref<!tpu.dma_semaphore, #tpu.memory_space<semaphore_mem>>)
      } else {
      }
      %not3A_1603 = arith.constant true
      %not3A_1604 = arith.xori %eq3A_0, %not3A_1603 : i1
      %convert_element_type3A_1605 = arith.extui %not3A_1604 : i1 to i32
      %cond3A_1606 = arith.constant 0 : i32
      %cond3A_1607 = arith.cmpi ne, %convert_element_type3A_1605, %cond3A_1606 : i32
      scf.if %cond3A_1607 {
        %add3A_1804 = arith.constant 6400000 : i32
        %add3A_1805 = arith.addi %add3A_1804, %add3A_1599 : i32
        %dma_start3A_1806 = tpu.memref_slice %arg3[%add3A_1805] : memref<12800000xi32, #tpu.memory_space<hbm>> -> memref<3200xi32, #tpu.memory_space<hbm>>
        %dma_start3A_1807 = tpu.memref_slice %arg3[%add3A_1805] : memref<12800000xi32, #tpu.memory_space<hbm>> -> memref<3200xi32, #tpu.memory_space<hbm>>
        tpu.enqueue_dma source(%dma_start3A_1807 : memref<3200xi32, #tpu.memory_space<hbm>>) target(%arg9 : memref<3200xi32, #tpu.memory_space<vmem>>) target_semaphore(%arg15 : memref<!tpu.dma_semaphore, #tpu.memory_space<semaphore_mem>>)
        %dma_start3A_1808 = tpu.memref_slice %arg3[%add3A_1599] : memref<12800000xi32, #tpu.memory_space<hbm>> -> memref<3200xi32, #tpu.memory_space<hbm>>
        %dma_start3A_1809 = tpu.memref_slice %arg3[%add3A_1599] : memref<12800000xi32, #tpu.memory_space<hbm>> -> memref<3200xi32, #tpu.memory_space<hbm>>
        tpu.enqueue_dma source(%dma_start3A_1809 : memref<3200xi32, #tpu.memory_space<hbm>>) target(%arg11 : memref<3200xi32, #tpu.memory_space<vmem>>) target_semaphore(%arg15 : memref<!tpu.dma_semaphore, #tpu.memory_space<semaphore_mem>>)
      } else {
      }
      %add3A_1608 = arith.constant 1 : i32
      %add3A_1609 = arith.addi %mul3A_1413, %add3A_1608 : i32
      %dma_wait3A_1610 = arith.constant 0 : i32
      %dma_wait3A_1611 = tpu.memref_slice %arg2[%dma_wait3A_1610] : memref<100000xf32, #tpu.memory_space<hbm>> -> memref<3200xf32, #tpu.memory_space<hbm>>
      %dma_wait3A_1612 = arith.constant 0 : i32
      %dma_wait3A_1613 = tpu.memref_slice %arg2[%dma_wait3A_1612] : memref<100000xf32, #tpu.memory_space<hbm>> -> memref<3200xf32, #tpu.memory_space<hbm>>
      tpu.wait_dma2 semaphore(%arg18 : memref<!tpu.dma_semaphore, #tpu.memory_space<semaphore_mem>>) src(%dma_wait3A_1613 : memref<3200xf32, #tpu.memory_space<hbm>>) dst(%arg14 : memref<3200xf32, #tpu.memory_space<vmem>>)
      %dma_wait3A_1614 = arith.constant 0 : i32
      %dma_wait3A_1615 = tpu.memref_slice %arg3[%dma_wait3A_1614] : memref<12800000xi32, #tpu.memory_space<hbm>> -> memref<3200xi32, #tpu.memory_space<hbm>>
      %dma_wait3A_1616 = arith.constant 0 : i32
      %dma_wait3A_1617 = tpu.memref_slice %arg3[%dma_wait3A_1616] : memref<12800000xi32, #tpu.memory_space<hbm>> -> memref<3200xi32, #tpu.memory_space<hbm>>
      tpu.wait_dma2 semaphore(%arg15 : memref<!tpu.dma_semaphore, #tpu.memory_space<semaphore_mem>>) src(%dma_wait3A_1617 : memref<3200xi32, #tpu.memory_space<hbm>>) dst(%arg9 : memref<3200xi32, #tpu.memory_space<vmem>>)
      %dma_wait3A_1618 = arith.constant 0 : i32
      %dma_wait3A_1619 = tpu.memref_slice %arg3[%dma_wait3A_1618] : memref<12800000xi32, #tpu.memory_space<hbm>> -> memref<3200xi32, #tpu.memory_space<hbm>>
      %dma_wait3A_1620 = arith.constant 0 : i32
      %dma_wait3A_1621 = tpu.memref_slice %arg3[%dma_wait3A_1620] : memref<12800000xi32, #tpu.memory_space<hbm>> -> memref<3200xi32, #tpu.memory_space<hbm>>
      tpu.wait_dma2 semaphore(%arg15 : memref<!tpu.dma_semaphore, #tpu.memory_space<semaphore_mem>>) src(%dma_wait3A_1621 : memref<3200xi32, #tpu.memory_space<hbm>>) dst(%arg11 : memref<3200xi32, #tpu.memory_space<vmem>>)
      %dma_start3A_1622 = arith.constant 0 : i32
      %dma_start3A_1623 = tpu.memref_slice %arg13[%dma_start3A_1622] : memref<3200xf32, #tpu.memory_space<vmem>> -> memref<128xf32, #tpu.memory_space<vmem>>
      %dma_start3A_1624 = arith.constant 0 : i32
      %dma_start3A_1625 = tpu.memref_slice %arg9[%dma_start3A_1624] : memref<3200xi32, #tpu.memory_space<vmem>> -> memref<128xi32, #tpu.memory_space<vmem>>
      %dma_start3A_1626 = arith.constant 0 : i32
      %dma_start3A_1627 = tpu.memref_slice %arg7[%dma_start3A_1626] : memref<100000xf32, #tpu.memory_space<vmem_shared>> -> memref<100000xf32, #tpu.memory_space<vmem_shared>>
      tpu.enqueue_indirect_dma source(%dma_start3A_1627 : memref<100000xf32, #tpu.memory_space<vmem_shared>>) target(%dma_start3A_1623 : memref<128xf32, #tpu.memory_space<vmem>>) offsets(%dma_start3A_1625 : memref<128xi32, #tpu.memory_space<vmem>>) semaphore(%arg17 : memref<!tpu.dma_semaphore, #tpu.memory_space<semaphore_mem>>)
      %dma_start3A_1628 = arith.constant 128 : i32
      %dma_start3A_1629 = tpu.memref_slice %arg13[%dma_start3A_1628] : memref<3200xf32, #tpu.memory_space<vmem>> -> memref<128xf32, #tpu.memory_space<vmem>>
      %dma_start3A_1630 = arith.constant 128 : i32
      %dma_start3A_1631 = tpu.memref_slice %arg9[%dma_start3A_1630] : memref<3200xi32, #tpu.memory_space<vmem>> -> memref<128xi32, #tpu.memory_space<vmem>>
      %dma_start3A_1632 = arith.constant 0 : i32
      %dma_start3A_1633 = tpu.memref_slice %arg7[%dma_start3A_1632] : memref<100000xf32, #tpu.memory_space<vmem_shared>> -> memref<100000xf32, #tpu.memory_space<vmem_shared>>
      tpu.enqueue_indirect_dma source(%dma_start3A_1633 : memref<100000xf32, #tpu.memory_space<vmem_shared>>) target(%dma_start3A_1629 : memref<128xf32, #tpu.memory_space<vmem>>) offsets(%dma_start3A_1631 : memref<128xi32, #tpu.memory_space<vmem>>) semaphore(%arg17 : memref<!tpu.dma_semaphore, #tpu.memory_space<semaphore_mem>>)
      %dma_start3A_1634 = arith.constant 256 : i32
      %dma_start3A_1635 = tpu.memref_slice %arg13[%dma_start3A_1634] : memref<3200xf32, #tpu.memory_space<vmem>> -> memref<128xf32, #tpu.memory_space<vmem>>
      %dma_start3A_1636 = arith.constant 256 : i32
      %dma_start3A_1637 = tpu.memref_slice %arg9[%dma_start3A_1636] : memref<3200xi32, #tpu.memory_space<vmem>> -> memref<128xi32, #tpu.memory_space<vmem>>
      %dma_start3A_1638 = arith.constant 0 : i32
      %dma_start3A_1639 = tpu.memref_slice %arg7[%dma_start3A_1638] : memref<100000xf32, #tpu.memory_space<vmem_shared>> -> memref<100000xf32, #tpu.memory_space<vmem_shared>>
      tpu.enqueue_indirect_dma source(%dma_start3A_1639 : memref<100000xf32, #tpu.memory_space<vmem_shared>>) target(%dma_start3A_1635 : memref<128xf32, #tpu.memory_space<vmem>>) offsets(%dma_start3A_1637 : memref<128xi32, #tpu.memory_space<vmem>>) semaphore(%arg17 : memref<!tpu.dma_semaphore, #tpu.memory_space<semaphore_mem>>)
      %dma_start3A_1640 = arith.constant 384 : i32
      %dma_start3A_1641 = tpu.memref_slice %arg13[%dma_start3A_1640] : memref<3200xf32, #tpu.memory_space<vmem>> -> memref<128xf32, #tpu.memory_space<vmem>>
      %dma_start3A_1642 = arith.constant 384 : i32
      %dma_start3A_1643 = tpu.memref_slice %arg9[%dma_start3A_1642] : memref<3200xi32, #tpu.memory_space<vmem>> -> memref<128xi32, #tpu.memory_space<vmem>>
      %dma_start3A_1644 = arith.constant 0 : i32
      %dma_start3A_1645 = tpu.memref_slice %arg7[%dma_start3A_1644] : memref<100000xf32, #tpu.memory_space<vmem_shared>> -> memref<100000xf32, #tpu.memory_space<vmem_shared>>
      tpu.enqueue_indirect_dma source(%dma_start3A_1645 : memref<100000xf32, #tpu.memory_space<vmem_shared>>) target(%dma_start3A_1641 : memref<128xf32, #tpu.memory_space<vmem>>) offsets(%dma_start3A_1643 : memref<128xi32, #tpu.memory_space<vmem>>) semaphore(%arg17 : memref<!tpu.dma_semaphore, #tpu.memory_space<semaphore_mem>>)
      %dma_start3A_1646 = arith.constant 512 : i32
      %dma_start3A_1647 = tpu.memref_slice %arg13[%dma_start3A_1646] : memref<3200xf32, #tpu.memory_space<vmem>> -> memref<128xf32, #tpu.memory_space<vmem>>
      %dma_start3A_1648 = arith.constant 512 : i32
      %dma_start3A_1649 = tpu.memref_slice %arg9[%dma_start3A_1648] : memref<3200xi32, #tpu.memory_space<vmem>> -> memref<128xi32, #tpu.memory_space<vmem>>
      %dma_start3A_1650 = arith.constant 0 : i32
      %dma_start3A_1651 = tpu.memref_slice %arg7[%dma_start3A_1650] : memref<100000xf32, #tpu.memory_space<vmem_shared>> -> memref<100000xf32, #tpu.memory_space<vmem_shared>>
      tpu.enqueue_indirect_dma source(%dma_start3A_1651 : memref<100000xf32, #tpu.memory_space<vmem_shared>>) target(%dma_start3A_1647 : memref<128xf32, #tpu.memory_space<vmem>>) offsets(%dma_start3A_1649 : memref<128xi32, #tpu.memory_space<vmem>>) semaphore(%arg17 : memref<!tpu.dma_semaphore, #tpu.memory_space<semaphore_mem>>)
      %dma_start3A_1652 = arith.constant 640 : i32
      %dma_start3A_1653 = tpu.memref_slice %arg13[%dma_start3A_1652] : memref<3200xf32, #tpu.memory_space<vmem>> -> memref<128xf32, #tpu.memory_space<vmem>>
      %dma_start3A_1654 = arith.constant 640 : i32
      %dma_start3A_1655 = tpu.memref_slice %arg9[%dma_start3A_1654] : memref<3200xi32, #tpu.memory_space<vmem>> -> memref<128xi32, #tpu.memory_space<vmem>>
      %dma_start3A_1656 = arith.constant 0 : i32
      %dma_start3A_1657 = tpu.memref_slice %arg7[%dma_start3A_1656] : memref<100000xf32, #tpu.memory_space<vmem_shared>> -> memref<100000xf32, #tpu.memory_space<vmem_shared>>
      tpu.enqueue_indirect_dma source(%dma_start3A_1657 : memref<100000xf32, #tpu.memory_space<vmem_shared>>) target(%dma_start3A_1653 : memref<128xf32, #tpu.memory_space<vmem>>) offsets(%dma_start3A_1655 : memref<128xi32, #tpu.memory_space<vmem>>) semaphore(%arg17 : memref<!tpu.dma_semaphore, #tpu.memory_space<semaphore_mem>>)
      %dma_start3A_1658 = arith.constant 768 : i32
      %dma_start3A_1659 = tpu.memref_slice %arg13[%dma_start3A_1658] : memref<3200xf32, #tpu.memory_space<vmem>> -> memref<128xf32, #tpu.memory_space<vmem>>
      %dma_start3A_1660 = arith.constant 768 : i32
      %dma_start3A_1661 = tpu.memref_slice %arg9[%dma_start3A_1660] : memref<3200xi32, #tpu.memory_space<vmem>> -> memref<128xi32, #tpu.memory_space<vmem>>
      %dma_start3A_1662 = arith.constant 0 : i32
      %dma_start3A_1663 = tpu.memref_slice %arg7[%dma_start3A_1662] : memref<100000xf32, #tpu.memory_space<vmem_shared>> -> memref<100000xf32, #tpu.memory_space<vmem_shared>>
      tpu.enqueue_indirect_dma source(%dma_start3A_1663 : memref<100000xf32, #tpu.memory_space<vmem_shared>>) target(%dma_start3A_1659 : memref<128xf32, #tpu.memory_space<vmem>>) offsets(%dma_start3A_1661 : memref<128xi32, #tpu.memory_space<vmem>>) semaphore(%arg17 : memref<!tpu.dma_semaphore, #tpu.memory_space<semaphore_mem>>)
      %dma_start3A_1664 = arith.constant 896 : i32
      %dma_start3A_1665 = tpu.memref_slice %arg13[%dma_start3A_1664] : memref<3200xf32, #tpu.memory_space<vmem>> -> memref<128xf32, #tpu.memory_space<vmem>>
      %dma_start3A_1666 = arith.constant 896 : i32
      %dma_start3A_1667 = tpu.memref_slice %arg9[%dma_start3A_1666] : memref<3200xi32, #tpu.memory_space<vmem>> -> memref<128xi32, #tpu.memory_space<vmem>>
      %dma_start3A_1668 = arith.constant 0 : i32
      %dma_start3A_1669 = tpu.memref_slice %arg7[%dma_start3A_1668] : memref<100000xf32, #tpu.memory_space<vmem_shared>> -> memref<100000xf32, #tpu.memory_space<vmem_shared>>
      tpu.enqueue_indirect_dma source(%dma_start3A_1669 : memref<100000xf32, #tpu.memory_space<vmem_shared>>) target(%dma_start3A_1665 : memref<128xf32, #tpu.memory_space<vmem>>) offsets(%dma_start3A_1667 : memref<128xi32, #tpu.memory_space<vmem>>) semaphore(%arg17 : memref<!tpu.dma_semaphore, #tpu.memory_space<semaphore_mem>>)
      %dma_start3A_1670 = arith.constant 1024 : i32
      %dma_start3A_1671 = tpu.memref_slice %arg13[%dma_start3A_1670] : memref<3200xf32, #tpu.memory_space<vmem>> -> memref<128xf32, #tpu.memory_space<vmem>>
      %dma_start3A_1672 = arith.constant 1024 : i32
      %dma_start3A_1673 = tpu.memref_slice %arg9[%dma_start3A_1672] : memref<3200xi32, #tpu.memory_space<vmem>> -> memref<128xi32, #tpu.memory_space<vmem>>
      %dma_start3A_1674 = arith.constant 0 : i32
      %dma_start3A_1675 = tpu.memref_slice %arg7[%dma_start3A_1674] : memref<100000xf32, #tpu.memory_space<vmem_shared>> -> memref<100000xf32, #tpu.memory_space<vmem_shared>>
      tpu.enqueue_indirect_dma source(%dma_start3A_1675 : memref<100000xf32, #tpu.memory_space<vmem_shared>>) target(%dma_start3A_1671 : memref<128xf32, #tpu.memory_space<vmem>>) offsets(%dma_start3A_1673 : memref<128xi32, #tpu.memory_space<vmem>>) semaphore(%arg17 : memref<!tpu.dma_semaphore, #tpu.memory_space<semaphore_mem>>)
      %dma_start3A_1676 = arith.constant 1152 : i32
      %dma_start3A_1677 = tpu.memref_slice %arg13[%dma_start3A_1676] : memref<3200xf32, #tpu.memory_space<vmem>> -> memref<128xf32, #tpu.memory_space<vmem>>
      %dma_start3A_1678 = arith.constant 1152 : i32
      %dma_start3A_1679 = tpu.memref_slice %arg9[%dma_start3A_1678] : memref<3200xi32, #tpu.memory_space<vmem>> -> memref<128xi32, #tpu.memory_space<vmem>>
      %dma_start3A_1680 = arith.constant 0 : i32
      %dma_start3A_1681 = tpu.memref_slice %arg7[%dma_start3A_1680] : memref<100000xf32, #tpu.memory_space<vmem_shared>> -> memref<100000xf32, #tpu.memory_space<vmem_shared>>
      tpu.enqueue_indirect_dma source(%dma_start3A_1681 : memref<100000xf32, #tpu.memory_space<vmem_shared>>) target(%dma_start3A_1677 : memref<128xf32, #tpu.memory_space<vmem>>) offsets(%dma_start3A_1679 : memref<128xi32, #tpu.memory_space<vmem>>) semaphore(%arg17 : memref<!tpu.dma_semaphore, #tpu.memory_space<semaphore_mem>>)
      %dma_start3A_1682 = arith.constant 1280 : i32
      %dma_start3A_1683 = tpu.memref_slice %arg13[%dma_start3A_1682] : memref<3200xf32, #tpu.memory_space<vmem>> -> memref<128xf32, #tpu.memory_space<vmem>>
      %dma_start3A_1684 = arith.constant 1280 : i32
      %dma_start3A_1685 = tpu.memref_slice %arg9[%dma_start3A_1684] : memref<3200xi32, #tpu.memory_space<vmem>> -> memref<128xi32, #tpu.memory_space<vmem>>
      %dma_start3A_1686 = arith.constant 0 : i32
      %dma_start3A_1687 = tpu.memref_slice %arg7[%dma_start3A_1686] : memref<100000xf32, #tpu.memory_space<vmem_shared>> -> memref<100000xf32, #tpu.memory_space<vmem_shared>>
      tpu.enqueue_indirect_dma source(%dma_start3A_1687 : memref<100000xf32, #tpu.memory_space<vmem_shared>>) target(%dma_start3A_1683 : memref<128xf32, #tpu.memory_space<vmem>>) offsets(%dma_start3A_1685 : memref<128xi32, #tpu.memory_space<vmem>>) semaphore(%arg17 : memref<!tpu.dma_semaphore, #tpu.memory_space<semaphore_mem>>)
      %dma_start3A_1688 = arith.constant 1408 : i32
      %dma_start3A_1689 = tpu.memref_slice %arg13[%dma_start3A_1688] : memref<3200xf32, #tpu.memory_space<vmem>> -> memref<128xf32, #tpu.memory_space<vmem>>
      %dma_start3A_1690 = arith.constant 1408 : i32
      %dma_start3A_1691 = tpu.memref_slice %arg9[%dma_start3A_1690] : memref<3200xi32, #tpu.memory_space<vmem>> -> memref<128xi32, #tpu.memory_space<vmem>>
      %dma_start3A_1692 = arith.constant 0 : i32
      %dma_start3A_1693 = tpu.memref_slice %arg7[%dma_start3A_1692] : memref<100000xf32, #tpu.memory_space<vmem_shared>> -> memref<100000xf32, #tpu.memory_space<vmem_shared>>
      tpu.enqueue_indirect_dma source(%dma_start3A_1693 : memref<100000xf32, #tpu.memory_space<vmem_shared>>) target(%dma_start3A_1689 : memref<128xf32, #tpu.memory_space<vmem>>) offsets(%dma_start3A_1691 : memref<128xi32, #tpu.memory_space<vmem>>) semaphore(%arg17 : memref<!tpu.dma_semaphore, #tpu.memory_space<semaphore_mem>>)
      %dma_start3A_1694 = arith.constant 1536 : i32
      %dma_start3A_1695 = tpu.memref_slice %arg13[%dma_start3A_1694] : memref<3200xf32, #tpu.memory_space<vmem>> -> memref<128xf32, #tpu.memory_space<vmem>>
      %dma_start3A_1696 = arith.constant 1536 : i32
      %dma_start3A_1697 = tpu.memref_slice %arg9[%dma_start3A_1696] : memref<3200xi32, #tpu.memory_space<vmem>> -> memref<128xi32, #tpu.memory_space<vmem>>
      %dma_start3A_1698 = arith.constant 0 : i32
      %dma_start3A_1699 = tpu.memref_slice %arg7[%dma_start3A_1698] : memref<100000xf32, #tpu.memory_space<vmem_shared>> -> memref<100000xf32, #tpu.memory_space<vmem_shared>>
      tpu.enqueue_indirect_dma source(%dma_start3A_1699 : memref<100000xf32, #tpu.memory_space<vmem_shared>>) target(%dma_start3A_1695 : memref<128xf32, #tpu.memory_space<vmem>>) offsets(%dma_start3A_1697 : memref<128xi32, #tpu.memory_space<vmem>>) semaphore(%arg17 : memref<!tpu.dma_semaphore, #tpu.memory_space<semaphore_mem>>)
      %dma_start3A_1700 = arith.constant 1664 : i32
      %dma_start3A_1701 = tpu.memref_slice %arg13[%dma_start3A_1700] : memref<3200xf32, #tpu.memory_space<vmem>> -> memref<128xf32, #tpu.memory_space<vmem>>
      %dma_start3A_1702 = arith.constant 1664 : i32
      %dma_start3A_1703 = tpu.memref_slice %arg9[%dma_start3A_1702] : memref<3200xi32, #tpu.memory_space<vmem>> -> memref<128xi32, #tpu.memory_space<vmem>>
      %dma_start3A_1704 = arith.constant 0 : i32
      %dma_start3A_1705 = tpu.memref_slice %arg7[%dma_start3A_1704] : memref<100000xf32, #tpu.memory_space<vmem_shared>> -> memref<100000xf32, #tpu.memory_space<vmem_shared>>
      tpu.enqueue_indirect_dma source(%dma_start3A_1705 : memref<100000xf32, #tpu.memory_space<vmem_shared>>) target(%dma_start3A_1701 : memref<128xf32, #tpu.memory_space<vmem>>) offsets(%dma_start3A_1703 : memref<128xi32, #tpu.memory_space<vmem>>) semaphore(%arg17 : memref<!tpu.dma_semaphore, #tpu.memory_space<semaphore_mem>>)
      %dma_start3A_1706 = arith.constant 1792 : i32
      %dma_start3A_1707 = tpu.memref_slice %arg13[%dma_start3A_1706] : memref<3200xf32, #tpu.memory_space<vmem>> -> memref<128xf32, #tpu.memory_space<vmem>>
      %dma_start3A_1708 = arith.constant 1792 : i32
      %dma_start3A_1709 = tpu.memref_slice %arg9[%dma_start3A_1708] : memref<3200xi32, #tpu.memory_space<vmem>> -> memref<128xi32, #tpu.memory_space<vmem>>
      %dma_start3A_1710 = arith.constant 0 : i32
      %dma_start3A_1711 = tpu.memref_slice %arg7[%dma_start3A_1710] : memref<100000xf32, #tpu.memory_space<vmem_shared>> -> memref<100000xf32, #tpu.memory_space<vmem_shared>>
      tpu.enqueue_indirect_dma source(%dma_start3A_1711 : memref<100000xf32, #tpu.memory_space<vmem_shared>>) target(%dma_start3A_1707 : memref<128xf32, #tpu.memory_space<vmem>>) offsets(%dma_start3A_1709 : memref<128xi32, #tpu.memory_space<vmem>>) semaphore(%arg17 : memref<!tpu.dma_semaphore, #tpu.memory_space<semaphore_mem>>)
      %dma_start3A_1712 = arith.constant 1920 : i32
      %dma_start3A_1713 = tpu.memref_slice %arg13[%dma_start3A_1712] : memref<3200xf32, #tpu.memory_space<vmem>> -> memref<128xf32, #tpu.memory_space<vmem>>
      %dma_start3A_1714 = arith.constant 1920 : i32
      %dma_start3A_1715 = tpu.memref_slice %arg9[%dma_start3A_1714] : memref<3200xi32, #tpu.memory_space<vmem>> -> memref<128xi32, #tpu.memory_space<vmem>>
      %dma_start3A_1716 = arith.constant 0 : i32
      %dma_start3A_1717 = tpu.memref_slice %arg7[%dma_start3A_1716] : memref<100000xf32, #tpu.memory_space<vmem_shared>> -> memref<100000xf32, #tpu.memory_space<vmem_shared>>
      tpu.enqueue_indirect_dma source(%dma_start3A_1717 : memref<100000xf32, #tpu.memory_space<vmem_shared>>) target(%dma_start3A_1713 : memref<128xf32, #tpu.memory_space<vmem>>) offsets(%dma_start3A_1715 : memref<128xi32, #tpu.memory_space<vmem>>) semaphore(%arg17 : memref<!tpu.dma_semaphore, #tpu.memory_space<semaphore_mem>>)
      %dma_start3A_1718 = arith.constant 2048 : i32
      %dma_start3A_1719 = tpu.memref_slice %arg13[%dma_start3A_1718] : memref<3200xf32, #tpu.memory_space<vmem>> -> memref<128xf32, #tpu.memory_space<vmem>>
      %dma_start3A_1720 = arith.constant 2048 : i32
      %dma_start3A_1721 = tpu.memref_slice %arg9[%dma_start3A_1720] : memref<3200xi32, #tpu.memory_space<vmem>> -> memref<128xi32, #tpu.memory_space<vmem>>
      %dma_start3A_1722 = arith.constant 0 : i32
      %dma_start3A_1723 = tpu.memref_slice %arg7[%dma_start3A_1722] : memref<100000xf32, #tpu.memory_space<vmem_shared>> -> memref<100000xf32, #tpu.memory_space<vmem_shared>>
      tpu.enqueue_indirect_dma source(%dma_start3A_1723 : memref<100000xf32, #tpu.memory_space<vmem_shared>>) target(%dma_start3A_1719 : memref<128xf32, #tpu.memory_space<vmem>>) offsets(%dma_start3A_1721 : memref<128xi32, #tpu.memory_space<vmem>>) semaphore(%arg17 : memref<!tpu.dma_semaphore, #tpu.memory_space<semaphore_mem>>)
      %dma_start3A_1724 = arith.constant 2176 : i32
      %dma_start3A_1725 = tpu.memref_slice %arg13[%dma_start3A_1724] : memref<3200xf32, #tpu.memory_space<vmem>> -> memref<128xf32, #tpu.memory_space<vmem>>
      %dma_start3A_1726 = arith.constant 2176 : i32
      %dma_start3A_1727 = tpu.memref_slice %arg9[%dma_start3A_1726] : memref<3200xi32, #tpu.memory_space<vmem>> -> memref<128xi32, #tpu.memory_space<vmem>>
      %dma_start3A_1728 = arith.constant 0 : i32
      %dma_start3A_1729 = tpu.memref_slice %arg7[%dma_start3A_1728] : memref<100000xf32, #tpu.memory_space<vmem_shared>> -> memref<100000xf32, #tpu.memory_space<vmem_shared>>
      tpu.enqueue_indirect_dma source(%dma_start3A_1729 : memref<100000xf32, #tpu.memory_space<vmem_shared>>) target(%dma_start3A_1725 : memref<128xf32, #tpu.memory_space<vmem>>) offsets(%dma_start3A_1727 : memref<128xi32, #tpu.memory_space<vmem>>) semaphore(%arg17 : memref<!tpu.dma_semaphore, #tpu.memory_space<semaphore_mem>>)
      %dma_start3A_1730 = arith.constant 2304 : i32
      %dma_start3A_1731 = tpu.memref_slice %arg13[%dma_start3A_1730] : memref<3200xf32, #tpu.memory_space<vmem>> -> memref<128xf32, #tpu.memory_space<vmem>>
      %dma_start3A_1732 = arith.constant 2304 : i32
      %dma_start3A_1733 = tpu.memref_slice %arg9[%dma_start3A_1732] : memref<3200xi32, #tpu.memory_space<vmem>> -> memref<128xi32, #tpu.memory_space<vmem>>
      %dma_start3A_1734 = arith.constant 0 : i32
      %dma_start3A_1735 = tpu.memref_slice %arg7[%dma_start3A_1734] : memref<100000xf32, #tpu.memory_space<vmem_shared>> -> memref<100000xf32, #tpu.memory_space<vmem_shared>>
      tpu.enqueue_indirect_dma source(%dma_start3A_1735 : memref<100000xf32, #tpu.memory_space<vmem_shared>>) target(%dma_start3A_1731 : memref<128xf32, #tpu.memory_space<vmem>>) offsets(%dma_start3A_1733 : memref<128xi32, #tpu.memory_space<vmem>>) semaphore(%arg17 : memref<!tpu.dma_semaphore, #tpu.memory_space<semaphore_mem>>)
      %dma_start3A_1736 = arith.constant 2432 : i32
      %dma_start3A_1737 = tpu.memref_slice %arg13[%dma_start3A_1736] : memref<3200xf32, #tpu.memory_space<vmem>> -> memref<128xf32, #tpu.memory_space<vmem>>
      %dma_start3A_1738 = arith.constant 2432 : i32
      %dma_start3A_1739 = tpu.memref_slice %arg9[%dma_start3A_1738] : memref<3200xi32, #tpu.memory_space<vmem>> -> memref<128xi32, #tpu.memory_space<vmem>>
      %dma_start3A_1740 = arith.constant 0 : i32
      %dma_start3A_1741 = tpu.memref_slice %arg7[%dma_start3A_1740] : memref<100000xf32, #tpu.memory_space<vmem_shared>> -> memref<100000xf32, #tpu.memory_space<vmem_shared>>
      tpu.enqueue_indirect_dma source(%dma_start3A_1741 : memref<100000xf32, #tpu.memory_space<vmem_shared>>) target(%dma_start3A_1737 : memref<128xf32, #tpu.memory_space<vmem>>) offsets(%dma_start3A_1739 : memref<128xi32, #tpu.memory_space<vmem>>) semaphore(%arg17 : memref<!tpu.dma_semaphore, #tpu.memory_space<semaphore_mem>>)
      %dma_start3A_1742 = arith.constant 2560 : i32
      %dma_start3A_1743 = tpu.memref_slice %arg13[%dma_start3A_1742] : memref<3200xf32, #tpu.memory_space<vmem>> -> memref<128xf32, #tpu.memory_space<vmem>>
      %dma_start3A_1744 = arith.constant 2560 : i32
      %dma_start3A_1745 = tpu.memref_slice %arg9[%dma_start3A_1744] : memref<3200xi32, #tpu.memory_space<vmem>> -> memref<128xi32, #tpu.memory_space<vmem>>
      %dma_start3A_1746 = arith.constant 0 : i32
      %dma_start3A_1747 = tpu.memref_slice %arg7[%dma_start3A_1746] : memref<100000xf32, #tpu.memory_space<vmem_shared>> -> memref<100000xf32, #tpu.memory_space<vmem_shared>>
      tpu.enqueue_indirect_dma source(%dma_start3A_1747 : memref<100000xf32, #tpu.memory_space<vmem_shared>>) target(%dma_start3A_1743 : memref<128xf32, #tpu.memory_space<vmem>>) offsets(%dma_start3A_1745 : memref<128xi32, #tpu.memory_space<vmem>>) semaphore(%arg17 : memref<!tpu.dma_semaphore, #tpu.memory_space<semaphore_mem>>)
      %dma_start3A_1748 = arith.constant 2688 : i32
      %dma_start3A_1749 = tpu.memref_slice %arg13[%dma_start3A_1748] : memref<3200xf32, #tpu.memory_space<vmem>> -> memref<128xf32, #tpu.memory_space<vmem>>
      %dma_start3A_1750 = arith.constant 2688 : i32
      %dma_start3A_1751 = tpu.memref_slice %arg9[%dma_start3A_1750] : memref<3200xi32, #tpu.memory_space<vmem>> -> memref<128xi32, #tpu.memory_space<vmem>>
      %dma_start3A_1752 = arith.constant 0 : i32
      %dma_start3A_1753 = tpu.memref_slice %arg7[%dma_start3A_1752] : memref<100000xf32, #tpu.memory_space<vmem_shared>> -> memref<100000xf32, #tpu.memory_space<vmem_shared>>
      tpu.enqueue_indirect_dma source(%dma_start3A_1753 : memref<100000xf32, #tpu.memory_space<vmem_shared>>) target(%dma_start3A_1749 : memref<128xf32, #tpu.memory_space<vmem>>) offsets(%dma_start3A_1751 : memref<128xi32, #tpu.memory_space<vmem>>) semaphore(%arg17 : memref<!tpu.dma_semaphore, #tpu.memory_space<semaphore_mem>>)
      %dma_start3A_1754 = arith.constant 2816 : i32
      %dma_start3A_1755 = tpu.memref_slice %arg13[%dma_start3A_1754] : memref<3200xf32, #tpu.memory_space<vmem>> -> memref<128xf32, #tpu.memory_space<vmem>>
      %dma_start3A_1756 = arith.constant 2816 : i32
      %dma_start3A_1757 = tpu.memref_slice %arg9[%dma_start3A_1756] : memref<3200xi32, #tpu.memory_space<vmem>> -> memref<128xi32, #tpu.memory_space<vmem>>
      %dma_start3A_1758 = arith.constant 0 : i32
      %dma_start3A_1759 = tpu.memref_slice %arg7[%dma_start3A_1758] : memref<100000xf32, #tpu.memory_space<vmem_shared>> -> memref<100000xf32, #tpu.memory_space<vmem_shared>>
      tpu.enqueue_indirect_dma source(%dma_start3A_1759 : memref<100000xf32, #tpu.memory_space<vmem_shared>>) target(%dma_start3A_1755 : memref<128xf32, #tpu.memory_space<vmem>>) offsets(%dma_start3A_1757 : memref<128xi32, #tpu.memory_space<vmem>>) semaphore(%arg17 : memref<!tpu.dma_semaphore, #tpu.memory_space<semaphore_mem>>)
      %dma_start3A_1760 = arith.constant 2944 : i32
      %dma_start3A_1761 = tpu.memref_slice %arg13[%dma_start3A_1760] : memref<3200xf32, #tpu.memory_space<vmem>> -> memref<128xf32, #tpu.memory_space<vmem>>
      %dma_start3A_1762 = arith.constant 2944 : i32
      %dma_start3A_1763 = tpu.memref_slice %arg9[%dma_start3A_1762] : memref<3200xi32, #tpu.memory_space<vmem>> -> memref<128xi32, #tpu.memory_space<vmem>>
      %dma_start3A_1764 = arith.constant 0 : i32
      %dma_start3A_1765 = tpu.memref_slice %arg7[%dma_start3A_1764] : memref<100000xf32, #tpu.memory_space<vmem_shared>> -> memref<100000xf32, #tpu.memory_space<vmem_shared>>
      tpu.enqueue_indirect_dma source(%dma_start3A_1765 : memref<100000xf32, #tpu.memory_space<vmem_shared>>) target(%dma_start3A_1761 : memref<128xf32, #tpu.memory_space<vmem>>) offsets(%dma_start3A_1763 : memref<128xi32, #tpu.memory_space<vmem>>) semaphore(%arg17 : memref<!tpu.dma_semaphore, #tpu.memory_space<semaphore_mem>>)
      %dma_start3A_1766 = arith.constant 3072 : i32
      %dma_start3A_1767 = tpu.memref_slice %arg13[%dma_start3A_1766] : memref<3200xf32, #tpu.memory_space<vmem>> -> memref<128xf32, #tpu.memory_space<vmem>>
      %dma_start3A_1768 = arith.constant 3072 : i32
      %dma_start3A_1769 = tpu.memref_slice %arg9[%dma_start3A_1768] : memref<3200xi32, #tpu.memory_space<vmem>> -> memref<128xi32, #tpu.memory_space<vmem>>
      %dma_start3A_1770 = arith.constant 0 : i32
      %dma_start3A_1771 = tpu.memref_slice %arg7[%dma_start3A_1770] : memref<100000xf32, #tpu.memory_space<vmem_shared>> -> memref<100000xf32, #tpu.memory_space<vmem_shared>>
      tpu.enqueue_indirect_dma source(%dma_start3A_1771 : memref<100000xf32, #tpu.memory_space<vmem_shared>>) target(%dma_start3A_1767 : memref<128xf32, #tpu.memory_space<vmem>>) offsets(%dma_start3A_1769 : memref<128xi32, #tpu.memory_space<vmem>>) semaphore(%arg17 : memref<!tpu.dma_semaphore, #tpu.memory_space<semaphore_mem>>)
      %broadcast_in_dim3A_1772 = arith.constant 0 : i32
      %broadcast_in_dim3A_1773 = vector.broadcast %broadcast_in_dim3A_1772 : i32 to vector<16xi32>
      %scan3A_1774 = arith.constant 0 : i32
      %scan3A_1775 = arith.constant 50 : i32
      %scan3A_1776 = arith.addi %scan3A_1774, %scan3A_1775 : i32
      %scan3A_1777 = arith.constant 1 : i32
      %scan3A_1778 = scf.for %scan3A_1804 = %scan3A_1774 to %scan3A_1776 step %scan3A_1777 iter_args(%scan3A_1805 = %broadcast_in_dim3A_1773) -> (vector<16xi32>)  : i32 {
        %mul3A_1806 = arith.constant 64 : i32
        %mul3A_1807 = arith.muli %scan3A_1804, %mul3A_1806 : i32
        %add3A_1808 = arith.constant 0 : i32
        %add3A_1809 = arith.addi %mul3A_1807, %add3A_1808 : i32
        %get3A = arith.index_cast %add3A_1809 : i32 to index
        %get3A_1810 = tpu.vector_load %arg10[%get3A] {strides = array<i32>} : memref<3200xi32, #tpu.memory_space<vmem>>, vector<16xi32>,
        %get3A_1811 = arith.index_cast %add3A_1809 : i32 to index
        %get3A_1812 = tpu.vector_load %arg12[%get3A_1811] {strides = array<i32>} : memref<3200xi32, #tpu.memory_space<vmem>>, vector<16xi32>,
        %get3A_1813 = arith.index_cast %add3A_1809 : i32 to index
        %get3A_1814 = tpu.vector_load %arg14[%get3A_1813] {strides = array<i32>} : memref<3200xf32, #tpu.memory_space<vmem>>, vector<16xf32>,
        %ne3A = arith.cmpi ne, %get3A_1810, %get3A_1812 : vector<16xi32>
        %gather3A = tpu.vector_load_idx %arg8[%get3A_1812] : memref<100096xf32, #tpu.memory_space<vmem>>[vector<16xi32>], vector<16xf32>,
        %gt3A = arith.cmpf ogt, %get3A_1814, %gather3A : vector<16xf32>
        %and3A = arith.andi %ne3A, %gt3A : vector<16xi1>
        %add3A_1815 = arith.constant 16 : i32
        %add3A_1816 = arith.addi %mul3A_1807, %add3A_1815 : i32
        %get3A_1817 = arith.index_cast %add3A_1816 : i32 to index
        %get3A_1818 = tpu.vector_load %arg10[%get3A_1817] {strides = array<i32>} : memref<3200xi32, #tpu.memory_space<vmem>>, vector<16xi32>,
        %get3A_1819 = arith.index_cast %add3A_1816 : i32 to index
        %get3A_1820 = tpu.vector_load %arg12[%get3A_1819] {strides = array<i32>} : memref<3200xi32, #tpu.memory_space<vmem>>, vector<16xi32>,
        %get3A_1821 = arith.index_cast %add3A_1816 : i32 to index
        %get3A_1822 = tpu.vector_load %arg14[%get3A_1821] {strides = array<i32>} : memref<3200xf32, #tpu.memory_space<vmem>>, vector<16xf32>,
        %ne3A_1823 = arith.cmpi ne, %get3A_1818, %get3A_1820 : vector<16xi32>
        %gather3A_1824 = tpu.vector_load_idx %arg8[%get3A_1820] : memref<100096xf32, #tpu.memory_space<vmem>>[vector<16xi32>], vector<16xf32>,
        %gt3A_1825 = arith.cmpf ogt, %get3A_1822, %gather3A_1824 : vector<16xf32>
        %and3A_1826 = arith.andi %ne3A_1823, %gt3A_1825 : vector<16xi1>
        %add3A_1827 = arith.constant 32 : i32
        %add3A_1828 = arith.addi %mul3A_1807, %add3A_1827 : i32
        %get3A_1829 = arith.index_cast %add3A_1828 : i32 to index
        %get3A_1830 = tpu.vector_load %arg10[%get3A_1829] {strides = array<i32>} : memref<3200xi32, #tpu.memory_space<vmem>>, vector<16xi32>,
        %get3A_1831 = arith.index_cast %add3A_1828 : i32 to index
        %get3A_1832 = tpu.vector_load %arg12[%get3A_1831] {strides = array<i32>} : memref<3200xi32, #tpu.memory_space<vmem>>, vector<16xi32>,
        %get3A_1833 = arith.index_cast %add3A_1828 : i32 to index
        %get3A_1834 = tpu.vector_load %arg14[%get3A_1833] {strides = array<i32>} : memref<3200xf32, #tpu.memory_space<vmem>>, vector<16xf32>,
        %ne3A_1835 = arith.cmpi ne, %get3A_1830, %get3A_1832 : vector<16xi32>
        %gather3A_1836 = tpu.vector_load_idx %arg8[%get3A_1832] : memref<100096xf32, #tpu.memory_space<vmem>>[vector<16xi32>], vector<16xf32>,
        %gt3A_1837 = arith.cmpf ogt, %get3A_1834, %gather3A_1836 : vector<16xf32>
        %and3A_1838 = arith.andi %ne3A_1835, %gt3A_1837 : vector<16xi1>
        %add3A_1839 = arith.constant 48 : i32
        %add3A_1840 = arith.addi %mul3A_1807, %add3A_1839 : i32
        %get3A_1841 = arith.index_cast %add3A_1840 : i32 to index
        %get3A_1842 = tpu.vector_load %arg10[%get3A_1841] {strides = array<i32>} : memref<3200xi32, #tpu.memory_space<vmem>>, vector<16xi32>,
        %get3A_1843 = arith.index_cast %add3A_1840 : i32 to index
        %get3A_1844 = tpu.vector_load %arg12[%get3A_1843] {strides = array<i32>} : memref<3200xi32, #tpu.memory_space<vmem>>, vector<16xi32>,
        %get3A_1845 = arith.index_cast %add3A_1840 : i32 to index
        %get3A_1846 = tpu.vector_load %arg14[%get3A_1845] {strides = array<i32>} : memref<3200xf32, #tpu.memory_space<vmem>>, vector<16xf32>,
        %ne3A_1847 = arith.cmpi ne, %get3A_1842, %get3A_1844 : vector<16xi32>
        %gather3A_1848 = tpu.vector_load_idx %arg8[%get3A_1844] : memref<100096xf32, #tpu.memory_space<vmem>>[vector<16xi32>], vector<16xf32>,
        %gt3A_1849 = arith.cmpf ogt, %get3A_1846, %gather3A_1848 : vector<16xf32>
        %and3A_1850 = arith.andi %ne3A_1847, %gt3A_1849 : vector<16xi1>
        tpu.vector_store_idx %arg8[%get3A_1812], %get3A_1814 masked %and3A : memref<100096xf32, #tpu.memory_space<vmem>>[vector<16xi32>], vector<16xf32>, vector<16xi1>
        tpu.vector_store_idx %arg8[%get3A_1820], %get3A_1822 masked %and3A_1826 : memref<100096xf32, #tpu.memory_space<vmem>>[vector<16xi32>], vector<16xf32>, vector<16xi1>
        tpu.vector_store_idx %arg8[%get3A_1832], %get3A_1834 masked %and3A_1838 : memref<100096xf32, #tpu.memory_space<vmem>>[vector<16xi32>], vector<16xf32>, vector<16xi1>
        tpu.vector_store_idx %arg8[%get3A_1844], %get3A_1846 masked %and3A_1850 : memref<100096xf32, #tpu.memory_space<vmem>>[vector<16xi32>], vector<16xf32>, vector<16xi1>
        %gather3A_1851 = tpu.vector_load_idx %arg8[%get3A_1812] : memref<100096xf32, #tpu.memory_space<vmem>>[vector<16xi32>], vector<16xf32>,
        %gt3A_1852 = arith.cmpf ogt, %get3A_1814, %gather3A_1851 : vector<16xf32>
        %and3A_1853 = arith.andi %ne3A, %gt3A_1852 : vector<16xi1>
        %jit3A = arith.constant 1 : i32
        %jit3A_1854 = arith.constant 0 : i32
        %broadcast_in_dim3A_1855 = vector.broadcast %jit3A : i32 to vector<16xi32>
        %broadcast_in_dim3A_1856 = vector.broadcast %jit3A_1854 : i32 to vector<16xi32>
        %select_n3A = arith.select %and3A_1853, %broadcast_in_dim3A_1855, %broadcast_in_dim3A_1856 : vector<16xi1>, vector<16xi32>
        %add3A_1857 = arith.addi %scan3A_1805, %select_n3A : vector<16xi32>
        %gather3A_1858 = tpu.vector_load_idx %arg8[%get3A_1820] : memref<100096xf32, #tpu.memory_space<vmem>>[vector<16xi32>], vector<16xf32>,
        %gt3A_1859 = arith.cmpf ogt, %get3A_1822, %gather3A_1858 : vector<16xf32>
        %and3A_1860 = arith.andi %ne3A_1823, %gt3A_1859 : vector<16xi1>
        %jit3A_1861 = arith.constant 1 : i32
        %jit3A_1862 = arith.constant 0 : i32
        %broadcast_in_dim3A_1863 = vector.broadcast %jit3A_1861 : i32 to vector<16xi32>
        %broadcast_in_dim3A_1864 = vector.broadcast %jit3A_1862 : i32 to vector<16xi32>
        %select_n3A_1865 = arith.select %and3A_1860, %broadcast_in_dim3A_1863, %broadcast_in_dim3A_1864 : vector<16xi1>, vector<16xi32>
        %add3A_1866 = arith.addi %add3A_1857, %select_n3A_1865 : vector<16xi32>
        %gather3A_1867 = tpu.vector_load_idx %arg8[%get3A_1832] : memref<100096xf32, #tpu.memory_space<vmem>>[vector<16xi32>], vector<16xf32>,
        %gt3A_1868 = arith.cmpf ogt, %get3A_1834, %gather3A_1867 : vector<16xf32>
        %and3A_1869 = arith.andi %ne3A_1835, %gt3A_1868 : vector<16xi1>
        %jit3A_1870 = arith.constant 1 : i32
        %jit3A_1871 = arith.constant 0 : i32
        %broadcast_in_dim3A_1872 = vector.broadcast %jit3A_1870 : i32 to vector<16xi32>
        %broadcast_in_dim3A_1873 = vector.broadcast %jit3A_1871 : i32 to vector<16xi32>
        %select_n3A_1874 = arith.select %and3A_1869, %broadcast_in_dim3A_1872, %broadcast_in_dim3A_1873 : vector<16xi1>, vector<16xi32>
        %add3A_1875 = arith.addi %add3A_1866, %select_n3A_1874 : vector<16xi32>
        %gather3A_1876 = tpu.vector_load_idx %arg8[%get3A_1844] : memref<100096xf32, #tpu.memory_space<vmem>>[vector<16xi32>], vector<16xf32>,
        %gt3A_1877 = arith.cmpf ogt, %get3A_1846, %gather3A_1876 : vector<16xf32>
        %and3A_1878 = arith.andi %ne3A_1847, %gt3A_1877 : vector<16xi1>
        %jit3A_1879 = arith.constant 1 : i32
        %jit3A_1880 = arith.constant 0 : i32
        %broadcast_in_dim3A_1881 = vector.broadcast %jit3A_1879 : i32 to vector<16xi32>
        %broadcast_in_dim3A_1882 = vector.broadcast %jit3A_1880 : i32 to vector<16xi32>
        %select_n3A_1883 = arith.select %and3A_1878, %broadcast_in_dim3A_1881, %broadcast_in_dim3A_1882 : vector<16xi1>, vector<16xi32>
        %add3A_1884 = arith.addi %add3A_1875, %select_n3A_1883 : vector<16xi32>
        scf.yield %add3A_1884 : vector<16xi32>
      }
      %scan3A_1779 = arith.constant 50 : i32
      %reduce_max3A_1780 = arith.constant true
      %reduce_max3A_1781 = vector.broadcast %reduce_max3A_1780 : i1 to vector<16xi1>
      %reduce_max3A_1782 = arith.constant -2147483648 : i32
      %reduce_max3A_1783 = vector.broadcast %reduce_max3A_1782 : i32 to vector<16xi32>
      %reduce_max3A_1784 = arith.xori %scan3A_1778, %reduce_max3A_1783 : vector<16xi32>
      %reduce_max3A_1785 = tpu.scan <max>, %reduce_max3A_1784 masked %reduce_max3A_1781 : vector<16xi32>, vector<16xi1> -> vector<16xi32>
      %reduce_max3A_1786 = arith.xori %reduce_max3A_1785, %reduce_max3A_1783 : vector<16xi32>
      %reduce_max3A_1787 = vector.extract %reduce_max3A_1786[15] : i32 from vector<16xi32>
      %while3A_1788 = scf.while (%while3A_1804 = %reduce_max3A_1787) : (i32) -> i32 {
        %gt3A = arith.constant 0 : i32
        %gt3A_1805 = arith.cmpi sgt, %while3A_1804, %gt3A : i32
        scf.condition(%gt3A_1805) %while3A_1804 : i32
      } do {
      ^bb0(%while3A_1804: i32):
        %broadcast_in_dim3A_1805 = arith.constant 0 : i32
        %broadcast_in_dim3A_1806 = vector.broadcast %broadcast_in_dim3A_1805 : i32 to vector<16xi32>
        %scan3A_1807 = arith.constant 0 : i32
        %scan3A_1808 = arith.constant 50 : i32
        %scan3A_1809 = arith.addi %scan3A_1807, %scan3A_1808 : i32
        %scan3A_1810 = arith.constant 1 : i32
        %scan3A_1811 = scf.for %scan3A_1821 = %scan3A_1807 to %scan3A_1809 step %scan3A_1810 iter_args(%scan3A_1822 = %broadcast_in_dim3A_1806) -> (vector<16xi32>)  : i32 {
          %mul3A_1823 = arith.constant 64 : i32
          %mul3A_1824 = arith.muli %scan3A_1821, %mul3A_1823 : i32
          %add3A_1825 = arith.constant 0 : i32
          %add3A_1826 = arith.addi %mul3A_1824, %add3A_1825 : i32
          %get3A = arith.index_cast %add3A_1826 : i32 to index
          %get3A_1827 = tpu.vector_load %arg10[%get3A] {strides = array<i32>} : memref<3200xi32, #tpu.memory_space<vmem>>, vector<16xi32>,
          %get3A_1828 = arith.index_cast %add3A_1826 : i32 to index
          %get3A_1829 = tpu.vector_load %arg12[%get3A_1828] {strides = array<i32>} : memref<3200xi32, #tpu.memory_space<vmem>>, vector<16xi32>,
          %get3A_1830 = arith.index_cast %add3A_1826 : i32 to index
          %get3A_1831 = tpu.vector_load %arg14[%get3A_1830] {strides = array<i32>} : memref<3200xf32, #tpu.memory_space<vmem>>, vector<16xf32>,
          %ne3A = arith.cmpi ne, %get3A_1827, %get3A_1829 : vector<16xi32>
          %gather3A = tpu.vector_load_idx %arg8[%get3A_1829] : memref<100096xf32, #tpu.memory_space<vmem>>[vector<16xi32>], vector<16xf32>,
          %gt3A = arith.cmpf ogt, %get3A_1831, %gather3A : vector<16xf32>
          %and3A = arith.andi %ne3A, %gt3A : vector<16xi1>
          %add3A_1832 = arith.constant 16 : i32
          %add3A_1833 = arith.addi %mul3A_1824, %add3A_1832 : i32
          %get3A_1834 = arith.index_cast %add3A_1833 : i32 to index
          %get3A_1835 = tpu.vector_load %arg10[%get3A_1834] {strides = array<i32>} : memref<3200xi32, #tpu.memory_space<vmem>>, vector<16xi32>,
          %get3A_1836 = arith.index_cast %add3A_1833 : i32 to index
          %get3A_1837 = tpu.vector_load %arg12[%get3A_1836] {strides = array<i32>} : memref<3200xi32, #tpu.memory_space<vmem>>, vector<16xi32>,
          %get3A_1838 = arith.index_cast %add3A_1833 : i32 to index
          %get3A_1839 = tpu.vector_load %arg14[%get3A_1838] {strides = array<i32>} : memref<3200xf32, #tpu.memory_space<vmem>>, vector<16xf32>,
          %ne3A_1840 = arith.cmpi ne, %get3A_1835, %get3A_1837 : vector<16xi32>
          %gather3A_1841 = tpu.vector_load_idx %arg8[%get3A_1837] : memref<100096xf32, #tpu.memory_space<vmem>>[vector<16xi32>], vector<16xf32>,
          %gt3A_1842 = arith.cmpf ogt, %get3A_1839, %gather3A_1841 : vector<16xf32>
          %and3A_1843 = arith.andi %ne3A_1840, %gt3A_1842 : vector<16xi1>
          %add3A_1844 = arith.constant 32 : i32
          %add3A_1845 = arith.addi %mul3A_1824, %add3A_1844 : i32
          %get3A_1846 = arith.index_cast %add3A_1845 : i32 to index
          %get3A_1847 = tpu.vector_load %arg10[%get3A_1846] {strides = array<i32>} : memref<3200xi32, #tpu.memory_space<vmem>>, vector<16xi32>,
          %get3A_1848 = arith.index_cast %add3A_1845 : i32 to index
          %get3A_1849 = tpu.vector_load %arg12[%get3A_1848] {strides = array<i32>} : memref<3200xi32, #tpu.memory_space<vmem>>, vector<16xi32>,
          %get3A_1850 = arith.index_cast %add3A_1845 : i32 to index
          %get3A_1851 = tpu.vector_load %arg14[%get3A_1850] {strides = array<i32>} : memref<3200xf32, #tpu.memory_space<vmem>>, vector<16xf32>,
          %ne3A_1852 = arith.cmpi ne, %get3A_1847, %get3A_1849 : vector<16xi32>
          %gather3A_1853 = tpu.vector_load_idx %arg8[%get3A_1849] : memref<100096xf32, #tpu.memory_space<vmem>>[vector<16xi32>], vector<16xf32>,
          %gt3A_1854 = arith.cmpf ogt, %get3A_1851, %gather3A_1853 : vector<16xf32>
          %and3A_1855 = arith.andi %ne3A_1852, %gt3A_1854 : vector<16xi1>
          %add3A_1856 = arith.constant 48 : i32
          %add3A_1857 = arith.addi %mul3A_1824, %add3A_1856 : i32
          %get3A_1858 = arith.index_cast %add3A_1857 : i32 to index
          %get3A_1859 = tpu.vector_load %arg10[%get3A_1858] {strides = array<i32>} : memref<3200xi32, #tpu.memory_space<vmem>>, vector<16xi32>,
          %get3A_1860 = arith.index_cast %add3A_1857 : i32 to index
          %get3A_1861 = tpu.vector_load %arg12[%get3A_1860] {strides = array<i32>} : memref<3200xi32, #tpu.memory_space<vmem>>, vector<16xi32>,
          %get3A_1862 = arith.index_cast %add3A_1857 : i32 to index
          %get3A_1863 = tpu.vector_load %arg14[%get3A_1862] {strides = array<i32>} : memref<3200xf32, #tpu.memory_space<vmem>>, vector<16xf32>,
          %ne3A_1864 = arith.cmpi ne, %get3A_1859, %get3A_1861 : vector<16xi32>
          %gather3A_1865 = tpu.vector_load_idx %arg8[%get3A_1861] : memref<100096xf32, #tpu.memory_space<vmem>>[vector<16xi32>], vector<16xf32>,
          %gt3A_1866 = arith.cmpf ogt, %get3A_1863, %gather3A_1865 : vector<16xf32>
          %and3A_1867 = arith.andi %ne3A_1864, %gt3A_1866 : vector<16xi1>
          tpu.vector_store_idx %arg8[%get3A_1829], %get3A_1831 masked %and3A : memref<100096xf32, #tpu.memory_space<vmem>>[vector<16xi32>], vector<16xf32>, vector<16xi1>
          tpu.vector_store_idx %arg8[%get3A_1837], %get3A_1839 masked %and3A_1843 : memref<100096xf32, #tpu.memory_space<vmem>>[vector<16xi32>], vector<16xf32>, vector<16xi1>
          tpu.vector_store_idx %arg8[%get3A_1849], %get3A_1851 masked %and3A_1855 : memref<100096xf32, #tpu.memory_space<vmem>>[vector<16xi32>], vector<16xf32>, vector<16xi1>
          tpu.vector_store_idx %arg8[%get3A_1861], %get3A_1863 masked %and3A_1867 : memref<100096xf32, #tpu.memory_space<vmem>>[vector<16xi32>], vector<16xf32>, vector<16xi1>
          %gather3A_1868 = tpu.vector_load_idx %arg8[%get3A_1829] : memref<100096xf32, #tpu.memory_space<vmem>>[vector<16xi32>], vector<16xf32>,
          %gt3A_1869 = arith.cmpf ogt, %get3A_1831, %gather3A_1868 : vector<16xf32>
          %and3A_1870 = arith.andi %ne3A, %gt3A_1869 : vector<16xi1>
          %jit3A = arith.constant 1 : i32
          %jit3A_1871 = arith.constant 0 : i32
          %broadcast_in_dim3A_1872 = vector.broadcast %jit3A : i32 to vector<16xi32>
          %broadcast_in_dim3A_1873 = vector.broadcast %jit3A_1871 : i32 to vector<16xi32>
          %select_n3A = arith.select %and3A_1870, %broadcast_in_dim3A_1872, %broadcast_in_dim3A_1873 : vector<16xi1>, vector<16xi32>
          %add3A_1874 = arith.addi %scan3A_1822, %select_n3A : vector<16xi32>
          %gather3A_1875 = tpu.vector_load_idx %arg8[%get3A_1837] : memref<100096xf32, #tpu.memory_space<vmem>>[vector<16xi32>], vector<16xf32>,
          %gt3A_1876 = arith.cmpf ogt, %get3A_1839, %gather3A_1875 : vector<16xf32>
          %and3A_1877 = arith.andi %ne3A_1840, %gt3A_1876 : vector<16xi1>
          %jit3A_1878 = arith.constant 1 : i32
          %jit3A_1879 = arith.constant 0 : i32
          %broadcast_in_dim3A_1880 = vector.broadcast %jit3A_1878 : i32 to vector<16xi32>
          %broadcast_in_dim3A_1881 = vector.broadcast %jit3A_1879 : i32 to vector<16xi32>
          %select_n3A_1882 = arith.select %and3A_1877, %broadcast_in_dim3A_1880, %broadcast_in_dim3A_1881 : vector<16xi1>, vector<16xi32>
          %add3A_1883 = arith.addi %add3A_1874, %select_n3A_1882 : vector<16xi32>
          %gather3A_1884 = tpu.vector_load_idx %arg8[%get3A_1849] : memref<100096xf32, #tpu.memory_space<vmem>>[vector<16xi32>], vector<16xf32>,
          %gt3A_1885 = arith.cmpf ogt, %get3A_1851, %gather3A_1884 : vector<16xf32>
          %and3A_1886 = arith.andi %ne3A_1852, %gt3A_1885 : vector<16xi1>
          %jit3A_1887 = arith.constant 1 : i32
          %jit3A_1888 = arith.constant 0 : i32
          %broadcast_in_dim3A_1889 = vector.broadcast %jit3A_1887 : i32 to vector<16xi32>
          %broadcast_in_dim3A_1890 = vector.broadcast %jit3A_1888 : i32 to vector<16xi32>
          %select_n3A_1891 = arith.select %and3A_1886, %broadcast_in_dim3A_1889, %broadcast_in_dim3A_1890 : vector<16xi1>, vector<16xi32>
          %add3A_1892 = arith.addi %add3A_1883, %select_n3A_1891 : vector<16xi32>
          %gather3A_1893 = tpu.vector_load_idx %arg8[%get3A_1861] : memref<100096xf32, #tpu.memory_space<vmem>>[vector<16xi32>], vector<16xf32>,
          %gt3A_1894 = arith.cmpf ogt, %get3A_1863, %gather3A_1893 : vector<16xf32>
          %and3A_1895 = arith.andi %ne3A_1864, %gt3A_1894 : vector<16xi1>
          %jit3A_1896 = arith.constant 1 : i32
          %jit3A_1897 = arith.constant 0 : i32
          %broadcast_in_dim3A_1898 = vector.broadcast %jit3A_1896 : i32 to vector<16xi32>
          %broadcast_in_dim3A_1899 = vector.broadcast %jit3A_1897 : i32 to vector<16xi32>
          %select_n3A_1900 = arith.select %and3A_1895, %broadcast_in_dim3A_1898, %broadcast_in_dim3A_1899 : vector<16xi1>, vector<16xi32>
          %add3A_1901 = arith.addi %add3A_1892, %select_n3A_1900 : vector<16xi32>
          scf.yield %add3A_1901 : vector<16xi32>
        }
        %scan3A_1812 = arith.constant 50 : i32
        %reduce_max3A_1813 = arith.constant true
        %reduce_max3A_1814 = vector.broadcast %reduce_max3A_1813 : i1 to vector<16xi1>
        %reduce_max3A_1815 = arith.constant -2147483648 : i32
        %reduce_max3A_1816 = vector.broadcast %reduce_max3A_1815 : i32 to vector<16xi32>
        %reduce_max3A_1817 = arith.xori %scan3A_1811, %reduce_max3A_1816 : vector<16xi32>
        %reduce_max3A_1818 = tpu.scan <max>, %reduce_max3A_1817 masked %reduce_max3A_1814 : vector<16xi32>, vector<16xi1> -> vector<16xi32>
        %reduce_max3A_1819 = arith.xori %reduce_max3A_1818, %reduce_max3A_1816 : vector<16xi32>
        %reduce_max3A_1820 = vector.extract %reduce_max3A_1819[15] : i32 from vector<16xi32>
        scf.yield %reduce_max3A_1820 : i32
      }
      %add3A_1789 = arith.constant 2 : i32
      %add3A_1790 = arith.addi %add3A_1609, %add3A_1789 : i32
      %min3A_1791 = arith.constant 124 : i32
      %min3A_1792 = arith.minsi %add3A_1790, %min3A_1791 : i32
      %mul3A_1793 = arith.constant 3200 : i32
      %mul3A_1794 = arith.muli %min3A_1792, %mul3A_1793 : i32
      %add3A_1795 = arith.addi %mul3A_1, %mul3A_1794 : i32
      %convert_element_type3A_1796 = arith.extui %eq3A_0 : i1 to i32
      %cond3A_1797 = arith.constant 0 : i32
      %cond3A_1798 = arith.cmpi ne, %convert_element_type3A_1796, %cond3A_1797 : i32
      scf.if %cond3A_1798 {
        %dma_start3A_1804 = tpu.memref_slice %arg3[%add3A_1795] : memref<12800000xi32, #tpu.memory_space<hbm>> -> memref<3200xi32, #tpu.memory_space<hbm>>
        %dma_start3A_1805 = tpu.memref_slice %arg3[%add3A_1795] : memref<12800000xi32, #tpu.memory_space<hbm>> -> memref<3200xi32, #tpu.memory_space<hbm>>
        tpu.enqueue_dma source(%dma_start3A_1805 : memref<3200xi32, #tpu.memory_space<hbm>>) target(%arg10 : memref<3200xi32, #tpu.memory_space<vmem>>) target_semaphore(%arg16 : memref<!tpu.dma_semaphore, #tpu.memory_space<semaphore_mem>>)
        %add3A_1806 = arith.constant 6400000 : i32
        %add3A_1807 = arith.addi %add3A_1806, %add3A_1795 : i32
        %dma_start3A_1808 = tpu.memref_slice %arg3[%add3A_1807] : memref<12800000xi32, #tpu.memory_space<hbm>> -> memref<3200xi32, #tpu.memory_space<hbm>>
        %dma_start3A_1809 = tpu.memref_slice %arg3[%add3A_1807] : memref<12800000xi32, #tpu.memory_space<hbm>> -> memref<3200xi32, #tpu.memory_space<hbm>>
        tpu.enqueue_dma source(%dma_start3A_1809 : memref<3200xi32, #tpu.memory_space<hbm>>) target(%arg12 : memref<3200xi32, #tpu.memory_space<vmem>>) target_semaphore(%arg16 : memref<!tpu.dma_semaphore, #tpu.memory_space<semaphore_mem>>)
      } else {
      }
      %not3A_1799 = arith.constant true
      %not3A_1800 = arith.xori %eq3A_0, %not3A_1799 : i1
      %convert_element_type3A_1801 = arith.extui %not3A_1800 : i1 to i32
      %cond3A_1802 = arith.constant 0 : i32
      %cond3A_1803 = arith.cmpi ne, %convert_element_type3A_1801, %cond3A_1802 : i32
      scf.if %cond3A_1803 {
        %add3A_1804 = arith.constant 6400000 : i32
        %add3A_1805 = arith.addi %add3A_1804, %add3A_1795 : i32
        %dma_start3A_1806 = tpu.memref_slice %arg3[%add3A_1805] : memref<12800000xi32, #tpu.memory_space<hbm>> -> memref<3200xi32, #tpu.memory_space<hbm>>
        %dma_start3A_1807 = tpu.memref_slice %arg3[%add3A_1805] : memref<12800000xi32, #tpu.memory_space<hbm>> -> memref<3200xi32, #tpu.memory_space<hbm>>
        tpu.enqueue_dma source(%dma_start3A_1807 : memref<3200xi32, #tpu.memory_space<hbm>>) target(%arg10 : memref<3200xi32, #tpu.memory_space<vmem>>) target_semaphore(%arg16 : memref<!tpu.dma_semaphore, #tpu.memory_space<semaphore_mem>>)
        %dma_start3A_1808 = tpu.memref_slice %arg3[%add3A_1795] : memref<12800000xi32, #tpu.memory_space<hbm>> -> memref<3200xi32, #tpu.memory_space<hbm>>
        %dma_start3A_1809 = tpu.memref_slice %arg3[%add3A_1795] : memref<12800000xi32, #tpu.memory_space<hbm>> -> memref<3200xi32, #tpu.memory_space<hbm>>
        tpu.enqueue_dma source(%dma_start3A_1809 : memref<3200xi32, #tpu.memory_space<hbm>>) target(%arg12 : memref<3200xi32, #tpu.memory_space<vmem>>) target_semaphore(%arg16 : memref<!tpu.dma_semaphore, #tpu.memory_space<semaphore_mem>>)
      } else {
      }
    }
    %scan3A_196 = arith.constant 62 : i32
    %dma_wait3A_197 = arith.constant 0 : i32
    %dma_wait3A_198 = tpu.memref_slice %arg2[%dma_wait3A_197] : memref<100000xf32, #tpu.memory_space<hbm>> -> memref<3200xf32, #tpu.memory_space<hbm>>
    %dma_wait3A_199 = arith.constant 0 : i32
    %dma_wait3A_200 = tpu.memref_slice %arg2[%dma_wait3A_199] : memref<100000xf32, #tpu.memory_space<hbm>> -> memref<3200xf32, #tpu.memory_space<hbm>>
    tpu.wait_dma2 semaphore(%arg17 : memref<!tpu.dma_semaphore, #tpu.memory_space<semaphore_mem>>) src(%dma_wait3A_200 : memref<3200xf32, #tpu.memory_space<hbm>>) dst(%arg13 : memref<3200xf32, #tpu.memory_space<vmem>>)
    %dma_wait3A_201 = arith.constant 0 : i32
    %dma_wait3A_202 = tpu.memref_slice %arg3[%dma_wait3A_201] : memref<12800000xi32, #tpu.memory_space<hbm>> -> memref<3200xi32, #tpu.memory_space<hbm>>
    %dma_wait3A_203 = arith.constant 0 : i32
    %dma_wait3A_204 = tpu.memref_slice %arg3[%dma_wait3A_203] : memref<12800000xi32, #tpu.memory_space<hbm>> -> memref<3200xi32, #tpu.memory_space<hbm>>
    tpu.wait_dma2 semaphore(%arg16 : memref<!tpu.dma_semaphore, #tpu.memory_space<semaphore_mem>>) src(%dma_wait3A_204 : memref<3200xi32, #tpu.memory_space<hbm>>) dst(%arg10 : memref<3200xi32, #tpu.memory_space<vmem>>)
    %dma_wait3A_205 = arith.constant 0 : i32
    %dma_wait3A_206 = tpu.memref_slice %arg3[%dma_wait3A_205] : memref<12800000xi32, #tpu.memory_space<hbm>> -> memref<3200xi32, #tpu.memory_space<hbm>>
    %dma_wait3A_207 = arith.constant 0 : i32
    %dma_wait3A_208 = tpu.memref_slice %arg3[%dma_wait3A_207] : memref<12800000xi32, #tpu.memory_space<hbm>> -> memref<3200xi32, #tpu.memory_space<hbm>>
    tpu.wait_dma2 semaphore(%arg16 : memref<!tpu.dma_semaphore, #tpu.memory_space<semaphore_mem>>) src(%dma_wait3A_208 : memref<3200xi32, #tpu.memory_space<hbm>>) dst(%arg12 : memref<3200xi32, #tpu.memory_space<vmem>>)
    %dma_start3A_209 = arith.constant 0 : i32
    %dma_start3A_210 = tpu.memref_slice %arg14[%dma_start3A_209] : memref<3200xf32, #tpu.memory_space<vmem>> -> memref<128xf32, #tpu.memory_space<vmem>>
    %dma_start3A_211 = arith.constant 0 : i32
    %dma_start3A_212 = tpu.memref_slice %arg10[%dma_start3A_211] : memref<3200xi32, #tpu.memory_space<vmem>> -> memref<128xi32, #tpu.memory_space<vmem>>
    %dma_start3A_213 = arith.constant 0 : i32
    %dma_start3A_214 = tpu.memref_slice %arg7[%dma_start3A_213] : memref<100000xf32, #tpu.memory_space<vmem_shared>> -> memref<100000xf32, #tpu.memory_space<vmem_shared>>
    tpu.enqueue_indirect_dma source(%dma_start3A_214 : memref<100000xf32, #tpu.memory_space<vmem_shared>>) target(%dma_start3A_210 : memref<128xf32, #tpu.memory_space<vmem>>) offsets(%dma_start3A_212 : memref<128xi32, #tpu.memory_space<vmem>>) semaphore(%arg18 : memref<!tpu.dma_semaphore, #tpu.memory_space<semaphore_mem>>)
    %dma_start3A_215 = arith.constant 128 : i32
    %dma_start3A_216 = tpu.memref_slice %arg14[%dma_start3A_215] : memref<3200xf32, #tpu.memory_space<vmem>> -> memref<128xf32, #tpu.memory_space<vmem>>
    %dma_start3A_217 = arith.constant 128 : i32
    %dma_start3A_218 = tpu.memref_slice %arg10[%dma_start3A_217] : memref<3200xi32, #tpu.memory_space<vmem>> -> memref<128xi32, #tpu.memory_space<vmem>>
    %dma_start3A_219 = arith.constant 0 : i32
    %dma_start3A_220 = tpu.memref_slice %arg7[%dma_start3A_219] : memref<100000xf32, #tpu.memory_space<vmem_shared>> -> memref<100000xf32, #tpu.memory_space<vmem_shared>>
    tpu.enqueue_indirect_dma source(%dma_start3A_220 : memref<100000xf32, #tpu.memory_space<vmem_shared>>) target(%dma_start3A_216 : memref<128xf32, #tpu.memory_space<vmem>>) offsets(%dma_start3A_218 : memref<128xi32, #tpu.memory_space<vmem>>) semaphore(%arg18 : memref<!tpu.dma_semaphore, #tpu.memory_space<semaphore_mem>>)
    %dma_start3A_221 = arith.constant 256 : i32
    %dma_start3A_222 = tpu.memref_slice %arg14[%dma_start3A_221] : memref<3200xf32, #tpu.memory_space<vmem>> -> memref<128xf32, #tpu.memory_space<vmem>>
    %dma_start3A_223 = arith.constant 256 : i32
    %dma_start3A_224 = tpu.memref_slice %arg10[%dma_start3A_223] : memref<3200xi32, #tpu.memory_space<vmem>> -> memref<128xi32, #tpu.memory_space<vmem>>
    %dma_start3A_225 = arith.constant 0 : i32
    %dma_start3A_226 = tpu.memref_slice %arg7[%dma_start3A_225] : memref<100000xf32, #tpu.memory_space<vmem_shared>> -> memref<100000xf32, #tpu.memory_space<vmem_shared>>
    tpu.enqueue_indirect_dma source(%dma_start3A_226 : memref<100000xf32, #tpu.memory_space<vmem_shared>>) target(%dma_start3A_222 : memref<128xf32, #tpu.memory_space<vmem>>) offsets(%dma_start3A_224 : memref<128xi32, #tpu.memory_space<vmem>>) semaphore(%arg18 : memref<!tpu.dma_semaphore, #tpu.memory_space<semaphore_mem>>)
    %dma_start3A_227 = arith.constant 384 : i32
    %dma_start3A_228 = tpu.memref_slice %arg14[%dma_start3A_227] : memref<3200xf32, #tpu.memory_space<vmem>> -> memref<128xf32, #tpu.memory_space<vmem>>
    %dma_start3A_229 = arith.constant 384 : i32
    %dma_start3A_230 = tpu.memref_slice %arg10[%dma_start3A_229] : memref<3200xi32, #tpu.memory_space<vmem>> -> memref<128xi32, #tpu.memory_space<vmem>>
    %dma_start3A_231 = arith.constant 0 : i32
    %dma_start3A_232 = tpu.memref_slice %arg7[%dma_start3A_231] : memref<100000xf32, #tpu.memory_space<vmem_shared>> -> memref<100000xf32, #tpu.memory_space<vmem_shared>>
    tpu.enqueue_indirect_dma source(%dma_start3A_232 : memref<100000xf32, #tpu.memory_space<vmem_shared>>) target(%dma_start3A_228 : memref<128xf32, #tpu.memory_space<vmem>>) offsets(%dma_start3A_230 : memref<128xi32, #tpu.memory_space<vmem>>) semaphore(%arg18 : memref<!tpu.dma_semaphore, #tpu.memory_space<semaphore_mem>>)
    %dma_start3A_233 = arith.constant 512 : i32
    %dma_start3A_234 = tpu.memref_slice %arg14[%dma_start3A_233] : memref<3200xf32, #tpu.memory_space<vmem>> -> memref<128xf32, #tpu.memory_space<vmem>>
    %dma_start3A_235 = arith.constant 512 : i32
    %dma_start3A_236 = tpu.memref_slice %arg10[%dma_start3A_235] : memref<3200xi32, #tpu.memory_space<vmem>> -> memref<128xi32, #tpu.memory_space<vmem>>
    %dma_start3A_237 = arith.constant 0 : i32
    %dma_start3A_238 = tpu.memref_slice %arg7[%dma_start3A_237] : memref<100000xf32, #tpu.memory_space<vmem_shared>> -> memref<100000xf32, #tpu.memory_space<vmem_shared>>
    tpu.enqueue_indirect_dma source(%dma_start3A_238 : memref<100000xf32, #tpu.memory_space<vmem_shared>>) target(%dma_start3A_234 : memref<128xf32, #tpu.memory_space<vmem>>) offsets(%dma_start3A_236 : memref<128xi32, #tpu.memory_space<vmem>>) semaphore(%arg18 : memref<!tpu.dma_semaphore, #tpu.memory_space<semaphore_mem>>)
    %dma_start3A_239 = arith.constant 640 : i32
    %dma_start3A_240 = tpu.memref_slice %arg14[%dma_start3A_239] : memref<3200xf32, #tpu.memory_space<vmem>> -> memref<128xf32, #tpu.memory_space<vmem>>
    %dma_start3A_241 = arith.constant 640 : i32
    %dma_start3A_242 = tpu.memref_slice %arg10[%dma_start3A_241] : memref<3200xi32, #tpu.memory_space<vmem>> -> memref<128xi32, #tpu.memory_space<vmem>>
    %dma_start3A_243 = arith.constant 0 : i32
    %dma_start3A_244 = tpu.memref_slice %arg7[%dma_start3A_243] : memref<100000xf32, #tpu.memory_space<vmem_shared>> -> memref<100000xf32, #tpu.memory_space<vmem_shared>>
    tpu.enqueue_indirect_dma source(%dma_start3A_244 : memref<100000xf32, #tpu.memory_space<vmem_shared>>) target(%dma_start3A_240 : memref<128xf32, #tpu.memory_space<vmem>>) offsets(%dma_start3A_242 : memref<128xi32, #tpu.memory_space<vmem>>) semaphore(%arg18 : memref<!tpu.dma_semaphore, #tpu.memory_space<semaphore_mem>>)
    %dma_start3A_245 = arith.constant 768 : i32
    %dma_start3A_246 = tpu.memref_slice %arg14[%dma_start3A_245] : memref<3200xf32, #tpu.memory_space<vmem>> -> memref<128xf32, #tpu.memory_space<vmem>>
    %dma_start3A_247 = arith.constant 768 : i32
    %dma_start3A_248 = tpu.memref_slice %arg10[%dma_start3A_247] : memref<3200xi32, #tpu.memory_space<vmem>> -> memref<128xi32, #tpu.memory_space<vmem>>
    %dma_start3A_249 = arith.constant 0 : i32
    %dma_start3A_250 = tpu.memref_slice %arg7[%dma_start3A_249] : memref<100000xf32, #tpu.memory_space<vmem_shared>> -> memref<100000xf32, #tpu.memory_space<vmem_shared>>
    tpu.enqueue_indirect_dma source(%dma_start3A_250 : memref<100000xf32, #tpu.memory_space<vmem_shared>>) target(%dma_start3A_246 : memref<128xf32, #tpu.memory_space<vmem>>) offsets(%dma_start3A_248 : memref<128xi32, #tpu.memory_space<vmem>>) semaphore(%arg18 : memref<!tpu.dma_semaphore, #tpu.memory_space<semaphore_mem>>)
    %dma_start3A_251 = arith.constant 896 : i32
    %dma_start3A_252 = tpu.memref_slice %arg14[%dma_start3A_251] : memref<3200xf32, #tpu.memory_space<vmem>> -> memref<128xf32, #tpu.memory_space<vmem>>
    %dma_start3A_253 = arith.constant 896 : i32
    %dma_start3A_254 = tpu.memref_slice %arg10[%dma_start3A_253] : memref<3200xi32, #tpu.memory_space<vmem>> -> memref<128xi32, #tpu.memory_space<vmem>>
    %dma_start3A_255 = arith.constant 0 : i32
    %dma_start3A_256 = tpu.memref_slice %arg7[%dma_start3A_255] : memref<100000xf32, #tpu.memory_space<vmem_shared>> -> memref<100000xf32, #tpu.memory_space<vmem_shared>>
    tpu.enqueue_indirect_dma source(%dma_start3A_256 : memref<100000xf32, #tpu.memory_space<vmem_shared>>) target(%dma_start3A_252 : memref<128xf32, #tpu.memory_space<vmem>>) offsets(%dma_start3A_254 : memref<128xi32, #tpu.memory_space<vmem>>) semaphore(%arg18 : memref<!tpu.dma_semaphore, #tpu.memory_space<semaphore_mem>>)
    %dma_start3A_257 = arith.constant 1024 : i32
    %dma_start3A_258 = tpu.memref_slice %arg14[%dma_start3A_257] : memref<3200xf32, #tpu.memory_space<vmem>> -> memref<128xf32, #tpu.memory_space<vmem>>
    %dma_start3A_259 = arith.constant 1024 : i32
    %dma_start3A_260 = tpu.memref_slice %arg10[%dma_start3A_259] : memref<3200xi32, #tpu.memory_space<vmem>> -> memref<128xi32, #tpu.memory_space<vmem>>
    %dma_start3A_261 = arith.constant 0 : i32
    %dma_start3A_262 = tpu.memref_slice %arg7[%dma_start3A_261] : memref<100000xf32, #tpu.memory_space<vmem_shared>> -> memref<100000xf32, #tpu.memory_space<vmem_shared>>
    tpu.enqueue_indirect_dma source(%dma_start3A_262 : memref<100000xf32, #tpu.memory_space<vmem_shared>>) target(%dma_start3A_258 : memref<128xf32, #tpu.memory_space<vmem>>) offsets(%dma_start3A_260 : memref<128xi32, #tpu.memory_space<vmem>>) semaphore(%arg18 : memref<!tpu.dma_semaphore, #tpu.memory_space<semaphore_mem>>)
    %dma_start3A_263 = arith.constant 1152 : i32
    %dma_start3A_264 = tpu.memref_slice %arg14[%dma_start3A_263] : memref<3200xf32, #tpu.memory_space<vmem>> -> memref<128xf32, #tpu.memory_space<vmem>>
    %dma_start3A_265 = arith.constant 1152 : i32
    %dma_start3A_266 = tpu.memref_slice %arg10[%dma_start3A_265] : memref<3200xi32, #tpu.memory_space<vmem>> -> memref<128xi32, #tpu.memory_space<vmem>>
    %dma_start3A_267 = arith.constant 0 : i32
    %dma_start3A_268 = tpu.memref_slice %arg7[%dma_start3A_267] : memref<100000xf32, #tpu.memory_space<vmem_shared>> -> memref<100000xf32, #tpu.memory_space<vmem_shared>>
    tpu.enqueue_indirect_dma source(%dma_start3A_268 : memref<100000xf32, #tpu.memory_space<vmem_shared>>) target(%dma_start3A_264 : memref<128xf32, #tpu.memory_space<vmem>>) offsets(%dma_start3A_266 : memref<128xi32, #tpu.memory_space<vmem>>) semaphore(%arg18 : memref<!tpu.dma_semaphore, #tpu.memory_space<semaphore_mem>>)
    %dma_start3A_269 = arith.constant 1280 : i32
    %dma_start3A_270 = tpu.memref_slice %arg14[%dma_start3A_269] : memref<3200xf32, #tpu.memory_space<vmem>> -> memref<128xf32, #tpu.memory_space<vmem>>
    %dma_start3A_271 = arith.constant 1280 : i32
    %dma_start3A_272 = tpu.memref_slice %arg10[%dma_start3A_271] : memref<3200xi32, #tpu.memory_space<vmem>> -> memref<128xi32, #tpu.memory_space<vmem>>
    %dma_start3A_273 = arith.constant 0 : i32
    %dma_start3A_274 = tpu.memref_slice %arg7[%dma_start3A_273] : memref<100000xf32, #tpu.memory_space<vmem_shared>> -> memref<100000xf32, #tpu.memory_space<vmem_shared>>
    tpu.enqueue_indirect_dma source(%dma_start3A_274 : memref<100000xf32, #tpu.memory_space<vmem_shared>>) target(%dma_start3A_270 : memref<128xf32, #tpu.memory_space<vmem>>) offsets(%dma_start3A_272 : memref<128xi32, #tpu.memory_space<vmem>>) semaphore(%arg18 : memref<!tpu.dma_semaphore, #tpu.memory_space<semaphore_mem>>)
    %dma_start3A_275 = arith.constant 1408 : i32
    %dma_start3A_276 = tpu.memref_slice %arg14[%dma_start3A_275] : memref<3200xf32, #tpu.memory_space<vmem>> -> memref<128xf32, #tpu.memory_space<vmem>>
    %dma_start3A_277 = arith.constant 1408 : i32
    %dma_start3A_278 = tpu.memref_slice %arg10[%dma_start3A_277] : memref<3200xi32, #tpu.memory_space<vmem>> -> memref<128xi32, #tpu.memory_space<vmem>>
    %dma_start3A_279 = arith.constant 0 : i32
    %dma_start3A_280 = tpu.memref_slice %arg7[%dma_start3A_279] : memref<100000xf32, #tpu.memory_space<vmem_shared>> -> memref<100000xf32, #tpu.memory_space<vmem_shared>>
    tpu.enqueue_indirect_dma source(%dma_start3A_280 : memref<100000xf32, #tpu.memory_space<vmem_shared>>) target(%dma_start3A_276 : memref<128xf32, #tpu.memory_space<vmem>>) offsets(%dma_start3A_278 : memref<128xi32, #tpu.memory_space<vmem>>) semaphore(%arg18 : memref<!tpu.dma_semaphore, #tpu.memory_space<semaphore_mem>>)
    %dma_start3A_281 = arith.constant 1536 : i32
    %dma_start3A_282 = tpu.memref_slice %arg14[%dma_start3A_281] : memref<3200xf32, #tpu.memory_space<vmem>> -> memref<128xf32, #tpu.memory_space<vmem>>
    %dma_start3A_283 = arith.constant 1536 : i32
    %dma_start3A_284 = tpu.memref_slice %arg10[%dma_start3A_283] : memref<3200xi32, #tpu.memory_space<vmem>> -> memref<128xi32, #tpu.memory_space<vmem>>
    %dma_start3A_285 = arith.constant 0 : i32
    %dma_start3A_286 = tpu.memref_slice %arg7[%dma_start3A_285] : memref<100000xf32, #tpu.memory_space<vmem_shared>> -> memref<100000xf32, #tpu.memory_space<vmem_shared>>
    tpu.enqueue_indirect_dma source(%dma_start3A_286 : memref<100000xf32, #tpu.memory_space<vmem_shared>>) target(%dma_start3A_282 : memref<128xf32, #tpu.memory_space<vmem>>) offsets(%dma_start3A_284 : memref<128xi32, #tpu.memory_space<vmem>>) semaphore(%arg18 : memref<!tpu.dma_semaphore, #tpu.memory_space<semaphore_mem>>)
    %dma_start3A_287 = arith.constant 1664 : i32
    %dma_start3A_288 = tpu.memref_slice %arg14[%dma_start3A_287] : memref<3200xf32, #tpu.memory_space<vmem>> -> memref<128xf32, #tpu.memory_space<vmem>>
    %dma_start3A_289 = arith.constant 1664 : i32
    %dma_start3A_290 = tpu.memref_slice %arg10[%dma_start3A_289] : memref<3200xi32, #tpu.memory_space<vmem>> -> memref<128xi32, #tpu.memory_space<vmem>>
    %dma_start3A_291 = arith.constant 0 : i32
    %dma_start3A_292 = tpu.memref_slice %arg7[%dma_start3A_291] : memref<100000xf32, #tpu.memory_space<vmem_shared>> -> memref<100000xf32, #tpu.memory_space<vmem_shared>>
    tpu.enqueue_indirect_dma source(%dma_start3A_292 : memref<100000xf32, #tpu.memory_space<vmem_shared>>) target(%dma_start3A_288 : memref<128xf32, #tpu.memory_space<vmem>>) offsets(%dma_start3A_290 : memref<128xi32, #tpu.memory_space<vmem>>) semaphore(%arg18 : memref<!tpu.dma_semaphore, #tpu.memory_space<semaphore_mem>>)
    %dma_start3A_293 = arith.constant 1792 : i32
    %dma_start3A_294 = tpu.memref_slice %arg14[%dma_start3A_293] : memref<3200xf32, #tpu.memory_space<vmem>> -> memref<128xf32, #tpu.memory_space<vmem>>
    %dma_start3A_295 = arith.constant 1792 : i32
    %dma_start3A_296 = tpu.memref_slice %arg10[%dma_start3A_295] : memref<3200xi32, #tpu.memory_space<vmem>> -> memref<128xi32, #tpu.memory_space<vmem>>
    %dma_start3A_297 = arith.constant 0 : i32
    %dma_start3A_298 = tpu.memref_slice %arg7[%dma_start3A_297] : memref<100000xf32, #tpu.memory_space<vmem_shared>> -> memref<100000xf32, #tpu.memory_space<vmem_shared>>
    tpu.enqueue_indirect_dma source(%dma_start3A_298 : memref<100000xf32, #tpu.memory_space<vmem_shared>>) target(%dma_start3A_294 : memref<128xf32, #tpu.memory_space<vmem>>) offsets(%dma_start3A_296 : memref<128xi32, #tpu.memory_space<vmem>>) semaphore(%arg18 : memref<!tpu.dma_semaphore, #tpu.memory_space<semaphore_mem>>)
    %dma_start3A_299 = arith.constant 1920 : i32
    %dma_start3A_300 = tpu.memref_slice %arg14[%dma_start3A_299] : memref<3200xf32, #tpu.memory_space<vmem>> -> memref<128xf32, #tpu.memory_space<vmem>>
    %dma_start3A_301 = arith.constant 1920 : i32
    %dma_start3A_302 = tpu.memref_slice %arg10[%dma_start3A_301] : memref<3200xi32, #tpu.memory_space<vmem>> -> memref<128xi32, #tpu.memory_space<vmem>>
    %dma_start3A_303 = arith.constant 0 : i32
    %dma_start3A_304 = tpu.memref_slice %arg7[%dma_start3A_303] : memref<100000xf32, #tpu.memory_space<vmem_shared>> -> memref<100000xf32, #tpu.memory_space<vmem_shared>>
    tpu.enqueue_indirect_dma source(%dma_start3A_304 : memref<100000xf32, #tpu.memory_space<vmem_shared>>) target(%dma_start3A_300 : memref<128xf32, #tpu.memory_space<vmem>>) offsets(%dma_start3A_302 : memref<128xi32, #tpu.memory_space<vmem>>) semaphore(%arg18 : memref<!tpu.dma_semaphore, #tpu.memory_space<semaphore_mem>>)
    %dma_start3A_305 = arith.constant 2048 : i32
    %dma_start3A_306 = tpu.memref_slice %arg14[%dma_start3A_305] : memref<3200xf32, #tpu.memory_space<vmem>> -> memref<128xf32, #tpu.memory_space<vmem>>
    %dma_start3A_307 = arith.constant 2048 : i32
    %dma_start3A_308 = tpu.memref_slice %arg10[%dma_start3A_307] : memref<3200xi32, #tpu.memory_space<vmem>> -> memref<128xi32, #tpu.memory_space<vmem>>
    %dma_start3A_309 = arith.constant 0 : i32
    %dma_start3A_310 = tpu.memref_slice %arg7[%dma_start3A_309] : memref<100000xf32, #tpu.memory_space<vmem_shared>> -> memref<100000xf32, #tpu.memory_space<vmem_shared>>
    tpu.enqueue_indirect_dma source(%dma_start3A_310 : memref<100000xf32, #tpu.memory_space<vmem_shared>>) target(%dma_start3A_306 : memref<128xf32, #tpu.memory_space<vmem>>) offsets(%dma_start3A_308 : memref<128xi32, #tpu.memory_space<vmem>>) semaphore(%arg18 : memref<!tpu.dma_semaphore, #tpu.memory_space<semaphore_mem>>)
    %dma_start3A_311 = arith.constant 2176 : i32
    %dma_start3A_312 = tpu.memref_slice %arg14[%dma_start3A_311] : memref<3200xf32, #tpu.memory_space<vmem>> -> memref<128xf32, #tpu.memory_space<vmem>>
    %dma_start3A_313 = arith.constant 2176 : i32
    %dma_start3A_314 = tpu.memref_slice %arg10[%dma_start3A_313] : memref<3200xi32, #tpu.memory_space<vmem>> -> memref<128xi32, #tpu.memory_space<vmem>>
    %dma_start3A_315 = arith.constant 0 : i32
    %dma_start3A_316 = tpu.memref_slice %arg7[%dma_start3A_315] : memref<100000xf32, #tpu.memory_space<vmem_shared>> -> memref<100000xf32, #tpu.memory_space<vmem_shared>>
    tpu.enqueue_indirect_dma source(%dma_start3A_316 : memref<100000xf32, #tpu.memory_space<vmem_shared>>) target(%dma_start3A_312 : memref<128xf32, #tpu.memory_space<vmem>>) offsets(%dma_start3A_314 : memref<128xi32, #tpu.memory_space<vmem>>) semaphore(%arg18 : memref<!tpu.dma_semaphore, #tpu.memory_space<semaphore_mem>>)
    %dma_start3A_317 = arith.constant 2304 : i32
    %dma_start3A_318 = tpu.memref_slice %arg14[%dma_start3A_317] : memref<3200xf32, #tpu.memory_space<vmem>> -> memref<128xf32, #tpu.memory_space<vmem>>
    %dma_start3A_319 = arith.constant 2304 : i32
    %dma_start3A_320 = tpu.memref_slice %arg10[%dma_start3A_319] : memref<3200xi32, #tpu.memory_space<vmem>> -> memref<128xi32, #tpu.memory_space<vmem>>
    %dma_start3A_321 = arith.constant 0 : i32
    %dma_start3A_322 = tpu.memref_slice %arg7[%dma_start3A_321] : memref<100000xf32, #tpu.memory_space<vmem_shared>> -> memref<100000xf32, #tpu.memory_space<vmem_shared>>
    tpu.enqueue_indirect_dma source(%dma_start3A_322 : memref<100000xf32, #tpu.memory_space<vmem_shared>>) target(%dma_start3A_318 : memref<128xf32, #tpu.memory_space<vmem>>) offsets(%dma_start3A_320 : memref<128xi32, #tpu.memory_space<vmem>>) semaphore(%arg18 : memref<!tpu.dma_semaphore, #tpu.memory_space<semaphore_mem>>)
    %dma_start3A_323 = arith.constant 2432 : i32
    %dma_start3A_324 = tpu.memref_slice %arg14[%dma_start3A_323] : memref<3200xf32, #tpu.memory_space<vmem>> -> memref<128xf32, #tpu.memory_space<vmem>>
    %dma_start3A_325 = arith.constant 2432 : i32
    %dma_start3A_326 = tpu.memref_slice %arg10[%dma_start3A_325] : memref<3200xi32, #tpu.memory_space<vmem>> -> memref<128xi32, #tpu.memory_space<vmem>>
    %dma_start3A_327 = arith.constant 0 : i32
    %dma_start3A_328 = tpu.memref_slice %arg7[%dma_start3A_327] : memref<100000xf32, #tpu.memory_space<vmem_shared>> -> memref<100000xf32, #tpu.memory_space<vmem_shared>>
    tpu.enqueue_indirect_dma source(%dma_start3A_328 : memref<100000xf32, #tpu.memory_space<vmem_shared>>) target(%dma_start3A_324 : memref<128xf32, #tpu.memory_space<vmem>>) offsets(%dma_start3A_326 : memref<128xi32, #tpu.memory_space<vmem>>) semaphore(%arg18 : memref<!tpu.dma_semaphore, #tpu.memory_space<semaphore_mem>>)
    %dma_start3A_329 = arith.constant 2560 : i32
    %dma_start3A_330 = tpu.memref_slice %arg14[%dma_start3A_329] : memref<3200xf32, #tpu.memory_space<vmem>> -> memref<128xf32, #tpu.memory_space<vmem>>
    %dma_start3A_331 = arith.constant 2560 : i32
    %dma_start3A_332 = tpu.memref_slice %arg10[%dma_start3A_331] : memref<3200xi32, #tpu.memory_space<vmem>> -> memref<128xi32, #tpu.memory_space<vmem>>
    %dma_start3A_333 = arith.constant 0 : i32
    %dma_start3A_334 = tpu.memref_slice %arg7[%dma_start3A_333] : memref<100000xf32, #tpu.memory_space<vmem_shared>> -> memref<100000xf32, #tpu.memory_space<vmem_shared>>
    tpu.enqueue_indirect_dma source(%dma_start3A_334 : memref<100000xf32, #tpu.memory_space<vmem_shared>>) target(%dma_start3A_330 : memref<128xf32, #tpu.memory_space<vmem>>) offsets(%dma_start3A_332 : memref<128xi32, #tpu.memory_space<vmem>>) semaphore(%arg18 : memref<!tpu.dma_semaphore, #tpu.memory_space<semaphore_mem>>)
    %dma_start3A_335 = arith.constant 2688 : i32
    %dma_start3A_336 = tpu.memref_slice %arg14[%dma_start3A_335] : memref<3200xf32, #tpu.memory_space<vmem>> -> memref<128xf32, #tpu.memory_space<vmem>>
    %dma_start3A_337 = arith.constant 2688 : i32
    %dma_start3A_338 = tpu.memref_slice %arg10[%dma_start3A_337] : memref<3200xi32, #tpu.memory_space<vmem>> -> memref<128xi32, #tpu.memory_space<vmem>>
    %dma_start3A_339 = arith.constant 0 : i32
    %dma_start3A_340 = tpu.memref_slice %arg7[%dma_start3A_339] : memref<100000xf32, #tpu.memory_space<vmem_shared>> -> memref<100000xf32, #tpu.memory_space<vmem_shared>>
    tpu.enqueue_indirect_dma source(%dma_start3A_340 : memref<100000xf32, #tpu.memory_space<vmem_shared>>) target(%dma_start3A_336 : memref<128xf32, #tpu.memory_space<vmem>>) offsets(%dma_start3A_338 : memref<128xi32, #tpu.memory_space<vmem>>) semaphore(%arg18 : memref<!tpu.dma_semaphore, #tpu.memory_space<semaphore_mem>>)
    %dma_start3A_341 = arith.constant 2816 : i32
    %dma_start3A_342 = tpu.memref_slice %arg14[%dma_start3A_341] : memref<3200xf32, #tpu.memory_space<vmem>> -> memref<128xf32, #tpu.memory_space<vmem>>
    %dma_start3A_343 = arith.constant 2816 : i32
    %dma_start3A_344 = tpu.memref_slice %arg10[%dma_start3A_343] : memref<3200xi32, #tpu.memory_space<vmem>> -> memref<128xi32, #tpu.memory_space<vmem>>
    %dma_start3A_345 = arith.constant 0 : i32
    %dma_start3A_346 = tpu.memref_slice %arg7[%dma_start3A_345] : memref<100000xf32, #tpu.memory_space<vmem_shared>> -> memref<100000xf32, #tpu.memory_space<vmem_shared>>
    tpu.enqueue_indirect_dma source(%dma_start3A_346 : memref<100000xf32, #tpu.memory_space<vmem_shared>>) target(%dma_start3A_342 : memref<128xf32, #tpu.memory_space<vmem>>) offsets(%dma_start3A_344 : memref<128xi32, #tpu.memory_space<vmem>>) semaphore(%arg18 : memref<!tpu.dma_semaphore, #tpu.memory_space<semaphore_mem>>)
    %dma_start3A_347 = arith.constant 2944 : i32
    %dma_start3A_348 = tpu.memref_slice %arg14[%dma_start3A_347] : memref<3200xf32, #tpu.memory_space<vmem>> -> memref<128xf32, #tpu.memory_space<vmem>>
    %dma_start3A_349 = arith.constant 2944 : i32
    %dma_start3A_350 = tpu.memref_slice %arg10[%dma_start3A_349] : memref<3200xi32, #tpu.memory_space<vmem>> -> memref<128xi32, #tpu.memory_space<vmem>>
    %dma_start3A_351 = arith.constant 0 : i32
    %dma_start3A_352 = tpu.memref_slice %arg7[%dma_start3A_351] : memref<100000xf32, #tpu.memory_space<vmem_shared>> -> memref<100000xf32, #tpu.memory_space<vmem_shared>>
    tpu.enqueue_indirect_dma source(%dma_start3A_352 : memref<100000xf32, #tpu.memory_space<vmem_shared>>) target(%dma_start3A_348 : memref<128xf32, #tpu.memory_space<vmem>>) offsets(%dma_start3A_350 : memref<128xi32, #tpu.memory_space<vmem>>) semaphore(%arg18 : memref<!tpu.dma_semaphore, #tpu.memory_space<semaphore_mem>>)
    %dma_start3A_353 = arith.constant 3072 : i32
    %dma_start3A_354 = tpu.memref_slice %arg14[%dma_start3A_353] : memref<3200xf32, #tpu.memory_space<vmem>> -> memref<128xf32, #tpu.memory_space<vmem>>
    %dma_start3A_355 = arith.constant 3072 : i32
    %dma_start3A_356 = tpu.memref_slice %arg10[%dma_start3A_355] : memref<3200xi32, #tpu.memory_space<vmem>> -> memref<128xi32, #tpu.memory_space<vmem>>
    %dma_start3A_357 = arith.constant 0 : i32
    %dma_start3A_358 = tpu.memref_slice %arg7[%dma_start3A_357] : memref<100000xf32, #tpu.memory_space<vmem_shared>> -> memref<100000xf32, #tpu.memory_space<vmem_shared>>
    tpu.enqueue_indirect_dma source(%dma_start3A_358 : memref<100000xf32, #tpu.memory_space<vmem_shared>>) target(%dma_start3A_354 : memref<128xf32, #tpu.memory_space<vmem>>) offsets(%dma_start3A_356 : memref<128xi32, #tpu.memory_space<vmem>>) semaphore(%arg18 : memref<!tpu.dma_semaphore, #tpu.memory_space<semaphore_mem>>)
    %broadcast_in_dim3A_359 = arith.constant 0 : i32
    %broadcast_in_dim3A_360 = vector.broadcast %broadcast_in_dim3A_359 : i32 to vector<16xi32>
    %scan3A_361 = arith.constant 0 : i32
    %scan3A_362 = arith.constant 50 : i32
    %scan3A_363 = arith.addi %scan3A_361, %scan3A_362 : i32
    %scan3A_364 = arith.constant 1 : i32
    %scan3A_365 = scf.for %scan3A_1411 = %scan3A_361 to %scan3A_363 step %scan3A_364 iter_args(%scan3A_1412 = %broadcast_in_dim3A_360) -> (vector<16xi32>)  : i32 {
      %mul3A_1413 = arith.constant 64 : i32
      %mul3A_1414 = arith.muli %scan3A_1411, %mul3A_1413 : i32
      %add3A_1415 = arith.constant 0 : i32
      %add3A_1416 = arith.addi %mul3A_1414, %add3A_1415 : i32
      %get3A = arith.index_cast %add3A_1416 : i32 to index
      %get3A_1417 = tpu.vector_load %arg9[%get3A] {strides = array<i32>} : memref<3200xi32, #tpu.memory_space<vmem>>, vector<16xi32>,
      %get3A_1418 = arith.index_cast %add3A_1416 : i32 to index
      %get3A_1419 = tpu.vector_load %arg11[%get3A_1418] {strides = array<i32>} : memref<3200xi32, #tpu.memory_space<vmem>>, vector<16xi32>,
      %get3A_1420 = arith.index_cast %add3A_1416 : i32 to index
      %get3A_1421 = tpu.vector_load %arg13[%get3A_1420] {strides = array<i32>} : memref<3200xf32, #tpu.memory_space<vmem>>, vector<16xf32>,
      %ne3A = arith.cmpi ne, %get3A_1417, %get3A_1419 : vector<16xi32>
      %gather3A = tpu.vector_load_idx %arg8[%get3A_1419] : memref<100096xf32, #tpu.memory_space<vmem>>[vector<16xi32>], vector<16xf32>,
      %gt3A = arith.cmpf ogt, %get3A_1421, %gather3A : vector<16xf32>
      %and3A = arith.andi %ne3A, %gt3A : vector<16xi1>
      %add3A_1422 = arith.constant 16 : i32
      %add3A_1423 = arith.addi %mul3A_1414, %add3A_1422 : i32
      %get3A_1424 = arith.index_cast %add3A_1423 : i32 to index
      %get3A_1425 = tpu.vector_load %arg9[%get3A_1424] {strides = array<i32>} : memref<3200xi32, #tpu.memory_space<vmem>>, vector<16xi32>,
      %get3A_1426 = arith.index_cast %add3A_1423 : i32 to index
      %get3A_1427 = tpu.vector_load %arg11[%get3A_1426] {strides = array<i32>} : memref<3200xi32, #tpu.memory_space<vmem>>, vector<16xi32>,
      %get3A_1428 = arith.index_cast %add3A_1423 : i32 to index
      %get3A_1429 = tpu.vector_load %arg13[%get3A_1428] {strides = array<i32>} : memref<3200xf32, #tpu.memory_space<vmem>>, vector<16xf32>,
      %ne3A_1430 = arith.cmpi ne, %get3A_1425, %get3A_1427 : vector<16xi32>
      %gather3A_1431 = tpu.vector_load_idx %arg8[%get3A_1427] : memref<100096xf32, #tpu.memory_space<vmem>>[vector<16xi32>], vector<16xf32>,
      %gt3A_1432 = arith.cmpf ogt, %get3A_1429, %gather3A_1431 : vector<16xf32>
      %and3A_1433 = arith.andi %ne3A_1430, %gt3A_1432 : vector<16xi1>
      %add3A_1434 = arith.constant 32 : i32
      %add3A_1435 = arith.addi %mul3A_1414, %add3A_1434 : i32
      %get3A_1436 = arith.index_cast %add3A_1435 : i32 to index
      %get3A_1437 = tpu.vector_load %arg9[%get3A_1436] {strides = array<i32>} : memref<3200xi32, #tpu.memory_space<vmem>>, vector<16xi32>,
      %get3A_1438 = arith.index_cast %add3A_1435 : i32 to index
      %get3A_1439 = tpu.vector_load %arg11[%get3A_1438] {strides = array<i32>} : memref<3200xi32, #tpu.memory_space<vmem>>, vector<16xi32>,
      %get3A_1440 = arith.index_cast %add3A_1435 : i32 to index
      %get3A_1441 = tpu.vector_load %arg13[%get3A_1440] {strides = array<i32>} : memref<3200xf32, #tpu.memory_space<vmem>>, vector<16xf32>,
      %ne3A_1442 = arith.cmpi ne, %get3A_1437, %get3A_1439 : vector<16xi32>
      %gather3A_1443 = tpu.vector_load_idx %arg8[%get3A_1439] : memref<100096xf32, #tpu.memory_space<vmem>>[vector<16xi32>], vector<16xf32>,
      %gt3A_1444 = arith.cmpf ogt, %get3A_1441, %gather3A_1443 : vector<16xf32>
      %and3A_1445 = arith.andi %ne3A_1442, %gt3A_1444 : vector<16xi1>
      %add3A_1446 = arith.constant 48 : i32
      %add3A_1447 = arith.addi %mul3A_1414, %add3A_1446 : i32
      %get3A_1448 = arith.index_cast %add3A_1447 : i32 to index
      %get3A_1449 = tpu.vector_load %arg9[%get3A_1448] {strides = array<i32>} : memref<3200xi32, #tpu.memory_space<vmem>>, vector<16xi32>,
      %get3A_1450 = arith.index_cast %add3A_1447 : i32 to index
      %get3A_1451 = tpu.vector_load %arg11[%get3A_1450] {strides = array<i32>} : memref<3200xi32, #tpu.memory_space<vmem>>, vector<16xi32>,
      %get3A_1452 = arith.index_cast %add3A_1447 : i32 to index
      %get3A_1453 = tpu.vector_load %arg13[%get3A_1452] {strides = array<i32>} : memref<3200xf32, #tpu.memory_space<vmem>>, vector<16xf32>,
      %ne3A_1454 = arith.cmpi ne, %get3A_1449, %get3A_1451 : vector<16xi32>
      %gather3A_1455 = tpu.vector_load_idx %arg8[%get3A_1451] : memref<100096xf32, #tpu.memory_space<vmem>>[vector<16xi32>], vector<16xf32>,
      %gt3A_1456 = arith.cmpf ogt, %get3A_1453, %gather3A_1455 : vector<16xf32>
      %and3A_1457 = arith.andi %ne3A_1454, %gt3A_1456 : vector<16xi1>
      tpu.vector_store_idx %arg8[%get3A_1419], %get3A_1421 masked %and3A : memref<100096xf32, #tpu.memory_space<vmem>>[vector<16xi32>], vector<16xf32>, vector<16xi1>
      tpu.vector_store_idx %arg8[%get3A_1427], %get3A_1429 masked %and3A_1433 : memref<100096xf32, #tpu.memory_space<vmem>>[vector<16xi32>], vector<16xf32>, vector<16xi1>
      tpu.vector_store_idx %arg8[%get3A_1439], %get3A_1441 masked %and3A_1445 : memref<100096xf32, #tpu.memory_space<vmem>>[vector<16xi32>], vector<16xf32>, vector<16xi1>
      tpu.vector_store_idx %arg8[%get3A_1451], %get3A_1453 masked %and3A_1457 : memref<100096xf32, #tpu.memory_space<vmem>>[vector<16xi32>], vector<16xf32>, vector<16xi1>
      %gather3A_1458 = tpu.vector_load_idx %arg8[%get3A_1419] : memref<100096xf32, #tpu.memory_space<vmem>>[vector<16xi32>], vector<16xf32>,
      %gt3A_1459 = arith.cmpf ogt, %get3A_1421, %gather3A_1458 : vector<16xf32>
      %and3A_1460 = arith.andi %ne3A, %gt3A_1459 : vector<16xi1>
      %jit3A = arith.constant 1 : i32
      %jit3A_1461 = arith.constant 0 : i32
      %broadcast_in_dim3A_1462 = vector.broadcast %jit3A : i32 to vector<16xi32>
      %broadcast_in_dim3A_1463 = vector.broadcast %jit3A_1461 : i32 to vector<16xi32>
      %select_n3A = arith.select %and3A_1460, %broadcast_in_dim3A_1462, %broadcast_in_dim3A_1463 : vector<16xi1>, vector<16xi32>
      %add3A_1464 = arith.addi %scan3A_1412, %select_n3A : vector<16xi32>
      %gather3A_1465 = tpu.vector_load_idx %arg8[%get3A_1427] : memref<100096xf32, #tpu.memory_space<vmem>>[vector<16xi32>], vector<16xf32>,
      %gt3A_1466 = arith.cmpf ogt, %get3A_1429, %gather3A_1465 : vector<16xf32>
      %and3A_1467 = arith.andi %ne3A_1430, %gt3A_1466 : vector<16xi1>
      %jit3A_1468 = arith.constant 1 : i32
      %jit3A_1469 = arith.constant 0 : i32
      %broadcast_in_dim3A_1470 = vector.broadcast %jit3A_1468 : i32 to vector<16xi32>
      %broadcast_in_dim3A_1471 = vector.broadcast %jit3A_1469 : i32 to vector<16xi32>
      %select_n3A_1472 = arith.select %and3A_1467, %broadcast_in_dim3A_1470, %broadcast_in_dim3A_1471 : vector<16xi1>, vector<16xi32>
      %add3A_1473 = arith.addi %add3A_1464, %select_n3A_1472 : vector<16xi32>
      %gather3A_1474 = tpu.vector_load_idx %arg8[%get3A_1439] : memref<100096xf32, #tpu.memory_space<vmem>>[vector<16xi32>], vector<16xf32>,
      %gt3A_1475 = arith.cmpf ogt, %get3A_1441, %gather3A_1474 : vector<16xf32>
      %and3A_1476 = arith.andi %ne3A_1442, %gt3A_1475 : vector<16xi1>
      %jit3A_1477 = arith.constant 1 : i32
      %jit3A_1478 = arith.constant 0 : i32
      %broadcast_in_dim3A_1479 = vector.broadcast %jit3A_1477 : i32 to vector<16xi32>
      %broadcast_in_dim3A_1480 = vector.broadcast %jit3A_1478 : i32 to vector<16xi32>
      %select_n3A_1481 = arith.select %and3A_1476, %broadcast_in_dim3A_1479, %broadcast_in_dim3A_1480 : vector<16xi1>, vector<16xi32>
      %add3A_1482 = arith.addi %add3A_1473, %select_n3A_1481 : vector<16xi32>
      %gather3A_1483 = tpu.vector_load_idx %arg8[%get3A_1451] : memref<100096xf32, #tpu.memory_space<vmem>>[vector<16xi32>], vector<16xf32>,
      %gt3A_1484 = arith.cmpf ogt, %get3A_1453, %gather3A_1483 : vector<16xf32>
      %and3A_1485 = arith.andi %ne3A_1454, %gt3A_1484 : vector<16xi1>
      %jit3A_1486 = arith.constant 1 : i32
      %jit3A_1487 = arith.constant 0 : i32
      %broadcast_in_dim3A_1488 = vector.broadcast %jit3A_1486 : i32 to vector<16xi32>
      %broadcast_in_dim3A_1489 = vector.broadcast %jit3A_1487 : i32 to vector<16xi32>
      %select_n3A_1490 = arith.select %and3A_1485, %broadcast_in_dim3A_1488, %broadcast_in_dim3A_1489 : vector<16xi1>, vector<16xi32>
      %add3A_1491 = arith.addi %add3A_1482, %select_n3A_1490 : vector<16xi32>
      scf.yield %add3A_1491 : vector<16xi32>
    }
    %scan3A_366 = arith.constant 50 : i32
    %reduce_max3A = arith.constant true
    %reduce_max3A_367 = vector.broadcast %reduce_max3A : i1 to vector<16xi1>
    %reduce_max3A_368 = arith.constant -2147483648 : i32
    %reduce_max3A_369 = vector.broadcast %reduce_max3A_368 : i32 to vector<16xi32>
    %reduce_max3A_370 = arith.xori %scan3A_365, %reduce_max3A_369 : vector<16xi32>
    %reduce_max3A_371 = tpu.scan <max>, %reduce_max3A_370 masked %reduce_max3A_367 : vector<16xi32>, vector<16xi1> -> vector<16xi32>
    %reduce_max3A_372 = arith.xori %reduce_max3A_371, %reduce_max3A_369 : vector<16xi32>
    %reduce_max3A_373 = vector.extract %reduce_max3A_372[15] : i32 from vector<16xi32>
    %while3A = scf.while (%while3A_1411 = %reduce_max3A_373) : (i32) -> i32 {
      %gt3A = arith.constant 0 : i32
      %gt3A_1412 = arith.cmpi sgt, %while3A_1411, %gt3A : i32
      scf.condition(%gt3A_1412) %while3A_1411 : i32
    } do {
    ^bb0(%while3A_1411: i32):
      %broadcast_in_dim3A_1412 = arith.constant 0 : i32
      %broadcast_in_dim3A_1413 = vector.broadcast %broadcast_in_dim3A_1412 : i32 to vector<16xi32>
      %scan3A_1414 = arith.constant 0 : i32
      %scan3A_1415 = arith.constant 50 : i32
      %scan3A_1416 = arith.addi %scan3A_1414, %scan3A_1415 : i32
      %scan3A_1417 = arith.constant 1 : i32
      %scan3A_1418 = scf.for %scan3A_1428 = %scan3A_1414 to %scan3A_1416 step %scan3A_1417 iter_args(%scan3A_1429 = %broadcast_in_dim3A_1413) -> (vector<16xi32>)  : i32 {
        %mul3A_1430 = arith.constant 64 : i32
        %mul3A_1431 = arith.muli %scan3A_1428, %mul3A_1430 : i32
        %add3A_1432 = arith.constant 0 : i32
        %add3A_1433 = arith.addi %mul3A_1431, %add3A_1432 : i32
        %get3A = arith.index_cast %add3A_1433 : i32 to index
        %get3A_1434 = tpu.vector_load %arg9[%get3A] {strides = array<i32>} : memref<3200xi32, #tpu.memory_space<vmem>>, vector<16xi32>,
        %get3A_1435 = arith.index_cast %add3A_1433 : i32 to index
        %get3A_1436 = tpu.vector_load %arg11[%get3A_1435] {strides = array<i32>} : memref<3200xi32, #tpu.memory_space<vmem>>, vector<16xi32>,
        %get3A_1437 = arith.index_cast %add3A_1433 : i32 to index
        %get3A_1438 = tpu.vector_load %arg13[%get3A_1437] {strides = array<i32>} : memref<3200xf32, #tpu.memory_space<vmem>>, vector<16xf32>,
        %ne3A = arith.cmpi ne, %get3A_1434, %get3A_1436 : vector<16xi32>
        %gather3A = tpu.vector_load_idx %arg8[%get3A_1436] : memref<100096xf32, #tpu.memory_space<vmem>>[vector<16xi32>], vector<16xf32>,
        %gt3A = arith.cmpf ogt, %get3A_1438, %gather3A : vector<16xf32>
        %and3A = arith.andi %ne3A, %gt3A : vector<16xi1>
        %add3A_1439 = arith.constant 16 : i32
        %add3A_1440 = arith.addi %mul3A_1431, %add3A_1439 : i32
        %get3A_1441 = arith.index_cast %add3A_1440 : i32 to index
        %get3A_1442 = tpu.vector_load %arg9[%get3A_1441] {strides = array<i32>} : memref<3200xi32, #tpu.memory_space<vmem>>, vector<16xi32>,
        %get3A_1443 = arith.index_cast %add3A_1440 : i32 to index
        %get3A_1444 = tpu.vector_load %arg11[%get3A_1443] {strides = array<i32>} : memref<3200xi32, #tpu.memory_space<vmem>>, vector<16xi32>,
        %get3A_1445 = arith.index_cast %add3A_1440 : i32 to index
        %get3A_1446 = tpu.vector_load %arg13[%get3A_1445] {strides = array<i32>} : memref<3200xf32, #tpu.memory_space<vmem>>, vector<16xf32>,
        %ne3A_1447 = arith.cmpi ne, %get3A_1442, %get3A_1444 : vector<16xi32>
        %gather3A_1448 = tpu.vector_load_idx %arg8[%get3A_1444] : memref<100096xf32, #tpu.memory_space<vmem>>[vector<16xi32>], vector<16xf32>,
        %gt3A_1449 = arith.cmpf ogt, %get3A_1446, %gather3A_1448 : vector<16xf32>
        %and3A_1450 = arith.andi %ne3A_1447, %gt3A_1449 : vector<16xi1>
        %add3A_1451 = arith.constant 32 : i32
        %add3A_1452 = arith.addi %mul3A_1431, %add3A_1451 : i32
        %get3A_1453 = arith.index_cast %add3A_1452 : i32 to index
        %get3A_1454 = tpu.vector_load %arg9[%get3A_1453] {strides = array<i32>} : memref<3200xi32, #tpu.memory_space<vmem>>, vector<16xi32>,
        %get3A_1455 = arith.index_cast %add3A_1452 : i32 to index
        %get3A_1456 = tpu.vector_load %arg11[%get3A_1455] {strides = array<i32>} : memref<3200xi32, #tpu.memory_space<vmem>>, vector<16xi32>,
        %get3A_1457 = arith.index_cast %add3A_1452 : i32 to index
        %get3A_1458 = tpu.vector_load %arg13[%get3A_1457] {strides = array<i32>} : memref<3200xf32, #tpu.memory_space<vmem>>, vector<16xf32>,
        %ne3A_1459 = arith.cmpi ne, %get3A_1454, %get3A_1456 : vector<16xi32>
        %gather3A_1460 = tpu.vector_load_idx %arg8[%get3A_1456] : memref<100096xf32, #tpu.memory_space<vmem>>[vector<16xi32>], vector<16xf32>,
        %gt3A_1461 = arith.cmpf ogt, %get3A_1458, %gather3A_1460 : vector<16xf32>
        %and3A_1462 = arith.andi %ne3A_1459, %gt3A_1461 : vector<16xi1>
        %add3A_1463 = arith.constant 48 : i32
        %add3A_1464 = arith.addi %mul3A_1431, %add3A_1463 : i32
        %get3A_1465 = arith.index_cast %add3A_1464 : i32 to index
        %get3A_1466 = tpu.vector_load %arg9[%get3A_1465] {strides = array<i32>} : memref<3200xi32, #tpu.memory_space<vmem>>, vector<16xi32>,
        %get3A_1467 = arith.index_cast %add3A_1464 : i32 to index
        %get3A_1468 = tpu.vector_load %arg11[%get3A_1467] {strides = array<i32>} : memref<3200xi32, #tpu.memory_space<vmem>>, vector<16xi32>,
        %get3A_1469 = arith.index_cast %add3A_1464 : i32 to index
        %get3A_1470 = tpu.vector_load %arg13[%get3A_1469] {strides = array<i32>} : memref<3200xf32, #tpu.memory_space<vmem>>, vector<16xf32>,
        %ne3A_1471 = arith.cmpi ne, %get3A_1466, %get3A_1468 : vector<16xi32>
        %gather3A_1472 = tpu.vector_load_idx %arg8[%get3A_1468] : memref<100096xf32, #tpu.memory_space<vmem>>[vector<16xi32>], vector<16xf32>,
        %gt3A_1473 = arith.cmpf ogt, %get3A_1470, %gather3A_1472 : vector<16xf32>
        %and3A_1474 = arith.andi %ne3A_1471, %gt3A_1473 : vector<16xi1>
        tpu.vector_store_idx %arg8[%get3A_1436], %get3A_1438 masked %and3A : memref<100096xf32, #tpu.memory_space<vmem>>[vector<16xi32>], vector<16xf32>, vector<16xi1>
        tpu.vector_store_idx %arg8[%get3A_1444], %get3A_1446 masked %and3A_1450 : memref<100096xf32, #tpu.memory_space<vmem>>[vector<16xi32>], vector<16xf32>, vector<16xi1>
        tpu.vector_store_idx %arg8[%get3A_1456], %get3A_1458 masked %and3A_1462 : memref<100096xf32, #tpu.memory_space<vmem>>[vector<16xi32>], vector<16xf32>, vector<16xi1>
        tpu.vector_store_idx %arg8[%get3A_1468], %get3A_1470 masked %and3A_1474 : memref<100096xf32, #tpu.memory_space<vmem>>[vector<16xi32>], vector<16xf32>, vector<16xi1>
        %gather3A_1475 = tpu.vector_load_idx %arg8[%get3A_1436] : memref<100096xf32, #tpu.memory_space<vmem>>[vector<16xi32>], vector<16xf32>,
        %gt3A_1476 = arith.cmpf ogt, %get3A_1438, %gather3A_1475 : vector<16xf32>
        %and3A_1477 = arith.andi %ne3A, %gt3A_1476 : vector<16xi1>
        %jit3A = arith.constant 1 : i32
        %jit3A_1478 = arith.constant 0 : i32
        %broadcast_in_dim3A_1479 = vector.broadcast %jit3A : i32 to vector<16xi32>
        %broadcast_in_dim3A_1480 = vector.broadcast %jit3A_1478 : i32 to vector<16xi32>
        %select_n3A = arith.select %and3A_1477, %broadcast_in_dim3A_1479, %broadcast_in_dim3A_1480 : vector<16xi1>, vector<16xi32>
        %add3A_1481 = arith.addi %scan3A_1429, %select_n3A : vector<16xi32>
        %gather3A_1482 = tpu.vector_load_idx %arg8[%get3A_1444] : memref<100096xf32, #tpu.memory_space<vmem>>[vector<16xi32>], vector<16xf32>,
        %gt3A_1483 = arith.cmpf ogt, %get3A_1446, %gather3A_1482 : vector<16xf32>
        %and3A_1484 = arith.andi %ne3A_1447, %gt3A_1483 : vector<16xi1>
        %jit3A_1485 = arith.constant 1 : i32
        %jit3A_1486 = arith.constant 0 : i32
        %broadcast_in_dim3A_1487 = vector.broadcast %jit3A_1485 : i32 to vector<16xi32>
        %broadcast_in_dim3A_1488 = vector.broadcast %jit3A_1486 : i32 to vector<16xi32>
        %select_n3A_1489 = arith.select %and3A_1484, %broadcast_in_dim3A_1487, %broadcast_in_dim3A_1488 : vector<16xi1>, vector<16xi32>
        %add3A_1490 = arith.addi %add3A_1481, %select_n3A_1489 : vector<16xi32>
        %gather3A_1491 = tpu.vector_load_idx %arg8[%get3A_1456] : memref<100096xf32, #tpu.memory_space<vmem>>[vector<16xi32>], vector<16xf32>,
        %gt3A_1492 = arith.cmpf ogt, %get3A_1458, %gather3A_1491 : vector<16xf32>
        %and3A_1493 = arith.andi %ne3A_1459, %gt3A_1492 : vector<16xi1>
        %jit3A_1494 = arith.constant 1 : i32
        %jit3A_1495 = arith.constant 0 : i32
        %broadcast_in_dim3A_1496 = vector.broadcast %jit3A_1494 : i32 to vector<16xi32>
        %broadcast_in_dim3A_1497 = vector.broadcast %jit3A_1495 : i32 to vector<16xi32>
        %select_n3A_1498 = arith.select %and3A_1493, %broadcast_in_dim3A_1496, %broadcast_in_dim3A_1497 : vector<16xi1>, vector<16xi32>
        %add3A_1499 = arith.addi %add3A_1490, %select_n3A_1498 : vector<16xi32>
        %gather3A_1500 = tpu.vector_load_idx %arg8[%get3A_1468] : memref<100096xf32, #tpu.memory_space<vmem>>[vector<16xi32>], vector<16xf32>,
        %gt3A_1501 = arith.cmpf ogt, %get3A_1470, %gather3A_1500 : vector<16xf32>
        %and3A_1502 = arith.andi %ne3A_1471, %gt3A_1501 : vector<16xi1>
        %jit3A_1503 = arith.constant 1 : i32
        %jit3A_1504 = arith.constant 0 : i32
        %broadcast_in_dim3A_1505 = vector.broadcast %jit3A_1503 : i32 to vector<16xi32>
        %broadcast_in_dim3A_1506 = vector.broadcast %jit3A_1504 : i32 to vector<16xi32>
        %select_n3A_1507 = arith.select %and3A_1502, %broadcast_in_dim3A_1505, %broadcast_in_dim3A_1506 : vector<16xi1>, vector<16xi32>
        %add3A_1508 = arith.addi %add3A_1499, %select_n3A_1507 : vector<16xi32>
        scf.yield %add3A_1508 : vector<16xi32>
      }
      %scan3A_1419 = arith.constant 50 : i32
      %reduce_max3A_1420 = arith.constant true
      %reduce_max3A_1421 = vector.broadcast %reduce_max3A_1420 : i1 to vector<16xi1>
      %reduce_max3A_1422 = arith.constant -2147483648 : i32
      %reduce_max3A_1423 = vector.broadcast %reduce_max3A_1422 : i32 to vector<16xi32>
      %reduce_max3A_1424 = arith.xori %scan3A_1418, %reduce_max3A_1423 : vector<16xi32>
      %reduce_max3A_1425 = tpu.scan <max>, %reduce_max3A_1424 masked %reduce_max3A_1421 : vector<16xi32>, vector<16xi1> -> vector<16xi32>
      %reduce_max3A_1426 = arith.xori %reduce_max3A_1425, %reduce_max3A_1423 : vector<16xi32>
      %reduce_max3A_1427 = vector.extract %reduce_max3A_1426[15] : i32 from vector<16xi32>
      scf.yield %reduce_max3A_1427 : i32
    }
    %min3A_374 = arith.constant 126 : i32
    %min3A_375 = arith.constant 124 : i32
    %min3A_376 = arith.minsi %min3A_374, %min3A_375 : i32
    %mul3A_377 = arith.constant 3200 : i32
    %mul3A_378 = arith.muli %min3A_376, %mul3A_377 : i32
    %add3A_379 = arith.addi %mul3A_1, %mul3A_378 : i32
    %convert_element_type3A_380 = arith.extui %eq3A_0 : i1 to i32
    %cond3A_381 = arith.constant 0 : i32
    %cond3A_382 = arith.cmpi ne, %convert_element_type3A_380, %cond3A_381 : i32
    scf.if %cond3A_382 {
      %dma_start3A_1411 = tpu.memref_slice %arg3[%add3A_379] : memref<12800000xi32, #tpu.memory_space<hbm>> -> memref<3200xi32, #tpu.memory_space<hbm>>
      %dma_start3A_1412 = tpu.memref_slice %arg3[%add3A_379] : memref<12800000xi32, #tpu.memory_space<hbm>> -> memref<3200xi32, #tpu.memory_space<hbm>>
      tpu.enqueue_dma source(%dma_start3A_1412 : memref<3200xi32, #tpu.memory_space<hbm>>) target(%arg9 : memref<3200xi32, #tpu.memory_space<vmem>>) target_semaphore(%arg15 : memref<!tpu.dma_semaphore, #tpu.memory_space<semaphore_mem>>)
      %add3A_1413 = arith.constant 6400000 : i32
      %add3A_1414 = arith.addi %add3A_1413, %add3A_379 : i32
      %dma_start3A_1415 = tpu.memref_slice %arg3[%add3A_1414] : memref<12800000xi32, #tpu.memory_space<hbm>> -> memref<3200xi32, #tpu.memory_space<hbm>>
      %dma_start3A_1416 = tpu.memref_slice %arg3[%add3A_1414] : memref<12800000xi32, #tpu.memory_space<hbm>> -> memref<3200xi32, #tpu.memory_space<hbm>>
      tpu.enqueue_dma source(%dma_start3A_1416 : memref<3200xi32, #tpu.memory_space<hbm>>) target(%arg11 : memref<3200xi32, #tpu.memory_space<vmem>>) target_semaphore(%arg15 : memref<!tpu.dma_semaphore, #tpu.memory_space<semaphore_mem>>)
    } else {
    }
    %not3A_383 = arith.constant true
    %not3A_384 = arith.xori %eq3A_0, %not3A_383 : i1
    %convert_element_type3A_385 = arith.extui %not3A_384 : i1 to i32
    %cond3A_386 = arith.constant 0 : i32
    %cond3A_387 = arith.cmpi ne, %convert_element_type3A_385, %cond3A_386 : i32
    scf.if %cond3A_387 {
      %add3A_1411 = arith.constant 6400000 : i32
      %add3A_1412 = arith.addi %add3A_1411, %add3A_379 : i32
      %dma_start3A_1413 = tpu.memref_slice %arg3[%add3A_1412] : memref<12800000xi32, #tpu.memory_space<hbm>> -> memref<3200xi32, #tpu.memory_space<hbm>>
      %dma_start3A_1414 = tpu.memref_slice %arg3[%add3A_1412] : memref<12800000xi32, #tpu.memory_space<hbm>> -> memref<3200xi32, #tpu.memory_space<hbm>>
      tpu.enqueue_dma source(%dma_start3A_1414 : memref<3200xi32, #tpu.memory_space<hbm>>) target(%arg9 : memref<3200xi32, #tpu.memory_space<vmem>>) target_semaphore(%arg15 : memref<!tpu.dma_semaphore, #tpu.memory_space<semaphore_mem>>)
      %dma_start3A_1415 = tpu.memref_slice %arg3[%add3A_379] : memref<12800000xi32, #tpu.memory_space<hbm>> -> memref<3200xi32, #tpu.memory_space<hbm>>
      %dma_start3A_1416 = tpu.memref_slice %arg3[%add3A_379] : memref<12800000xi32, #tpu.memory_space<hbm>> -> memref<3200xi32, #tpu.memory_space<hbm>>
      tpu.enqueue_dma source(%dma_start3A_1416 : memref<3200xi32, #tpu.memory_space<hbm>>) target(%arg11 : memref<3200xi32, #tpu.memory_space<vmem>>) target_semaphore(%arg15 : memref<!tpu.dma_semaphore, #tpu.memory_space<semaphore_mem>>)
    } else {
    }
    %dma_wait3A_388 = arith.constant 0 : i32
    %dma_wait3A_389 = tpu.memref_slice %arg3[%dma_wait3A_388] : memref<12800000xi32, #tpu.memory_space<hbm>> -> memref<3200xi32, #tpu.memory_space<hbm>>
    %dma_wait3A_390 = arith.constant 0 : i32
    %dma_wait3A_391 = tpu.memref_slice %arg3[%dma_wait3A_390] : memref<12800000xi32, #tpu.memory_space<hbm>> -> memref<3200xi32, #tpu.memory_space<hbm>>
    tpu.wait_dma2 semaphore(%arg15 : memref<!tpu.dma_semaphore, #tpu.memory_space<semaphore_mem>>) src(%dma_wait3A_391 : memref<3200xi32, #tpu.memory_space<hbm>>) dst(%arg9 : memref<3200xi32, #tpu.memory_space<vmem>>)
    %dma_wait3A_392 = arith.constant 0 : i32
    %dma_wait3A_393 = tpu.memref_slice %arg3[%dma_wait3A_392] : memref<12800000xi32, #tpu.memory_space<hbm>> -> memref<3200xi32, #tpu.memory_space<hbm>>
    %dma_wait3A_394 = arith.constant 0 : i32
    %dma_wait3A_395 = tpu.memref_slice %arg3[%dma_wait3A_394] : memref<12800000xi32, #tpu.memory_space<hbm>> -> memref<3200xi32, #tpu.memory_space<hbm>>
    tpu.wait_dma2 semaphore(%arg15 : memref<!tpu.dma_semaphore, #tpu.memory_space<semaphore_mem>>) src(%dma_wait3A_395 : memref<3200xi32, #tpu.memory_space<hbm>>) dst(%arg11 : memref<3200xi32, #tpu.memory_space<vmem>>)
    %dma_wait3A_396 = arith.constant 0 : i32
    %dma_wait3A_397 = tpu.memref_slice %arg2[%dma_wait3A_396] : memref<100000xf32, #tpu.memory_space<hbm>> -> memref<3200xf32, #tpu.memory_space<hbm>>
    %dma_wait3A_398 = arith.constant 0 : i32
    %dma_wait3A_399 = tpu.memref_slice %arg2[%dma_wait3A_398] : memref<100000xf32, #tpu.memory_space<hbm>> -> memref<3200xf32, #tpu.memory_space<hbm>>
    tpu.wait_dma2 semaphore(%arg18 : memref<!tpu.dma_semaphore, #tpu.memory_space<semaphore_mem>>) src(%dma_wait3A_399 : memref<3200xf32, #tpu.memory_space<hbm>>) dst(%arg14 : memref<3200xf32, #tpu.memory_space<vmem>>)
    %mul3A_400 = arith.constant 16 : i32
    %mul3A_401 = arith.muli %arg0, %mul3A_400 : i32
    %add3A_402 = arith.addi %mul3A_401, %arg1 : i32
    %mul3A_403 = arith.constant 100096 : i32
    %mul3A_404 = arith.muli %add3A_402, %mul3A_403 : i32
    "tpu.region"() ({
      %run_scoped3A = tpu.sem_alloc : memref<!tpu.dma_semaphore, #tpu.memory_space<semaphore_mem>>
      %dma_start3A_1411 = tpu.memref_slice %arg6[%mul3A_404] : memref<3203072xf32, #tpu.memory_space<hbm>> -> memref<100096xf32, #tpu.memory_space<hbm>>
      %dma_start3A_1412 = tpu.memref_slice %arg6[%mul3A_404] : memref<3203072xf32, #tpu.memory_space<hbm>> -> memref<100096xf32, #tpu.memory_space<hbm>>
      tpu.enqueue_dma source(%arg8 : memref<100096xf32, #tpu.memory_space<vmem>>) target(%dma_start3A_1412 : memref<100096xf32, #tpu.memory_space<hbm>>) target_semaphore(%run_scoped3A : memref<!tpu.dma_semaphore, #tpu.memory_space<semaphore_mem>>)
      %dma_wait3A_1413 = tpu.memref_slice %arg6[%mul3A_404] : memref<3203072xf32, #tpu.memory_space<hbm>> -> memref<100096xf32, #tpu.memory_space<hbm>>
      %dma_wait3A_1414 = tpu.memref_slice %arg6[%mul3A_404] : memref<3203072xf32, #tpu.memory_space<hbm>> -> memref<100096xf32, #tpu.memory_space<hbm>>
      tpu.wait_dma2 semaphore(%run_scoped3A : memref<!tpu.dma_semaphore, #tpu.memory_space<semaphore_mem>>) src(%arg8 : memref<100096xf32, #tpu.memory_space<vmem>>) dst(%dma_wait3A_1414 : memref<100096xf32, #tpu.memory_space<hbm>>)
      tpu.yield
    }) : () -> ()
    %barrier3A_405 = arith.constant 0 : index
    tpu.barrier barrier_id(%barrier3A_405)
    %mul3A_406 = arith.constant 6256 : i32
    %mul3A_407 = arith.muli %arg1, %mul3A_406 : i32
    %mul3A_408 = arith.constant 16 : i32
    %mul3A_409 = arith.muli %arg0, %mul3A_408 : i32
    %mul3A_410 = arith.constant 100096 : i32
    %mul3A_411 = arith.muli %mul3A_409, %mul3A_410 : i32
    %add3A_412 = arith.addi %mul3A_411, %mul3A_407 : i32
    "tpu.region"() ({
      %run_scoped3A = tpu.sem_alloc : memref<!tpu.dma_semaphore, #tpu.memory_space<semaphore_mem>>
      %dma_start3A_1411 = arith.constant 0 : i32
      %dma_start3A_1412 = tpu.memref_slice %arg8[%dma_start3A_1411] : memref<100096xf32, #tpu.memory_space<vmem>> -> memref<6256xf32, #tpu.memory_space<vmem>>
      %dma_start3A_1413 = tpu.memref_slice %arg6[%add3A_412] : memref<3203072xf32, #tpu.memory_space<hbm>> -> memref<6256xf32, #tpu.memory_space<hbm>>
      %dma_start3A_1414 = arith.constant 0 : i32
      %dma_start3A_1415 = tpu.memref_slice %arg8[%dma_start3A_1414] : memref<100096xf32, #tpu.memory_space<vmem>> -> memref<6256xf32, #tpu.memory_space<vmem>>
      %dma_start3A_1416 = tpu.memref_slice %arg6[%add3A_412] : memref<3203072xf32, #tpu.memory_space<hbm>> -> memref<6256xf32, #tpu.memory_space<hbm>>
      tpu.enqueue_dma source(%dma_start3A_1416 : memref<6256xf32, #tpu.memory_space<hbm>>) target(%dma_start3A_1415 : memref<6256xf32, #tpu.memory_space<vmem>>) target_semaphore(%run_scoped3A : memref<!tpu.dma_semaphore, #tpu.memory_space<semaphore_mem>>)
      %dma_wait3A_1417 = arith.constant 0 : i32
      %dma_wait3A_1418 = tpu.memref_slice %arg8[%dma_wait3A_1417] : memref<100096xf32, #tpu.memory_space<vmem>> -> memref<6256xf32, #tpu.memory_space<vmem>>
      %dma_wait3A_1419 = tpu.memref_slice %arg6[%add3A_412] : memref<3203072xf32, #tpu.memory_space<hbm>> -> memref<6256xf32, #tpu.memory_space<hbm>>
      %dma_wait3A_1420 = arith.constant 0 : i32
      %dma_wait3A_1421 = tpu.memref_slice %arg8[%dma_wait3A_1420] : memref<100096xf32, #tpu.memory_space<vmem>> -> memref<6256xf32, #tpu.memory_space<vmem>>
      %dma_wait3A_1422 = tpu.memref_slice %arg6[%add3A_412] : memref<3203072xf32, #tpu.memory_space<hbm>> -> memref<6256xf32, #tpu.memory_space<hbm>>
      tpu.wait_dma2 semaphore(%run_scoped3A : memref<!tpu.dma_semaphore, #tpu.memory_space<semaphore_mem>>) src(%dma_wait3A_1422 : memref<6256xf32, #tpu.memory_space<hbm>>) dst(%dma_wait3A_1421 : memref<6256xf32, #tpu.memory_space<vmem>>)
      tpu.yield
    }) : () -> ()
    %add3A_413 = arith.constant 100096 : i32
    %add3A_414 = arith.addi %mul3A_411, %add3A_413 : i32
    %add3A_415 = arith.addi %add3A_414, %mul3A_407 : i32
    %add3A_416 = arith.constant 0 : i32
    %add3A_417 = arith.addi %add3A_415, %add3A_416 : i32
    %dma_start3A_418 = arith.constant 0 : i32
    %dma_start3A_419 = tpu.memref_slice %arg13[%dma_start3A_418] : memref<3200xf32, #tpu.memory_space<vmem>> -> memref<3136xf32, #tpu.memory_space<vmem>>
    %dma_start3A_420 = tpu.memref_slice %arg6[%add3A_417] : memref<3203072xf32, #tpu.memory_space<hbm>> -> memref<3136xf32, #tpu.memory_space<hbm>>
    %dma_start3A_421 = arith.constant 0 : i32
    %dma_start3A_422 = tpu.memref_slice %arg13[%dma_start3A_421] : memref<3200xf32, #tpu.memory_space<vmem>> -> memref<3136xf32, #tpu.memory_space<vmem>>
    %dma_start3A_423 = tpu.memref_slice %arg6[%add3A_417] : memref<3203072xf32, #tpu.memory_space<hbm>> -> memref<3136xf32, #tpu.memory_space<hbm>>
    tpu.enqueue_dma source(%dma_start3A_423 : memref<3136xf32, #tpu.memory_space<hbm>>) target(%dma_start3A_422 : memref<3136xf32, #tpu.memory_space<vmem>>) target_semaphore(%arg15 : memref<!tpu.dma_semaphore, #tpu.memory_space<semaphore_mem>>)
    %add3A_424 = arith.constant 100096 : i32
    %add3A_425 = arith.addi %mul3A_411, %add3A_424 : i32
    %add3A_426 = arith.addi %add3A_425, %mul3A_407 : i32
    %add3A_427 = arith.constant 3136 : i32
    %add3A_428 = arith.addi %add3A_426, %add3A_427 : i32
    %dma_start3A_429 = arith.constant 0 : i32
    %dma_start3A_430 = tpu.memref_slice %arg14[%dma_start3A_429] : memref<3200xf32, #tpu.memory_space<vmem>> -> memref<3120xf32, #tpu.memory_space<vmem>>
    %dma_start3A_431 = tpu.memref_slice %arg6[%add3A_428] : memref<3203072xf32, #tpu.memory_space<hbm>> -> memref<3120xf32, #tpu.memory_space<hbm>>
    %dma_start3A_432 = arith.constant 0 : i32
    %dma_start3A_433 = tpu.memref_slice %arg14[%dma_start3A_432] : memref<3200xf32, #tpu.memory_space<vmem>> -> memref<3120xf32, #tpu.memory_space<vmem>>
    %dma_start3A_434 = tpu.memref_slice %arg6[%add3A_428] : memref<3203072xf32, #tpu.memory_space<hbm>> -> memref<3120xf32, #tpu.memory_space<hbm>>
    tpu.enqueue_dma source(%dma_start3A_434 : memref<3120xf32, #tpu.memory_space<hbm>>) target(%dma_start3A_433 : memref<3120xf32, #tpu.memory_space<vmem>>) target_semaphore(%arg16 : memref<!tpu.dma_semaphore, #tpu.memory_space<semaphore_mem>>)
    %add3A_435 = arith.constant 100096 : i32
    %add3A_436 = arith.addi %mul3A_411, %add3A_435 : i32
    %add3A_437 = arith.addi %add3A_436, %mul3A_407 : i32
    %add3A_438 = arith.constant 0 : i32
    %add3A_439 = arith.addi %add3A_437, %add3A_438 : i32
    %dma_wait3A_440 = arith.constant 0 : i32
    %dma_wait3A_441 = tpu.memref_slice %arg13[%dma_wait3A_440] : memref<3200xf32, #tpu.memory_space<vmem>> -> memref<3136xf32, #tpu.memory_space<vmem>>
    %dma_wait3A_442 = tpu.memref_slice %arg6[%add3A_439] : memref<3203072xf32, #tpu.memory_space<hbm>> -> memref<3136xf32, #tpu.memory_space<hbm>>
    %dma_wait3A_443 = arith.constant 0 : i32
    %dma_wait3A_444 = tpu.memref_slice %arg13[%dma_wait3A_443] : memref<3200xf32, #tpu.memory_space<vmem>> -> memref<3136xf32, #tpu.memory_space<vmem>>
    %dma_wait3A_445 = tpu.memref_slice %arg6[%add3A_439] : memref<3203072xf32, #tpu.memory_space<hbm>> -> memref<3136xf32, #tpu.memory_space<hbm>>
    tpu.wait_dma2 semaphore(%arg15 : memref<!tpu.dma_semaphore, #tpu.memory_space<semaphore_mem>>) src(%dma_wait3A_445 : memref<3136xf32, #tpu.memory_space<hbm>>) dst(%dma_wait3A_444 : memref<3136xf32, #tpu.memory_space<vmem>>)
    %add3A_446 = arith.constant 100096 : i32
    %add3A_447 = arith.addi %mul3A_411, %add3A_446 : i32
    %add3A_448 = arith.addi %add3A_447, %mul3A_407 : i32
    %add3A_449 = arith.constant 0 : i32
    %add3A_450 = arith.addi %add3A_448, %add3A_449 : i32
    %scan3A_451 = arith.constant 0 : i32
    %scan3A_452 = arith.constant 0 : i32
    %scan3A_453 = arith.constant 196 : i32
    %scan3A_454 = arith.addi %scan3A_452, %scan3A_453 : i32
    %scan3A_455 = arith.constant 1 : i32
    scf.for %scan3A_1411 = %scan3A_452 to %scan3A_454 step %scan3A_455  : i32 {
      %mul3A_1412 = arith.constant 16 : i32
      %mul3A_1413 = arith.muli %scan3A_1411, %mul3A_1412 : i32
      %add3A_1414 = arith.constant 0 : i32
      %add3A_1415 = arith.addi %add3A_1414, %mul3A_1413 : i32
      %get3A = arith.index_cast %add3A_1415 : i32 to index
      %get3A_1416 = tpu.vector_load %arg8[%get3A] {strides = array<i32>} : memref<100096xf32, #tpu.memory_space<vmem>>, vector<16xf32>,
      %get3A_1417 = arith.index_cast %mul3A_1413 : i32 to index
      %get3A_1418 = tpu.vector_load %arg13[%get3A_1417] {strides = array<i32>} : memref<3200xf32, #tpu.memory_space<vmem>>, vector<16xf32>,
      %max3A = arith.maximumf %get3A_1416, %get3A_1418 : vector<16xf32>
      %add3A_1419 = arith.constant 0 : i32
      %add3A_1420 = arith.addi %add3A_1419, %mul3A_1413 : i32
      %swap3A = arith.index_cast %add3A_1420 : i32 to index
      %swap3A_1421 = tpu.vector_load %arg8[%swap3A] {strides = array<i32>} : memref<100096xf32, #tpu.memory_space<vmem>>, vector<16xf32>,
      tpu.vector_store %arg8[%swap3A], %max3A {strides = array<i32>} : memref<100096xf32, #tpu.memory_space<vmem>>, vector<16xf32>,
    }
    %scan3A_456 = arith.constant 196 : i32
    %add3A_457 = arith.constant 200192 : i32
    %add3A_458 = arith.addi %mul3A_411, %add3A_457 : i32
    %add3A_459 = arith.addi %add3A_458, %mul3A_407 : i32
    %add3A_460 = arith.constant 0 : i32
    %add3A_461 = arith.addi %add3A_459, %add3A_460 : i32
    %dma_start3A_462 = arith.constant 0 : i32
    %dma_start3A_463 = tpu.memref_slice %arg13[%dma_start3A_462] : memref<3200xf32, #tpu.memory_space<vmem>> -> memref<3136xf32, #tpu.memory_space<vmem>>
    %dma_start3A_464 = tpu.memref_slice %arg6[%add3A_461] : memref<3203072xf32, #tpu.memory_space<hbm>> -> memref<3136xf32, #tpu.memory_space<hbm>>
    %dma_start3A_465 = arith.constant 0 : i32
    %dma_start3A_466 = tpu.memref_slice %arg13[%dma_start3A_465] : memref<3200xf32, #tpu.memory_space<vmem>> -> memref<3136xf32, #tpu.memory_space<vmem>>
    %dma_start3A_467 = tpu.memref_slice %arg6[%add3A_461] : memref<3203072xf32, #tpu.memory_space<hbm>> -> memref<3136xf32, #tpu.memory_space<hbm>>
    tpu.enqueue_dma source(%dma_start3A_467 : memref<3136xf32, #tpu.memory_space<hbm>>) target(%dma_start3A_466 : memref<3136xf32, #tpu.memory_space<vmem>>) target_semaphore(%arg15 : memref<!tpu.dma_semaphore, #tpu.memory_space<semaphore_mem>>)
    %add3A_468 = arith.constant 100096 : i32
    %add3A_469 = arith.addi %mul3A_411, %add3A_468 : i32
    %add3A_470 = arith.addi %add3A_469, %mul3A_407 : i32
    %add3A_471 = arith.constant 3136 : i32
    %add3A_472 = arith.addi %add3A_470, %add3A_471 : i32
    %dma_wait3A_473 = arith.constant 0 : i32
    %dma_wait3A_474 = tpu.memref_slice %arg14[%dma_wait3A_473] : memref<3200xf32, #tpu.memory_space<vmem>> -> memref<3120xf32, #tpu.memory_space<vmem>>
    %dma_wait3A_475 = tpu.memref_slice %arg6[%add3A_472] : memref<3203072xf32, #tpu.memory_space<hbm>> -> memref<3120xf32, #tpu.memory_space<hbm>>
    %dma_wait3A_476 = arith.constant 0 : i32
    %dma_wait3A_477 = tpu.memref_slice %arg14[%dma_wait3A_476] : memref<3200xf32, #tpu.memory_space<vmem>> -> memref<3120xf32, #tpu.memory_space<vmem>>
    %dma_wait3A_478 = tpu.memref_slice %arg6[%add3A_472] : memref<3203072xf32, #tpu.memory_space<hbm>> -> memref<3120xf32, #tpu.memory_space<hbm>>
    tpu.wait_dma2 semaphore(%arg16 : memref<!tpu.dma_semaphore, #tpu.memory_space<semaphore_mem>>) src(%dma_wait3A_478 : memref<3120xf32, #tpu.memory_space<hbm>>) dst(%dma_wait3A_477 : memref<3120xf32, #tpu.memory_space<vmem>>)
    %add3A_479 = arith.constant 100096 : i32
    %add3A_480 = arith.addi %mul3A_411, %add3A_479 : i32
    %add3A_481 = arith.addi %add3A_480, %mul3A_407 : i32
    %add3A_482 = arith.constant 3136 : i32
    %add3A_483 = arith.addi %add3A_481, %add3A_482 : i32
    %scan3A_484 = arith.constant 0 : i32
    %scan3A_485 = arith.constant 0 : i32
    %scan3A_486 = arith.constant 195 : i32
    %scan3A_487 = arith.addi %scan3A_485, %scan3A_486 : i32
    %scan3A_488 = arith.constant 1 : i32
    scf.for %scan3A_1411 = %scan3A_485 to %scan3A_487 step %scan3A_488  : i32 {
      %mul3A_1412 = arith.constant 16 : i32
      %mul3A_1413 = arith.muli %scan3A_1411, %mul3A_1412 : i32
      %add3A_1414 = arith.constant 3136 : i32
      %add3A_1415 = arith.addi %add3A_1414, %mul3A_1413 : i32
      %get3A = arith.index_cast %add3A_1415 : i32 to index
      %get3A_1416 = tpu.vector_load %arg8[%get3A] {strides = array<i32>} : memref<100096xf32, #tpu.memory_space<vmem>>, vector<16xf32>,
      %get3A_1417 = arith.index_cast %mul3A_1413 : i32 to index
      %get3A_1418 = tpu.vector_load %arg14[%get3A_1417] {strides = array<i32>} : memref<3200xf32, #tpu.memory_space<vmem>>, vector<16xf32>,
      %max3A = arith.maximumf %get3A_1416, %get3A_1418 : vector<16xf32>
      %add3A_1419 = arith.constant 3136 : i32
      %add3A_1420 = arith.addi %add3A_1419, %mul3A_1413 : i32
      %swap3A = arith.index_cast %add3A_1420 : i32 to index
      %swap3A_1421 = tpu.vector_load %arg8[%swap3A] {strides = array<i32>} : memref<100096xf32, #tpu.memory_space<vmem>>, vector<16xf32>,
      tpu.vector_store %arg8[%swap3A], %max3A {strides = array<i32>} : memref<100096xf32, #tpu.memory_space<vmem>>, vector<16xf32>,
    }
    %scan3A_489 = arith.constant 195 : i32
    %add3A_490 = arith.constant 200192 : i32
    %add3A_491 = arith.addi %mul3A_411, %add3A_490 : i32
    %add3A_492 = arith.addi %add3A_491, %mul3A_407 : i32
    %add3A_493 = arith.constant 3136 : i32
    %add3A_494 = arith.addi %add3A_492, %add3A_493 : i32
    %dma_start3A_495 = arith.constant 0 : i32
    %dma_start3A_496 = tpu.memref_slice %arg14[%dma_start3A_495] : memref<3200xf32, #tpu.memory_space<vmem>> -> memref<3120xf32, #tpu.memory_space<vmem>>
    %dma_start3A_497 = tpu.memref_slice %arg6[%add3A_494] : memref<3203072xf32, #tpu.memory_space<hbm>> -> memref<3120xf32, #tpu.memory_space<hbm>>
    %dma_start3A_498 = arith.constant 0 : i32
    %dma_start3A_499 = tpu.memref_slice %arg14[%dma_start3A_498] : memref<3200xf32, #tpu.memory_space<vmem>> -> memref<3120xf32, #tpu.memory_space<vmem>>
    %dma_start3A_500 = tpu.memref_slice %arg6[%add3A_494] : memref<3203072xf32, #tpu.memory_space<hbm>> -> memref<3120xf32, #tpu.memory_space<hbm>>
    tpu.enqueue_dma source(%dma_start3A_500 : memref<3120xf32, #tpu.memory_space<hbm>>) target(%dma_start3A_499 : memref<3120xf32, #tpu.memory_space<vmem>>) target_semaphore(%arg16 : memref<!tpu.dma_semaphore, #tpu.memory_space<semaphore_mem>>)
    %add3A_501 = arith.constant 200192 : i32
    %add3A_502 = arith.addi %mul3A_411, %add3A_501 : i32
    %add3A_503 = arith.addi %add3A_502, %mul3A_407 : i32
    %add3A_504 = arith.constant 0 : i32
    %add3A_505 = arith.addi %add3A_503, %add3A_504 : i32
    %dma_wait3A_506 = arith.constant 0 : i32
    %dma_wait3A_507 = tpu.memref_slice %arg13[%dma_wait3A_506] : memref<3200xf32, #tpu.memory_space<vmem>> -> memref<3136xf32, #tpu.memory_space<vmem>>
    %dma_wait3A_508 = tpu.memref_slice %arg6[%add3A_505] : memref<3203072xf32, #tpu.memory_space<hbm>> -> memref<3136xf32, #tpu.memory_space<hbm>>
    %dma_wait3A_509 = arith.constant 0 : i32
    %dma_wait3A_510 = tpu.memref_slice %arg13[%dma_wait3A_509] : memref<3200xf32, #tpu.memory_space<vmem>> -> memref<3136xf32, #tpu.memory_space<vmem>>
    %dma_wait3A_511 = tpu.memref_slice %arg6[%add3A_505] : memref<3203072xf32, #tpu.memory_space<hbm>> -> memref<3136xf32, #tpu.memory_space<hbm>>
    tpu.wait_dma2 semaphore(%arg15 : memref<!tpu.dma_semaphore, #tpu.memory_space<semaphore_mem>>) src(%dma_wait3A_511 : memref<3136xf32, #tpu.memory_space<hbm>>) dst(%dma_wait3A_510 : memref<3136xf32, #tpu.memory_space<vmem>>)
    %add3A_512 = arith.constant 200192 : i32
    %add3A_513 = arith.addi %mul3A_411, %add3A_512 : i32
    %add3A_514 = arith.addi %add3A_513, %mul3A_407 : i32
    %add3A_515 = arith.constant 0 : i32
    %add3A_516 = arith.addi %add3A_514, %add3A_515 : i32
    %scan3A_517 = arith.constant 0 : i32
    %scan3A_518 = arith.constant 0 : i32
    %scan3A_519 = arith.constant 196 : i32
    %scan3A_520 = arith.addi %scan3A_518, %scan3A_519 : i32
    %scan3A_521 = arith.constant 1 : i32
    scf.for %scan3A_1411 = %scan3A_518 to %scan3A_520 step %scan3A_521  : i32 {
      %mul3A_1412 = arith.constant 16 : i32
      %mul3A_1413 = arith.muli %scan3A_1411, %mul3A_1412 : i32
      %add3A_1414 = arith.constant 0 : i32
      %add3A_1415 = arith.addi %add3A_1414, %mul3A_1413 : i32
      %get3A = arith.index_cast %add3A_1415 : i32 to index
      %get3A_1416 = tpu.vector_load %arg8[%get3A] {strides = array<i32>} : memref<100096xf32, #tpu.memory_space<vmem>>, vector<16xf32>,
      %get3A_1417 = arith.index_cast %mul3A_1413 : i32 to index
      %get3A_1418 = tpu.vector_load %arg13[%get3A_1417] {strides = array<i32>} : memref<3200xf32, #tpu.memory_space<vmem>>, vector<16xf32>,
      %max3A = arith.maximumf %get3A_1416, %get3A_1418 : vector<16xf32>
      %add3A_1419 = arith.constant 0 : i32
      %add3A_1420 = arith.addi %add3A_1419, %mul3A_1413 : i32
      %swap3A = arith.index_cast %add3A_1420 : i32 to index
      %swap3A_1421 = tpu.vector_load %arg8[%swap3A] {strides = array<i32>} : memref<100096xf32, #tpu.memory_space<vmem>>, vector<16xf32>,
      tpu.vector_store %arg8[%swap3A], %max3A {strides = array<i32>} : memref<100096xf32, #tpu.memory_space<vmem>>, vector<16xf32>,
    }
    %scan3A_522 = arith.constant 196 : i32
    %add3A_523 = arith.constant 300288 : i32
    %add3A_524 = arith.addi %mul3A_411, %add3A_523 : i32
    %add3A_525 = arith.addi %add3A_524, %mul3A_407 : i32
    %add3A_526 = arith.constant 0 : i32
    %add3A_527 = arith.addi %add3A_525, %add3A_526 : i32
    %dma_start3A_528 = arith.constant 0 : i32
    %dma_start3A_529 = tpu.memref_slice %arg13[%dma_start3A_528] : memref<3200xf32, #tpu.memory_space<vmem>> -> memref<3136xf32, #tpu.memory_space<vmem>>
    %dma_start3A_530 = tpu.memref_slice %arg6[%add3A_527] : memref<3203072xf32, #tpu.memory_space<hbm>> -> memref<3136xf32, #tpu.memory_space<hbm>>
    %dma_start3A_531 = arith.constant 0 : i32
    %dma_start3A_532 = tpu.memref_slice %arg13[%dma_start3A_531] : memref<3200xf32, #tpu.memory_space<vmem>> -> memref<3136xf32, #tpu.memory_space<vmem>>
    %dma_start3A_533 = tpu.memref_slice %arg6[%add3A_527] : memref<3203072xf32, #tpu.memory_space<hbm>> -> memref<3136xf32, #tpu.memory_space<hbm>>
    tpu.enqueue_dma source(%dma_start3A_533 : memref<3136xf32, #tpu.memory_space<hbm>>) target(%dma_start3A_532 : memref<3136xf32, #tpu.memory_space<vmem>>) target_semaphore(%arg15 : memref<!tpu.dma_semaphore, #tpu.memory_space<semaphore_mem>>)
    %add3A_534 = arith.constant 200192 : i32
    %add3A_535 = arith.addi %mul3A_411, %add3A_534 : i32
    %add3A_536 = arith.addi %add3A_535, %mul3A_407 : i32
    %add3A_537 = arith.constant 3136 : i32
    %add3A_538 = arith.addi %add3A_536, %add3A_537 : i32
    %dma_wait3A_539 = arith.constant 0 : i32
    %dma_wait3A_540 = tpu.memref_slice %arg14[%dma_wait3A_539] : memref<3200xf32, #tpu.memory_space<vmem>> -> memref<3120xf32, #tpu.memory_space<vmem>>
    %dma_wait3A_541 = tpu.memref_slice %arg6[%add3A_538] : memref<3203072xf32, #tpu.memory_space<hbm>> -> memref<3120xf32, #tpu.memory_space<hbm>>
    %dma_wait3A_542 = arith.constant 0 : i32
    %dma_wait3A_543 = tpu.memref_slice %arg14[%dma_wait3A_542] : memref<3200xf32, #tpu.memory_space<vmem>> -> memref<3120xf32, #tpu.memory_space<vmem>>
    %dma_wait3A_544 = tpu.memref_slice %arg6[%add3A_538] : memref<3203072xf32, #tpu.memory_space<hbm>> -> memref<3120xf32, #tpu.memory_space<hbm>>
    tpu.wait_dma2 semaphore(%arg16 : memref<!tpu.dma_semaphore, #tpu.memory_space<semaphore_mem>>) src(%dma_wait3A_544 : memref<3120xf32, #tpu.memory_space<hbm>>) dst(%dma_wait3A_543 : memref<3120xf32, #tpu.memory_space<vmem>>)
    %add3A_545 = arith.constant 200192 : i32
    %add3A_546 = arith.addi %mul3A_411, %add3A_545 : i32
    %add3A_547 = arith.addi %add3A_546, %mul3A_407 : i32
    %add3A_548 = arith.constant 3136 : i32
    %add3A_549 = arith.addi %add3A_547, %add3A_548 : i32
    %scan3A_550 = arith.constant 0 : i32
    %scan3A_551 = arith.constant 0 : i32
    %scan3A_552 = arith.constant 195 : i32
    %scan3A_553 = arith.addi %scan3A_551, %scan3A_552 : i32
    %scan3A_554 = arith.constant 1 : i32
    scf.for %scan3A_1411 = %scan3A_551 to %scan3A_553 step %scan3A_554  : i32 {
      %mul3A_1412 = arith.constant 16 : i32
      %mul3A_1413 = arith.muli %scan3A_1411, %mul3A_1412 : i32
      %add3A_1414 = arith.constant 3136 : i32
      %add3A_1415 = arith.addi %add3A_1414, %mul3A_1413 : i32
      %get3A = arith.index_cast %add3A_1415 : i32 to index
      %get3A_1416 = tpu.vector_load %arg8[%get3A] {strides = array<i32>} : memref<100096xf32, #tpu.memory_space<vmem>>, vector<16xf32>,
      %get3A_1417 = arith.index_cast %mul3A_1413 : i32 to index
      %get3A_1418 = tpu.vector_load %arg14[%get3A_1417] {strides = array<i32>} : memref<3200xf32, #tpu.memory_space<vmem>>, vector<16xf32>,
      %max3A = arith.maximumf %get3A_1416, %get3A_1418 : vector<16xf32>
      %add3A_1419 = arith.constant 3136 : i32
      %add3A_1420 = arith.addi %add3A_1419, %mul3A_1413 : i32
      %swap3A = arith.index_cast %add3A_1420 : i32 to index
      %swap3A_1421 = tpu.vector_load %arg8[%swap3A] {strides = array<i32>} : memref<100096xf32, #tpu.memory_space<vmem>>, vector<16xf32>,
      tpu.vector_store %arg8[%swap3A], %max3A {strides = array<i32>} : memref<100096xf32, #tpu.memory_space<vmem>>, vector<16xf32>,
    }
    %scan3A_555 = arith.constant 195 : i32
    %add3A_556 = arith.constant 300288 : i32
    %add3A_557 = arith.addi %mul3A_411, %add3A_556 : i32
    %add3A_558 = arith.addi %add3A_557, %mul3A_407 : i32
    %add3A_559 = arith.constant 3136 : i32
    %add3A_560 = arith.addi %add3A_558, %add3A_559 : i32
    %dma_start3A_561 = arith.constant 0 : i32
    %dma_start3A_562 = tpu.memref_slice %arg14[%dma_start3A_561] : memref<3200xf32, #tpu.memory_space<vmem>> -> memref<3120xf32, #tpu.memory_space<vmem>>
    %dma_start3A_563 = tpu.memref_slice %arg6[%add3A_560] : memref<3203072xf32, #tpu.memory_space<hbm>> -> memref<3120xf32, #tpu.memory_space<hbm>>
    %dma_start3A_564 = arith.constant 0 : i32
    %dma_start3A_565 = tpu.memref_slice %arg14[%dma_start3A_564] : memref<3200xf32, #tpu.memory_space<vmem>> -> memref<3120xf32, #tpu.memory_space<vmem>>
    %dma_start3A_566 = tpu.memref_slice %arg6[%add3A_560] : memref<3203072xf32, #tpu.memory_space<hbm>> -> memref<3120xf32, #tpu.memory_space<hbm>>
    tpu.enqueue_dma source(%dma_start3A_566 : memref<3120xf32, #tpu.memory_space<hbm>>) target(%dma_start3A_565 : memref<3120xf32, #tpu.memory_space<vmem>>) target_semaphore(%arg16 : memref<!tpu.dma_semaphore, #tpu.memory_space<semaphore_mem>>)
    %add3A_567 = arith.constant 300288 : i32
    %add3A_568 = arith.addi %mul3A_411, %add3A_567 : i32
    %add3A_569 = arith.addi %add3A_568, %mul3A_407 : i32
    %add3A_570 = arith.constant 0 : i32
    %add3A_571 = arith.addi %add3A_569, %add3A_570 : i32
    %dma_wait3A_572 = arith.constant 0 : i32
    %dma_wait3A_573 = tpu.memref_slice %arg13[%dma_wait3A_572] : memref<3200xf32, #tpu.memory_space<vmem>> -> memref<3136xf32, #tpu.memory_space<vmem>>
    %dma_wait3A_574 = tpu.memref_slice %arg6[%add3A_571] : memref<3203072xf32, #tpu.memory_space<hbm>> -> memref<3136xf32, #tpu.memory_space<hbm>>
    %dma_wait3A_575 = arith.constant 0 : i32
    %dma_wait3A_576 = tpu.memref_slice %arg13[%dma_wait3A_575] : memref<3200xf32, #tpu.memory_space<vmem>> -> memref<3136xf32, #tpu.memory_space<vmem>>
    %dma_wait3A_577 = tpu.memref_slice %arg6[%add3A_571] : memref<3203072xf32, #tpu.memory_space<hbm>> -> memref<3136xf32, #tpu.memory_space<hbm>>
    tpu.wait_dma2 semaphore(%arg15 : memref<!tpu.dma_semaphore, #tpu.memory_space<semaphore_mem>>) src(%dma_wait3A_577 : memref<3136xf32, #tpu.memory_space<hbm>>) dst(%dma_wait3A_576 : memref<3136xf32, #tpu.memory_space<vmem>>)
    %add3A_578 = arith.constant 300288 : i32
    %add3A_579 = arith.addi %mul3A_411, %add3A_578 : i32
    %add3A_580 = arith.addi %add3A_579, %mul3A_407 : i32
    %add3A_581 = arith.constant 0 : i32
    %add3A_582 = arith.addi %add3A_580, %add3A_581 : i32
    %scan3A_583 = arith.constant 0 : i32
    %scan3A_584 = arith.constant 0 : i32
    %scan3A_585 = arith.constant 196 : i32
    %scan3A_586 = arith.addi %scan3A_584, %scan3A_585 : i32
    %scan3A_587 = arith.constant 1 : i32
    scf.for %scan3A_1411 = %scan3A_584 to %scan3A_586 step %scan3A_587  : i32 {
      %mul3A_1412 = arith.constant 16 : i32
      %mul3A_1413 = arith.muli %scan3A_1411, %mul3A_1412 : i32
      %add3A_1414 = arith.constant 0 : i32
      %add3A_1415 = arith.addi %add3A_1414, %mul3A_1413 : i32
      %get3A = arith.index_cast %add3A_1415 : i32 to index
      %get3A_1416 = tpu.vector_load %arg8[%get3A] {strides = array<i32>} : memref<100096xf32, #tpu.memory_space<vmem>>, vector<16xf32>,
      %get3A_1417 = arith.index_cast %mul3A_1413 : i32 to index
      %get3A_1418 = tpu.vector_load %arg13[%get3A_1417] {strides = array<i32>} : memref<3200xf32, #tpu.memory_space<vmem>>, vector<16xf32>,
      %max3A = arith.maximumf %get3A_1416, %get3A_1418 : vector<16xf32>
      %add3A_1419 = arith.constant 0 : i32
      %add3A_1420 = arith.addi %add3A_1419, %mul3A_1413 : i32
      %swap3A = arith.index_cast %add3A_1420 : i32 to index
      %swap3A_1421 = tpu.vector_load %arg8[%swap3A] {strides = array<i32>} : memref<100096xf32, #tpu.memory_space<vmem>>, vector<16xf32>,
      tpu.vector_store %arg8[%swap3A], %max3A {strides = array<i32>} : memref<100096xf32, #tpu.memory_space<vmem>>, vector<16xf32>,
    }
    %scan3A_588 = arith.constant 196 : i32
    %add3A_589 = arith.constant 400384 : i32
    %add3A_590 = arith.addi %mul3A_411, %add3A_589 : i32
    %add3A_591 = arith.addi %add3A_590, %mul3A_407 : i32
    %add3A_592 = arith.constant 0 : i32
    %add3A_593 = arith.addi %add3A_591, %add3A_592 : i32
    %dma_start3A_594 = arith.constant 0 : i32
    %dma_start3A_595 = tpu.memref_slice %arg13[%dma_start3A_594] : memref<3200xf32, #tpu.memory_space<vmem>> -> memref<3136xf32, #tpu.memory_space<vmem>>
    %dma_start3A_596 = tpu.memref_slice %arg6[%add3A_593] : memref<3203072xf32, #tpu.memory_space<hbm>> -> memref<3136xf32, #tpu.memory_space<hbm>>
    %dma_start3A_597 = arith.constant 0 : i32
    %dma_start3A_598 = tpu.memref_slice %arg13[%dma_start3A_597] : memref<3200xf32, #tpu.memory_space<vmem>> -> memref<3136xf32, #tpu.memory_space<vmem>>
    %dma_start3A_599 = tpu.memref_slice %arg6[%add3A_593] : memref<3203072xf32, #tpu.memory_space<hbm>> -> memref<3136xf32, #tpu.memory_space<hbm>>
    tpu.enqueue_dma source(%dma_start3A_599 : memref<3136xf32, #tpu.memory_space<hbm>>) target(%dma_start3A_598 : memref<3136xf32, #tpu.memory_space<vmem>>) target_semaphore(%arg15 : memref<!tpu.dma_semaphore, #tpu.memory_space<semaphore_mem>>)
    %add3A_600 = arith.constant 300288 : i32
    %add3A_601 = arith.addi %mul3A_411, %add3A_600 : i32
    %add3A_602 = arith.addi %add3A_601, %mul3A_407 : i32
    %add3A_603 = arith.constant 3136 : i32
    %add3A_604 = arith.addi %add3A_602, %add3A_603 : i32
    %dma_wait3A_605 = arith.constant 0 : i32
    %dma_wait3A_606 = tpu.memref_slice %arg14[%dma_wait3A_605] : memref<3200xf32, #tpu.memory_space<vmem>> -> memref<3120xf32, #tpu.memory_space<vmem>>
    %dma_wait3A_607 = tpu.memref_slice %arg6[%add3A_604] : memref<3203072xf32, #tpu.memory_space<hbm>> -> memref<3120xf32, #tpu.memory_space<hbm>>
    %dma_wait3A_608 = arith.constant 0 : i32
    %dma_wait3A_609 = tpu.memref_slice %arg14[%dma_wait3A_608] : memref<3200xf32, #tpu.memory_space<vmem>> -> memref<3120xf32, #tpu.memory_space<vmem>>
    %dma_wait3A_610 = tpu.memref_slice %arg6[%add3A_604] : memref<3203072xf32, #tpu.memory_space<hbm>> -> memref<3120xf32, #tpu.memory_space<hbm>>
    tpu.wait_dma2 semaphore(%arg16 : memref<!tpu.dma_semaphore, #tpu.memory_space<semaphore_mem>>) src(%dma_wait3A_610 : memref<3120xf32, #tpu.memory_space<hbm>>) dst(%dma_wait3A_609 : memref<3120xf32, #tpu.memory_space<vmem>>)
    %add3A_611 = arith.constant 300288 : i32
    %add3A_612 = arith.addi %mul3A_411, %add3A_611 : i32
    %add3A_613 = arith.addi %add3A_612, %mul3A_407 : i32
    %add3A_614 = arith.constant 3136 : i32
    %add3A_615 = arith.addi %add3A_613, %add3A_614 : i32
    %scan3A_616 = arith.constant 0 : i32
    %scan3A_617 = arith.constant 0 : i32
    %scan3A_618 = arith.constant 195 : i32
    %scan3A_619 = arith.addi %scan3A_617, %scan3A_618 : i32
    %scan3A_620 = arith.constant 1 : i32
    scf.for %scan3A_1411 = %scan3A_617 to %scan3A_619 step %scan3A_620  : i32 {
      %mul3A_1412 = arith.constant 16 : i32
      %mul3A_1413 = arith.muli %scan3A_1411, %mul3A_1412 : i32
      %add3A_1414 = arith.constant 3136 : i32
      %add3A_1415 = arith.addi %add3A_1414, %mul3A_1413 : i32
      %get3A = arith.index_cast %add3A_1415 : i32 to index
      %get3A_1416 = tpu.vector_load %arg8[%get3A] {strides = array<i32>} : memref<100096xf32, #tpu.memory_space<vmem>>, vector<16xf32>,
      %get3A_1417 = arith.index_cast %mul3A_1413 : i32 to index
      %get3A_1418 = tpu.vector_load %arg14[%get3A_1417] {strides = array<i32>} : memref<3200xf32, #tpu.memory_space<vmem>>, vector<16xf32>,
      %max3A = arith.maximumf %get3A_1416, %get3A_1418 : vector<16xf32>
      %add3A_1419 = arith.constant 3136 : i32
      %add3A_1420 = arith.addi %add3A_1419, %mul3A_1413 : i32
      %swap3A = arith.index_cast %add3A_1420 : i32 to index
      %swap3A_1421 = tpu.vector_load %arg8[%swap3A] {strides = array<i32>} : memref<100096xf32, #tpu.memory_space<vmem>>, vector<16xf32>,
      tpu.vector_store %arg8[%swap3A], %max3A {strides = array<i32>} : memref<100096xf32, #tpu.memory_space<vmem>>, vector<16xf32>,
    }
    %scan3A_621 = arith.constant 195 : i32
    %add3A_622 = arith.constant 400384 : i32
    %add3A_623 = arith.addi %mul3A_411, %add3A_622 : i32
    %add3A_624 = arith.addi %add3A_623, %mul3A_407 : i32
    %add3A_625 = arith.constant 3136 : i32
    %add3A_626 = arith.addi %add3A_624, %add3A_625 : i32
    %dma_start3A_627 = arith.constant 0 : i32
    %dma_start3A_628 = tpu.memref_slice %arg14[%dma_start3A_627] : memref<3200xf32, #tpu.memory_space<vmem>> -> memref<3120xf32, #tpu.memory_space<vmem>>
    %dma_start3A_629 = tpu.memref_slice %arg6[%add3A_626] : memref<3203072xf32, #tpu.memory_space<hbm>> -> memref<3120xf32, #tpu.memory_space<hbm>>
    %dma_start3A_630 = arith.constant 0 : i32
    %dma_start3A_631 = tpu.memref_slice %arg14[%dma_start3A_630] : memref<3200xf32, #tpu.memory_space<vmem>> -> memref<3120xf32, #tpu.memory_space<vmem>>
    %dma_start3A_632 = tpu.memref_slice %arg6[%add3A_626] : memref<3203072xf32, #tpu.memory_space<hbm>> -> memref<3120xf32, #tpu.memory_space<hbm>>
    tpu.enqueue_dma source(%dma_start3A_632 : memref<3120xf32, #tpu.memory_space<hbm>>) target(%dma_start3A_631 : memref<3120xf32, #tpu.memory_space<vmem>>) target_semaphore(%arg16 : memref<!tpu.dma_semaphore, #tpu.memory_space<semaphore_mem>>)
    %add3A_633 = arith.constant 400384 : i32
    %add3A_634 = arith.addi %mul3A_411, %add3A_633 : i32
    %add3A_635 = arith.addi %add3A_634, %mul3A_407 : i32
    %add3A_636 = arith.constant 0 : i32
    %add3A_637 = arith.addi %add3A_635, %add3A_636 : i32
    %dma_wait3A_638 = arith.constant 0 : i32
    %dma_wait3A_639 = tpu.memref_slice %arg13[%dma_wait3A_638] : memref<3200xf32, #tpu.memory_space<vmem>> -> memref<3136xf32, #tpu.memory_space<vmem>>
    %dma_wait3A_640 = tpu.memref_slice %arg6[%add3A_637] : memref<3203072xf32, #tpu.memory_space<hbm>> -> memref<3136xf32, #tpu.memory_space<hbm>>
    %dma_wait3A_641 = arith.constant 0 : i32
    %dma_wait3A_642 = tpu.memref_slice %arg13[%dma_wait3A_641] : memref<3200xf32, #tpu.memory_space<vmem>> -> memref<3136xf32, #tpu.memory_space<vmem>>
    %dma_wait3A_643 = tpu.memref_slice %arg6[%add3A_637] : memref<3203072xf32, #tpu.memory_space<hbm>> -> memref<3136xf32, #tpu.memory_space<hbm>>
    tpu.wait_dma2 semaphore(%arg15 : memref<!tpu.dma_semaphore, #tpu.memory_space<semaphore_mem>>) src(%dma_wait3A_643 : memref<3136xf32, #tpu.memory_space<hbm>>) dst(%dma_wait3A_642 : memref<3136xf32, #tpu.memory_space<vmem>>)
    %add3A_644 = arith.constant 400384 : i32
    %add3A_645 = arith.addi %mul3A_411, %add3A_644 : i32
    %add3A_646 = arith.addi %add3A_645, %mul3A_407 : i32
    %add3A_647 = arith.constant 0 : i32
    %add3A_648 = arith.addi %add3A_646, %add3A_647 : i32
    %scan3A_649 = arith.constant 0 : i32
    %scan3A_650 = arith.constant 0 : i32
    %scan3A_651 = arith.constant 196 : i32
    %scan3A_652 = arith.addi %scan3A_650, %scan3A_651 : i32
    %scan3A_653 = arith.constant 1 : i32
    scf.for %scan3A_1411 = %scan3A_650 to %scan3A_652 step %scan3A_653  : i32 {
      %mul3A_1412 = arith.constant 16 : i32
      %mul3A_1413 = arith.muli %scan3A_1411, %mul3A_1412 : i32
      %add3A_1414 = arith.constant 0 : i32
      %add3A_1415 = arith.addi %add3A_1414, %mul3A_1413 : i32
      %get3A = arith.index_cast %add3A_1415 : i32 to index
      %get3A_1416 = tpu.vector_load %arg8[%get3A] {strides = array<i32>} : memref<100096xf32, #tpu.memory_space<vmem>>, vector<16xf32>,
      %get3A_1417 = arith.index_cast %mul3A_1413 : i32 to index
      %get3A_1418 = tpu.vector_load %arg13[%get3A_1417] {strides = array<i32>} : memref<3200xf32, #tpu.memory_space<vmem>>, vector<16xf32>,
      %max3A = arith.maximumf %get3A_1416, %get3A_1418 : vector<16xf32>
      %add3A_1419 = arith.constant 0 : i32
      %add3A_1420 = arith.addi %add3A_1419, %mul3A_1413 : i32
      %swap3A = arith.index_cast %add3A_1420 : i32 to index
      %swap3A_1421 = tpu.vector_load %arg8[%swap3A] {strides = array<i32>} : memref<100096xf32, #tpu.memory_space<vmem>>, vector<16xf32>,
      tpu.vector_store %arg8[%swap3A], %max3A {strides = array<i32>} : memref<100096xf32, #tpu.memory_space<vmem>>, vector<16xf32>,
    }
    %scan3A_654 = arith.constant 196 : i32
    %add3A_655 = arith.constant 500480 : i32
    %add3A_656 = arith.addi %mul3A_411, %add3A_655 : i32
    %add3A_657 = arith.addi %add3A_656, %mul3A_407 : i32
    %add3A_658 = arith.constant 0 : i32
    %add3A_659 = arith.addi %add3A_657, %add3A_658 : i32
    %dma_start3A_660 = arith.constant 0 : i32
    %dma_start3A_661 = tpu.memref_slice %arg13[%dma_start3A_660] : memref<3200xf32, #tpu.memory_space<vmem>> -> memref<3136xf32, #tpu.memory_space<vmem>>
    %dma_start3A_662 = tpu.memref_slice %arg6[%add3A_659] : memref<3203072xf32, #tpu.memory_space<hbm>> -> memref<3136xf32, #tpu.memory_space<hbm>>
    %dma_start3A_663 = arith.constant 0 : i32
    %dma_start3A_664 = tpu.memref_slice %arg13[%dma_start3A_663] : memref<3200xf32, #tpu.memory_space<vmem>> -> memref<3136xf32, #tpu.memory_space<vmem>>
    %dma_start3A_665 = tpu.memref_slice %arg6[%add3A_659] : memref<3203072xf32, #tpu.memory_space<hbm>> -> memref<3136xf32, #tpu.memory_space<hbm>>
    tpu.enqueue_dma source(%dma_start3A_665 : memref<3136xf32, #tpu.memory_space<hbm>>) target(%dma_start3A_664 : memref<3136xf32, #tpu.memory_space<vmem>>) target_semaphore(%arg15 : memref<!tpu.dma_semaphore, #tpu.memory_space<semaphore_mem>>)
    %add3A_666 = arith.constant 400384 : i32
    %add3A_667 = arith.addi %mul3A_411, %add3A_666 : i32
    %add3A_668 = arith.addi %add3A_667, %mul3A_407 : i32
    %add3A_669 = arith.constant 3136 : i32
    %add3A_670 = arith.addi %add3A_668, %add3A_669 : i32
    %dma_wait3A_671 = arith.constant 0 : i32
    %dma_wait3A_672 = tpu.memref_slice %arg14[%dma_wait3A_671] : memref<3200xf32, #tpu.memory_space<vmem>> -> memref<3120xf32, #tpu.memory_space<vmem>>
    %dma_wait3A_673 = tpu.memref_slice %arg6[%add3A_670] : memref<3203072xf32, #tpu.memory_space<hbm>> -> memref<3120xf32, #tpu.memory_space<hbm>>
    %dma_wait3A_674 = arith.constant 0 : i32
    %dma_wait3A_675 = tpu.memref_slice %arg14[%dma_wait3A_674] : memref<3200xf32, #tpu.memory_space<vmem>> -> memref<3120xf32, #tpu.memory_space<vmem>>
    %dma_wait3A_676 = tpu.memref_slice %arg6[%add3A_670] : memref<3203072xf32, #tpu.memory_space<hbm>> -> memref<3120xf32, #tpu.memory_space<hbm>>
    tpu.wait_dma2 semaphore(%arg16 : memref<!tpu.dma_semaphore, #tpu.memory_space<semaphore_mem>>) src(%dma_wait3A_676 : memref<3120xf32, #tpu.memory_space<hbm>>) dst(%dma_wait3A_675 : memref<3120xf32, #tpu.memory_space<vmem>>)
    %add3A_677 = arith.constant 400384 : i32
    %add3A_678 = arith.addi %mul3A_411, %add3A_677 : i32
    %add3A_679 = arith.addi %add3A_678, %mul3A_407 : i32
    %add3A_680 = arith.constant 3136 : i32
    %add3A_681 = arith.addi %add3A_679, %add3A_680 : i32
    %scan3A_682 = arith.constant 0 : i32
    %scan3A_683 = arith.constant 0 : i32
    %scan3A_684 = arith.constant 195 : i32
    %scan3A_685 = arith.addi %scan3A_683, %scan3A_684 : i32
    %scan3A_686 = arith.constant 1 : i32
    scf.for %scan3A_1411 = %scan3A_683 to %scan3A_685 step %scan3A_686  : i32 {
      %mul3A_1412 = arith.constant 16 : i32
      %mul3A_1413 = arith.muli %scan3A_1411, %mul3A_1412 : i32
      %add3A_1414 = arith.constant 3136 : i32
      %add3A_1415 = arith.addi %add3A_1414, %mul3A_1413 : i32
      %get3A = arith.index_cast %add3A_1415 : i32 to index
      %get3A_1416 = tpu.vector_load %arg8[%get3A] {strides = array<i32>} : memref<100096xf32, #tpu.memory_space<vmem>>, vector<16xf32>,
      %get3A_1417 = arith.index_cast %mul3A_1413 : i32 to index
      %get3A_1418 = tpu.vector_load %arg14[%get3A_1417] {strides = array<i32>} : memref<3200xf32, #tpu.memory_space<vmem>>, vector<16xf32>,
      %max3A = arith.maximumf %get3A_1416, %get3A_1418 : vector<16xf32>
      %add3A_1419 = arith.constant 3136 : i32
      %add3A_1420 = arith.addi %add3A_1419, %mul3A_1413 : i32
      %swap3A = arith.index_cast %add3A_1420 : i32 to index
      %swap3A_1421 = tpu.vector_load %arg8[%swap3A] {strides = array<i32>} : memref<100096xf32, #tpu.memory_space<vmem>>, vector<16xf32>,
      tpu.vector_store %arg8[%swap3A], %max3A {strides = array<i32>} : memref<100096xf32, #tpu.memory_space<vmem>>, vector<16xf32>,
    }
    %scan3A_687 = arith.constant 195 : i32
    %add3A_688 = arith.constant 500480 : i32
    %add3A_689 = arith.addi %mul3A_411, %add3A_688 : i32
    %add3A_690 = arith.addi %add3A_689, %mul3A_407 : i32
    %add3A_691 = arith.constant 3136 : i32
    %add3A_692 = arith.addi %add3A_690, %add3A_691 : i32
    %dma_start3A_693 = arith.constant 0 : i32
    %dma_start3A_694 = tpu.memref_slice %arg14[%dma_start3A_693] : memref<3200xf32, #tpu.memory_space<vmem>> -> memref<3120xf32, #tpu.memory_space<vmem>>
    %dma_start3A_695 = tpu.memref_slice %arg6[%add3A_692] : memref<3203072xf32, #tpu.memory_space<hbm>> -> memref<3120xf32, #tpu.memory_space<hbm>>
    %dma_start3A_696 = arith.constant 0 : i32
    %dma_start3A_697 = tpu.memref_slice %arg14[%dma_start3A_696] : memref<3200xf32, #tpu.memory_space<vmem>> -> memref<3120xf32, #tpu.memory_space<vmem>>
    %dma_start3A_698 = tpu.memref_slice %arg6[%add3A_692] : memref<3203072xf32, #tpu.memory_space<hbm>> -> memref<3120xf32, #tpu.memory_space<hbm>>
    tpu.enqueue_dma source(%dma_start3A_698 : memref<3120xf32, #tpu.memory_space<hbm>>) target(%dma_start3A_697 : memref<3120xf32, #tpu.memory_space<vmem>>) target_semaphore(%arg16 : memref<!tpu.dma_semaphore, #tpu.memory_space<semaphore_mem>>)
    %add3A_699 = arith.constant 500480 : i32
    %add3A_700 = arith.addi %mul3A_411, %add3A_699 : i32
    %add3A_701 = arith.addi %add3A_700, %mul3A_407 : i32
    %add3A_702 = arith.constant 0 : i32
    %add3A_703 = arith.addi %add3A_701, %add3A_702 : i32
    %dma_wait3A_704 = arith.constant 0 : i32
    %dma_wait3A_705 = tpu.memref_slice %arg13[%dma_wait3A_704] : memref<3200xf32, #tpu.memory_space<vmem>> -> memref<3136xf32, #tpu.memory_space<vmem>>
    %dma_wait3A_706 = tpu.memref_slice %arg6[%add3A_703] : memref<3203072xf32, #tpu.memory_space<hbm>> -> memref<3136xf32, #tpu.memory_space<hbm>>
    %dma_wait3A_707 = arith.constant 0 : i32
    %dma_wait3A_708 = tpu.memref_slice %arg13[%dma_wait3A_707] : memref<3200xf32, #tpu.memory_space<vmem>> -> memref<3136xf32, #tpu.memory_space<vmem>>
    %dma_wait3A_709 = tpu.memref_slice %arg6[%add3A_703] : memref<3203072xf32, #tpu.memory_space<hbm>> -> memref<3136xf32, #tpu.memory_space<hbm>>
    tpu.wait_dma2 semaphore(%arg15 : memref<!tpu.dma_semaphore, #tpu.memory_space<semaphore_mem>>) src(%dma_wait3A_709 : memref<3136xf32, #tpu.memory_space<hbm>>) dst(%dma_wait3A_708 : memref<3136xf32, #tpu.memory_space<vmem>>)
    %add3A_710 = arith.constant 500480 : i32
    %add3A_711 = arith.addi %mul3A_411, %add3A_710 : i32
    %add3A_712 = arith.addi %add3A_711, %mul3A_407 : i32
    %add3A_713 = arith.constant 0 : i32
    %add3A_714 = arith.addi %add3A_712, %add3A_713 : i32
    %scan3A_715 = arith.constant 0 : i32
    %scan3A_716 = arith.constant 0 : i32
    %scan3A_717 = arith.constant 196 : i32
    %scan3A_718 = arith.addi %scan3A_716, %scan3A_717 : i32
    %scan3A_719 = arith.constant 1 : i32
    scf.for %scan3A_1411 = %scan3A_716 to %scan3A_718 step %scan3A_719  : i32 {
      %mul3A_1412 = arith.constant 16 : i32
      %mul3A_1413 = arith.muli %scan3A_1411, %mul3A_1412 : i32
      %add3A_1414 = arith.constant 0 : i32
      %add3A_1415 = arith.addi %add3A_1414, %mul3A_1413 : i32
      %get3A = arith.index_cast %add3A_1415 : i32 to index
      %get3A_1416 = tpu.vector_load %arg8[%get3A] {strides = array<i32>} : memref<100096xf32, #tpu.memory_space<vmem>>, vector<16xf32>,
      %get3A_1417 = arith.index_cast %mul3A_1413 : i32 to index
      %get3A_1418 = tpu.vector_load %arg13[%get3A_1417] {strides = array<i32>} : memref<3200xf32, #tpu.memory_space<vmem>>, vector<16xf32>,
      %max3A = arith.maximumf %get3A_1416, %get3A_1418 : vector<16xf32>
      %add3A_1419 = arith.constant 0 : i32
      %add3A_1420 = arith.addi %add3A_1419, %mul3A_1413 : i32
      %swap3A = arith.index_cast %add3A_1420 : i32 to index
      %swap3A_1421 = tpu.vector_load %arg8[%swap3A] {strides = array<i32>} : memref<100096xf32, #tpu.memory_space<vmem>>, vector<16xf32>,
      tpu.vector_store %arg8[%swap3A], %max3A {strides = array<i32>} : memref<100096xf32, #tpu.memory_space<vmem>>, vector<16xf32>,
    }
    %scan3A_720 = arith.constant 196 : i32
    %add3A_721 = arith.constant 600576 : i32
    %add3A_722 = arith.addi %mul3A_411, %add3A_721 : i32
    %add3A_723 = arith.addi %add3A_722, %mul3A_407 : i32
    %add3A_724 = arith.constant 0 : i32
    %add3A_725 = arith.addi %add3A_723, %add3A_724 : i32
    %dma_start3A_726 = arith.constant 0 : i32
    %dma_start3A_727 = tpu.memref_slice %arg13[%dma_start3A_726] : memref<3200xf32, #tpu.memory_space<vmem>> -> memref<3136xf32, #tpu.memory_space<vmem>>
    %dma_start3A_728 = tpu.memref_slice %arg6[%add3A_725] : memref<3203072xf32, #tpu.memory_space<hbm>> -> memref<3136xf32, #tpu.memory_space<hbm>>
    %dma_start3A_729 = arith.constant 0 : i32
    %dma_start3A_730 = tpu.memref_slice %arg13[%dma_start3A_729] : memref<3200xf32, #tpu.memory_space<vmem>> -> memref<3136xf32, #tpu.memory_space<vmem>>
    %dma_start3A_731 = tpu.memref_slice %arg6[%add3A_725] : memref<3203072xf32, #tpu.memory_space<hbm>> -> memref<3136xf32, #tpu.memory_space<hbm>>
    tpu.enqueue_dma source(%dma_start3A_731 : memref<3136xf32, #tpu.memory_space<hbm>>) target(%dma_start3A_730 : memref<3136xf32, #tpu.memory_space<vmem>>) target_semaphore(%arg15 : memref<!tpu.dma_semaphore, #tpu.memory_space<semaphore_mem>>)
    %add3A_732 = arith.constant 500480 : i32
    %add3A_733 = arith.addi %mul3A_411, %add3A_732 : i32
    %add3A_734 = arith.addi %add3A_733, %mul3A_407 : i32
    %add3A_735 = arith.constant 3136 : i32
    %add3A_736 = arith.addi %add3A_734, %add3A_735 : i32
    %dma_wait3A_737 = arith.constant 0 : i32
    %dma_wait3A_738 = tpu.memref_slice %arg14[%dma_wait3A_737] : memref<3200xf32, #tpu.memory_space<vmem>> -> memref<3120xf32, #tpu.memory_space<vmem>>
    %dma_wait3A_739 = tpu.memref_slice %arg6[%add3A_736] : memref<3203072xf32, #tpu.memory_space<hbm>> -> memref<3120xf32, #tpu.memory_space<hbm>>
    %dma_wait3A_740 = arith.constant 0 : i32
    %dma_wait3A_741 = tpu.memref_slice %arg14[%dma_wait3A_740] : memref<3200xf32, #tpu.memory_space<vmem>> -> memref<3120xf32, #tpu.memory_space<vmem>>
    %dma_wait3A_742 = tpu.memref_slice %arg6[%add3A_736] : memref<3203072xf32, #tpu.memory_space<hbm>> -> memref<3120xf32, #tpu.memory_space<hbm>>
    tpu.wait_dma2 semaphore(%arg16 : memref<!tpu.dma_semaphore, #tpu.memory_space<semaphore_mem>>) src(%dma_wait3A_742 : memref<3120xf32, #tpu.memory_space<hbm>>) dst(%dma_wait3A_741 : memref<3120xf32, #tpu.memory_space<vmem>>)
    %add3A_743 = arith.constant 500480 : i32
    %add3A_744 = arith.addi %mul3A_411, %add3A_743 : i32
    %add3A_745 = arith.addi %add3A_744, %mul3A_407 : i32
    %add3A_746 = arith.constant 3136 : i32
    %add3A_747 = arith.addi %add3A_745, %add3A_746 : i32
    %scan3A_748 = arith.constant 0 : i32
    %scan3A_749 = arith.constant 0 : i32
    %scan3A_750 = arith.constant 195 : i32
    %scan3A_751 = arith.addi %scan3A_749, %scan3A_750 : i32
    %scan3A_752 = arith.constant 1 : i32
    scf.for %scan3A_1411 = %scan3A_749 to %scan3A_751 step %scan3A_752  : i32 {
      %mul3A_1412 = arith.constant 16 : i32
      %mul3A_1413 = arith.muli %scan3A_1411, %mul3A_1412 : i32
      %add3A_1414 = arith.constant 3136 : i32
      %add3A_1415 = arith.addi %add3A_1414, %mul3A_1413 : i32
      %get3A = arith.index_cast %add3A_1415 : i32 to index
      %get3A_1416 = tpu.vector_load %arg8[%get3A] {strides = array<i32>} : memref<100096xf32, #tpu.memory_space<vmem>>, vector<16xf32>,
      %get3A_1417 = arith.index_cast %mul3A_1413 : i32 to index
      %get3A_1418 = tpu.vector_load %arg14[%get3A_1417] {strides = array<i32>} : memref<3200xf32, #tpu.memory_space<vmem>>, vector<16xf32>,
      %max3A = arith.maximumf %get3A_1416, %get3A_1418 : vector<16xf32>
      %add3A_1419 = arith.constant 3136 : i32
      %add3A_1420 = arith.addi %add3A_1419, %mul3A_1413 : i32
      %swap3A = arith.index_cast %add3A_1420 : i32 to index
      %swap3A_1421 = tpu.vector_load %arg8[%swap3A] {strides = array<i32>} : memref<100096xf32, #tpu.memory_space<vmem>>, vector<16xf32>,
      tpu.vector_store %arg8[%swap3A], %max3A {strides = array<i32>} : memref<100096xf32, #tpu.memory_space<vmem>>, vector<16xf32>,
    }
    %scan3A_753 = arith.constant 195 : i32
    %add3A_754 = arith.constant 600576 : i32
    %add3A_755 = arith.addi %mul3A_411, %add3A_754 : i32
    %add3A_756 = arith.addi %add3A_755, %mul3A_407 : i32
    %add3A_757 = arith.constant 3136 : i32
    %add3A_758 = arith.addi %add3A_756, %add3A_757 : i32
    %dma_start3A_759 = arith.constant 0 : i32
    %dma_start3A_760 = tpu.memref_slice %arg14[%dma_start3A_759] : memref<3200xf32, #tpu.memory_space<vmem>> -> memref<3120xf32, #tpu.memory_space<vmem>>
    %dma_start3A_761 = tpu.memref_slice %arg6[%add3A_758] : memref<3203072xf32, #tpu.memory_space<hbm>> -> memref<3120xf32, #tpu.memory_space<hbm>>
    %dma_start3A_762 = arith.constant 0 : i32
    %dma_start3A_763 = tpu.memref_slice %arg14[%dma_start3A_762] : memref<3200xf32, #tpu.memory_space<vmem>> -> memref<3120xf32, #tpu.memory_space<vmem>>
    %dma_start3A_764 = tpu.memref_slice %arg6[%add3A_758] : memref<3203072xf32, #tpu.memory_space<hbm>> -> memref<3120xf32, #tpu.memory_space<hbm>>
    tpu.enqueue_dma source(%dma_start3A_764 : memref<3120xf32, #tpu.memory_space<hbm>>) target(%dma_start3A_763 : memref<3120xf32, #tpu.memory_space<vmem>>) target_semaphore(%arg16 : memref<!tpu.dma_semaphore, #tpu.memory_space<semaphore_mem>>)
    %add3A_765 = arith.constant 600576 : i32
    %add3A_766 = arith.addi %mul3A_411, %add3A_765 : i32
    %add3A_767 = arith.addi %add3A_766, %mul3A_407 : i32
    %add3A_768 = arith.constant 0 : i32
    %add3A_769 = arith.addi %add3A_767, %add3A_768 : i32
    %dma_wait3A_770 = arith.constant 0 : i32
    %dma_wait3A_771 = tpu.memref_slice %arg13[%dma_wait3A_770] : memref<3200xf32, #tpu.memory_space<vmem>> -> memref<3136xf32, #tpu.memory_space<vmem>>
    %dma_wait3A_772 = tpu.memref_slice %arg6[%add3A_769] : memref<3203072xf32, #tpu.memory_space<hbm>> -> memref<3136xf32, #tpu.memory_space<hbm>>
    %dma_wait3A_773 = arith.constant 0 : i32
    %dma_wait3A_774 = tpu.memref_slice %arg13[%dma_wait3A_773] : memref<3200xf32, #tpu.memory_space<vmem>> -> memref<3136xf32, #tpu.memory_space<vmem>>
    %dma_wait3A_775 = tpu.memref_slice %arg6[%add3A_769] : memref<3203072xf32, #tpu.memory_space<hbm>> -> memref<3136xf32, #tpu.memory_space<hbm>>
    tpu.wait_dma2 semaphore(%arg15 : memref<!tpu.dma_semaphore, #tpu.memory_space<semaphore_mem>>) src(%dma_wait3A_775 : memref<3136xf32, #tpu.memory_space<hbm>>) dst(%dma_wait3A_774 : memref<3136xf32, #tpu.memory_space<vmem>>)
    %add3A_776 = arith.constant 600576 : i32
    %add3A_777 = arith.addi %mul3A_411, %add3A_776 : i32
    %add3A_778 = arith.addi %add3A_777, %mul3A_407 : i32
    %add3A_779 = arith.constant 0 : i32
    %add3A_780 = arith.addi %add3A_778, %add3A_779 : i32
    %scan3A_781 = arith.constant 0 : i32
    %scan3A_782 = arith.constant 0 : i32
    %scan3A_783 = arith.constant 196 : i32
    %scan3A_784 = arith.addi %scan3A_782, %scan3A_783 : i32
    %scan3A_785 = arith.constant 1 : i32
    scf.for %scan3A_1411 = %scan3A_782 to %scan3A_784 step %scan3A_785  : i32 {
      %mul3A_1412 = arith.constant 16 : i32
      %mul3A_1413 = arith.muli %scan3A_1411, %mul3A_1412 : i32
      %add3A_1414 = arith.constant 0 : i32
      %add3A_1415 = arith.addi %add3A_1414, %mul3A_1413 : i32
      %get3A = arith.index_cast %add3A_1415 : i32 to index
      %get3A_1416 = tpu.vector_load %arg8[%get3A] {strides = array<i32>} : memref<100096xf32, #tpu.memory_space<vmem>>, vector<16xf32>,
      %get3A_1417 = arith.index_cast %mul3A_1413 : i32 to index
      %get3A_1418 = tpu.vector_load %arg13[%get3A_1417] {strides = array<i32>} : memref<3200xf32, #tpu.memory_space<vmem>>, vector<16xf32>,
      %max3A = arith.maximumf %get3A_1416, %get3A_1418 : vector<16xf32>
      %add3A_1419 = arith.constant 0 : i32
      %add3A_1420 = arith.addi %add3A_1419, %mul3A_1413 : i32
      %swap3A = arith.index_cast %add3A_1420 : i32 to index
      %swap3A_1421 = tpu.vector_load %arg8[%swap3A] {strides = array<i32>} : memref<100096xf32, #tpu.memory_space<vmem>>, vector<16xf32>,
      tpu.vector_store %arg8[%swap3A], %max3A {strides = array<i32>} : memref<100096xf32, #tpu.memory_space<vmem>>, vector<16xf32>,
    }
    %scan3A_786 = arith.constant 196 : i32
    %add3A_787 = arith.constant 700672 : i32
    %add3A_788 = arith.addi %mul3A_411, %add3A_787 : i32
    %add3A_789 = arith.addi %add3A_788, %mul3A_407 : i32
    %add3A_790 = arith.constant 0 : i32
    %add3A_791 = arith.addi %add3A_789, %add3A_790 : i32
    %dma_start3A_792 = arith.constant 0 : i32
    %dma_start3A_793 = tpu.memref_slice %arg13[%dma_start3A_792] : memref<3200xf32, #tpu.memory_space<vmem>> -> memref<3136xf32, #tpu.memory_space<vmem>>
    %dma_start3A_794 = tpu.memref_slice %arg6[%add3A_791] : memref<3203072xf32, #tpu.memory_space<hbm>> -> memref<3136xf32, #tpu.memory_space<hbm>>
    %dma_start3A_795 = arith.constant 0 : i32
    %dma_start3A_796 = tpu.memref_slice %arg13[%dma_start3A_795] : memref<3200xf32, #tpu.memory_space<vmem>> -> memref<3136xf32, #tpu.memory_space<vmem>>
    %dma_start3A_797 = tpu.memref_slice %arg6[%add3A_791] : memref<3203072xf32, #tpu.memory_space<hbm>> -> memref<3136xf32, #tpu.memory_space<hbm>>
    tpu.enqueue_dma source(%dma_start3A_797 : memref<3136xf32, #tpu.memory_space<hbm>>) target(%dma_start3A_796 : memref<3136xf32, #tpu.memory_space<vmem>>) target_semaphore(%arg15 : memref<!tpu.dma_semaphore, #tpu.memory_space<semaphore_mem>>)
    %add3A_798 = arith.constant 600576 : i32
    %add3A_799 = arith.addi %mul3A_411, %add3A_798 : i32
    %add3A_800 = arith.addi %add3A_799, %mul3A_407 : i32
    %add3A_801 = arith.constant 3136 : i32
    %add3A_802 = arith.addi %add3A_800, %add3A_801 : i32
    %dma_wait3A_803 = arith.constant 0 : i32
    %dma_wait3A_804 = tpu.memref_slice %arg14[%dma_wait3A_803] : memref<3200xf32, #tpu.memory_space<vmem>> -> memref<3120xf32, #tpu.memory_space<vmem>>
    %dma_wait3A_805 = tpu.memref_slice %arg6[%add3A_802] : memref<3203072xf32, #tpu.memory_space<hbm>> -> memref<3120xf32, #tpu.memory_space<hbm>>
    %dma_wait3A_806 = arith.constant 0 : i32
    %dma_wait3A_807 = tpu.memref_slice %arg14[%dma_wait3A_806] : memref<3200xf32, #tpu.memory_space<vmem>> -> memref<3120xf32, #tpu.memory_space<vmem>>
    %dma_wait3A_808 = tpu.memref_slice %arg6[%add3A_802] : memref<3203072xf32, #tpu.memory_space<hbm>> -> memref<3120xf32, #tpu.memory_space<hbm>>
    tpu.wait_dma2 semaphore(%arg16 : memref<!tpu.dma_semaphore, #tpu.memory_space<semaphore_mem>>) src(%dma_wait3A_808 : memref<3120xf32, #tpu.memory_space<hbm>>) dst(%dma_wait3A_807 : memref<3120xf32, #tpu.memory_space<vmem>>)
    %add3A_809 = arith.constant 600576 : i32
    %add3A_810 = arith.addi %mul3A_411, %add3A_809 : i32
    %add3A_811 = arith.addi %add3A_810, %mul3A_407 : i32
    %add3A_812 = arith.constant 3136 : i32
    %add3A_813 = arith.addi %add3A_811, %add3A_812 : i32
    %scan3A_814 = arith.constant 0 : i32
    %scan3A_815 = arith.constant 0 : i32
    %scan3A_816 = arith.constant 195 : i32
    %scan3A_817 = arith.addi %scan3A_815, %scan3A_816 : i32
    %scan3A_818 = arith.constant 1 : i32
    scf.for %scan3A_1411 = %scan3A_815 to %scan3A_817 step %scan3A_818  : i32 {
      %mul3A_1412 = arith.constant 16 : i32
      %mul3A_1413 = arith.muli %scan3A_1411, %mul3A_1412 : i32
      %add3A_1414 = arith.constant 3136 : i32
      %add3A_1415 = arith.addi %add3A_1414, %mul3A_1413 : i32
      %get3A = arith.index_cast %add3A_1415 : i32 to index
      %get3A_1416 = tpu.vector_load %arg8[%get3A] {strides = array<i32>} : memref<100096xf32, #tpu.memory_space<vmem>>, vector<16xf32>,
      %get3A_1417 = arith.index_cast %mul3A_1413 : i32 to index
      %get3A_1418 = tpu.vector_load %arg14[%get3A_1417] {strides = array<i32>} : memref<3200xf32, #tpu.memory_space<vmem>>, vector<16xf32>,
      %max3A = arith.maximumf %get3A_1416, %get3A_1418 : vector<16xf32>
      %add3A_1419 = arith.constant 3136 : i32
      %add3A_1420 = arith.addi %add3A_1419, %mul3A_1413 : i32
      %swap3A = arith.index_cast %add3A_1420 : i32 to index
      %swap3A_1421 = tpu.vector_load %arg8[%swap3A] {strides = array<i32>} : memref<100096xf32, #tpu.memory_space<vmem>>, vector<16xf32>,
      tpu.vector_store %arg8[%swap3A], %max3A {strides = array<i32>} : memref<100096xf32, #tpu.memory_space<vmem>>, vector<16xf32>,
    }
    %scan3A_819 = arith.constant 195 : i32
    %add3A_820 = arith.constant 700672 : i32
    %add3A_821 = arith.addi %mul3A_411, %add3A_820 : i32
    %add3A_822 = arith.addi %add3A_821, %mul3A_407 : i32
    %add3A_823 = arith.constant 3136 : i32
    %add3A_824 = arith.addi %add3A_822, %add3A_823 : i32
    %dma_start3A_825 = arith.constant 0 : i32
    %dma_start3A_826 = tpu.memref_slice %arg14[%dma_start3A_825] : memref<3200xf32, #tpu.memory_space<vmem>> -> memref<3120xf32, #tpu.memory_space<vmem>>
    %dma_start3A_827 = tpu.memref_slice %arg6[%add3A_824] : memref<3203072xf32, #tpu.memory_space<hbm>> -> memref<3120xf32, #tpu.memory_space<hbm>>
    %dma_start3A_828 = arith.constant 0 : i32
    %dma_start3A_829 = tpu.memref_slice %arg14[%dma_start3A_828] : memref<3200xf32, #tpu.memory_space<vmem>> -> memref<3120xf32, #tpu.memory_space<vmem>>
    %dma_start3A_830 = tpu.memref_slice %arg6[%add3A_824] : memref<3203072xf32, #tpu.memory_space<hbm>> -> memref<3120xf32, #tpu.memory_space<hbm>>
    tpu.enqueue_dma source(%dma_start3A_830 : memref<3120xf32, #tpu.memory_space<hbm>>) target(%dma_start3A_829 : memref<3120xf32, #tpu.memory_space<vmem>>) target_semaphore(%arg16 : memref<!tpu.dma_semaphore, #tpu.memory_space<semaphore_mem>>)
    %add3A_831 = arith.constant 700672 : i32
    %add3A_832 = arith.addi %mul3A_411, %add3A_831 : i32
    %add3A_833 = arith.addi %add3A_832, %mul3A_407 : i32
    %add3A_834 = arith.constant 0 : i32
    %add3A_835 = arith.addi %add3A_833, %add3A_834 : i32
    %dma_wait3A_836 = arith.constant 0 : i32
    %dma_wait3A_837 = tpu.memref_slice %arg13[%dma_wait3A_836] : memref<3200xf32, #tpu.memory_space<vmem>> -> memref<3136xf32, #tpu.memory_space<vmem>>
    %dma_wait3A_838 = tpu.memref_slice %arg6[%add3A_835] : memref<3203072xf32, #tpu.memory_space<hbm>> -> memref<3136xf32, #tpu.memory_space<hbm>>
    %dma_wait3A_839 = arith.constant 0 : i32
    %dma_wait3A_840 = tpu.memref_slice %arg13[%dma_wait3A_839] : memref<3200xf32, #tpu.memory_space<vmem>> -> memref<3136xf32, #tpu.memory_space<vmem>>
    %dma_wait3A_841 = tpu.memref_slice %arg6[%add3A_835] : memref<3203072xf32, #tpu.memory_space<hbm>> -> memref<3136xf32, #tpu.memory_space<hbm>>
    tpu.wait_dma2 semaphore(%arg15 : memref<!tpu.dma_semaphore, #tpu.memory_space<semaphore_mem>>) src(%dma_wait3A_841 : memref<3136xf32, #tpu.memory_space<hbm>>) dst(%dma_wait3A_840 : memref<3136xf32, #tpu.memory_space<vmem>>)
    %add3A_842 = arith.constant 700672 : i32
    %add3A_843 = arith.addi %mul3A_411, %add3A_842 : i32
    %add3A_844 = arith.addi %add3A_843, %mul3A_407 : i32
    %add3A_845 = arith.constant 0 : i32
    %add3A_846 = arith.addi %add3A_844, %add3A_845 : i32
    %scan3A_847 = arith.constant 0 : i32
    %scan3A_848 = arith.constant 0 : i32
    %scan3A_849 = arith.constant 196 : i32
    %scan3A_850 = arith.addi %scan3A_848, %scan3A_849 : i32
    %scan3A_851 = arith.constant 1 : i32
    scf.for %scan3A_1411 = %scan3A_848 to %scan3A_850 step %scan3A_851  : i32 {
      %mul3A_1412 = arith.constant 16 : i32
      %mul3A_1413 = arith.muli %scan3A_1411, %mul3A_1412 : i32
      %add3A_1414 = arith.constant 0 : i32
      %add3A_1415 = arith.addi %add3A_1414, %mul3A_1413 : i32
      %get3A = arith.index_cast %add3A_1415 : i32 to index
      %get3A_1416 = tpu.vector_load %arg8[%get3A] {strides = array<i32>} : memref<100096xf32, #tpu.memory_space<vmem>>, vector<16xf32>,
      %get3A_1417 = arith.index_cast %mul3A_1413 : i32 to index
      %get3A_1418 = tpu.vector_load %arg13[%get3A_1417] {strides = array<i32>} : memref<3200xf32, #tpu.memory_space<vmem>>, vector<16xf32>,
      %max3A = arith.maximumf %get3A_1416, %get3A_1418 : vector<16xf32>
      %add3A_1419 = arith.constant 0 : i32
      %add3A_1420 = arith.addi %add3A_1419, %mul3A_1413 : i32
      %swap3A = arith.index_cast %add3A_1420 : i32 to index
      %swap3A_1421 = tpu.vector_load %arg8[%swap3A] {strides = array<i32>} : memref<100096xf32, #tpu.memory_space<vmem>>, vector<16xf32>,
      tpu.vector_store %arg8[%swap3A], %max3A {strides = array<i32>} : memref<100096xf32, #tpu.memory_space<vmem>>, vector<16xf32>,
    }
    %scan3A_852 = arith.constant 196 : i32
    %add3A_853 = arith.constant 800768 : i32
    %add3A_854 = arith.addi %mul3A_411, %add3A_853 : i32
    %add3A_855 = arith.addi %add3A_854, %mul3A_407 : i32
    %add3A_856 = arith.constant 0 : i32
    %add3A_857 = arith.addi %add3A_855, %add3A_856 : i32
    %dma_start3A_858 = arith.constant 0 : i32
    %dma_start3A_859 = tpu.memref_slice %arg13[%dma_start3A_858] : memref<3200xf32, #tpu.memory_space<vmem>> -> memref<3136xf32, #tpu.memory_space<vmem>>
    %dma_start3A_860 = tpu.memref_slice %arg6[%add3A_857] : memref<3203072xf32, #tpu.memory_space<hbm>> -> memref<3136xf32, #tpu.memory_space<hbm>>
    %dma_start3A_861 = arith.constant 0 : i32
    %dma_start3A_862 = tpu.memref_slice %arg13[%dma_start3A_861] : memref<3200xf32, #tpu.memory_space<vmem>> -> memref<3136xf32, #tpu.memory_space<vmem>>
    %dma_start3A_863 = tpu.memref_slice %arg6[%add3A_857] : memref<3203072xf32, #tpu.memory_space<hbm>> -> memref<3136xf32, #tpu.memory_space<hbm>>
    tpu.enqueue_dma source(%dma_start3A_863 : memref<3136xf32, #tpu.memory_space<hbm>>) target(%dma_start3A_862 : memref<3136xf32, #tpu.memory_space<vmem>>) target_semaphore(%arg15 : memref<!tpu.dma_semaphore, #tpu.memory_space<semaphore_mem>>)
    %add3A_864 = arith.constant 700672 : i32
    %add3A_865 = arith.addi %mul3A_411, %add3A_864 : i32
    %add3A_866 = arith.addi %add3A_865, %mul3A_407 : i32
    %add3A_867 = arith.constant 3136 : i32
    %add3A_868 = arith.addi %add3A_866, %add3A_867 : i32
    %dma_wait3A_869 = arith.constant 0 : i32
    %dma_wait3A_870 = tpu.memref_slice %arg14[%dma_wait3A_869] : memref<3200xf32, #tpu.memory_space<vmem>> -> memref<3120xf32, #tpu.memory_space<vmem>>
    %dma_wait3A_871 = tpu.memref_slice %arg6[%add3A_868] : memref<3203072xf32, #tpu.memory_space<hbm>> -> memref<3120xf32, #tpu.memory_space<hbm>>
    %dma_wait3A_872 = arith.constant 0 : i32
    %dma_wait3A_873 = tpu.memref_slice %arg14[%dma_wait3A_872] : memref<3200xf32, #tpu.memory_space<vmem>> -> memref<3120xf32, #tpu.memory_space<vmem>>
    %dma_wait3A_874 = tpu.memref_slice %arg6[%add3A_868] : memref<3203072xf32, #tpu.memory_space<hbm>> -> memref<3120xf32, #tpu.memory_space<hbm>>
    tpu.wait_dma2 semaphore(%arg16 : memref<!tpu.dma_semaphore, #tpu.memory_space<semaphore_mem>>) src(%dma_wait3A_874 : memref<3120xf32, #tpu.memory_space<hbm>>) dst(%dma_wait3A_873 : memref<3120xf32, #tpu.memory_space<vmem>>)
    %add3A_875 = arith.constant 700672 : i32
    %add3A_876 = arith.addi %mul3A_411, %add3A_875 : i32
    %add3A_877 = arith.addi %add3A_876, %mul3A_407 : i32
    %add3A_878 = arith.constant 3136 : i32
    %add3A_879 = arith.addi %add3A_877, %add3A_878 : i32
    %scan3A_880 = arith.constant 0 : i32
    %scan3A_881 = arith.constant 0 : i32
    %scan3A_882 = arith.constant 195 : i32
    %scan3A_883 = arith.addi %scan3A_881, %scan3A_882 : i32
    %scan3A_884 = arith.constant 1 : i32
    scf.for %scan3A_1411 = %scan3A_881 to %scan3A_883 step %scan3A_884  : i32 {
      %mul3A_1412 = arith.constant 16 : i32
      %mul3A_1413 = arith.muli %scan3A_1411, %mul3A_1412 : i32
      %add3A_1414 = arith.constant 3136 : i32
      %add3A_1415 = arith.addi %add3A_1414, %mul3A_1413 : i32
      %get3A = arith.index_cast %add3A_1415 : i32 to index
      %get3A_1416 = tpu.vector_load %arg8[%get3A] {strides = array<i32>} : memref<100096xf32, #tpu.memory_space<vmem>>, vector<16xf32>,
      %get3A_1417 = arith.index_cast %mul3A_1413 : i32 to index
      %get3A_1418 = tpu.vector_load %arg14[%get3A_1417] {strides = array<i32>} : memref<3200xf32, #tpu.memory_space<vmem>>, vector<16xf32>,
      %max3A = arith.maximumf %get3A_1416, %get3A_1418 : vector<16xf32>
      %add3A_1419 = arith.constant 3136 : i32
      %add3A_1420 = arith.addi %add3A_1419, %mul3A_1413 : i32
      %swap3A = arith.index_cast %add3A_1420 : i32 to index
      %swap3A_1421 = tpu.vector_load %arg8[%swap3A] {strides = array<i32>} : memref<100096xf32, #tpu.memory_space<vmem>>, vector<16xf32>,
      tpu.vector_store %arg8[%swap3A], %max3A {strides = array<i32>} : memref<100096xf32, #tpu.memory_space<vmem>>, vector<16xf32>,
    }
    %scan3A_885 = arith.constant 195 : i32
    %add3A_886 = arith.constant 800768 : i32
    %add3A_887 = arith.addi %mul3A_411, %add3A_886 : i32
    %add3A_888 = arith.addi %add3A_887, %mul3A_407 : i32
    %add3A_889 = arith.constant 3136 : i32
    %add3A_890 = arith.addi %add3A_888, %add3A_889 : i32
    %dma_start3A_891 = arith.constant 0 : i32
    %dma_start3A_892 = tpu.memref_slice %arg14[%dma_start3A_891] : memref<3200xf32, #tpu.memory_space<vmem>> -> memref<3120xf32, #tpu.memory_space<vmem>>
    %dma_start3A_893 = tpu.memref_slice %arg6[%add3A_890] : memref<3203072xf32, #tpu.memory_space<hbm>> -> memref<3120xf32, #tpu.memory_space<hbm>>
    %dma_start3A_894 = arith.constant 0 : i32
    %dma_start3A_895 = tpu.memref_slice %arg14[%dma_start3A_894] : memref<3200xf32, #tpu.memory_space<vmem>> -> memref<3120xf32, #tpu.memory_space<vmem>>
    %dma_start3A_896 = tpu.memref_slice %arg6[%add3A_890] : memref<3203072xf32, #tpu.memory_space<hbm>> -> memref<3120xf32, #tpu.memory_space<hbm>>
    tpu.enqueue_dma source(%dma_start3A_896 : memref<3120xf32, #tpu.memory_space<hbm>>) target(%dma_start3A_895 : memref<3120xf32, #tpu.memory_space<vmem>>) target_semaphore(%arg16 : memref<!tpu.dma_semaphore, #tpu.memory_space<semaphore_mem>>)
    %add3A_897 = arith.constant 800768 : i32
    %add3A_898 = arith.addi %mul3A_411, %add3A_897 : i32
    %add3A_899 = arith.addi %add3A_898, %mul3A_407 : i32
    %add3A_900 = arith.constant 0 : i32
    %add3A_901 = arith.addi %add3A_899, %add3A_900 : i32
    %dma_wait3A_902 = arith.constant 0 : i32
    %dma_wait3A_903 = tpu.memref_slice %arg13[%dma_wait3A_902] : memref<3200xf32, #tpu.memory_space<vmem>> -> memref<3136xf32, #tpu.memory_space<vmem>>
    %dma_wait3A_904 = tpu.memref_slice %arg6[%add3A_901] : memref<3203072xf32, #tpu.memory_space<hbm>> -> memref<3136xf32, #tpu.memory_space<hbm>>
    %dma_wait3A_905 = arith.constant 0 : i32
    %dma_wait3A_906 = tpu.memref_slice %arg13[%dma_wait3A_905] : memref<3200xf32, #tpu.memory_space<vmem>> -> memref<3136xf32, #tpu.memory_space<vmem>>
    %dma_wait3A_907 = tpu.memref_slice %arg6[%add3A_901] : memref<3203072xf32, #tpu.memory_space<hbm>> -> memref<3136xf32, #tpu.memory_space<hbm>>
    tpu.wait_dma2 semaphore(%arg15 : memref<!tpu.dma_semaphore, #tpu.memory_space<semaphore_mem>>) src(%dma_wait3A_907 : memref<3136xf32, #tpu.memory_space<hbm>>) dst(%dma_wait3A_906 : memref<3136xf32, #tpu.memory_space<vmem>>)
    %add3A_908 = arith.constant 800768 : i32
    %add3A_909 = arith.addi %mul3A_411, %add3A_908 : i32
    %add3A_910 = arith.addi %add3A_909, %mul3A_407 : i32
    %add3A_911 = arith.constant 0 : i32
    %add3A_912 = arith.addi %add3A_910, %add3A_911 : i32
    %scan3A_913 = arith.constant 0 : i32
    %scan3A_914 = arith.constant 0 : i32
    %scan3A_915 = arith.constant 196 : i32
    %scan3A_916 = arith.addi %scan3A_914, %scan3A_915 : i32
    %scan3A_917 = arith.constant 1 : i32
    scf.for %scan3A_1411 = %scan3A_914 to %scan3A_916 step %scan3A_917  : i32 {
      %mul3A_1412 = arith.constant 16 : i32
      %mul3A_1413 = arith.muli %scan3A_1411, %mul3A_1412 : i32
      %add3A_1414 = arith.constant 0 : i32
      %add3A_1415 = arith.addi %add3A_1414, %mul3A_1413 : i32
      %get3A = arith.index_cast %add3A_1415 : i32 to index
      %get3A_1416 = tpu.vector_load %arg8[%get3A] {strides = array<i32>} : memref<100096xf32, #tpu.memory_space<vmem>>, vector<16xf32>,
      %get3A_1417 = arith.index_cast %mul3A_1413 : i32 to index
      %get3A_1418 = tpu.vector_load %arg13[%get3A_1417] {strides = array<i32>} : memref<3200xf32, #tpu.memory_space<vmem>>, vector<16xf32>,
      %max3A = arith.maximumf %get3A_1416, %get3A_1418 : vector<16xf32>
      %add3A_1419 = arith.constant 0 : i32
      %add3A_1420 = arith.addi %add3A_1419, %mul3A_1413 : i32
      %swap3A = arith.index_cast %add3A_1420 : i32 to index
      %swap3A_1421 = tpu.vector_load %arg8[%swap3A] {strides = array<i32>} : memref<100096xf32, #tpu.memory_space<vmem>>, vector<16xf32>,
      tpu.vector_store %arg8[%swap3A], %max3A {strides = array<i32>} : memref<100096xf32, #tpu.memory_space<vmem>>, vector<16xf32>,
    }
    %scan3A_918 = arith.constant 196 : i32
    %add3A_919 = arith.constant 900864 : i32
    %add3A_920 = arith.addi %mul3A_411, %add3A_919 : i32
    %add3A_921 = arith.addi %add3A_920, %mul3A_407 : i32
    %add3A_922 = arith.constant 0 : i32
    %add3A_923 = arith.addi %add3A_921, %add3A_922 : i32
    %dma_start3A_924 = arith.constant 0 : i32
    %dma_start3A_925 = tpu.memref_slice %arg13[%dma_start3A_924] : memref<3200xf32, #tpu.memory_space<vmem>> -> memref<3136xf32, #tpu.memory_space<vmem>>
    %dma_start3A_926 = tpu.memref_slice %arg6[%add3A_923] : memref<3203072xf32, #tpu.memory_space<hbm>> -> memref<3136xf32, #tpu.memory_space<hbm>>
    %dma_start3A_927 = arith.constant 0 : i32
    %dma_start3A_928 = tpu.memref_slice %arg13[%dma_start3A_927] : memref<3200xf32, #tpu.memory_space<vmem>> -> memref<3136xf32, #tpu.memory_space<vmem>>
    %dma_start3A_929 = tpu.memref_slice %arg6[%add3A_923] : memref<3203072xf32, #tpu.memory_space<hbm>> -> memref<3136xf32, #tpu.memory_space<hbm>>
    tpu.enqueue_dma source(%dma_start3A_929 : memref<3136xf32, #tpu.memory_space<hbm>>) target(%dma_start3A_928 : memref<3136xf32, #tpu.memory_space<vmem>>) target_semaphore(%arg15 : memref<!tpu.dma_semaphore, #tpu.memory_space<semaphore_mem>>)
    %add3A_930 = arith.constant 800768 : i32
    %add3A_931 = arith.addi %mul3A_411, %add3A_930 : i32
    %add3A_932 = arith.addi %add3A_931, %mul3A_407 : i32
    %add3A_933 = arith.constant 3136 : i32
    %add3A_934 = arith.addi %add3A_932, %add3A_933 : i32
    %dma_wait3A_935 = arith.constant 0 : i32
    %dma_wait3A_936 = tpu.memref_slice %arg14[%dma_wait3A_935] : memref<3200xf32, #tpu.memory_space<vmem>> -> memref<3120xf32, #tpu.memory_space<vmem>>
    %dma_wait3A_937 = tpu.memref_slice %arg6[%add3A_934] : memref<3203072xf32, #tpu.memory_space<hbm>> -> memref<3120xf32, #tpu.memory_space<hbm>>
    %dma_wait3A_938 = arith.constant 0 : i32
    %dma_wait3A_939 = tpu.memref_slice %arg14[%dma_wait3A_938] : memref<3200xf32, #tpu.memory_space<vmem>> -> memref<3120xf32, #tpu.memory_space<vmem>>
    %dma_wait3A_940 = tpu.memref_slice %arg6[%add3A_934] : memref<3203072xf32, #tpu.memory_space<hbm>> -> memref<3120xf32, #tpu.memory_space<hbm>>
    tpu.wait_dma2 semaphore(%arg16 : memref<!tpu.dma_semaphore, #tpu.memory_space<semaphore_mem>>) src(%dma_wait3A_940 : memref<3120xf32, #tpu.memory_space<hbm>>) dst(%dma_wait3A_939 : memref<3120xf32, #tpu.memory_space<vmem>>)
    %add3A_941 = arith.constant 800768 : i32
    %add3A_942 = arith.addi %mul3A_411, %add3A_941 : i32
    %add3A_943 = arith.addi %add3A_942, %mul3A_407 : i32
    %add3A_944 = arith.constant 3136 : i32
    %add3A_945 = arith.addi %add3A_943, %add3A_944 : i32
    %scan3A_946 = arith.constant 0 : i32
    %scan3A_947 = arith.constant 0 : i32
    %scan3A_948 = arith.constant 195 : i32
    %scan3A_949 = arith.addi %scan3A_947, %scan3A_948 : i32
    %scan3A_950 = arith.constant 1 : i32
    scf.for %scan3A_1411 = %scan3A_947 to %scan3A_949 step %scan3A_950  : i32 {
      %mul3A_1412 = arith.constant 16 : i32
      %mul3A_1413 = arith.muli %scan3A_1411, %mul3A_1412 : i32
      %add3A_1414 = arith.constant 3136 : i32
      %add3A_1415 = arith.addi %add3A_1414, %mul3A_1413 : i32
      %get3A = arith.index_cast %add3A_1415 : i32 to index
      %get3A_1416 = tpu.vector_load %arg8[%get3A] {strides = array<i32>} : memref<100096xf32, #tpu.memory_space<vmem>>, vector<16xf32>,
      %get3A_1417 = arith.index_cast %mul3A_1413 : i32 to index
      %get3A_1418 = tpu.vector_load %arg14[%get3A_1417] {strides = array<i32>} : memref<3200xf32, #tpu.memory_space<vmem>>, vector<16xf32>,
      %max3A = arith.maximumf %get3A_1416, %get3A_1418 : vector<16xf32>
      %add3A_1419 = arith.constant 3136 : i32
      %add3A_1420 = arith.addi %add3A_1419, %mul3A_1413 : i32
      %swap3A = arith.index_cast %add3A_1420 : i32 to index
      %swap3A_1421 = tpu.vector_load %arg8[%swap3A] {strides = array<i32>} : memref<100096xf32, #tpu.memory_space<vmem>>, vector<16xf32>,
      tpu.vector_store %arg8[%swap3A], %max3A {strides = array<i32>} : memref<100096xf32, #tpu.memory_space<vmem>>, vector<16xf32>,
    }
    %scan3A_951 = arith.constant 195 : i32
    %add3A_952 = arith.constant 900864 : i32
    %add3A_953 = arith.addi %mul3A_411, %add3A_952 : i32
    %add3A_954 = arith.addi %add3A_953, %mul3A_407 : i32
    %add3A_955 = arith.constant 3136 : i32
    %add3A_956 = arith.addi %add3A_954, %add3A_955 : i32
    %dma_start3A_957 = arith.constant 0 : i32
    %dma_start3A_958 = tpu.memref_slice %arg14[%dma_start3A_957] : memref<3200xf32, #tpu.memory_space<vmem>> -> memref<3120xf32, #tpu.memory_space<vmem>>
    %dma_start3A_959 = tpu.memref_slice %arg6[%add3A_956] : memref<3203072xf32, #tpu.memory_space<hbm>> -> memref<3120xf32, #tpu.memory_space<hbm>>
    %dma_start3A_960 = arith.constant 0 : i32
    %dma_start3A_961 = tpu.memref_slice %arg14[%dma_start3A_960] : memref<3200xf32, #tpu.memory_space<vmem>> -> memref<3120xf32, #tpu.memory_space<vmem>>
    %dma_start3A_962 = tpu.memref_slice %arg6[%add3A_956] : memref<3203072xf32, #tpu.memory_space<hbm>> -> memref<3120xf32, #tpu.memory_space<hbm>>
    tpu.enqueue_dma source(%dma_start3A_962 : memref<3120xf32, #tpu.memory_space<hbm>>) target(%dma_start3A_961 : memref<3120xf32, #tpu.memory_space<vmem>>) target_semaphore(%arg16 : memref<!tpu.dma_semaphore, #tpu.memory_space<semaphore_mem>>)
    %add3A_963 = arith.constant 900864 : i32
    %add3A_964 = arith.addi %mul3A_411, %add3A_963 : i32
    %add3A_965 = arith.addi %add3A_964, %mul3A_407 : i32
    %add3A_966 = arith.constant 0 : i32
    %add3A_967 = arith.addi %add3A_965, %add3A_966 : i32
    %dma_wait3A_968 = arith.constant 0 : i32
    %dma_wait3A_969 = tpu.memref_slice %arg13[%dma_wait3A_968] : memref<3200xf32, #tpu.memory_space<vmem>> -> memref<3136xf32, #tpu.memory_space<vmem>>
    %dma_wait3A_970 = tpu.memref_slice %arg6[%add3A_967] : memref<3203072xf32, #tpu.memory_space<hbm>> -> memref<3136xf32, #tpu.memory_space<hbm>>
    %dma_wait3A_971 = arith.constant 0 : i32
    %dma_wait3A_972 = tpu.memref_slice %arg13[%dma_wait3A_971] : memref<3200xf32, #tpu.memory_space<vmem>> -> memref<3136xf32, #tpu.memory_space<vmem>>
    %dma_wait3A_973 = tpu.memref_slice %arg6[%add3A_967] : memref<3203072xf32, #tpu.memory_space<hbm>> -> memref<3136xf32, #tpu.memory_space<hbm>>
    tpu.wait_dma2 semaphore(%arg15 : memref<!tpu.dma_semaphore, #tpu.memory_space<semaphore_mem>>) src(%dma_wait3A_973 : memref<3136xf32, #tpu.memory_space<hbm>>) dst(%dma_wait3A_972 : memref<3136xf32, #tpu.memory_space<vmem>>)
    %add3A_974 = arith.constant 900864 : i32
    %add3A_975 = arith.addi %mul3A_411, %add3A_974 : i32
    %add3A_976 = arith.addi %add3A_975, %mul3A_407 : i32
    %add3A_977 = arith.constant 0 : i32
    %add3A_978 = arith.addi %add3A_976, %add3A_977 : i32
    %scan3A_979 = arith.constant 0 : i32
    %scan3A_980 = arith.constant 0 : i32
    %scan3A_981 = arith.constant 196 : i32
    %scan3A_982 = arith.addi %scan3A_980, %scan3A_981 : i32
    %scan3A_983 = arith.constant 1 : i32
    scf.for %scan3A_1411 = %scan3A_980 to %scan3A_982 step %scan3A_983  : i32 {
      %mul3A_1412 = arith.constant 16 : i32
      %mul3A_1413 = arith.muli %scan3A_1411, %mul3A_1412 : i32
      %add3A_1414 = arith.constant 0 : i32
      %add3A_1415 = arith.addi %add3A_1414, %mul3A_1413 : i32
      %get3A = arith.index_cast %add3A_1415 : i32 to index
      %get3A_1416 = tpu.vector_load %arg8[%get3A] {strides = array<i32>} : memref<100096xf32, #tpu.memory_space<vmem>>, vector<16xf32>,
      %get3A_1417 = arith.index_cast %mul3A_1413 : i32 to index
      %get3A_1418 = tpu.vector_load %arg13[%get3A_1417] {strides = array<i32>} : memref<3200xf32, #tpu.memory_space<vmem>>, vector<16xf32>,
      %max3A = arith.maximumf %get3A_1416, %get3A_1418 : vector<16xf32>
      %add3A_1419 = arith.constant 0 : i32
      %add3A_1420 = arith.addi %add3A_1419, %mul3A_1413 : i32
      %swap3A = arith.index_cast %add3A_1420 : i32 to index
      %swap3A_1421 = tpu.vector_load %arg8[%swap3A] {strides = array<i32>} : memref<100096xf32, #tpu.memory_space<vmem>>, vector<16xf32>,
      tpu.vector_store %arg8[%swap3A], %max3A {strides = array<i32>} : memref<100096xf32, #tpu.memory_space<vmem>>, vector<16xf32>,
    }
    %scan3A_984 = arith.constant 196 : i32
    %add3A_985 = arith.constant 1000960 : i32
    %add3A_986 = arith.addi %mul3A_411, %add3A_985 : i32
    %add3A_987 = arith.addi %add3A_986, %mul3A_407 : i32
    %add3A_988 = arith.constant 0 : i32
    %add3A_989 = arith.addi %add3A_987, %add3A_988 : i32
    %dma_start3A_990 = arith.constant 0 : i32
    %dma_start3A_991 = tpu.memref_slice %arg13[%dma_start3A_990] : memref<3200xf32, #tpu.memory_space<vmem>> -> memref<3136xf32, #tpu.memory_space<vmem>>
    %dma_start3A_992 = tpu.memref_slice %arg6[%add3A_989] : memref<3203072xf32, #tpu.memory_space<hbm>> -> memref<3136xf32, #tpu.memory_space<hbm>>
    %dma_start3A_993 = arith.constant 0 : i32
    %dma_start3A_994 = tpu.memref_slice %arg13[%dma_start3A_993] : memref<3200xf32, #tpu.memory_space<vmem>> -> memref<3136xf32, #tpu.memory_space<vmem>>
    %dma_start3A_995 = tpu.memref_slice %arg6[%add3A_989] : memref<3203072xf32, #tpu.memory_space<hbm>> -> memref<3136xf32, #tpu.memory_space<hbm>>
    tpu.enqueue_dma source(%dma_start3A_995 : memref<3136xf32, #tpu.memory_space<hbm>>) target(%dma_start3A_994 : memref<3136xf32, #tpu.memory_space<vmem>>) target_semaphore(%arg15 : memref<!tpu.dma_semaphore, #tpu.memory_space<semaphore_mem>>)
    %add3A_996 = arith.constant 900864 : i32
    %add3A_997 = arith.addi %mul3A_411, %add3A_996 : i32
    %add3A_998 = arith.addi %add3A_997, %mul3A_407 : i32
    %add3A_999 = arith.constant 3136 : i32
    %add3A_1000 = arith.addi %add3A_998, %add3A_999 : i32
    %dma_wait3A_1001 = arith.constant 0 : i32
    %dma_wait3A_1002 = tpu.memref_slice %arg14[%dma_wait3A_1001] : memref<3200xf32, #tpu.memory_space<vmem>> -> memref<3120xf32, #tpu.memory_space<vmem>>
    %dma_wait3A_1003 = tpu.memref_slice %arg6[%add3A_1000] : memref<3203072xf32, #tpu.memory_space<hbm>> -> memref<3120xf32, #tpu.memory_space<hbm>>
    %dma_wait3A_1004 = arith.constant 0 : i32
    %dma_wait3A_1005 = tpu.memref_slice %arg14[%dma_wait3A_1004] : memref<3200xf32, #tpu.memory_space<vmem>> -> memref<3120xf32, #tpu.memory_space<vmem>>
    %dma_wait3A_1006 = tpu.memref_slice %arg6[%add3A_1000] : memref<3203072xf32, #tpu.memory_space<hbm>> -> memref<3120xf32, #tpu.memory_space<hbm>>
    tpu.wait_dma2 semaphore(%arg16 : memref<!tpu.dma_semaphore, #tpu.memory_space<semaphore_mem>>) src(%dma_wait3A_1006 : memref<3120xf32, #tpu.memory_space<hbm>>) dst(%dma_wait3A_1005 : memref<3120xf32, #tpu.memory_space<vmem>>)
    %add3A_1007 = arith.constant 900864 : i32
    %add3A_1008 = arith.addi %mul3A_411, %add3A_1007 : i32
    %add3A_1009 = arith.addi %add3A_1008, %mul3A_407 : i32
    %add3A_1010 = arith.constant 3136 : i32
    %add3A_1011 = arith.addi %add3A_1009, %add3A_1010 : i32
    %scan3A_1012 = arith.constant 0 : i32
    %scan3A_1013 = arith.constant 0 : i32
    %scan3A_1014 = arith.constant 195 : i32
    %scan3A_1015 = arith.addi %scan3A_1013, %scan3A_1014 : i32
    %scan3A_1016 = arith.constant 1 : i32
    scf.for %scan3A_1411 = %scan3A_1013 to %scan3A_1015 step %scan3A_1016  : i32 {
      %mul3A_1412 = arith.constant 16 : i32
      %mul3A_1413 = arith.muli %scan3A_1411, %mul3A_1412 : i32
      %add3A_1414 = arith.constant 3136 : i32
      %add3A_1415 = arith.addi %add3A_1414, %mul3A_1413 : i32
      %get3A = arith.index_cast %add3A_1415 : i32 to index
      %get3A_1416 = tpu.vector_load %arg8[%get3A] {strides = array<i32>} : memref<100096xf32, #tpu.memory_space<vmem>>, vector<16xf32>,
      %get3A_1417 = arith.index_cast %mul3A_1413 : i32 to index
      %get3A_1418 = tpu.vector_load %arg14[%get3A_1417] {strides = array<i32>} : memref<3200xf32, #tpu.memory_space<vmem>>, vector<16xf32>,
      %max3A = arith.maximumf %get3A_1416, %get3A_1418 : vector<16xf32>
      %add3A_1419 = arith.constant 3136 : i32
      %add3A_1420 = arith.addi %add3A_1419, %mul3A_1413 : i32
      %swap3A = arith.index_cast %add3A_1420 : i32 to index
      %swap3A_1421 = tpu.vector_load %arg8[%swap3A] {strides = array<i32>} : memref<100096xf32, #tpu.memory_space<vmem>>, vector<16xf32>,
      tpu.vector_store %arg8[%swap3A], %max3A {strides = array<i32>} : memref<100096xf32, #tpu.memory_space<vmem>>, vector<16xf32>,
    }
    %scan3A_1017 = arith.constant 195 : i32
    %add3A_1018 = arith.constant 1000960 : i32
    %add3A_1019 = arith.addi %mul3A_411, %add3A_1018 : i32
    %add3A_1020 = arith.addi %add3A_1019, %mul3A_407 : i32
    %add3A_1021 = arith.constant 3136 : i32
    %add3A_1022 = arith.addi %add3A_1020, %add3A_1021 : i32
    %dma_start3A_1023 = arith.constant 0 : i32
    %dma_start3A_1024 = tpu.memref_slice %arg14[%dma_start3A_1023] : memref<3200xf32, #tpu.memory_space<vmem>> -> memref<3120xf32, #tpu.memory_space<vmem>>
    %dma_start3A_1025 = tpu.memref_slice %arg6[%add3A_1022] : memref<3203072xf32, #tpu.memory_space<hbm>> -> memref<3120xf32, #tpu.memory_space<hbm>>
    %dma_start3A_1026 = arith.constant 0 : i32
    %dma_start3A_1027 = tpu.memref_slice %arg14[%dma_start3A_1026] : memref<3200xf32, #tpu.memory_space<vmem>> -> memref<3120xf32, #tpu.memory_space<vmem>>
    %dma_start3A_1028 = tpu.memref_slice %arg6[%add3A_1022] : memref<3203072xf32, #tpu.memory_space<hbm>> -> memref<3120xf32, #tpu.memory_space<hbm>>
    tpu.enqueue_dma source(%dma_start3A_1028 : memref<3120xf32, #tpu.memory_space<hbm>>) target(%dma_start3A_1027 : memref<3120xf32, #tpu.memory_space<vmem>>) target_semaphore(%arg16 : memref<!tpu.dma_semaphore, #tpu.memory_space<semaphore_mem>>)
    %add3A_1029 = arith.constant 1000960 : i32
    %add3A_1030 = arith.addi %mul3A_411, %add3A_1029 : i32
    %add3A_1031 = arith.addi %add3A_1030, %mul3A_407 : i32
    %add3A_1032 = arith.constant 0 : i32
    %add3A_1033 = arith.addi %add3A_1031, %add3A_1032 : i32
    %dma_wait3A_1034 = arith.constant 0 : i32
    %dma_wait3A_1035 = tpu.memref_slice %arg13[%dma_wait3A_1034] : memref<3200xf32, #tpu.memory_space<vmem>> -> memref<3136xf32, #tpu.memory_space<vmem>>
    %dma_wait3A_1036 = tpu.memref_slice %arg6[%add3A_1033] : memref<3203072xf32, #tpu.memory_space<hbm>> -> memref<3136xf32, #tpu.memory_space<hbm>>
    %dma_wait3A_1037 = arith.constant 0 : i32
    %dma_wait3A_1038 = tpu.memref_slice %arg13[%dma_wait3A_1037] : memref<3200xf32, #tpu.memory_space<vmem>> -> memref<3136xf32, #tpu.memory_space<vmem>>
    %dma_wait3A_1039 = tpu.memref_slice %arg6[%add3A_1033] : memref<3203072xf32, #tpu.memory_space<hbm>> -> memref<3136xf32, #tpu.memory_space<hbm>>
    tpu.wait_dma2 semaphore(%arg15 : memref<!tpu.dma_semaphore, #tpu.memory_space<semaphore_mem>>) src(%dma_wait3A_1039 : memref<3136xf32, #tpu.memory_space<hbm>>) dst(%dma_wait3A_1038 : memref<3136xf32, #tpu.memory_space<vmem>>)
    %add3A_1040 = arith.constant 1000960 : i32
    %add3A_1041 = arith.addi %mul3A_411, %add3A_1040 : i32
    %add3A_1042 = arith.addi %add3A_1041, %mul3A_407 : i32
    %add3A_1043 = arith.constant 0 : i32
    %add3A_1044 = arith.addi %add3A_1042, %add3A_1043 : i32
    %scan3A_1045 = arith.constant 0 : i32
    %scan3A_1046 = arith.constant 0 : i32
    %scan3A_1047 = arith.constant 196 : i32
    %scan3A_1048 = arith.addi %scan3A_1046, %scan3A_1047 : i32
    %scan3A_1049 = arith.constant 1 : i32
    scf.for %scan3A_1411 = %scan3A_1046 to %scan3A_1048 step %scan3A_1049  : i32 {
      %mul3A_1412 = arith.constant 16 : i32
      %mul3A_1413 = arith.muli %scan3A_1411, %mul3A_1412 : i32
      %add3A_1414 = arith.constant 0 : i32
      %add3A_1415 = arith.addi %add3A_1414, %mul3A_1413 : i32
      %get3A = arith.index_cast %add3A_1415 : i32 to index
      %get3A_1416 = tpu.vector_load %arg8[%get3A] {strides = array<i32>} : memref<100096xf32, #tpu.memory_space<vmem>>, vector<16xf32>,
      %get3A_1417 = arith.index_cast %mul3A_1413 : i32 to index
      %get3A_1418 = tpu.vector_load %arg13[%get3A_1417] {strides = array<i32>} : memref<3200xf32, #tpu.memory_space<vmem>>, vector<16xf32>,
      %max3A = arith.maximumf %get3A_1416, %get3A_1418 : vector<16xf32>
      %add3A_1419 = arith.constant 0 : i32
      %add3A_1420 = arith.addi %add3A_1419, %mul3A_1413 : i32
      %swap3A = arith.index_cast %add3A_1420 : i32 to index
      %swap3A_1421 = tpu.vector_load %arg8[%swap3A] {strides = array<i32>} : memref<100096xf32, #tpu.memory_space<vmem>>, vector<16xf32>,
      tpu.vector_store %arg8[%swap3A], %max3A {strides = array<i32>} : memref<100096xf32, #tpu.memory_space<vmem>>, vector<16xf32>,
    }
    %scan3A_1050 = arith.constant 196 : i32
    %add3A_1051 = arith.constant 1101056 : i32
    %add3A_1052 = arith.addi %mul3A_411, %add3A_1051 : i32
    %add3A_1053 = arith.addi %add3A_1052, %mul3A_407 : i32
    %add3A_1054 = arith.constant 0 : i32
    %add3A_1055 = arith.addi %add3A_1053, %add3A_1054 : i32
    %dma_start3A_1056 = arith.constant 0 : i32
    %dma_start3A_1057 = tpu.memref_slice %arg13[%dma_start3A_1056] : memref<3200xf32, #tpu.memory_space<vmem>> -> memref<3136xf32, #tpu.memory_space<vmem>>
    %dma_start3A_1058 = tpu.memref_slice %arg6[%add3A_1055] : memref<3203072xf32, #tpu.memory_space<hbm>> -> memref<3136xf32, #tpu.memory_space<hbm>>
    %dma_start3A_1059 = arith.constant 0 : i32
    %dma_start3A_1060 = tpu.memref_slice %arg13[%dma_start3A_1059] : memref<3200xf32, #tpu.memory_space<vmem>> -> memref<3136xf32, #tpu.memory_space<vmem>>
    %dma_start3A_1061 = tpu.memref_slice %arg6[%add3A_1055] : memref<3203072xf32, #tpu.memory_space<hbm>> -> memref<3136xf32, #tpu.memory_space<hbm>>
    tpu.enqueue_dma source(%dma_start3A_1061 : memref<3136xf32, #tpu.memory_space<hbm>>) target(%dma_start3A_1060 : memref<3136xf32, #tpu.memory_space<vmem>>) target_semaphore(%arg15 : memref<!tpu.dma_semaphore, #tpu.memory_space<semaphore_mem>>)
    %add3A_1062 = arith.constant 1000960 : i32
    %add3A_1063 = arith.addi %mul3A_411, %add3A_1062 : i32
    %add3A_1064 = arith.addi %add3A_1063, %mul3A_407 : i32
    %add3A_1065 = arith.constant 3136 : i32
    %add3A_1066 = arith.addi %add3A_1064, %add3A_1065 : i32
    %dma_wait3A_1067 = arith.constant 0 : i32
    %dma_wait3A_1068 = tpu.memref_slice %arg14[%dma_wait3A_1067] : memref<3200xf32, #tpu.memory_space<vmem>> -> memref<3120xf32, #tpu.memory_space<vmem>>
    %dma_wait3A_1069 = tpu.memref_slice %arg6[%add3A_1066] : memref<3203072xf32, #tpu.memory_space<hbm>> -> memref<3120xf32, #tpu.memory_space<hbm>>
    %dma_wait3A_1070 = arith.constant 0 : i32
    %dma_wait3A_1071 = tpu.memref_slice %arg14[%dma_wait3A_1070] : memref<3200xf32, #tpu.memory_space<vmem>> -> memref<3120xf32, #tpu.memory_space<vmem>>
    %dma_wait3A_1072 = tpu.memref_slice %arg6[%add3A_1066] : memref<3203072xf32, #tpu.memory_space<hbm>> -> memref<3120xf32, #tpu.memory_space<hbm>>
    tpu.wait_dma2 semaphore(%arg16 : memref<!tpu.dma_semaphore, #tpu.memory_space<semaphore_mem>>) src(%dma_wait3A_1072 : memref<3120xf32, #tpu.memory_space<hbm>>) dst(%dma_wait3A_1071 : memref<3120xf32, #tpu.memory_space<vmem>>)
    %add3A_1073 = arith.constant 1000960 : i32
    %add3A_1074 = arith.addi %mul3A_411, %add3A_1073 : i32
    %add3A_1075 = arith.addi %add3A_1074, %mul3A_407 : i32
    %add3A_1076 = arith.constant 3136 : i32
    %add3A_1077 = arith.addi %add3A_1075, %add3A_1076 : i32
    %scan3A_1078 = arith.constant 0 : i32
    %scan3A_1079 = arith.constant 0 : i32
    %scan3A_1080 = arith.constant 195 : i32
    %scan3A_1081 = arith.addi %scan3A_1079, %scan3A_1080 : i32
    %scan3A_1082 = arith.constant 1 : i32
    scf.for %scan3A_1411 = %scan3A_1079 to %scan3A_1081 step %scan3A_1082  : i32 {
      %mul3A_1412 = arith.constant 16 : i32
      %mul3A_1413 = arith.muli %scan3A_1411, %mul3A_1412 : i32
      %add3A_1414 = arith.constant 3136 : i32
      %add3A_1415 = arith.addi %add3A_1414, %mul3A_1413 : i32
      %get3A = arith.index_cast %add3A_1415 : i32 to index
      %get3A_1416 = tpu.vector_load %arg8[%get3A] {strides = array<i32>} : memref<100096xf32, #tpu.memory_space<vmem>>, vector<16xf32>,
      %get3A_1417 = arith.index_cast %mul3A_1413 : i32 to index
      %get3A_1418 = tpu.vector_load %arg14[%get3A_1417] {strides = array<i32>} : memref<3200xf32, #tpu.memory_space<vmem>>, vector<16xf32>,
      %max3A = arith.maximumf %get3A_1416, %get3A_1418 : vector<16xf32>
      %add3A_1419 = arith.constant 3136 : i32
      %add3A_1420 = arith.addi %add3A_1419, %mul3A_1413 : i32
      %swap3A = arith.index_cast %add3A_1420 : i32 to index
      %swap3A_1421 = tpu.vector_load %arg8[%swap3A] {strides = array<i32>} : memref<100096xf32, #tpu.memory_space<vmem>>, vector<16xf32>,
      tpu.vector_store %arg8[%swap3A], %max3A {strides = array<i32>} : memref<100096xf32, #tpu.memory_space<vmem>>, vector<16xf32>,
    }
    %scan3A_1083 = arith.constant 195 : i32
    %add3A_1084 = arith.constant 1101056 : i32
    %add3A_1085 = arith.addi %mul3A_411, %add3A_1084 : i32
    %add3A_1086 = arith.addi %add3A_1085, %mul3A_407 : i32
    %add3A_1087 = arith.constant 3136 : i32
    %add3A_1088 = arith.addi %add3A_1086, %add3A_1087 : i32
    %dma_start3A_1089 = arith.constant 0 : i32
    %dma_start3A_1090 = tpu.memref_slice %arg14[%dma_start3A_1089] : memref<3200xf32, #tpu.memory_space<vmem>> -> memref<3120xf32, #tpu.memory_space<vmem>>
    %dma_start3A_1091 = tpu.memref_slice %arg6[%add3A_1088] : memref<3203072xf32, #tpu.memory_space<hbm>> -> memref<3120xf32, #tpu.memory_space<hbm>>
    %dma_start3A_1092 = arith.constant 0 : i32
    %dma_start3A_1093 = tpu.memref_slice %arg14[%dma_start3A_1092] : memref<3200xf32, #tpu.memory_space<vmem>> -> memref<3120xf32, #tpu.memory_space<vmem>>
    %dma_start3A_1094 = tpu.memref_slice %arg6[%add3A_1088] : memref<3203072xf32, #tpu.memory_space<hbm>> -> memref<3120xf32, #tpu.memory_space<hbm>>
    tpu.enqueue_dma source(%dma_start3A_1094 : memref<3120xf32, #tpu.memory_space<hbm>>) target(%dma_start3A_1093 : memref<3120xf32, #tpu.memory_space<vmem>>) target_semaphore(%arg16 : memref<!tpu.dma_semaphore, #tpu.memory_space<semaphore_mem>>)
    %add3A_1095 = arith.constant 1101056 : i32
    %add3A_1096 = arith.addi %mul3A_411, %add3A_1095 : i32
    %add3A_1097 = arith.addi %add3A_1096, %mul3A_407 : i32
    %add3A_1098 = arith.constant 0 : i32
    %add3A_1099 = arith.addi %add3A_1097, %add3A_1098 : i32
    %dma_wait3A_1100 = arith.constant 0 : i32
    %dma_wait3A_1101 = tpu.memref_slice %arg13[%dma_wait3A_1100] : memref<3200xf32, #tpu.memory_space<vmem>> -> memref<3136xf32, #tpu.memory_space<vmem>>
    %dma_wait3A_1102 = tpu.memref_slice %arg6[%add3A_1099] : memref<3203072xf32, #tpu.memory_space<hbm>> -> memref<3136xf32, #tpu.memory_space<hbm>>
    %dma_wait3A_1103 = arith.constant 0 : i32
    %dma_wait3A_1104 = tpu.memref_slice %arg13[%dma_wait3A_1103] : memref<3200xf32, #tpu.memory_space<vmem>> -> memref<3136xf32, #tpu.memory_space<vmem>>
    %dma_wait3A_1105 = tpu.memref_slice %arg6[%add3A_1099] : memref<3203072xf32, #tpu.memory_space<hbm>> -> memref<3136xf32, #tpu.memory_space<hbm>>
    tpu.wait_dma2 semaphore(%arg15 : memref<!tpu.dma_semaphore, #tpu.memory_space<semaphore_mem>>) src(%dma_wait3A_1105 : memref<3136xf32, #tpu.memory_space<hbm>>) dst(%dma_wait3A_1104 : memref<3136xf32, #tpu.memory_space<vmem>>)
    %add3A_1106 = arith.constant 1101056 : i32
    %add3A_1107 = arith.addi %mul3A_411, %add3A_1106 : i32
    %add3A_1108 = arith.addi %add3A_1107, %mul3A_407 : i32
    %add3A_1109 = arith.constant 0 : i32
    %add3A_1110 = arith.addi %add3A_1108, %add3A_1109 : i32
    %scan3A_1111 = arith.constant 0 : i32
    %scan3A_1112 = arith.constant 0 : i32
    %scan3A_1113 = arith.constant 196 : i32
    %scan3A_1114 = arith.addi %scan3A_1112, %scan3A_1113 : i32
    %scan3A_1115 = arith.constant 1 : i32
    scf.for %scan3A_1411 = %scan3A_1112 to %scan3A_1114 step %scan3A_1115  : i32 {
      %mul3A_1412 = arith.constant 16 : i32
      %mul3A_1413 = arith.muli %scan3A_1411, %mul3A_1412 : i32
      %add3A_1414 = arith.constant 0 : i32
      %add3A_1415 = arith.addi %add3A_1414, %mul3A_1413 : i32
      %get3A = arith.index_cast %add3A_1415 : i32 to index
      %get3A_1416 = tpu.vector_load %arg8[%get3A] {strides = array<i32>} : memref<100096xf32, #tpu.memory_space<vmem>>, vector<16xf32>,
      %get3A_1417 = arith.index_cast %mul3A_1413 : i32 to index
      %get3A_1418 = tpu.vector_load %arg13[%get3A_1417] {strides = array<i32>} : memref<3200xf32, #tpu.memory_space<vmem>>, vector<16xf32>,
      %max3A = arith.maximumf %get3A_1416, %get3A_1418 : vector<16xf32>
      %add3A_1419 = arith.constant 0 : i32
      %add3A_1420 = arith.addi %add3A_1419, %mul3A_1413 : i32
      %swap3A = arith.index_cast %add3A_1420 : i32 to index
      %swap3A_1421 = tpu.vector_load %arg8[%swap3A] {strides = array<i32>} : memref<100096xf32, #tpu.memory_space<vmem>>, vector<16xf32>,
      tpu.vector_store %arg8[%swap3A], %max3A {strides = array<i32>} : memref<100096xf32, #tpu.memory_space<vmem>>, vector<16xf32>,
    }
    %scan3A_1116 = arith.constant 196 : i32
    %add3A_1117 = arith.constant 1201152 : i32
    %add3A_1118 = arith.addi %mul3A_411, %add3A_1117 : i32
    %add3A_1119 = arith.addi %add3A_1118, %mul3A_407 : i32
    %add3A_1120 = arith.constant 0 : i32
    %add3A_1121 = arith.addi %add3A_1119, %add3A_1120 : i32
    %dma_start3A_1122 = arith.constant 0 : i32
    %dma_start3A_1123 = tpu.memref_slice %arg13[%dma_start3A_1122] : memref<3200xf32, #tpu.memory_space<vmem>> -> memref<3136xf32, #tpu.memory_space<vmem>>
    %dma_start3A_1124 = tpu.memref_slice %arg6[%add3A_1121] : memref<3203072xf32, #tpu.memory_space<hbm>> -> memref<3136xf32, #tpu.memory_space<hbm>>
    %dma_start3A_1125 = arith.constant 0 : i32
    %dma_start3A_1126 = tpu.memref_slice %arg13[%dma_start3A_1125] : memref<3200xf32, #tpu.memory_space<vmem>> -> memref<3136xf32, #tpu.memory_space<vmem>>
    %dma_start3A_1127 = tpu.memref_slice %arg6[%add3A_1121] : memref<3203072xf32, #tpu.memory_space<hbm>> -> memref<3136xf32, #tpu.memory_space<hbm>>
    tpu.enqueue_dma source(%dma_start3A_1127 : memref<3136xf32, #tpu.memory_space<hbm>>) target(%dma_start3A_1126 : memref<3136xf32, #tpu.memory_space<vmem>>) target_semaphore(%arg15 : memref<!tpu.dma_semaphore, #tpu.memory_space<semaphore_mem>>)
    %add3A_1128 = arith.constant 1101056 : i32
    %add3A_1129 = arith.addi %mul3A_411, %add3A_1128 : i32
    %add3A_1130 = arith.addi %add3A_1129, %mul3A_407 : i32
    %add3A_1131 = arith.constant 3136 : i32
    %add3A_1132 = arith.addi %add3A_1130, %add3A_1131 : i32
    %dma_wait3A_1133 = arith.constant 0 : i32
    %dma_wait3A_1134 = tpu.memref_slice %arg14[%dma_wait3A_1133] : memref<3200xf32, #tpu.memory_space<vmem>> -> memref<3120xf32, #tpu.memory_space<vmem>>
    %dma_wait3A_1135 = tpu.memref_slice %arg6[%add3A_1132] : memref<3203072xf32, #tpu.memory_space<hbm>> -> memref<3120xf32, #tpu.memory_space<hbm>>
    %dma_wait3A_1136 = arith.constant 0 : i32
    %dma_wait3A_1137 = tpu.memref_slice %arg14[%dma_wait3A_1136] : memref<3200xf32, #tpu.memory_space<vmem>> -> memref<3120xf32, #tpu.memory_space<vmem>>
    %dma_wait3A_1138 = tpu.memref_slice %arg6[%add3A_1132] : memref<3203072xf32, #tpu.memory_space<hbm>> -> memref<3120xf32, #tpu.memory_space<hbm>>
    tpu.wait_dma2 semaphore(%arg16 : memref<!tpu.dma_semaphore, #tpu.memory_space<semaphore_mem>>) src(%dma_wait3A_1138 : memref<3120xf32, #tpu.memory_space<hbm>>) dst(%dma_wait3A_1137 : memref<3120xf32, #tpu.memory_space<vmem>>)
    %add3A_1139 = arith.constant 1101056 : i32
    %add3A_1140 = arith.addi %mul3A_411, %add3A_1139 : i32
    %add3A_1141 = arith.addi %add3A_1140, %mul3A_407 : i32
    %add3A_1142 = arith.constant 3136 : i32
    %add3A_1143 = arith.addi %add3A_1141, %add3A_1142 : i32
    %scan3A_1144 = arith.constant 0 : i32
    %scan3A_1145 = arith.constant 0 : i32
    %scan3A_1146 = arith.constant 195 : i32
    %scan3A_1147 = arith.addi %scan3A_1145, %scan3A_1146 : i32
    %scan3A_1148 = arith.constant 1 : i32
    scf.for %scan3A_1411 = %scan3A_1145 to %scan3A_1147 step %scan3A_1148  : i32 {
      %mul3A_1412 = arith.constant 16 : i32
      %mul3A_1413 = arith.muli %scan3A_1411, %mul3A_1412 : i32
      %add3A_1414 = arith.constant 3136 : i32
      %add3A_1415 = arith.addi %add3A_1414, %mul3A_1413 : i32
      %get3A = arith.index_cast %add3A_1415 : i32 to index
      %get3A_1416 = tpu.vector_load %arg8[%get3A] {strides = array<i32>} : memref<100096xf32, #tpu.memory_space<vmem>>, vector<16xf32>,
      %get3A_1417 = arith.index_cast %mul3A_1413 : i32 to index
      %get3A_1418 = tpu.vector_load %arg14[%get3A_1417] {strides = array<i32>} : memref<3200xf32, #tpu.memory_space<vmem>>, vector<16xf32>,
      %max3A = arith.maximumf %get3A_1416, %get3A_1418 : vector<16xf32>
      %add3A_1419 = arith.constant 3136 : i32
      %add3A_1420 = arith.addi %add3A_1419, %mul3A_1413 : i32
      %swap3A = arith.index_cast %add3A_1420 : i32 to index
      %swap3A_1421 = tpu.vector_load %arg8[%swap3A] {strides = array<i32>} : memref<100096xf32, #tpu.memory_space<vmem>>, vector<16xf32>,
      tpu.vector_store %arg8[%swap3A], %max3A {strides = array<i32>} : memref<100096xf32, #tpu.memory_space<vmem>>, vector<16xf32>,
    }
    %scan3A_1149 = arith.constant 195 : i32
    %add3A_1150 = arith.constant 1201152 : i32
    %add3A_1151 = arith.addi %mul3A_411, %add3A_1150 : i32
    %add3A_1152 = arith.addi %add3A_1151, %mul3A_407 : i32
    %add3A_1153 = arith.constant 3136 : i32
    %add3A_1154 = arith.addi %add3A_1152, %add3A_1153 : i32
    %dma_start3A_1155 = arith.constant 0 : i32
    %dma_start3A_1156 = tpu.memref_slice %arg14[%dma_start3A_1155] : memref<3200xf32, #tpu.memory_space<vmem>> -> memref<3120xf32, #tpu.memory_space<vmem>>
    %dma_start3A_1157 = tpu.memref_slice %arg6[%add3A_1154] : memref<3203072xf32, #tpu.memory_space<hbm>> -> memref<3120xf32, #tpu.memory_space<hbm>>
    %dma_start3A_1158 = arith.constant 0 : i32
    %dma_start3A_1159 = tpu.memref_slice %arg14[%dma_start3A_1158] : memref<3200xf32, #tpu.memory_space<vmem>> -> memref<3120xf32, #tpu.memory_space<vmem>>
    %dma_start3A_1160 = tpu.memref_slice %arg6[%add3A_1154] : memref<3203072xf32, #tpu.memory_space<hbm>> -> memref<3120xf32, #tpu.memory_space<hbm>>
    tpu.enqueue_dma source(%dma_start3A_1160 : memref<3120xf32, #tpu.memory_space<hbm>>) target(%dma_start3A_1159 : memref<3120xf32, #tpu.memory_space<vmem>>) target_semaphore(%arg16 : memref<!tpu.dma_semaphore, #tpu.memory_space<semaphore_mem>>)
    %add3A_1161 = arith.constant 1201152 : i32
    %add3A_1162 = arith.addi %mul3A_411, %add3A_1161 : i32
    %add3A_1163 = arith.addi %add3A_1162, %mul3A_407 : i32
    %add3A_1164 = arith.constant 0 : i32
    %add3A_1165 = arith.addi %add3A_1163, %add3A_1164 : i32
    %dma_wait3A_1166 = arith.constant 0 : i32
    %dma_wait3A_1167 = tpu.memref_slice %arg13[%dma_wait3A_1166] : memref<3200xf32, #tpu.memory_space<vmem>> -> memref<3136xf32, #tpu.memory_space<vmem>>
    %dma_wait3A_1168 = tpu.memref_slice %arg6[%add3A_1165] : memref<3203072xf32, #tpu.memory_space<hbm>> -> memref<3136xf32, #tpu.memory_space<hbm>>
    %dma_wait3A_1169 = arith.constant 0 : i32
    %dma_wait3A_1170 = tpu.memref_slice %arg13[%dma_wait3A_1169] : memref<3200xf32, #tpu.memory_space<vmem>> -> memref<3136xf32, #tpu.memory_space<vmem>>
    %dma_wait3A_1171 = tpu.memref_slice %arg6[%add3A_1165] : memref<3203072xf32, #tpu.memory_space<hbm>> -> memref<3136xf32, #tpu.memory_space<hbm>>
    tpu.wait_dma2 semaphore(%arg15 : memref<!tpu.dma_semaphore, #tpu.memory_space<semaphore_mem>>) src(%dma_wait3A_1171 : memref<3136xf32, #tpu.memory_space<hbm>>) dst(%dma_wait3A_1170 : memref<3136xf32, #tpu.memory_space<vmem>>)
    %add3A_1172 = arith.constant 1201152 : i32
    %add3A_1173 = arith.addi %mul3A_411, %add3A_1172 : i32
    %add3A_1174 = arith.addi %add3A_1173, %mul3A_407 : i32
    %add3A_1175 = arith.constant 0 : i32
    %add3A_1176 = arith.addi %add3A_1174, %add3A_1175 : i32
    %scan3A_1177 = arith.constant 0 : i32
    %scan3A_1178 = arith.constant 0 : i32
    %scan3A_1179 = arith.constant 196 : i32
    %scan3A_1180 = arith.addi %scan3A_1178, %scan3A_1179 : i32
    %scan3A_1181 = arith.constant 1 : i32
    scf.for %scan3A_1411 = %scan3A_1178 to %scan3A_1180 step %scan3A_1181  : i32 {
      %mul3A_1412 = arith.constant 16 : i32
      %mul3A_1413 = arith.muli %scan3A_1411, %mul3A_1412 : i32
      %add3A_1414 = arith.constant 0 : i32
      %add3A_1415 = arith.addi %add3A_1414, %mul3A_1413 : i32
      %get3A = arith.index_cast %add3A_1415 : i32 to index
      %get3A_1416 = tpu.vector_load %arg8[%get3A] {strides = array<i32>} : memref<100096xf32, #tpu.memory_space<vmem>>, vector<16xf32>,
      %get3A_1417 = arith.index_cast %mul3A_1413 : i32 to index
      %get3A_1418 = tpu.vector_load %arg13[%get3A_1417] {strides = array<i32>} : memref<3200xf32, #tpu.memory_space<vmem>>, vector<16xf32>,
      %max3A = arith.maximumf %get3A_1416, %get3A_1418 : vector<16xf32>
      %add3A_1419 = arith.constant 0 : i32
      %add3A_1420 = arith.addi %add3A_1419, %mul3A_1413 : i32
      %swap3A = arith.index_cast %add3A_1420 : i32 to index
      %swap3A_1421 = tpu.vector_load %arg8[%swap3A] {strides = array<i32>} : memref<100096xf32, #tpu.memory_space<vmem>>, vector<16xf32>,
      tpu.vector_store %arg8[%swap3A], %max3A {strides = array<i32>} : memref<100096xf32, #tpu.memory_space<vmem>>, vector<16xf32>,
    }
    %scan3A_1182 = arith.constant 196 : i32
    %add3A_1183 = arith.constant 1301248 : i32
    %add3A_1184 = arith.addi %mul3A_411, %add3A_1183 : i32
    %add3A_1185 = arith.addi %add3A_1184, %mul3A_407 : i32
    %add3A_1186 = arith.constant 0 : i32
    %add3A_1187 = arith.addi %add3A_1185, %add3A_1186 : i32
    %dma_start3A_1188 = arith.constant 0 : i32
    %dma_start3A_1189 = tpu.memref_slice %arg13[%dma_start3A_1188] : memref<3200xf32, #tpu.memory_space<vmem>> -> memref<3136xf32, #tpu.memory_space<vmem>>
    %dma_start3A_1190 = tpu.memref_slice %arg6[%add3A_1187] : memref<3203072xf32, #tpu.memory_space<hbm>> -> memref<3136xf32, #tpu.memory_space<hbm>>
    %dma_start3A_1191 = arith.constant 0 : i32
    %dma_start3A_1192 = tpu.memref_slice %arg13[%dma_start3A_1191] : memref<3200xf32, #tpu.memory_space<vmem>> -> memref<3136xf32, #tpu.memory_space<vmem>>
    %dma_start3A_1193 = tpu.memref_slice %arg6[%add3A_1187] : memref<3203072xf32, #tpu.memory_space<hbm>> -> memref<3136xf32, #tpu.memory_space<hbm>>
    tpu.enqueue_dma source(%dma_start3A_1193 : memref<3136xf32, #tpu.memory_space<hbm>>) target(%dma_start3A_1192 : memref<3136xf32, #tpu.memory_space<vmem>>) target_semaphore(%arg15 : memref<!tpu.dma_semaphore, #tpu.memory_space<semaphore_mem>>)
    %add3A_1194 = arith.constant 1201152 : i32
    %add3A_1195 = arith.addi %mul3A_411, %add3A_1194 : i32
    %add3A_1196 = arith.addi %add3A_1195, %mul3A_407 : i32
    %add3A_1197 = arith.constant 3136 : i32
    %add3A_1198 = arith.addi %add3A_1196, %add3A_1197 : i32
    %dma_wait3A_1199 = arith.constant 0 : i32
    %dma_wait3A_1200 = tpu.memref_slice %arg14[%dma_wait3A_1199] : memref<3200xf32, #tpu.memory_space<vmem>> -> memref<3120xf32, #tpu.memory_space<vmem>>
    %dma_wait3A_1201 = tpu.memref_slice %arg6[%add3A_1198] : memref<3203072xf32, #tpu.memory_space<hbm>> -> memref<3120xf32, #tpu.memory_space<hbm>>
    %dma_wait3A_1202 = arith.constant 0 : i32
    %dma_wait3A_1203 = tpu.memref_slice %arg14[%dma_wait3A_1202] : memref<3200xf32, #tpu.memory_space<vmem>> -> memref<3120xf32, #tpu.memory_space<vmem>>
    %dma_wait3A_1204 = tpu.memref_slice %arg6[%add3A_1198] : memref<3203072xf32, #tpu.memory_space<hbm>> -> memref<3120xf32, #tpu.memory_space<hbm>>
    tpu.wait_dma2 semaphore(%arg16 : memref<!tpu.dma_semaphore, #tpu.memory_space<semaphore_mem>>) src(%dma_wait3A_1204 : memref<3120xf32, #tpu.memory_space<hbm>>) dst(%dma_wait3A_1203 : memref<3120xf32, #tpu.memory_space<vmem>>)
    %add3A_1205 = arith.constant 1201152 : i32
    %add3A_1206 = arith.addi %mul3A_411, %add3A_1205 : i32
    %add3A_1207 = arith.addi %add3A_1206, %mul3A_407 : i32
    %add3A_1208 = arith.constant 3136 : i32
    %add3A_1209 = arith.addi %add3A_1207, %add3A_1208 : i32
    %scan3A_1210 = arith.constant 0 : i32
    %scan3A_1211 = arith.constant 0 : i32
    %scan3A_1212 = arith.constant 195 : i32
    %scan3A_1213 = arith.addi %scan3A_1211, %scan3A_1212 : i32
    %scan3A_1214 = arith.constant 1 : i32
    scf.for %scan3A_1411 = %scan3A_1211 to %scan3A_1213 step %scan3A_1214  : i32 {
      %mul3A_1412 = arith.constant 16 : i32
      %mul3A_1413 = arith.muli %scan3A_1411, %mul3A_1412 : i32
      %add3A_1414 = arith.constant 3136 : i32
      %add3A_1415 = arith.addi %add3A_1414, %mul3A_1413 : i32
      %get3A = arith.index_cast %add3A_1415 : i32 to index
      %get3A_1416 = tpu.vector_load %arg8[%get3A] {strides = array<i32>} : memref<100096xf32, #tpu.memory_space<vmem>>, vector<16xf32>,
      %get3A_1417 = arith.index_cast %mul3A_1413 : i32 to index
      %get3A_1418 = tpu.vector_load %arg14[%get3A_1417] {strides = array<i32>} : memref<3200xf32, #tpu.memory_space<vmem>>, vector<16xf32>,
      %max3A = arith.maximumf %get3A_1416, %get3A_1418 : vector<16xf32>
      %add3A_1419 = arith.constant 3136 : i32
      %add3A_1420 = arith.addi %add3A_1419, %mul3A_1413 : i32
      %swap3A = arith.index_cast %add3A_1420 : i32 to index
      %swap3A_1421 = tpu.vector_load %arg8[%swap3A] {strides = array<i32>} : memref<100096xf32, #tpu.memory_space<vmem>>, vector<16xf32>,
      tpu.vector_store %arg8[%swap3A], %max3A {strides = array<i32>} : memref<100096xf32, #tpu.memory_space<vmem>>, vector<16xf32>,
    }
    %scan3A_1215 = arith.constant 195 : i32
    %add3A_1216 = arith.constant 1301248 : i32
    %add3A_1217 = arith.addi %mul3A_411, %add3A_1216 : i32
    %add3A_1218 = arith.addi %add3A_1217, %mul3A_407 : i32
    %add3A_1219 = arith.constant 3136 : i32
    %add3A_1220 = arith.addi %add3A_1218, %add3A_1219 : i32
    %dma_start3A_1221 = arith.constant 0 : i32
    %dma_start3A_1222 = tpu.memref_slice %arg14[%dma_start3A_1221] : memref<3200xf32, #tpu.memory_space<vmem>> -> memref<3120xf32, #tpu.memory_space<vmem>>
    %dma_start3A_1223 = tpu.memref_slice %arg6[%add3A_1220] : memref<3203072xf32, #tpu.memory_space<hbm>> -> memref<3120xf32, #tpu.memory_space<hbm>>
    %dma_start3A_1224 = arith.constant 0 : i32
    %dma_start3A_1225 = tpu.memref_slice %arg14[%dma_start3A_1224] : memref<3200xf32, #tpu.memory_space<vmem>> -> memref<3120xf32, #tpu.memory_space<vmem>>
    %dma_start3A_1226 = tpu.memref_slice %arg6[%add3A_1220] : memref<3203072xf32, #tpu.memory_space<hbm>> -> memref<3120xf32, #tpu.memory_space<hbm>>
    tpu.enqueue_dma source(%dma_start3A_1226 : memref<3120xf32, #tpu.memory_space<hbm>>) target(%dma_start3A_1225 : memref<3120xf32, #tpu.memory_space<vmem>>) target_semaphore(%arg16 : memref<!tpu.dma_semaphore, #tpu.memory_space<semaphore_mem>>)
    %add3A_1227 = arith.constant 1301248 : i32
    %add3A_1228 = arith.addi %mul3A_411, %add3A_1227 : i32
    %add3A_1229 = arith.addi %add3A_1228, %mul3A_407 : i32
    %add3A_1230 = arith.constant 0 : i32
    %add3A_1231 = arith.addi %add3A_1229, %add3A_1230 : i32
    %dma_wait3A_1232 = arith.constant 0 : i32
    %dma_wait3A_1233 = tpu.memref_slice %arg13[%dma_wait3A_1232] : memref<3200xf32, #tpu.memory_space<vmem>> -> memref<3136xf32, #tpu.memory_space<vmem>>
    %dma_wait3A_1234 = tpu.memref_slice %arg6[%add3A_1231] : memref<3203072xf32, #tpu.memory_space<hbm>> -> memref<3136xf32, #tpu.memory_space<hbm>>
    %dma_wait3A_1235 = arith.constant 0 : i32
    %dma_wait3A_1236 = tpu.memref_slice %arg13[%dma_wait3A_1235] : memref<3200xf32, #tpu.memory_space<vmem>> -> memref<3136xf32, #tpu.memory_space<vmem>>
    %dma_wait3A_1237 = tpu.memref_slice %arg6[%add3A_1231] : memref<3203072xf32, #tpu.memory_space<hbm>> -> memref<3136xf32, #tpu.memory_space<hbm>>
    tpu.wait_dma2 semaphore(%arg15 : memref<!tpu.dma_semaphore, #tpu.memory_space<semaphore_mem>>) src(%dma_wait3A_1237 : memref<3136xf32, #tpu.memory_space<hbm>>) dst(%dma_wait3A_1236 : memref<3136xf32, #tpu.memory_space<vmem>>)
    %add3A_1238 = arith.constant 1301248 : i32
    %add3A_1239 = arith.addi %mul3A_411, %add3A_1238 : i32
    %add3A_1240 = arith.addi %add3A_1239, %mul3A_407 : i32
    %add3A_1241 = arith.constant 0 : i32
    %add3A_1242 = arith.addi %add3A_1240, %add3A_1241 : i32
    %scan3A_1243 = arith.constant 0 : i32
    %scan3A_1244 = arith.constant 0 : i32
    %scan3A_1245 = arith.constant 196 : i32
    %scan3A_1246 = arith.addi %scan3A_1244, %scan3A_1245 : i32
    %scan3A_1247 = arith.constant 1 : i32
    scf.for %scan3A_1411 = %scan3A_1244 to %scan3A_1246 step %scan3A_1247  : i32 {
      %mul3A_1412 = arith.constant 16 : i32
      %mul3A_1413 = arith.muli %scan3A_1411, %mul3A_1412 : i32
      %add3A_1414 = arith.constant 0 : i32
      %add3A_1415 = arith.addi %add3A_1414, %mul3A_1413 : i32
      %get3A = arith.index_cast %add3A_1415 : i32 to index
      %get3A_1416 = tpu.vector_load %arg8[%get3A] {strides = array<i32>} : memref<100096xf32, #tpu.memory_space<vmem>>, vector<16xf32>,
      %get3A_1417 = arith.index_cast %mul3A_1413 : i32 to index
      %get3A_1418 = tpu.vector_load %arg13[%get3A_1417] {strides = array<i32>} : memref<3200xf32, #tpu.memory_space<vmem>>, vector<16xf32>,
      %max3A = arith.maximumf %get3A_1416, %get3A_1418 : vector<16xf32>
      %add3A_1419 = arith.constant 0 : i32
      %add3A_1420 = arith.addi %add3A_1419, %mul3A_1413 : i32
      %swap3A = arith.index_cast %add3A_1420 : i32 to index
      %swap3A_1421 = tpu.vector_load %arg8[%swap3A] {strides = array<i32>} : memref<100096xf32, #tpu.memory_space<vmem>>, vector<16xf32>,
      tpu.vector_store %arg8[%swap3A], %max3A {strides = array<i32>} : memref<100096xf32, #tpu.memory_space<vmem>>, vector<16xf32>,
    }
    %scan3A_1248 = arith.constant 196 : i32
    %add3A_1249 = arith.constant 1401344 : i32
    %add3A_1250 = arith.addi %mul3A_411, %add3A_1249 : i32
    %add3A_1251 = arith.addi %add3A_1250, %mul3A_407 : i32
    %add3A_1252 = arith.constant 0 : i32
    %add3A_1253 = arith.addi %add3A_1251, %add3A_1252 : i32
    %dma_start3A_1254 = arith.constant 0 : i32
    %dma_start3A_1255 = tpu.memref_slice %arg13[%dma_start3A_1254] : memref<3200xf32, #tpu.memory_space<vmem>> -> memref<3136xf32, #tpu.memory_space<vmem>>
    %dma_start3A_1256 = tpu.memref_slice %arg6[%add3A_1253] : memref<3203072xf32, #tpu.memory_space<hbm>> -> memref<3136xf32, #tpu.memory_space<hbm>>
    %dma_start3A_1257 = arith.constant 0 : i32
    %dma_start3A_1258 = tpu.memref_slice %arg13[%dma_start3A_1257] : memref<3200xf32, #tpu.memory_space<vmem>> -> memref<3136xf32, #tpu.memory_space<vmem>>
    %dma_start3A_1259 = tpu.memref_slice %arg6[%add3A_1253] : memref<3203072xf32, #tpu.memory_space<hbm>> -> memref<3136xf32, #tpu.memory_space<hbm>>
    tpu.enqueue_dma source(%dma_start3A_1259 : memref<3136xf32, #tpu.memory_space<hbm>>) target(%dma_start3A_1258 : memref<3136xf32, #tpu.memory_space<vmem>>) target_semaphore(%arg15 : memref<!tpu.dma_semaphore, #tpu.memory_space<semaphore_mem>>)
    %add3A_1260 = arith.constant 1301248 : i32
    %add3A_1261 = arith.addi %mul3A_411, %add3A_1260 : i32
    %add3A_1262 = arith.addi %add3A_1261, %mul3A_407 : i32
    %add3A_1263 = arith.constant 3136 : i32
    %add3A_1264 = arith.addi %add3A_1262, %add3A_1263 : i32
    %dma_wait3A_1265 = arith.constant 0 : i32
    %dma_wait3A_1266 = tpu.memref_slice %arg14[%dma_wait3A_1265] : memref<3200xf32, #tpu.memory_space<vmem>> -> memref<3120xf32, #tpu.memory_space<vmem>>
    %dma_wait3A_1267 = tpu.memref_slice %arg6[%add3A_1264] : memref<3203072xf32, #tpu.memory_space<hbm>> -> memref<3120xf32, #tpu.memory_space<hbm>>
    %dma_wait3A_1268 = arith.constant 0 : i32
    %dma_wait3A_1269 = tpu.memref_slice %arg14[%dma_wait3A_1268] : memref<3200xf32, #tpu.memory_space<vmem>> -> memref<3120xf32, #tpu.memory_space<vmem>>
    %dma_wait3A_1270 = tpu.memref_slice %arg6[%add3A_1264] : memref<3203072xf32, #tpu.memory_space<hbm>> -> memref<3120xf32, #tpu.memory_space<hbm>>
    tpu.wait_dma2 semaphore(%arg16 : memref<!tpu.dma_semaphore, #tpu.memory_space<semaphore_mem>>) src(%dma_wait3A_1270 : memref<3120xf32, #tpu.memory_space<hbm>>) dst(%dma_wait3A_1269 : memref<3120xf32, #tpu.memory_space<vmem>>)
    %add3A_1271 = arith.constant 1301248 : i32
    %add3A_1272 = arith.addi %mul3A_411, %add3A_1271 : i32
    %add3A_1273 = arith.addi %add3A_1272, %mul3A_407 : i32
    %add3A_1274 = arith.constant 3136 : i32
    %add3A_1275 = arith.addi %add3A_1273, %add3A_1274 : i32
    %scan3A_1276 = arith.constant 0 : i32
    %scan3A_1277 = arith.constant 0 : i32
    %scan3A_1278 = arith.constant 195 : i32
    %scan3A_1279 = arith.addi %scan3A_1277, %scan3A_1278 : i32
    %scan3A_1280 = arith.constant 1 : i32
    scf.for %scan3A_1411 = %scan3A_1277 to %scan3A_1279 step %scan3A_1280  : i32 {
      %mul3A_1412 = arith.constant 16 : i32
      %mul3A_1413 = arith.muli %scan3A_1411, %mul3A_1412 : i32
      %add3A_1414 = arith.constant 3136 : i32
      %add3A_1415 = arith.addi %add3A_1414, %mul3A_1413 : i32
      %get3A = arith.index_cast %add3A_1415 : i32 to index
      %get3A_1416 = tpu.vector_load %arg8[%get3A] {strides = array<i32>} : memref<100096xf32, #tpu.memory_space<vmem>>, vector<16xf32>,
      %get3A_1417 = arith.index_cast %mul3A_1413 : i32 to index
      %get3A_1418 = tpu.vector_load %arg14[%get3A_1417] {strides = array<i32>} : memref<3200xf32, #tpu.memory_space<vmem>>, vector<16xf32>,
      %max3A = arith.maximumf %get3A_1416, %get3A_1418 : vector<16xf32>
      %add3A_1419 = arith.constant 3136 : i32
      %add3A_1420 = arith.addi %add3A_1419, %mul3A_1413 : i32
      %swap3A = arith.index_cast %add3A_1420 : i32 to index
      %swap3A_1421 = tpu.vector_load %arg8[%swap3A] {strides = array<i32>} : memref<100096xf32, #tpu.memory_space<vmem>>, vector<16xf32>,
      tpu.vector_store %arg8[%swap3A], %max3A {strides = array<i32>} : memref<100096xf32, #tpu.memory_space<vmem>>, vector<16xf32>,
    }
    %scan3A_1281 = arith.constant 195 : i32
    %add3A_1282 = arith.constant 1401344 : i32
    %add3A_1283 = arith.addi %mul3A_411, %add3A_1282 : i32
    %add3A_1284 = arith.addi %add3A_1283, %mul3A_407 : i32
    %add3A_1285 = arith.constant 3136 : i32
    %add3A_1286 = arith.addi %add3A_1284, %add3A_1285 : i32
    %dma_start3A_1287 = arith.constant 0 : i32
    %dma_start3A_1288 = tpu.memref_slice %arg14[%dma_start3A_1287] : memref<3200xf32, #tpu.memory_space<vmem>> -> memref<3120xf32, #tpu.memory_space<vmem>>
    %dma_start3A_1289 = tpu.memref_slice %arg6[%add3A_1286] : memref<3203072xf32, #tpu.memory_space<hbm>> -> memref<3120xf32, #tpu.memory_space<hbm>>
    %dma_start3A_1290 = arith.constant 0 : i32
    %dma_start3A_1291 = tpu.memref_slice %arg14[%dma_start3A_1290] : memref<3200xf32, #tpu.memory_space<vmem>> -> memref<3120xf32, #tpu.memory_space<vmem>>
    %dma_start3A_1292 = tpu.memref_slice %arg6[%add3A_1286] : memref<3203072xf32, #tpu.memory_space<hbm>> -> memref<3120xf32, #tpu.memory_space<hbm>>
    tpu.enqueue_dma source(%dma_start3A_1292 : memref<3120xf32, #tpu.memory_space<hbm>>) target(%dma_start3A_1291 : memref<3120xf32, #tpu.memory_space<vmem>>) target_semaphore(%arg16 : memref<!tpu.dma_semaphore, #tpu.memory_space<semaphore_mem>>)
    %add3A_1293 = arith.constant 1401344 : i32
    %add3A_1294 = arith.addi %mul3A_411, %add3A_1293 : i32
    %add3A_1295 = arith.addi %add3A_1294, %mul3A_407 : i32
    %add3A_1296 = arith.constant 0 : i32
    %add3A_1297 = arith.addi %add3A_1295, %add3A_1296 : i32
    %dma_wait3A_1298 = arith.constant 0 : i32
    %dma_wait3A_1299 = tpu.memref_slice %arg13[%dma_wait3A_1298] : memref<3200xf32, #tpu.memory_space<vmem>> -> memref<3136xf32, #tpu.memory_space<vmem>>
    %dma_wait3A_1300 = tpu.memref_slice %arg6[%add3A_1297] : memref<3203072xf32, #tpu.memory_space<hbm>> -> memref<3136xf32, #tpu.memory_space<hbm>>
    %dma_wait3A_1301 = arith.constant 0 : i32
    %dma_wait3A_1302 = tpu.memref_slice %arg13[%dma_wait3A_1301] : memref<3200xf32, #tpu.memory_space<vmem>> -> memref<3136xf32, #tpu.memory_space<vmem>>
    %dma_wait3A_1303 = tpu.memref_slice %arg6[%add3A_1297] : memref<3203072xf32, #tpu.memory_space<hbm>> -> memref<3136xf32, #tpu.memory_space<hbm>>
    tpu.wait_dma2 semaphore(%arg15 : memref<!tpu.dma_semaphore, #tpu.memory_space<semaphore_mem>>) src(%dma_wait3A_1303 : memref<3136xf32, #tpu.memory_space<hbm>>) dst(%dma_wait3A_1302 : memref<3136xf32, #tpu.memory_space<vmem>>)
    %add3A_1304 = arith.constant 1401344 : i32
    %add3A_1305 = arith.addi %mul3A_411, %add3A_1304 : i32
    %add3A_1306 = arith.addi %add3A_1305, %mul3A_407 : i32
    %add3A_1307 = arith.constant 0 : i32
    %add3A_1308 = arith.addi %add3A_1306, %add3A_1307 : i32
    %scan3A_1309 = arith.constant 0 : i32
    %scan3A_1310 = arith.constant 0 : i32
    %scan3A_1311 = arith.constant 196 : i32
    %scan3A_1312 = arith.addi %scan3A_1310, %scan3A_1311 : i32
    %scan3A_1313 = arith.constant 1 : i32
    scf.for %scan3A_1411 = %scan3A_1310 to %scan3A_1312 step %scan3A_1313  : i32 {
      %mul3A_1412 = arith.constant 16 : i32
      %mul3A_1413 = arith.muli %scan3A_1411, %mul3A_1412 : i32
      %add3A_1414 = arith.constant 0 : i32
      %add3A_1415 = arith.addi %add3A_1414, %mul3A_1413 : i32
      %get3A = arith.index_cast %add3A_1415 : i32 to index
      %get3A_1416 = tpu.vector_load %arg8[%get3A] {strides = array<i32>} : memref<100096xf32, #tpu.memory_space<vmem>>, vector<16xf32>,
      %get3A_1417 = arith.index_cast %mul3A_1413 : i32 to index
      %get3A_1418 = tpu.vector_load %arg13[%get3A_1417] {strides = array<i32>} : memref<3200xf32, #tpu.memory_space<vmem>>, vector<16xf32>,
      %max3A = arith.maximumf %get3A_1416, %get3A_1418 : vector<16xf32>
      %add3A_1419 = arith.constant 0 : i32
      %add3A_1420 = arith.addi %add3A_1419, %mul3A_1413 : i32
      %swap3A = arith.index_cast %add3A_1420 : i32 to index
      %swap3A_1421 = tpu.vector_load %arg8[%swap3A] {strides = array<i32>} : memref<100096xf32, #tpu.memory_space<vmem>>, vector<16xf32>,
      tpu.vector_store %arg8[%swap3A], %max3A {strides = array<i32>} : memref<100096xf32, #tpu.memory_space<vmem>>, vector<16xf32>,
    }
    %scan3A_1314 = arith.constant 196 : i32
    %add3A_1315 = arith.constant 1501440 : i32
    %add3A_1316 = arith.addi %mul3A_411, %add3A_1315 : i32
    %add3A_1317 = arith.addi %add3A_1316, %mul3A_407 : i32
    %add3A_1318 = arith.constant 0 : i32
    %add3A_1319 = arith.addi %add3A_1317, %add3A_1318 : i32
    %dma_start3A_1320 = arith.constant 0 : i32
    %dma_start3A_1321 = tpu.memref_slice %arg13[%dma_start3A_1320] : memref<3200xf32, #tpu.memory_space<vmem>> -> memref<3136xf32, #tpu.memory_space<vmem>>
    %dma_start3A_1322 = tpu.memref_slice %arg6[%add3A_1319] : memref<3203072xf32, #tpu.memory_space<hbm>> -> memref<3136xf32, #tpu.memory_space<hbm>>
    %dma_start3A_1323 = arith.constant 0 : i32
    %dma_start3A_1324 = tpu.memref_slice %arg13[%dma_start3A_1323] : memref<3200xf32, #tpu.memory_space<vmem>> -> memref<3136xf32, #tpu.memory_space<vmem>>
    %dma_start3A_1325 = tpu.memref_slice %arg6[%add3A_1319] : memref<3203072xf32, #tpu.memory_space<hbm>> -> memref<3136xf32, #tpu.memory_space<hbm>>
    tpu.enqueue_dma source(%dma_start3A_1325 : memref<3136xf32, #tpu.memory_space<hbm>>) target(%dma_start3A_1324 : memref<3136xf32, #tpu.memory_space<vmem>>) target_semaphore(%arg15 : memref<!tpu.dma_semaphore, #tpu.memory_space<semaphore_mem>>)
    %add3A_1326 = arith.constant 1401344 : i32
    %add3A_1327 = arith.addi %mul3A_411, %add3A_1326 : i32
    %add3A_1328 = arith.addi %add3A_1327, %mul3A_407 : i32
    %add3A_1329 = arith.constant 3136 : i32
    %add3A_1330 = arith.addi %add3A_1328, %add3A_1329 : i32
    %dma_wait3A_1331 = arith.constant 0 : i32
    %dma_wait3A_1332 = tpu.memref_slice %arg14[%dma_wait3A_1331] : memref<3200xf32, #tpu.memory_space<vmem>> -> memref<3120xf32, #tpu.memory_space<vmem>>
    %dma_wait3A_1333 = tpu.memref_slice %arg6[%add3A_1330] : memref<3203072xf32, #tpu.memory_space<hbm>> -> memref<3120xf32, #tpu.memory_space<hbm>>
    %dma_wait3A_1334 = arith.constant 0 : i32
    %dma_wait3A_1335 = tpu.memref_slice %arg14[%dma_wait3A_1334] : memref<3200xf32, #tpu.memory_space<vmem>> -> memref<3120xf32, #tpu.memory_space<vmem>>
    %dma_wait3A_1336 = tpu.memref_slice %arg6[%add3A_1330] : memref<3203072xf32, #tpu.memory_space<hbm>> -> memref<3120xf32, #tpu.memory_space<hbm>>
    tpu.wait_dma2 semaphore(%arg16 : memref<!tpu.dma_semaphore, #tpu.memory_space<semaphore_mem>>) src(%dma_wait3A_1336 : memref<3120xf32, #tpu.memory_space<hbm>>) dst(%dma_wait3A_1335 : memref<3120xf32, #tpu.memory_space<vmem>>)
    %add3A_1337 = arith.constant 1401344 : i32
    %add3A_1338 = arith.addi %mul3A_411, %add3A_1337 : i32
    %add3A_1339 = arith.addi %add3A_1338, %mul3A_407 : i32
    %add3A_1340 = arith.constant 3136 : i32
    %add3A_1341 = arith.addi %add3A_1339, %add3A_1340 : i32
    %scan3A_1342 = arith.constant 0 : i32
    %scan3A_1343 = arith.constant 0 : i32
    %scan3A_1344 = arith.constant 195 : i32
    %scan3A_1345 = arith.addi %scan3A_1343, %scan3A_1344 : i32
    %scan3A_1346 = arith.constant 1 : i32
    scf.for %scan3A_1411 = %scan3A_1343 to %scan3A_1345 step %scan3A_1346  : i32 {
      %mul3A_1412 = arith.constant 16 : i32
      %mul3A_1413 = arith.muli %scan3A_1411, %mul3A_1412 : i32
      %add3A_1414 = arith.constant 3136 : i32
      %add3A_1415 = arith.addi %add3A_1414, %mul3A_1413 : i32
      %get3A = arith.index_cast %add3A_1415 : i32 to index
      %get3A_1416 = tpu.vector_load %arg8[%get3A] {strides = array<i32>} : memref<100096xf32, #tpu.memory_space<vmem>>, vector<16xf32>,
      %get3A_1417 = arith.index_cast %mul3A_1413 : i32 to index
      %get3A_1418 = tpu.vector_load %arg14[%get3A_1417] {strides = array<i32>} : memref<3200xf32, #tpu.memory_space<vmem>>, vector<16xf32>,
      %max3A = arith.maximumf %get3A_1416, %get3A_1418 : vector<16xf32>
      %add3A_1419 = arith.constant 3136 : i32
      %add3A_1420 = arith.addi %add3A_1419, %mul3A_1413 : i32
      %swap3A = arith.index_cast %add3A_1420 : i32 to index
      %swap3A_1421 = tpu.vector_load %arg8[%swap3A] {strides = array<i32>} : memref<100096xf32, #tpu.memory_space<vmem>>, vector<16xf32>,
      tpu.vector_store %arg8[%swap3A], %max3A {strides = array<i32>} : memref<100096xf32, #tpu.memory_space<vmem>>, vector<16xf32>,
    }
    %scan3A_1347 = arith.constant 195 : i32
    %add3A_1348 = arith.constant 1501440 : i32
    %add3A_1349 = arith.addi %mul3A_411, %add3A_1348 : i32
    %add3A_1350 = arith.addi %add3A_1349, %mul3A_407 : i32
    %add3A_1351 = arith.constant 3136 : i32
    %add3A_1352 = arith.addi %add3A_1350, %add3A_1351 : i32
    %dma_start3A_1353 = arith.constant 0 : i32
    %dma_start3A_1354 = tpu.memref_slice %arg14[%dma_start3A_1353] : memref<3200xf32, #tpu.memory_space<vmem>> -> memref<3120xf32, #tpu.memory_space<vmem>>
    %dma_start3A_1355 = tpu.memref_slice %arg6[%add3A_1352] : memref<3203072xf32, #tpu.memory_space<hbm>> -> memref<3120xf32, #tpu.memory_space<hbm>>
    %dma_start3A_1356 = arith.constant 0 : i32
    %dma_start3A_1357 = tpu.memref_slice %arg14[%dma_start3A_1356] : memref<3200xf32, #tpu.memory_space<vmem>> -> memref<3120xf32, #tpu.memory_space<vmem>>
    %dma_start3A_1358 = tpu.memref_slice %arg6[%add3A_1352] : memref<3203072xf32, #tpu.memory_space<hbm>> -> memref<3120xf32, #tpu.memory_space<hbm>>
    tpu.enqueue_dma source(%dma_start3A_1358 : memref<3120xf32, #tpu.memory_space<hbm>>) target(%dma_start3A_1357 : memref<3120xf32, #tpu.memory_space<vmem>>) target_semaphore(%arg16 : memref<!tpu.dma_semaphore, #tpu.memory_space<semaphore_mem>>)
    %add3A_1359 = arith.constant 1501440 : i32
    %add3A_1360 = arith.addi %mul3A_411, %add3A_1359 : i32
    %add3A_1361 = arith.addi %add3A_1360, %mul3A_407 : i32
    %add3A_1362 = arith.constant 0 : i32
    %add3A_1363 = arith.addi %add3A_1361, %add3A_1362 : i32
    %dma_wait3A_1364 = arith.constant 0 : i32
    %dma_wait3A_1365 = tpu.memref_slice %arg13[%dma_wait3A_1364] : memref<3200xf32, #tpu.memory_space<vmem>> -> memref<3136xf32, #tpu.memory_space<vmem>>
    %dma_wait3A_1366 = tpu.memref_slice %arg6[%add3A_1363] : memref<3203072xf32, #tpu.memory_space<hbm>> -> memref<3136xf32, #tpu.memory_space<hbm>>
    %dma_wait3A_1367 = arith.constant 0 : i32
    %dma_wait3A_1368 = tpu.memref_slice %arg13[%dma_wait3A_1367] : memref<3200xf32, #tpu.memory_space<vmem>> -> memref<3136xf32, #tpu.memory_space<vmem>>
    %dma_wait3A_1369 = tpu.memref_slice %arg6[%add3A_1363] : memref<3203072xf32, #tpu.memory_space<hbm>> -> memref<3136xf32, #tpu.memory_space<hbm>>
    tpu.wait_dma2 semaphore(%arg15 : memref<!tpu.dma_semaphore, #tpu.memory_space<semaphore_mem>>) src(%dma_wait3A_1369 : memref<3136xf32, #tpu.memory_space<hbm>>) dst(%dma_wait3A_1368 : memref<3136xf32, #tpu.memory_space<vmem>>)
    %add3A_1370 = arith.constant 1501440 : i32
    %add3A_1371 = arith.addi %mul3A_411, %add3A_1370 : i32
    %add3A_1372 = arith.addi %add3A_1371, %mul3A_407 : i32
    %add3A_1373 = arith.constant 0 : i32
    %add3A_1374 = arith.addi %add3A_1372, %add3A_1373 : i32
    %scan3A_1375 = arith.constant 0 : i32
    %scan3A_1376 = arith.constant 0 : i32
    %scan3A_1377 = arith.constant 196 : i32
    %scan3A_1378 = arith.addi %scan3A_1376, %scan3A_1377 : i32
    %scan3A_1379 = arith.constant 1 : i32
    scf.for %scan3A_1411 = %scan3A_1376 to %scan3A_1378 step %scan3A_1379  : i32 {
      %mul3A_1412 = arith.constant 16 : i32
      %mul3A_1413 = arith.muli %scan3A_1411, %mul3A_1412 : i32
      %add3A_1414 = arith.constant 0 : i32
      %add3A_1415 = arith.addi %add3A_1414, %mul3A_1413 : i32
      %get3A = arith.index_cast %add3A_1415 : i32 to index
      %get3A_1416 = tpu.vector_load %arg8[%get3A] {strides = array<i32>} : memref<100096xf32, #tpu.memory_space<vmem>>, vector<16xf32>,
      %get3A_1417 = arith.index_cast %mul3A_1413 : i32 to index
      %get3A_1418 = tpu.vector_load %arg13[%get3A_1417] {strides = array<i32>} : memref<3200xf32, #tpu.memory_space<vmem>>, vector<16xf32>,
      %max3A = arith.maximumf %get3A_1416, %get3A_1418 : vector<16xf32>
      %add3A_1419 = arith.constant 0 : i32
      %add3A_1420 = arith.addi %add3A_1419, %mul3A_1413 : i32
      %swap3A = arith.index_cast %add3A_1420 : i32 to index
      %swap3A_1421 = tpu.vector_load %arg8[%swap3A] {strides = array<i32>} : memref<100096xf32, #tpu.memory_space<vmem>>, vector<16xf32>,
      tpu.vector_store %arg8[%swap3A], %max3A {strides = array<i32>} : memref<100096xf32, #tpu.memory_space<vmem>>, vector<16xf32>,
    }
    %scan3A_1380 = arith.constant 196 : i32
    %add3A_1381 = arith.constant 1501440 : i32
    %add3A_1382 = arith.addi %mul3A_411, %add3A_1381 : i32
    %add3A_1383 = arith.addi %add3A_1382, %mul3A_407 : i32
    %add3A_1384 = arith.constant 3136 : i32
    %add3A_1385 = arith.addi %add3A_1383, %add3A_1384 : i32
    %dma_wait3A_1386 = arith.constant 0 : i32
    %dma_wait3A_1387 = tpu.memref_slice %arg14[%dma_wait3A_1386] : memref<3200xf32, #tpu.memory_space<vmem>> -> memref<3120xf32, #tpu.memory_space<vmem>>
    %dma_wait3A_1388 = tpu.memref_slice %arg6[%add3A_1385] : memref<3203072xf32, #tpu.memory_space<hbm>> -> memref<3120xf32, #tpu.memory_space<hbm>>
    %dma_wait3A_1389 = arith.constant 0 : i32
    %dma_wait3A_1390 = tpu.memref_slice %arg14[%dma_wait3A_1389] : memref<3200xf32, #tpu.memory_space<vmem>> -> memref<3120xf32, #tpu.memory_space<vmem>>
    %dma_wait3A_1391 = tpu.memref_slice %arg6[%add3A_1385] : memref<3203072xf32, #tpu.memory_space<hbm>> -> memref<3120xf32, #tpu.memory_space<hbm>>
    tpu.wait_dma2 semaphore(%arg16 : memref<!tpu.dma_semaphore, #tpu.memory_space<semaphore_mem>>) src(%dma_wait3A_1391 : memref<3120xf32, #tpu.memory_space<hbm>>) dst(%dma_wait3A_1390 : memref<3120xf32, #tpu.memory_space<vmem>>)
    %add3A_1392 = arith.constant 1501440 : i32
    %add3A_1393 = arith.addi %mul3A_411, %add3A_1392 : i32
    %add3A_1394 = arith.addi %add3A_1393, %mul3A_407 : i32
    %add3A_1395 = arith.constant 3136 : i32
    %add3A_1396 = arith.addi %add3A_1394, %add3A_1395 : i32
    %scan3A_1397 = arith.constant 0 : i32
    %scan3A_1398 = arith.constant 0 : i32
    %scan3A_1399 = arith.constant 195 : i32
    %scan3A_1400 = arith.addi %scan3A_1398, %scan3A_1399 : i32
    %scan3A_1401 = arith.constant 1 : i32
    scf.for %scan3A_1411 = %scan3A_1398 to %scan3A_1400 step %scan3A_1401  : i32 {
      %mul3A_1412 = arith.constant 16 : i32
      %mul3A_1413 = arith.muli %scan3A_1411, %mul3A_1412 : i32
      %add3A_1414 = arith.constant 3136 : i32
      %add3A_1415 = arith.addi %add3A_1414, %mul3A_1413 : i32
      %get3A = arith.index_cast %add3A_1415 : i32 to index
      %get3A_1416 = tpu.vector_load %arg8[%get3A] {strides = array<i32>} : memref<100096xf32, #tpu.memory_space<vmem>>, vector<16xf32>,
      %get3A_1417 = arith.index_cast %mul3A_1413 : i32 to index
      %get3A_1418 = tpu.vector_load %arg14[%get3A_1417] {strides = array<i32>} : memref<3200xf32, #tpu.memory_space<vmem>>, vector<16xf32>,
      %max3A = arith.maximumf %get3A_1416, %get3A_1418 : vector<16xf32>
      %add3A_1419 = arith.constant 3136 : i32
      %add3A_1420 = arith.addi %add3A_1419, %mul3A_1413 : i32
      %swap3A = arith.index_cast %add3A_1420 : i32 to index
      %swap3A_1421 = tpu.vector_load %arg8[%swap3A] {strides = array<i32>} : memref<100096xf32, #tpu.memory_space<vmem>>, vector<16xf32>,
      tpu.vector_store %arg8[%swap3A], %max3A {strides = array<i32>} : memref<100096xf32, #tpu.memory_space<vmem>>, vector<16xf32>,
    }
    %scan3A_1402 = arith.constant 195 : i32
    %convert_element_type3A_1403 = arith.extui %eq3A_0 : i1 to i32
    %cond3A_1404 = arith.constant 0 : i32
    %cond3A_1405 = arith.cmpi ne, %convert_element_type3A_1403, %cond3A_1404 : i32
    scf.if %cond3A_1405 {
      "tpu.region"() ({
        %run_scoped3A = tpu.sem_alloc : memref<!tpu.dma_semaphore, #tpu.memory_space<semaphore_mem>>
        %dma_start3A_1411 = arith.constant 0 : i32
        %dma_start3A_1412 = tpu.memref_slice %arg8[%dma_start3A_1411] : memref<100096xf32, #tpu.memory_space<vmem>> -> memref<6256xf32, #tpu.memory_space<vmem>>
        %dma_start3A_1413 = tpu.memref_slice %arg4[%mul3A_407] : memref<100096xf32, #tpu.memory_space<hbm>> -> memref<6256xf32, #tpu.memory_space<hbm>>
        %dma_start3A_1414 = tpu.memref_slice %arg4[%mul3A_407] : memref<100096xf32, #tpu.memory_space<hbm>> -> memref<6256xf32, #tpu.memory_space<hbm>>
        %dma_start3A_1415 = arith.constant 0 : i32
        %dma_start3A_1416 = tpu.memref_slice %arg8[%dma_start3A_1415] : memref<100096xf32, #tpu.memory_space<vmem>> -> memref<6256xf32, #tpu.memory_space<vmem>>
        tpu.enqueue_dma source(%dma_start3A_1416 : memref<6256xf32, #tpu.memory_space<vmem>>) target(%dma_start3A_1414 : memref<6256xf32, #tpu.memory_space<hbm>>) target_semaphore(%run_scoped3A : memref<!tpu.dma_semaphore, #tpu.memory_space<semaphore_mem>>)
        %dma_wait3A_1417 = arith.constant 0 : i32
        %dma_wait3A_1418 = tpu.memref_slice %arg8[%dma_wait3A_1417] : memref<100096xf32, #tpu.memory_space<vmem>> -> memref<6256xf32, #tpu.memory_space<vmem>>
        %dma_wait3A_1419 = tpu.memref_slice %arg4[%mul3A_407] : memref<100096xf32, #tpu.memory_space<hbm>> -> memref<6256xf32, #tpu.memory_space<hbm>>
        %dma_wait3A_1420 = tpu.memref_slice %arg4[%mul3A_407] : memref<100096xf32, #tpu.memory_space<hbm>> -> memref<6256xf32, #tpu.memory_space<hbm>>
        %dma_wait3A_1421 = arith.constant 0 : i32
        %dma_wait3A_1422 = tpu.memref_slice %arg8[%dma_wait3A_1421] : memref<100096xf32, #tpu.memory_space<vmem>> -> memref<6256xf32, #tpu.memory_space<vmem>>
        tpu.wait_dma2 semaphore(%run_scoped3A : memref<!tpu.dma_semaphore, #tpu.memory_space<semaphore_mem>>) src(%dma_wait3A_1422 : memref<6256xf32, #tpu.memory_space<vmem>>) dst(%dma_wait3A_1420 : memref<6256xf32, #tpu.memory_space<hbm>>)
        tpu.yield
      }) : () -> ()
    } else {
    }
    %not3A_1406 = arith.constant true
    %not3A_1407 = arith.xori %eq3A_0, %not3A_1406 : i1
    %convert_element_type3A_1408 = arith.extui %not3A_1407 : i1 to i32
    %cond3A_1409 = arith.constant 0 : i32
    %cond3A_1410 = arith.cmpi ne, %convert_element_type3A_1408, %cond3A_1409 : i32
    scf.if %cond3A_1410 {
      "tpu.region"() ({
        %run_scoped3A = tpu.sem_alloc : memref<!tpu.dma_semaphore, #tpu.memory_space<semaphore_mem>>
        %dma_start3A_1411 = arith.constant 0 : i32
        %dma_start3A_1412 = tpu.memref_slice %arg8[%dma_start3A_1411] : memref<100096xf32, #tpu.memory_space<vmem>> -> memref<6256xf32, #tpu.memory_space<vmem>>
        %dma_start3A_1413 = tpu.memref_slice %arg5[%mul3A_407] : memref<100096xf32, #tpu.memory_space<hbm>> -> memref<6256xf32, #tpu.memory_space<hbm>>
        %dma_start3A_1414 = tpu.memref_slice %arg5[%mul3A_407] : memref<100096xf32, #tpu.memory_space<hbm>> -> memref<6256xf32, #tpu.memory_space<hbm>>
        %dma_start3A_1415 = arith.constant 0 : i32
        %dma_start3A_1416 = tpu.memref_slice %arg8[%dma_start3A_1415] : memref<100096xf32, #tpu.memory_space<vmem>> -> memref<6256xf32, #tpu.memory_space<vmem>>
        tpu.enqueue_dma source(%dma_start3A_1416 : memref<6256xf32, #tpu.memory_space<vmem>>) target(%dma_start3A_1414 : memref<6256xf32, #tpu.memory_space<hbm>>) target_semaphore(%run_scoped3A : memref<!tpu.dma_semaphore, #tpu.memory_space<semaphore_mem>>)
        %dma_wait3A_1417 = arith.constant 0 : i32
        %dma_wait3A_1418 = tpu.memref_slice %arg8[%dma_wait3A_1417] : memref<100096xf32, #tpu.memory_space<vmem>> -> memref<6256xf32, #tpu.memory_space<vmem>>
        %dma_wait3A_1419 = tpu.memref_slice %arg5[%mul3A_407] : memref<100096xf32, #tpu.memory_space<hbm>> -> memref<6256xf32, #tpu.memory_space<hbm>>
        %dma_wait3A_1420 = tpu.memref_slice %arg5[%mul3A_407] : memref<100096xf32, #tpu.memory_space<hbm>> -> memref<6256xf32, #tpu.memory_space<hbm>>
        %dma_wait3A_1421 = arith.constant 0 : i32
        %dma_wait3A_1422 = tpu.memref_slice %arg8[%dma_wait3A_1421] : memref<100096xf32, #tpu.memory_space<vmem>> -> memref<6256xf32, #tpu.memory_space<vmem>>
        tpu.wait_dma2 semaphore(%run_scoped3A : memref<!tpu.dma_semaphore, #tpu.memory_space<semaphore_mem>>) src(%dma_wait3A_1422 : memref<6256xf32, #tpu.memory_space<vmem>>) dst(%dma_wait3A_1420 : memref<6256xf32, #tpu.memory_space<hbm>>)
        tpu.yield
      }) : () -> ()
    } else {
    }
    return
  }
}

module attributes {stable_mosaic.version = 14 : i64} {
  func.func @_matvec_body(%arg0: i32, %arg1: memref<4000x128xf32, #tpu.memory_space<vmem>>, %arg2: memref<1x128xf32, #tpu.memory_space<vmem>>, %arg3: memref<1x1x4000xf32, #tpu.memory_space<vmem>>) attributes {dimension_semantics = [#tpu.dimension_semantics<arbitrary>], iteration_bounds = array<i64: 25>, scalar_prefetch = 0 : i64, scratch_operands = 0 : i64, tpu.core_type = #tpu.core_type<tc>, window_params = [{transform_indices = @transform_0, window_bounds = array<i64: 4000, 128>}, {pipeline_mode = #tpu.pipeline_mode<synchronous>, transform_indices = @transform_1, window_bounds = array<i64: 1, 128>}, {transform_indices = @transform_2, window_bounds = array<i64: 1, 1, 4000>}]} {
    %get3A = arith.constant 0 : index
    %get3A_0 = arith.constant 0 : index
    %get3A_1 = vector.load %arg2[%get3A, %get3A_0] : memref<1x128xf32, #tpu.memory_space<vmem>>, vector<1x128xf32>
    %get3A_2 = arith.constant 0 : index
    %get3A_3 = arith.constant 0 : index
    %get3A_4 = vector.load %arg1[%get3A_2, %get3A_3] : memref<4000x128xf32, #tpu.memory_space<vmem>>, vector<4000x128xf32>
    %dot_general3A = arith.constant dense<0.000000e+00> : vector<1x4000xf32>
    %dot_general3A_5 = tpu.matmul %get3A_1, %get3A_4, %dot_general3A {dimension_numbers = #tpu.dot_dimension_numbers<[1], [1], [0], [0], [0, 0, 1, 0], [], []>, transpose_lhs_hint = false} : vector<1x128xf32>, vector<4000x128xf32>, vector<1x4000xf32> -> vector<1x4000xf32>
    %broadcast_in_dim3A = vector.shape_cast %dot_general3A_5 : vector<1x4000xf32> to vector<1x1x4000xf32>
    %swap3A = arith.constant 0 : index
    %swap3A_6 = arith.constant 0 : index
    %swap3A_7 = arith.constant 0 : index
    %swap3A_8 = vector.load %arg3[%swap3A, %swap3A_6, %swap3A_7] : memref<1x1x4000xf32, #tpu.memory_space<vmem>>, vector<1x1x4000xf32>
    tpu.vector_store %arg3[%swap3A, %swap3A_6, %swap3A_7], %broadcast_in_dim3A {strides = array<i32>} : memref<1x1x4000xf32, #tpu.memory_space<vmem>>, vector<1x1x4000xf32>,
    return
  }
  func.func @transform_0(%arg0: i32) -> (i32, i32) {
    %c0_i32 = arith.constant 0 : i32
    %c0_i32_0 = arith.constant 0 : i32
    return %arg0, %c0_i32 : i32, i32
  }
  func.func @transform_1(%arg0: i32) -> (i32, i32) {
    %c0_i32 = arith.constant 0 : i32
    %c0_i32_0 = arith.constant 0 : i32
    %c0_i32_1 = arith.constant 0 : i32
    return %c0_i32, %c0_i32_0 : i32, i32
  }
  func.func @transform_2(%arg0: i32) -> (i32, i32, i32) {
    %c0_i32 = arith.constant 0 : i32
    %c0_i32_0 = arith.constant 0 : i32
    %c0_i32_1 = arith.constant 0 : i32
    return %arg0, %c0_i32, %c0_i32_0 : i32, i32, i32
  }
}

module attributes {stable_mosaic.version = 14 : i64} {
  func.func @_combine_body(%arg0: memref<782x128xf32, #tpu.memory_space<vmem>>, %arg1: memref<782x128xf32, #tpu.memory_space<vmem>>, %arg2: memref<782x128xf32, #tpu.memory_space<vmem>>, %arg3: memref<1x2xf32, #tpu.memory_space<smem>>, %arg4: memref<782x128xf32, #tpu.memory_space<vmem>>) attributes {dimension_semantics = [], scalar_prefetch = 0 : i64, scratch_operands = 0 : i64, tpu.core_type = #tpu.core_type<tc>} {
    %get3A = arith.constant 0 : index
    %get3A_0 = arith.constant 0 : index
    %get3A_1 = vector.load %arg0[%get3A, %get3A_0] : memref<782x128xf32, #tpu.memory_space<vmem>>, vector<782x128xf32>
    %get3A_2 = arith.constant 0 : index
    %get3A_3 = arith.constant 0 : index
    %get3A_4 = vector.load %arg1[%get3A_2, %get3A_3] : memref<782x128xf32, #tpu.memory_space<vmem>>, vector<782x128xf32>
    %get3A_5 = arith.constant 0 : index
    %get3A_6 = arith.constant 0 : index
    %get3A_7 = vector.load %arg2[%get3A_5, %get3A_6] : memref<782x128xf32, #tpu.memory_space<vmem>>, vector<782x128xf32>
    %iota3A = tpu.iota {dimensions = array<i32: 0>} : vector<782x128xi32>
    %mul3A = arith.constant 128 : i32
    %mul3A_8 = vector.broadcast %mul3A : i32 to vector<782x128xi32>
    %mul3A_9 = arith.muli %iota3A, %mul3A_8 : vector<782x128xi32>
    %iota3A_10 = tpu.iota {dimensions = array<i32: 1>} : vector<782x128xi32>
    %add3A = arith.addi %mul3A_9, %iota3A_10 : vector<782x128xi32>
    %lt3A = arith.constant 100000 : i32
    %lt3A_11 = vector.broadcast %lt3A : i32 to vector<782x128xi32>
    %lt3A_12 = arith.cmpi slt, %add3A, %lt3A_11 : vector<782x128xi32>
    %eq3A = arith.constant 0xFF800000 : f32
    %eq3A_13 = vector.broadcast %eq3A : f32 to vector<782x128xf32>
    %eq3A_14 = arith.cmpf oeq, %get3A_4, %eq3A_13 : vector<782x128xf32>
    %jit3A = arith.constant 0.000000e+00 : f32
    %broadcast_in_dim3A = vector.broadcast %jit3A : f32 to vector<782x128xf32>
    %select_n3A = arith.select %eq3A_14, %broadcast_in_dim3A, %get3A_4 : vector<782x128xi1>, vector<782x128xf32>
    %eq3A_15 = arith.constant 0xFF800000 : f32
    %eq3A_16 = vector.broadcast %eq3A_15 : f32 to vector<782x128xf32>
    %eq3A_17 = arith.cmpf oeq, %get3A_7, %eq3A_16 : vector<782x128xf32>
    %jit3A_18 = arith.constant 0.000000e+00 : f32
    %broadcast_in_dim3A_19 = vector.broadcast %jit3A_18 : f32 to vector<782x128xf32>
    %select_n3A_20 = arith.select %eq3A_17, %broadcast_in_dim3A_19, %get3A_7 : vector<782x128xi1>, vector<782x128xf32>
    %get3A_21 = arith.constant 0 : index
    %get3A_22 = arith.constant 0 : index
    %get3A_23 = memref.load %arg3[%get3A_21, %get3A_22] : memref<1x2xf32, #tpu.memory_space<smem>>
    %mul3A_24 = vector.broadcast %get3A_23 : f32 to vector<782x128xf32>
    %mul3A_25 = arith.mulf %mul3A_24, %select_n3A : vector<782x128xf32>
    %add3A_26 = arith.addf %get3A_1, %mul3A_25 : vector<782x128xf32>
    %get3A_27 = arith.constant 0 : index
    %get3A_28 = arith.constant 1 : index
    %get3A_29 = memref.load %arg3[%get3A_27, %get3A_28] : memref<1x2xf32, #tpu.memory_space<smem>>
    %mul3A_30 = vector.broadcast %get3A_29 : f32 to vector<782x128xf32>
    %mul3A_31 = arith.mulf %mul3A_30, %select_n3A_20 : vector<782x128xf32>
    %add3A_32 = arith.addf %add3A_26, %mul3A_31 : vector<782x128xf32>
    %jit3A_33 = arith.constant 0xFF800000 : f32
    %broadcast_in_dim3A_34 = vector.broadcast %jit3A_33 : f32 to vector<782x128xf32>
    %select_n3A_35 = arith.select %lt3A_12, %add3A_32, %broadcast_in_dim3A_34 : vector<782x128xi1>, vector<782x128xf32>
    %reduce_max3A = vector.shape_cast %select_n3A_35 : vector<782x128xf32> to vector<1x782x128xf32>
    %reduce_max3A_36 = arith.constant dense<0xFF800000> : vector<1xf32>
    %reduce_max3A_37 = vector.multi_reduction <maximumf>, %reduce_max3A, %reduce_max3A_36 [1, 2] : vector<1x782x128xf32> to vector<1xf32>
    %reduce_max3A_38 = vector.shape_cast %reduce_max3A_37 : vector<1xf32> to vector<1x1x1xf32>
    %reduce_max3A_39 = vector.extract %reduce_max3A_38[0, 0, 0] : f32 from vector<1x1x1xf32>
    %sub3A = vector.broadcast %reduce_max3A_39 : f32 to vector<782x128xf32>
    %sub3A_40 = arith.subf %select_n3A_35, %sub3A : vector<782x128xf32>
    %exp3A = math.exp %sub3A_40 : vector<782x128xf32>
    %reduce_sum3A = vector.shape_cast %exp3A : vector<782x128xf32> to vector<1x782x128xf32>
    %reduce_sum3A_41 = arith.constant dense<0.000000e+00> : vector<1xf32>
    %reduce_sum3A_42 = vector.multi_reduction <add>, %reduce_sum3A, %reduce_sum3A_41 [1, 2] : vector<1x782x128xf32> to vector<1xf32>
    %reduce_sum3A_43 = vector.shape_cast %reduce_sum3A_42 : vector<1xf32> to vector<1x1x1xf32>
    %reduce_sum3A_44 = vector.extract %reduce_sum3A_43[0, 0, 0] : f32 from vector<1x1x1xf32>
    %div3A = vector.broadcast %reduce_sum3A_44 : f32 to vector<782x128xf32>
    %div3A_45 = arith.divf %exp3A, %div3A : vector<782x128xf32>
    %swap3A = arith.constant 0 : index
    %swap3A_46 = arith.constant 0 : index
    %swap3A_47 = vector.load %arg4[%swap3A, %swap3A_46] : memref<782x128xf32, #tpu.memory_space<vmem>>, vector<782x128xf32>
    tpu.vector_store %arg4[%swap3A, %swap3A_46], %div3A_45 {strides = array<i32>} : memref<782x128xf32, #tpu.memory_space<vmem>>, vector<782x128xf32>,
    return
  }
}

</mosaic_0001>

<sc_bundles>
// kernel: kernel.5.cloned.1.call-start
scs
__scs_entry_jumppad:
0x0: {  	(pc) =	sbr.rel $0x88, $3  }
0x1: {  	(tag) =	ssettag $0x0;
	lr =	simm.s32 $0x1  }
0x2: {  	[smem:$0x3F9D] =	sst lr;
	_ =	strace $0xD0000000  }
0x3: {  	_ = 	snop  }
0x4: {  	_ = 	snop  }
0x5: {  	_ = 	snop  }
0x6: {  	_ = 	snop  }
0x7: {  	_ = 	snop  }
__scs_overlays_trampoline_lowered:
0x8: {  	[smem:$0x3FAC] =	sst s0  }
0x9: {  	[smem:$0x3FAD] =	sst s1  }
0xa: {  	[smem:$0x3FAE] =	sst s2  }
0xb: {  	[smem:$0x3FAF] =	sst s3  }
0xc: {  	[smem:$0x3FB0] =	sst s4  }
0xd: {  	[smem:$0x3FB1] =	sst s5  }
0xe: {  	[smem:$0x3FB2] =	sst s6  }
0xf: {  	[smem:$0x3FB3] =	sst s7  }
0x10: {  	[smem:$0x3FB4] =	sst s8  }
0x11: {  	[smem:$0x3FB5] =	sst s9;
	s0 =	simm.s32 @!p0 $0x0  }
0x12: {  	s1 =	sld [smem:$0x3F9B];
	s0 =	simm.s32 @p0 $0x1  }
0x13: {  	[smem:$0x3FB6] =	sst s0;
	s0 =	simm.s32 @!p1 $0x0  }
0x14: {  	s2 =	sld [smem:$0x3F9A];
	s0 =	simm.s32 @p1 $0x1  }
0x15: {  	[smem:$0x3FB7] =	sst s0;
	s0 =	simm.s32 @!p2 $0x0  }
0x16: {  	s3 =	sld [smem:$0x3FDB];
	s0 =	simm.s32 @p2 $0x1  }
0x17: {  	s4 =	simm.s32 $0x1BF5;
	[smem:$0x3FB9] =	sst s0  }
0x18: {  	s0 =	sld [smem:$0x3F9C];
	_ =	swait.ge [sflag:s4], $0x0  }
0x19: {  	s7 =	sld [smem:$0x3F9D]  }
0x1a: {  	s8 =	sadd.s32 $0xFFFFE003, lr  }
0x1b: {  	s9 =	sadd.s32 $0xFFFFFEF7, lr;
	s5 =	simm.s32 $0xFFFFFFFF;
	p2 =	slt.u32 s8, $0xFFFFF086  }
0x1c: {  	p1 =	slt.u32 s9, $0xF7A;
	s5 =	simm.s32 @!p2 $0x0  }
0x1d: {  	s5 =	simm.s32 @p1 $0x1;
	p0 =	seq.s32 s7, s2  }
0x1e: {  	s7 =	smul.u32 @!p0 $0xF7A, s2;
	p2 =	seq.s32 @!p0 s5, $0x0  }
0x1f: {  	s9 =	smul.u32 $0xF7A, s1;
	s8 =	simm.s32 @!p0 $0x1BF5;
	p2 =	por !p2, p0  }
0x20: {  	[sflag:s8] =	ssyncset.s32 @!p0 $0xFFFFF086;
	s6 =	sadd.s32 @!p0 s3, s7;
	s7 =	simm.s32 @!p0 $0x108  }
0x21: {  	s3 =	sadd.s32 s3, s9;
	s6 =	sadd.s32 @!p0 $0x88, s6;
	s7 =	simm.s32 @p2 $0x1082  }
0x22: {  	[simem:s7], [sflag:s8] =	dma.local @!p0 [hbm:s6], $0xF7A  }
0x23: {  	s9 =	sor.u32 $0xD0000000, s2;
	s6 =	simm.s32 $0x108;
	_ =	swait.ge @!p0 [sflag:s8], $0x0  }
0x24: {  	s3 =	sadd.s32 $0x88, s3;
	s6 =	simm.s32 @!p1 $0x1082;
	[sflag:s4] =	ssyncset.s32 $0xFFFFF086  }
0x25: {  	[simem:s6], [sflag:s4] =	dma.local [hbm:s3], $0xF7A  }
0x26: {  	[smem:$0x3F9D] =	sst s1;
	(tag) =	ssettag s2;
	_ =	strace s9  }
0x27: {  	s1 =	sld [smem:$0x3FAD]  }
0x28: {  	s2 =	sld [smem:$0x3FAE]  }
0x29: {  	s4 =	sld [smem:$0x3FB0]  }
0x2a: {  	p0 =	seq.s32 s5, $0x0;
	s5 =	sld [smem:$0x3FB1]  }
0x2b: {  	s6 =	sld [smem:$0x3FB2]  }
0x2c: {  	s7 =	sld [smem:$0x3FB3]  }
0x2d: {  	s3 =	simm.s32 $0x108;
	s8 =	sld [smem:$0x3FB4]  }
0x2e: {  	s3 =	simm.s32 @!p0 $0x1082;
	s9 =	sld [smem:$0x3FB5]  }
0x2f: {  	lr =	sadd.s32 s0, s3;
	s0 =	sld [smem:$0x3FAC]  }
0x30: {  	s3 =	sld [smem:$0x3FAF]  }
0x31: {  	[smem:$0x3FB8] =	sst s10  }
0x32: {  	s10 =	sld [smem:$0x3FB6];
	_ =	sdelay $0x3  }
0x33: {  	p0 =	seq.s32 s10, $0x1;
	s10 =	sld [smem:$0x3FB8];
	_ =	sdelay $0x3  }
0x34: {  	[smem:$0x3FB8] =	sst s10  }
0x35: {  	s10 =	sld [smem:$0x3FB7];
	_ =	sdelay $0x3  }
0x36: {  	p1 =	seq.s32 s10, $0x1;
	s10 =	sld [smem:$0x3FB8];
	_ =	sdelay $0x3  }
0x37: {  	[smem:$0x3FB8] =	sst s10  }
0x38: {  	s10 =	sld [smem:$0x3FB9]  }
0x39: {  	_ = 	snop;
	(pc) =	sbr.ind lr, $3  }
0x3a: {  	_ = 	snop  }
0x3b: {  	_ = 	snop  }
0x3c: {  	p2 =	seq.s32 s10, $0x1;
	s10 =	sld [smem:$0x3FB8]  }
0x3d: {  	_ =	shalt  }
0x3e: {  	_ =	shalt  }
0x3f: {  	_ =	shalt  }
0x40: {  	_ =	shalt  }
0x41: {  	_ =	shalt  }
0x42: {  	_ =	shalt  }
0x43: {  	_ =	shalt  }
0x44: {  	_ =	shalt  }
0x45: {  	_ =	shalt  }
0x46: {  	_ =	shalt  }
0x47: {  	_ =	shalt  }
0x48: {  	_ =	shalt  }
0x49: {  	_ =	shalt  }
0x4a: {  	_ =	shalt  }
0x4b: {  	_ =	shalt  }
0x4c: {  	_ =	shalt  }
0x4d: {  	_ =	shalt  }
0x4e: {  	_ =	shalt  }
0x4f: {  	_ =	shalt  }
0x50: {  	_ =	shalt  }
0x51: {  	_ =	shalt  }
0x52: {  	_ =	shalt  }
0x53: {  	_ =	shalt  }
0x54: {  	_ =	shalt  }
0x55: {  	_ =	shalt  }
0x56: {  	_ =	shalt  }
0x57: {  	_ =	shalt  }
0x58: {  	_ =	shalt  }
0x59: {  	_ =	shalt  }
0x5a: {  	_ =	shalt  }
0x5b: {  	_ =	shalt  }
0x5c: {  	_ =	shalt  }
0x5d: {  	_ =	shalt  }
0x5e: {  	_ =	shalt  }
0x5f: {  	_ =	shalt  }
0x60: {  	_ =	shalt  }
0x61: {  	_ =	shalt  }
0x62: {  	_ =	shalt  }
0x63: {  	_ =	shalt  }
0x64: {  	_ =	shalt  }
0x65: {  	_ =	shalt  }
0x66: {  	_ =	shalt  }
0x67: {  	_ =	shalt  }
0x68: {  	_ =	shalt  }
0x69: {  	_ =	shalt  }
0x6a: {  	_ =	shalt  }
0x6b: {  	_ =	shalt  }
0x6c: {  	_ =	shalt  }
0x6d: {  	_ =	shalt  }
0x6e: {  	_ =	shalt  }
0x6f: {  	_ =	shalt  }
0x70: {  	_ =	shalt  }
0x71: {  	_ =	shalt  }
0x72: {  	_ =	shalt  }
0x73: {  	_ =	shalt  }
0x74: {  	_ =	shalt  }
0x75: {  	_ =	shalt  }
0x76: {  	_ =	shalt  }
0x77: {  	_ =	shalt  }
0x78: {  	_ =	shalt  }
0x79: {  	_ =	shalt  }
0x7a: {  	_ =	shalt  }
0x7b: {  	_ =	shalt  }
0x7c: {  	_ =	shalt  }
0x7d: {  	_ =	shalt  }
0x7e: {  	_ =	shalt  }
0x7f: {  	_ =	shalt  }
0x80: {  	_ =	shalt  }
0x81: {  	_ =	shalt  }
0x82: {  	_ =	shalt  }
0x83: {  	_ =	shalt  }
0x84: {  	_ =	shalt  }
0x85: {  	_ =	shalt  }
0x86: {  	_ =	shalt  }
0x87: {  	_ =	shalt  }
.Lfunc_end0:
.L_simem_size_0:
called_computation.1_lowered:
.L_overlay_start_0:
0x88: {  	s2 =	sld [smem:$0x3FD9]  }
0x89: {  	s3 =	sld [smem:$0x3FFE];
	_ =	sdelay $0x1  }
0x8a: {  	s1 =	srdreg.scid  }
0x8b: {  	s0 =	sand.u32 $0x1, s1  }
0x8c: {  	s16 =	sshll.u32 s0, $0xA;
	s2 =	sadd.s32 s3, s2  }
0x8d: {  	s2 =	sadd.s32 s2, s16  }
0x8e: {  	[smem:$0x3FC4] =	sst s2  }
0x8f: {  	_ = 	snop  }
0x90: {  	(tm) =	ssettm $0x1  }
0x91: {  	s17 =	sld [smem:$0x3FFB];
	_ =	sdelay $0x3  }
0x92: {  	_ =	strace s17  }
0x93: {  	s2 =	sld [smem:$0x3FFC];
	_ =	sdelay $0x3  }
0x94: {  	_ =	strace s2  }
0x95: {  	s2 =	sld [smem:$0x3FFD];
	_ =	sdelay $0x3  }
0x96: {  	_ =	strace s2  }
0x97: {  	_ =	strace $0x8FFFFFFF  }
0x98: {  	s18 =	sld [smem:$0x3FDB];
	_ =	sdelay $0x1  }
0x99: {  	s19 =	simm.s32 $_scs_section_size  }
0x9a: {  	s4 =	simm.s32 $_size__tile_overlayer_lowered;
	s5 =	simm.s32 $_tile_overlayer_lowered  }
0x9b: {  	s22 =	simm.s32 $0x1BFF;
	s21 =	sshll.u32 s5, $0x1;
	s2 =	sadd.s32 s19, s18  }
0x9c: {  	s6 =	simm.s32 $0x0;
	s20 =	sshll.u32 s4, $0x1;
	s4 =	sadd.s32 s21, s2  }
0x9d: {  	[timem:s6], [sflag:s22] =	dma.local [hbm:s4], s20  }
0x9e: {  	_ =	swait.ge [sflag:s22], s20  }
0x9f: {  	s3 =	ssub.s32 $0x0, s20;
	[sflag:s22] =	ssyncset.done $0x0  }
0xa0: {  	[sflag:s22] =	ssyncadd.s32 s3;
	_ =	sdelay $0x1  }
0xa1: {  	s23 =	simm.s32 $0x1B8B  }
0xa2: {  	_ =	swait.ge [sflag:s23], $0x1  }
0xa3: {  	[sflag:s23] =	ssyncset.done $0x0  }
0xa4: {  	s25 =	simm.s32 $0x1B8E;
	s24 =	sld [smem:$0x3FFE];
	[sflag:s23] =	ssyncadd.s32 $0xFFFFFFFF  }
0xa5: {  	s26 =	simm.s32 $execute0_lowered;
	[smem:$0x3FD2] =	sst s25  }
0xa6: {  	s4 =	sshll.u32 s26, $0x1;
	_ =	strace $0x80000049;
	[dreg:$0x1] =	wrdreg $0xFFFFFFFF  }
0xa7: {  	s28 =	simm.s32 $_size_execute0_lowered;
	s2 =	sadd.s32 s2, s4;
	[dreg:$0x0] =	wrdreg $0x0  }
0xa8: {  	s4 =	sshll.u32 s28, $0x1;
	[dreg:$0x2] =	wrdreg s2  }
0xa9: {  	[dreg:$0x3] =	wrdreg s4  }
0xaa: {  	[dreg:$0x4] =	wrdreg $0xC0  }
0xab: {  	_ =	task [dreg:s6], $0x5FFFF  }
0xac: {  	[dreg:$0x1] =	wrdreg $0xFFFFFFFF  }
0xad: {  	[dreg:$0x0] =	wrdreg $0x60  }
0xae: {  	[dreg:$0x2] =	wrdreg s24  }
0xaf: {  	[dreg:$0x3] =	wrdreg $0x0  }
0xb0: {  	[dreg:$0x4] =	wrdreg $0x9  }
0xb1: {  	_ =	task.clear_ibuf [dreg:s6], $0x5FFFF;
	_ =	strace $0x90000049  }
0xb2: {  	s29 =	simm.s32 $0x9;
	_ =	strace $0x8000004B  }
0xb3: {  	_ =	swait.ge [sflag:s29], $0x1  }
0xb4: {  	[sflag:s29] =	ssyncadd.s32 $0xFFFFFFFF  }
0xb5: {  	_ =	strace $0x9000004B  }
0xb6: {  	_ =	sfence  }
0xb7: {  	s30 =	sld [smem:$0x0];
	_ =	sdelay $0x2  }
0xb8: {  	s31 =	sshll.u32 s1, $0xD;
	s1 =	sshrl.u32 s1, $0x2  }
0xb9: {  	s3 =	sand.u32 $0x4000, s31;
	s1 =	sadd.s32 s1, s30  }
0xba: {  	s0 =	sor.u32 s3, s0;
	s1 =	sshll.u32 s1, $0x11  }
0xbb: {  	s0 =	sor.u32 s1, s0  }
0xbc: {  	s0 =	sadd.s32 $0x8F2B, s0  }
0xbd: {  	[sflag:s0] =	ssyncadd.remote.s32 $0x1  }
0xbe: {  	_ =	sfence.sel $0xFFFF  }
0xbf: {  	[dreg:$0x0] =	wrdreg $0xFFFFFFFF;
	(pc) =	sbr.abs _section_cstart, $3  }
0xc0: {  	[dreg:$0x1] =	wrdreg $0xFFFFFFFF  }
0xc1: {  	_ =	task.clear_ibuf [dreg:s6], $0x2FFFF;
	_ =	strace $0x9FFFFFFF  }
0xc2: {  	(tm) =	ssettm $0x7FFFFFFF  }
0xc3: {  	_ =	shalt  }
tec
execute0_lowered:
.L_overlay_start_1:
0x0: {  	(tag) =	ssettag $0x1  }
0x1: {  	s0 =	rddreg [dreg:$0x0]  }
0x2: {  	s2 =	rddreg [dreg:$0x1];
	s16 =	stileid.u32  }
0x3: {  	s3 =	simm.s32 $0x0;
	s5 =	srdreg.scid;
	s1 =	smul.u32 $0x61A8, s16  }
0x4: {  	[smem:$0x7FF] =	sst s3;
	s7 =	smul.u32 $0x61A80, s16;
	s8 =	sadd.s32 $0x1ECA00, s0  }
0x5: {  	s5 =	sand.u32 $0x1, s5;
	s11 =	sadd.s32 $0x1EFC00, s0;
	s14 =	smul.u32 $0x1870, s16  }
0x6: {  	_ =	strace $0x8000004A;
	s9 =	ssub.s32 $0x2, s5;
	p0 =	seq.s32 s5, $0x0  }
0x7: {  	s21 =	smul.u32 $0x187000, s5;
	s22 =	sshll.u32 s5, $0x4;
	s4 =	sshrl.u32 s1, $0x3  }
0x8: {  	s10 =	sshrl.u32 s9, $0x1;
	s12 =	sshrl.u32 s7, $0x3;
	s1 =	sadd.s32 s1, s2  }
0x9: {  	s26 =	sshrl.u32 s14, $0x3;
	s11 =	smov.u32 @p0 s8;
	s6 =	sadd.s32 s4, s0  }
0xa: {  	s4 =	sadd.s32 $0x1200, s0;
	s0 =	sadd.s32 $0x18AE00, s0;
	s13 =	ssub.s32 s9, s10  }
0xb: {  	[dreg:$0x6] =	wrdreg s1;
	s9 =	sadd.s32 $0x1900, s7;
	s1 =	sor.u32 s16, s22  }
0xc: {  	s23 =	sadd.s32 s14, s21;
	s6 =	sadd.s32 $0x187C00, s6;
	s1 =	smul.u32 $0x30E0, s1  }
0xd: {  	[dreg:$0x5] =	wrdreg s6;
	s6 =	sshrl.u32 s23, $0x3;
	s23 =	smax.u32 s13, $0x1  }
0xe: {  	s6 =	sadd.s32 s0, s6;
	s0 =	sadd.s32 s0, s1;
	[dreg:$0x15] =	wrdreg s23  }
0xf: {  	s10 =	sadd.s32 $0x2580, s7;
	s17 =	sadd.s32 s4, s12;
	[dreg:$0x9] =	wrdreg s0  }
0x10: {  	s12 =	sadd.s32 $0xC3500, s17;
	s24 =	sadd.s32 $0x30E0, s6;
	[dreg:$0x8] =	wrdreg s6  }
0x11: {  	s1 =	smov.u32 s12;
	s25 =	sadd.s32 $0x3268, s6;
	[dreg:$0xa] =	wrdreg s24  }
0x12: {  	s15 =	sadd.s32 $0xC3690, s17;
	s1 =	smov.u32 @p0 s17;
	[dreg:$0xb] =	wrdreg s25  }
0x13: {  	s18 =	sadd.s32 $0x190, s17;
	s14 =	sadd.s32 $0x61C0, s6;
	[dreg:$0xc] =	wrdreg s1  }
0x14: {  	s7 =	sadd.s32 $0xCF6C0, s17;
	s0 =	sadd.s32 s11, s26;
	[dreg:$0xd] =	wrdreg s14  }
0x15: {  	s19 =	sadd.s32 $0xC1C0, s17;
	s17 =	smov.u32 @p0 s12;
	[dreg:$0xe] =	wrdreg s0  }
0x16: {  	s20 =	sadd.s32 $0x92A0, s6;
	[dreg:$0x3] =	wrdreg s17  }
0x17: {  	s21 =	sadd.s32 $0x9428, s6;
	[dreg:$0x12] =	wrdreg s20  }
0x18: {  	s22 =	sadd.s32 $0xC380, s6;
	[dreg:$0x13] =	wrdreg s21  }
0x19: {  	s26 =	sadd.s32 $0xF5E8, s6;
	[dreg:$0x14] =	wrdreg s22  }
0x1a: {  	s8 =	sadd.s32 $0x157A8, s6;
	[dreg:$0x18] =	wrdreg s26  }
0x1b: {  	s11 =	sadd.s32 $0x18700, s6;
	[dreg:$0x1c] =	wrdreg s8  }
0x1c: {  	s12 =	sadd.s32 $0x18888, s6;
	[dreg:$0x1d] =	wrdreg s11  }
0x1d: {  	s13 =	sadd.s32 $0x1B7E0, s6;
	[dreg:$0x1e] =	wrdreg s12  }
0x1e: {  	p1 =	sgt.u32 s16, $0x3;
	s16 =	sadd.s32 $0x1EA48, s6;
	[dreg:$0x1f] =	wrdreg s13  }
0x1f: {  	s23 =	sadd.s32 $0x2AC40, s6;
	[smem:$0x7F3] =	sst s16  }
0x20: {  	s17 =	sadd.s32 $0x6348, s6;
	[smem:$0x7FA] =	sst s23  }
0x21: {  	s31 =	simm.s32 $0x19F70;
	s24 =	sadd.s32 $0xC508, s6;
	[dreg:$0x11] =	wrdreg s17  }
0x22: {  	s28 =	simm.s32 $0x2;
	s25 =	sadd.s32 $0xF460, s6;
	[dreg:$0x16] =	wrdreg s24  }
0x23: {  	s29 =	simm.s32 $0x1DDF0;
	s14 =	sadd.s32 $0x1B968, s6;
	[dreg:$0x17] =	wrdreg s25  }
0x24: {  	s30 =	simm.s32 $0x1B570;
	s20 =	sadd.s32 $0x24C08, s6;
	[smem:$0x7F1] =	sst s14  }
0x25: {  	s0 =	smov.u32 s15;
	s21 =	sadd.s32 $0x27B60, s6;
	[smem:$0x7F7] =	sst s20  }
0x26: {  	s1 =	smov.u32 s7;
	s22 =	sadd.s32 $0x27CE8, s6;
	[smem:$0x7F8] =	sst s21  }
0x27: {  	s26 =	sadd.s32 $0x2DEA8, s6;
	s8 =	simm.s32 $0x1;
	[smem:$0x7F9] =	sst s22  }
0x28: {  	s13 =	simm.s32 $0x80;
	s0 =	smov.u32 @p0 s18;
	[smem:$0x7FD] =	sst s26  }
0x29: {  	s16 =	simm.s32 $0x1E770;
	s1 =	smov.u32 @p0 s19;
	[dreg:$0xf] =	wrdreg s0  }
0x2a: {  	s11 =	simm.s32 $0x1E870;
	s18 =	smov.u32 @p0 s15;
	[dreg:$0x10] =	wrdreg s1  }
0x2b: {  	s12 =	simm.s32 $0x1B770;
	s19 =	smov.u32 @p0 s7;
	[dreg:$0x4] =	wrdreg s18  }
0x2c: {  	p0 =	sne.s32 s5, $0x0;
	s5 =	sadd.s32 $0x126C8, s6;
	[dreg:$0x7] =	wrdreg s19  }
0x2d: {  	s23 =	simm.s32 $0x0;
	s7 =	sadd.s32 $0x15620, s6;
	[dreg:$0x1a] =	wrdreg s5  }
0x2e: {  	s15 =	sadd.s32 $0x1E8C0, s6;
	s17 =	sadd.s32 $0x219A0, s6;
	[dreg:$0x1b] =	wrdreg s7  }
0x2f: {  	s24 =	sadd.s32 $0x2ADC8, s6;
	s25 =	sadd.s32 $0x2DD20, s6;
	[smem:$0x7F2] =	sst s15  }
0x30: {  	s14 =	simm.s32 $0x1D170;
	s26 =	simm.s32 $0x3;
	[smem:$0x7F4] =	sst s17  }
0x31: {  	s20 =	simm.s32 $0x1E7F0;
	s1 =	sadd.s32 $0x12540, s6;
	[smem:$0x7FB] =	sst s24  }
0x32: {  	s18 =	sadd.s32 $0x21B28, s6;
	s19 =	sadd.s32 $0x24A80, s6;
	[smem:$0x7FC] =	sst s25  }
0x33: {  	s6 =	simm.s32 $0x1B670;
	s5 =	simm.s32 $0x1B6F0;
	[dreg:$0x19] =	wrdreg s1  }
0x34: {  	s0 =	simm.s32 $0x1E8F0;
	s7 =	simm.s32 $0x1B7F0;
	[smem:$0x7F5] =	sst s18  }
0x35: {  	s15 =	simm.s32 $0x1E9F0;
	s17 =	simm.s32 $0x1870;
	[smem:$0x7F6] =	sst s19  }
0x36: {  	v0 =	vimm.f32 $-Inf;
	v1 =	vimm.s32 $0x0;
	s19 =	simm.s32 $0x1B5F0;
	s1 =	simm.s32 $0x1E970;
	s18 =	simm.s32 $0x4  }
.LBB2_1:
0x37: {  	[smem:$0x7F0] =	sst s23  }
0x38: {  	s21 =	rddreg [dreg:$0xc]  }
0x39: {  	[tilespmem:s31], [sflag:$0x1] =	stream.linear.gather [hbm4b:s21+s3], $0xC80, $0x38;
	[tilespmem:$0x1EA70] =	vst v63  }
0x3a: {  	s25 =	rddreg [dreg:$0x3];
	s22 =	simm.s32 $0x1B870  }
0x3b: {  	[tilespmem:s22], [sflag:$0x1] =	stream.linear.gather [hbm4b:s25+s3], $0xC80, $0x38;
	[tilespmem:$0x1EA70] =	vst v63  }
0x3c: {  	s23 =	simm.s32 $0x1ABF0;
	s22 =	rddreg [dreg:$0xf]  }
0x3d: {  	[tilespmem:s23], [sflag:$0x2] =	stream.linear.gather [hbm4b:s22+s3], $0xC80, $0x38;
	[tilespmem:$0x1EA70] =	vst v63  }
0x3e: {  	s24 =	rddreg [dreg:$0x4];
	s25 =	simm.s32 $0x1C4F0  }
0x3f: {  	[tilespmem:s25], [sflag:$0x2] =	stream.linear.gather [hbm4b:s24+s3], $0xC80, $0x38;
	[tilespmem:$0x1EA70] =	vst v63  }
0x40: {  	s21 =	simm.s32 @!p1 $0x0;
	s22 =	simm.s32 @!p1 $0x1870;
	s23 =	rddreg [dreg:$0x5]  }
0x41: {  	[tilespmem:s22], [sflag:$0x5] =	stream.linear.gather @!p1 [hbm4b:s23+s21], $0x61A8, $0x38;
	[tilespmem:$0x1EA70] =	vst v63  }
0x42: {  	s21 =	simm.s32 @!p1 $0x5  }
0x43: {  	_ =	swait.ge @!p1 [sflag:s21], $0x61A8  }
0x44: {  	[sflag:s21] =	ssyncset.done @!p1 $0x0  }
0x45: {  	s23 =	rddreg [dreg:$0x6];
	[sflag:s21] =	ssyncadd.s32 @!p1 $0xFFFF9E58  }
0x46: {  	[spmem:s23] =	stream.linear.scatter @!p1 [tilespmem:s22], [sflag:$0x5], $0x61A8, $0x38;
	[tilespmem:$0x1EA70] =	vst v63  }
0x47: {  	_ =	swait.ge @!p1 [sflag:s21], $0x61A8  }
0x48: {  	[sflag:s21] =	ssyncset.done @!p1 $0x0  }
0x49: {  	s22 =	simm.s32 $0x200;
	[sflag:s21] =	ssyncadd.s32 @!p1 $0xFFFF9E58;
	s21 =	simm.s32 $0x0  }
.LBB2_2:
0x4a: {  	p2 =	sne.s32 s22, $0x61A00;
	[tilespmem:s21+$0x18E0] =	vst v0  }
0x4b: {  	[tilespmem:s21+$0x1870] =	vst v0  }
0x4c: {  	[tilespmem:s21+$0x1880] =	vst v0  }
.Ltmp0:
0x4d: {  	[tilespmem:s21+$0x1890] =	vst v0;
	(pc) =	sbr.rel @p2 .LBB2_2-.Ltmp0, $4  }
0x4e: {  	[tilespmem:s21+$0x18A0] =	vst v0  }
0x4f: {  	[tilespmem:s21+$0x18B0] =	vst v0  }
0x50: {  	[tilespmem:s21+$0x18C0] =	vst v0  }
0x51: {  	[tilespmem:s21+$0x18D0] =	vst v0;
	s21 =	sshra.s32 s22, $0x2;
	s22 =	sadd.s32 $0x200, s22  }
0x52: {  	[tilespmem:s21+$0x18E0] =	vst v0  }
0x53: {  	[tilespmem:s21+$0x1870] =	vst v0  }
0x54: {  	[tilespmem:s21+$0x1880] =	vst v0  }
0x55: {  	[tilespmem:s21+$0x1890] =	vst v0  }
0x56: {  	[tilespmem:s21+$0x18A0] =	vst v0  }
0x57: {  	[tilespmem:s21+$0x18B0] =	vst v0  }
0x58: {  	[tilespmem:s21+$0x18C0] =	vst v0  }
0x59: {  	[tilespmem:s21+$0x18D0] =	vst v0  }
0x5a: {  	[bflag:$0x0] =	sbarrier.arrive $0xFFFF  }
0x5b: {  	_ =	swait.ge [sflag:s8], $0xC80  }
0x5c: {  	[sflag:s8] =	ssyncset.done $0x0  }
0x5d: {  	[sflag:s8] =	ssyncadd.s32 $0xFFFFF380  }
0x5e: {  	_ =	swait.ge [sflag:s8], $0xC80  }
0x5f: {  	[sflag:s8] =	ssyncset.done $0x0  }
0x60: {  	[sflag:s8] =	ssyncadd.s32 $0xFFFFF380  }
0x61: {  	[tilespmem:s14], [sflag:$0x3] =	stream.indirect.gather [spmem:s2], $0x1, s31, s13, $0xb8;
	[tilespmem:$0x1EA70] =	vst v63  }
0x62: {  	s23 =	simm.s32 $0x19FF0;
	s22 =	simm.s32 $0x1D1F0  }
0x63: {  	[tilespmem:s22], [sflag:$0x3] =	stream.indirect.gather [spmem:s2], $0x1, s23, s13, $0xb8;
	[tilespmem:$0x1EA70] =	vst v63  }
0x64: {  	s24 =	simm.s32 $0x1A070;
	s25 =	simm.s32 $0x1D270  }
0x65: {  	[tilespmem:s25], [sflag:$0x3] =	stream.indirect.gather [spmem:s2], $0x1, s24, s13, $0xb8;
	[tilespmem:$0x1EA70] =	vst v63  }
0x66: {  	s22 =	simm.s32 $0x1A0F0;
	s23 =	simm.s32 $0x1D2F0  }
0x67: {  	[tilespmem:s23], [sflag:$0x3] =	stream.indirect.gather [spmem:s2], $0x1, s22, s13, $0xb8;
	[tilespmem:$0x1EA70] =	vst v63  }
0x68: {  	s24 =	simm.s32 $0x1A170;
	s25 =	simm.s32 $0x1D370  }
0x69: {  	[tilespmem:s25], [sflag:$0x3] =	stream.indirect.gather [spmem:s2], $0x1, s24, s13, $0xb8;
	[tilespmem:$0x1EA70] =	vst v63  }
0x6a: {  	s22 =	simm.s32 $0x1A1F0;
	s23 =	simm.s32 $0x1D3F0  }
0x6b: {  	[tilespmem:s23], [sflag:$0x3] =	stream.indirect.gather [spmem:s2], $0x1, s22, s13, $0xb8;
	[tilespmem:$0x1EA70] =	vst v63  }
0x6c: {  	s24 =	simm.s32 $0x1A270;
	s25 =	simm.s32 $0x1D470  }
0x6d: {  	[tilespmem:s25], [sflag:$0x3] =	stream.indirect.gather [spmem:s2], $0x1, s24, s13, $0xb8;
	[tilespmem:$0x1EA70] =	vst v63  }
0x6e: {  	s22 =	simm.s32 $0x1A2F0;
	s23 =	simm.s32 $0x1D4F0  }
0x6f: {  	[tilespmem:s23], [sflag:$0x3] =	stream.indirect.gather [spmem:s2], $0x1, s22, s13, $0xb8;
	[tilespmem:$0x1EA70] =	vst v63  }
0x70: {  	s24 =	simm.s32 $0x1A370;
	s25 =	simm.s32 $0x1D570  }
0x71: {  	[tilespmem:s25], [sflag:$0x3] =	stream.indirect.gather [spmem:s2], $0x1, s24, s13, $0xb8;
	[tilespmem:$0x1EA70] =	vst v63  }
0x72: {  	s22 =	simm.s32 $0x1A3F0;
	s23 =	simm.s32 $0x1D5F0  }
0x73: {  	[tilespmem:s23], [sflag:$0x3] =	stream.indirect.gather [spmem:s2], $0x1, s22, s13, $0xb8;
	[tilespmem:$0x1EA70] =	vst v63  }
0x74: {  	s24 =	simm.s32 $0x1A470;
	s25 =	simm.s32 $0x1D670  }
0x75: {  	[tilespmem:s25], [sflag:$0x3] =	stream.indirect.gather [spmem:s2], $0x1, s24, s13, $0xb8;
	[tilespmem:$0x1EA70] =	vst v63  }
0x76: {  	s22 =	simm.s32 $0x1A4F0;
	s23 =	simm.s32 $0x1D6F0  }
0x77: {  	[tilespmem:s23], [sflag:$0x3] =	stream.indirect.gather [spmem:s2], $0x1, s22, s13, $0xb8;
	[tilespmem:$0x1EA70] =	vst v63  }
0x78: {  	s24 =	simm.s32 $0x1A570;
	s25 =	simm.s32 $0x1D770  }
0x79: {  	[tilespmem:s25], [sflag:$0x3] =	stream.indirect.gather [spmem:s2], $0x1, s24, s13, $0xb8;
	[tilespmem:$0x1EA70] =	vst v63  }
0x7a: {  	s22 =	simm.s32 $0x1A5F0;
	s23 =	simm.s32 $0x1D7F0  }
0x7b: {  	[tilespmem:s23], [sflag:$0x3] =	stream.indirect.gather [spmem:s2], $0x1, s22, s13, $0xb8;
	[tilespmem:$0x1EA70] =	vst v63  }
0x7c: {  	s24 =	simm.s32 $0x1A670;
	s25 =	simm.s32 $0x1D870  }
0x7d: {  	[tilespmem:s25], [sflag:$0x3] =	stream.indirect.gather [spmem:s2], $0x1, s24, s13, $0xb8;
	[tilespmem:$0x1EA70] =	vst v63  }
0x7e: {  	s22 =	simm.s32 $0x1A6F0;
	s23 =	simm.s32 $0x1D8F0  }
0x7f: {  	[tilespmem:s23], [sflag:$0x3] =	stream.indirect.gather [spmem:s2], $0x1, s22, s13, $0xb8;
	[tilespmem:$0x1EA70] =	vst v63  }
0x80: {  	s24 =	simm.s32 $0x1A770;
	s25 =	simm.s32 $0x1D970  }
0x81: {  	[tilespmem:s25], [sflag:$0x3] =	stream.indirect.gather [spmem:s2], $0x1, s24, s13, $0xb8;
	[tilespmem:$0x1EA70] =	vst v63  }
0x82: {  	s22 =	simm.s32 $0x1A7F0;
	s23 =	simm.s32 $0x1D9F0  }
0x83: {  	[tilespmem:s23], [sflag:$0x3] =	stream.indirect.gather [spmem:s2], $0x1, s22, s13, $0xb8;
	[tilespmem:$0x1EA70] =	vst v63  }
0x84: {  	s24 =	simm.s32 $0x1A870;
	s25 =	simm.s32 $0x1DA70  }
0x85: {  	[tilespmem:s25], [sflag:$0x3] =	stream.indirect.gather [spmem:s2], $0x1, s24, s13, $0xb8;
	[tilespmem:$0x1EA70] =	vst v63  }
0x86: {  	s22 =	simm.s32 $0x1A8F0;
	s23 =	simm.s32 $0x1DAF0  }
0x87: {  	[tilespmem:s23], [sflag:$0x3] =	stream.indirect.gather [spmem:s2], $0x1, s22, s13, $0xb8;
	[tilespmem:$0x1EA70] =	vst v63  }
0x88: {  	s24 =	simm.s32 $0x1A970;
	s25 =	simm.s32 $0x1DB70  }
0x89: {  	[tilespmem:s25], [sflag:$0x3] =	stream.indirect.gather [spmem:s2], $0x1, s24, s13, $0xb8;
	[tilespmem:$0x1EA70] =	vst v63  }
0x8a: {  	s22 =	simm.s32 $0x1A9F0;
	s23 =	simm.s32 $0x1DBF0  }
0x8b: {  	[tilespmem:s23], [sflag:$0x3] =	stream.indirect.gather [spmem:s2], $0x1, s22, s13, $0xb8;
	[tilespmem:$0x1EA70] =	vst v63  }
0x8c: {  	s24 =	simm.s32 $0x1AA70;
	s25 =	simm.s32 $0x1DC70  }
0x8d: {  	[tilespmem:s25], [sflag:$0x3] =	stream.indirect.gather [spmem:s2], $0x1, s24, s13, $0xb8;
	[tilespmem:$0x1EA70] =	vst v63  }
.Ltmp1:
0x8e: {  	_ = 	snop;
	(pc) =	sbr.rel .LBB2_4-.Ltmp1, $4  }
0x8f: {  	s22 =	simm.s32 $0x1AAF0;
	s23 =	simm.s32 $0x1DCF0  }
0x90: {  	[tilespmem:s23], [sflag:$0x3] =	stream.indirect.gather [spmem:s2], $0x1, s22, s13, $0xb8;
	[tilespmem:$0x1EA70] =	vst v63  }
0x91: {  	s21 =	simm.s32 $0x0;
	s24 =	simm.s32 $0x1AB70;
	s25 =	simm.s32 $0x1DD70  }
0x92: {  	[tilespmem:s25], [sflag:$0x3] =	stream.indirect.gather [spmem:s2], $0x1, s24, s13, $0xb8;
	[tilespmem:$0x1EA70] =	vst v63  }
.LBB2_14:
0x93: {  	s22 =	smin.u32 s22, $0x79  }
0x94: {  	s22 =	smul.u32 $0xC80, s22;
	_ =	sdelay $0x1  }
0x95: {  	s22 =	sadd.s32 s22, s10  }
0x96: {  	s23 =	sshrl.u32 @p0 s22, $0x3  }
0x97: {  	s24 =	simm.s32 @p0 $0x0;
	s23 =	sadd.s32 @p0 s4, s23  }
0x98: {  	s25 =	simm.s32 @p0 $0x1ABF0;
	s21 =	sadd.s32 $0x1, s21;
	s23 =	sadd.s32 @p0 $0xC3500, s23  }
0x99: {  	[tilespmem:s25], [sflag:$0x2] =	stream.linear.gather @p0 [hbm4b:s23+s24], $0xC80, $0x38;
	[tilespmem:$0x1EA70] =	vst v63  }
0x9a: {  	p2 =	sne.s32 s21, $0x3E;
	s23 =	sshrl.u32 @!p0 s22, $0x3  }
0x9b: {  	s24 =	simm.s32 @!p0 $0x0;
	s25 =	simm.s32 @!p0 $0x1ABF0;
	s23 =	sadd.s32 @!p0 s4, s23  }
0x9c: {  	[tilespmem:s25], [sflag:$0x2] =	stream.linear.gather @!p0 [hbm4b:s23+s24], $0xC80, $0x38;
	[tilespmem:$0x1EA70] =	vst v63  }
.Ltmp2:
0x9d: {  	s23 =	sadd.s32 @!p0 $0x61A800, s22;
	(pc) =	sbr.rel @!p2 .LBB2_15-.Ltmp2, $4  }
0x9e: {  	s23 =	smov.u32 @p0 s22  }
0x9f: {  	s22 =	sshrl.u32 s23, $0x3  }
0xa0: {  	s25 =	simm.s32 $0x1C4F0;
	s22 =	sadd.s32 s4, s22  }
0xa1: {  	[tilespmem:s25], [sflag:$0x2] =	stream.linear.gather [hbm4b:s22+s3], $0xC80, $0x38;
	[tilespmem:$0x1EA70] =	vst v63  }
.LBB2_4:
0xa2: {  	_ =	swait.ge [sflag:s26], $0xC80  }
0xa3: {  	[sflag:s26] =	ssyncset.done $0x0  }
0xa4: {  	[sflag:s26] =	ssyncadd.s32 $0xFFFFF380  }
0xa5: {  	_ =	swait.ge [sflag:s28], $0xC80  }
0xa6: {  	[sflag:s28] =	ssyncset.done $0x0  }
0xa7: {  	[sflag:s28] =	ssyncadd.s32 $0xFFFFF380  }
0xa8: {  	_ =	swait.ge [sflag:s28], $0xC80  }
0xa9: {  	[sflag:s28] =	ssyncset.done $0x0  }
0xaa: {  	s22 =	simm.s32 $0x1ABF0;
	[sflag:s28] =	ssyncadd.s32 $0xFFFFF380  }
0xab: {  	[tilespmem:s29], [sflag:$0x4] =	stream.indirect.gather [spmem:s2], $0x1, s22, s13, $0xb8;
	[tilespmem:$0x1EA70] =	vst v63  }
0xac: {  	s25 =	simm.s32 $0x1AC70;
	s23 =	simm.s32 $0x1DE70  }
0xad: {  	[tilespmem:s23], [sflag:$0x4] =	stream.indirect.gather [spmem:s2], $0x1, s25, s13, $0xb8;
	[tilespmem:$0x1EA70] =	vst v63  }
0xae: {  	s24 =	simm.s32 $0x1ACF0;
	s25 =	simm.s32 $0x1DEF0  }
0xaf: {  	[tilespmem:s25], [sflag:$0x4] =	stream.indirect.gather [spmem:s2], $0x1, s24, s13, $0xb8;
	[tilespmem:$0x1EA70] =	vst v63  }
0xb0: {  	s24 =	simm.s32 $0x1AD70;
	s25 =	simm.s32 $0x1DF70  }
0xb1: {  	[tilespmem:s25], [sflag:$0x4] =	stream.indirect.gather [spmem:s2], $0x1, s24, s13, $0xb8;
	[tilespmem:$0x1EA70] =	vst v63  }
0xb2: {  	s24 =	simm.s32 $0x1ADF0;
	s25 =	simm.s32 $0x1DFF0  }
0xb3: {  	[tilespmem:s25], [sflag:$0x4] =	stream.indirect.gather [spmem:s2], $0x1, s24, s13, $0xb8;
	[tilespmem:$0x1EA70] =	vst v63  }
0xb4: {  	s24 =	simm.s32 $0x1AE70;
	s25 =	simm.s32 $0x1E070  }
0xb5: {  	[tilespmem:s25], [sflag:$0x4] =	stream.indirect.gather [spmem:s2], $0x1, s24, s13, $0xb8;
	[tilespmem:$0x1EA70] =	vst v63  }
0xb6: {  	s24 =	simm.s32 $0x1AEF0;
	s25 =	simm.s32 $0x1E0F0  }
0xb7: {  	[tilespmem:s25], [sflag:$0x4] =	stream.indirect.gather [spmem:s2], $0x1, s24, s13, $0xb8;
	[tilespmem:$0x1EA70] =	vst v63  }
0xb8: {  	s24 =	simm.s32 $0x1AF70;
	s25 =	simm.s32 $0x1E170  }
0xb9: {  	[tilespmem:s25], [sflag:$0x4] =	stream.indirect.gather [spmem:s2], $0x1, s24, s13, $0xb8;
	[tilespmem:$0x1EA70] =	vst v63  }
0xba: {  	s24 =	simm.s32 $0x1AFF0;
	s25 =	simm.s32 $0x1E1F0  }
0xbb: {  	[tilespmem:s25], [sflag:$0x4] =	stream.indirect.gather [spmem:s2], $0x1, s24, s13, $0xb8;
	[tilespmem:$0x1EA70] =	vst v63  }
0xbc: {  	s24 =	simm.s32 $0x1B070;
	s25 =	simm.s32 $0x1E270  }
0xbd: {  	[tilespmem:s25], [sflag:$0x4] =	stream.indirect.gather [spmem:s2], $0x1, s24, s13, $0xb8;
	[tilespmem:$0x1EA70] =	vst v63  }
0xbe: {  	s24 =	simm.s32 $0x1B0F0;
	s25 =	simm.s32 $0x1E2F0  }
0xbf: {  	[tilespmem:s25], [sflag:$0x4] =	stream.indirect.gather [spmem:s2], $0x1, s24, s13, $0xb8;
	[tilespmem:$0x1EA70] =	vst v63  }
0xc0: {  	s24 =	simm.s32 $0x1B170;
	s25 =	simm.s32 $0x1E370  }
0xc1: {  	[tilespmem:s25], [sflag:$0x4] =	stream.indirect.gather [spmem:s2], $0x1, s24, s13, $0xb8;
	[tilespmem:$0x1EA70] =	vst v63  }
0xc2: {  	s24 =	simm.s32 $0x1B1F0;
	s25 =	simm.s32 $0x1E3F0  }
0xc3: {  	[tilespmem:s25], [sflag:$0x4] =	stream.indirect.gather [spmem:s2], $0x1, s24, s13, $0xb8;
	[tilespmem:$0x1EA70] =	vst v63  }
0xc4: {  	s24 =	simm.s32 $0x1B270;
	s25 =	simm.s32 $0x1E470  }
0xc5: {  	[tilespmem:s25], [sflag:$0x4] =	stream.indirect.gather [spmem:s2], $0x1, s24, s13, $0xb8;
	[tilespmem:$0x1EA70] =	vst v63  }
0xc6: {  	s24 =	simm.s32 $0x1B2F0;
	s25 =	simm.s32 $0x1E4F0  }
0xc7: {  	[tilespmem:s25], [sflag:$0x4] =	stream.indirect.gather [spmem:s2], $0x1, s24, s13, $0xb8;
	[tilespmem:$0x1EA70] =	vst v63  }
0xc8: {  	s24 =	simm.s32 $0x1B370;
	s25 =	simm.s32 $0x1E570  }
0xc9: {  	[tilespmem:s25], [sflag:$0x4] =	stream.indirect.gather [spmem:s2], $0x1, s24, s13, $0xb8;
	[tilespmem:$0x1EA70] =	vst v63  }
0xca: {  	s24 =	simm.s32 $0x1B3F0;
	s25 =	simm.s32 $0x1E5F0  }
0xcb: {  	[tilespmem:s25], [sflag:$0x4] =	stream.indirect.gather [spmem:s2], $0x1, s24, s13, $0xb8;
	[tilespmem:$0x1EA70] =	vst v63  }
0xcc: {  	s24 =	simm.s32 $0x1B470;
	s25 =	simm.s32 $0x1E670  }
0xcd: {  	[tilespmem:s25], [sflag:$0x4] =	stream.indirect.gather [spmem:s2], $0x1, s24, s13, $0xb8;
	[tilespmem:$0x1EA70] =	vst v63  }
0xce: {  	s23 =	simm.s32 $0x1B4F0;
	s24 =	simm.s32 $0x1E6F0  }
0xcf: {  	[tilespmem:s24], [sflag:$0x4] =	stream.indirect.gather [spmem:s2], $0x1, s23, s13, $0xb8;
	[tilespmem:$0x1EA70] =	vst v63  }
0xd0: {  	_ = 	snop  }
0xd1: {  	[tilespmem:s16], [sflag:$0x4] =	stream.indirect.gather [spmem:s2], $0x1, s30, s13, $0xb8;
	[tilespmem:$0x1EA70] =	vst v63  }
0xd2: {  	_ = 	snop  }
0xd3: {  	[tilespmem:s20], [sflag:$0x4] =	stream.indirect.gather [spmem:s2], $0x1, s19, s13, $0xb8;
	[tilespmem:$0x1EA70] =	vst v63  }
0xd4: {  	_ = 	snop  }
0xd5: {  	[tilespmem:s11], [sflag:$0x4] =	stream.indirect.gather [spmem:s2], $0x1, s6, s13, $0xb8;
	[tilespmem:$0x1EA70] =	vst v63  }
0xd6: {  	_ = 	snop  }
0xd7: {  	[tilespmem:s0], [sflag:$0x4] =	stream.indirect.gather [spmem:s2], $0x1, s5, s13, $0xb8;
	[tilespmem:$0x1EA70] =	vst v63  }
0xd8: {  	_ = 	snop  }
0xd9: {  	[tilespmem:s1], [sflag:$0x4] =	stream.indirect.gather [spmem:s2], $0x1, s12, s13, $0xb8;
	[tilespmem:$0x1EA70] =	vst v63  }
0xda: {  	s25 =	simm.s32 $0x0  }
0xdb: {  	[tilespmem:s15], [sflag:$0x4] =	stream.indirect.gather [spmem:s2], $0x1, s7, s13, $0xb8;
	[tilespmem:$0x1EA70] =	vst v63  }
0xdc: {  	v4 =	vld [tilespmem:s25+$0x1B8A0]  }
0xdd: {  	v5 =	vld [tilespmem:s25+$0x1B890]  }
0xde: {  	v9 =	vld [tilespmem:s25+$0x1B870]  }
0xdf: {  	v8 =	vld [tilespmem:s25+$0x1B880]  }
0xe0: {  	v2 =	vld [tilespmem:s25+$0x1D1A0]  }
0xe1: {  	v10 =	vld [tilespmem:s25+$0x19F90]  }
0xe2: {  	v3 =	vld [tilespmem:s25+$0x1D190]  }
0xe3: {  	v11 =	vld [tilespmem:s25+$0x19FA0]  }
0xe4: {  	v7 =	vld [tilespmem:s25+$0x1D170]  }
0xe5: {  	v12 =	vld [tilespmem:s25+$0x19F70]  }
0xe6: {  	v6 =	vld [tilespmem:s25+$0x1D180]  }
0xe7: {  	v13 =	vld [tilespmem:s25+$0x19F80]  }
0xe8: {  	v14 =	vld.idx.msk [tilespmem:v9+s17+$0x0], $0xffff  }
0xe9: {  	v15 =	vld.idx.msk [tilespmem:v8+s17+$0x0], $0xffff  }
0xea: {  	v16 =	vld.idx.msk [tilespmem:v5+s17+$0x0], $0xffff  }
0xeb: {  	v17 =	vld.idx.msk [tilespmem:v4+s17+$0x0], $0xffff;
	_ =	sdelay $0x1  }
0xec: {  	vm0 =	vne.s32 v12, v9;
	vm1 =	vgt.f32 v7, v14  }
0xed: {  	vm2 =	vne.s32 v13, v8;
	vm3 =	vgt.f32 v6, v15;
	vm1 =	vmand vm0, vm1  }
0xee: {  	vm4 =	vne.s32 v10, v5;
	vm5 =	vgt.f32 v3, v16;
	vm3 =	vmand vm2, vm3  }
0xef: {  	vm6 =	vne.s32 v11, v4;
	vm7 =	vgt.f32 v2, v17;
	vm5 =	vmand vm4, vm5  }
0xf0: {  	vm7 =	vmand vm6, vm7;
	_ =	sdelay $0x2  }
0xf1: {  	[tilespmem:v9+s17+$0x0] =	vst.idx.msk vm1, v7  }
0xf2: {  	[tilespmem:v8+s17+$0x0] =	vst.idx.msk vm3, v6  }
0xf3: {  	[tilespmem:v5+s17+$0x0] =	vst.idx.msk vm5, v3  }
0xf4: {  	s23 =	simm.s32 $0x40;
	[tilespmem:v4+s17+$0x0] =	vst.idx.msk vm7, v2  }
0xf5: {  	v13 =	vld [tilespmem:s23+$0x1B8A0]  }
0xf6: {  	v14 =	vld [tilespmem:s23+$0x1B890]  }
0xf7: {  	v16 =	vld [tilespmem:s23+$0x1B870]  }
0xf8: {  	v15 =	vld [tilespmem:s23+$0x1B880]  }
0xf9: {  	v10 =	vld [tilespmem:s23+$0x1D1A0]  }
0xfa: {  	v12 =	vimm.s32 $0x0;
	vm1 =	vmmov vm0;
	v17 =	vld [tilespmem:s23+$0x19F90]  }
0xfb: {  	s22 =	simm.s32 $0x200;
	vm0 =	vmmov vm6;
	vm3 =	vmmov vm2;
	vm2 =	vmmov vm4;
	v11 =	vld [tilespmem:s23+$0x1D190]  }
.LBB2_5:
0xfc: {  	p2 =	sne.s32 s22, $0x3100;
	v18 =	vld [tilespmem:s23+$0x19FA0]  }
0xfd: {  	v19 =	vld [tilespmem:s23+$0x1D170]  }
0xfe: {  	v20 =	vld [tilespmem:s23+$0x19F70]  }
0xff: {  	v21 =	vld [tilespmem:s23+$0x1D180]  }
0x100: {  	v22 =	vld [tilespmem:s23+$0x19F80]  }
0x101: {  	v23 =	vld.idx.msk [tilespmem:v16+s17+$0x0], $0xffff  }
0x102: {  	v24 =	vld.idx.msk [tilespmem:v15+s17+$0x0], $0xffff  }
0x103: {  	v25 =	vld.idx.msk [tilespmem:v14+s17+$0x0], $0xffff  }
0x104: {  	v26 =	vld.idx.msk [tilespmem:v13+s17+$0x0], $0xffff  }
0x105: {  	v27 =	vld.idx.msk [tilespmem:v9+s17+$0x0], $0xffff;
	v9 =	vmov v16  }
0x106: {  	v16 =	vld.idx.msk [tilespmem:v8+s17+$0x0], $0xffff;
	v8 =	vmov v15  }
0x107: {  	vm7 =	vne.s32 v20, v9;
	vm4 =	vgt.f32 v19, v23;
	v15 =	vld.idx.msk [tilespmem:v5+s17+$0x0], $0xffff;
	v5 =	vmov v14  }
0x108: {  	vm8 =	vmand vm7, vm4;
	vm4 =	vne.s32 v22, v8;
	vm5 =	vgt.f32 v21, v24;
	v14 =	vld.idx.msk [tilespmem:v4+s17+$0x0], $0xffff;
	v4 =	vmovc v13  }
0x109: {  	vm9 =	vmand vm4, vm5;
	vm5 =	vne.s32 v17, v5;
	vm6 =	vgt.f32 v11, v25  }
0x10a: {  	vm10 =	vmand vm5, vm6;
	vm6 =	vne.s32 v18, v4;
	vm11 =	vgt.f32 v10, v26  }
0x10b: {  	vm11 =	vmand vm6, vm11;
	vm12 =	vgt.f32 v7, v27;
	v7 =	vmov v19  }
0x10c: {  	vm12 =	vmand vm1, vm12;
	vm13 =	vgt.f32 v6, v16;
	v6 =	vmovc v21;
	vm1 =	vmmov vm7  }
0x10d: {  	v13 =	vsel vm12, $0x1, v1;
	vm3 =	vmand vm3, vm13;
	vm7 =	vgt.f32 v3, v15;
	v3 =	vmovc v11  }
0x10e: {  	v11 =	vadd.s32 v13, v12;
	v12 =	vsel vm3, $0x1, v1;
	vm2 =	vmand vm2, vm7;
	[tilespmem:v9+s17+$0x0] =	vst.idx.msk vm8, v7  }
0x10f: {  	v11 =	vadd.s32 v12, v11;
	v12 =	vsel vm2, $0x1, v1;
	vm2 =	vgt.f32 v2, v14;
	[tilespmem:v8+s17+$0x0] =	vst.idx.msk vm9, v6  }
0x110: {  	vm3 =	vmmov vm4;
	v2 =	vmovc v10;
	v11 =	vadd.s32 v12, v11;
	vm0 =	vmand vm0, vm2;
	[tilespmem:v5+s17+$0x0] =	vst.idx.msk vm10, v3  }
0x111: {  	s23 =	sshra.s32 s22, $0x2;
	vm2 =	vmmov vm5;
	v10 =	vsel vm0, $0x1, v1;
	vm0 =	vmmov vm6;
	[tilespmem:v4+s17+$0x0] =	vst.idx.msk vm11, v2  }
0x112: {  	v12 =	vadd.s32 v10, v11;
	v13 =	vld [tilespmem:s23+$0x1B8A0]  }
0x113: {  	v14 =	vld [tilespmem:s23+$0x1B890]  }
.Ltmp3:
0x114: {  	v16 =	vld [tilespmem:s23+$0x1B870];
	(pc) =	sbr.rel @p2 .LBB2_5-.Ltmp3, $4  }
0x115: {  	v15 =	vld [tilespmem:s23+$0x1B880]  }
0x116: {  	v10 =	vld [tilespmem:s23+$0x1D1A0]  }
0x117: {  	v17 =	vld [tilespmem:s23+$0x19F90]  }
0x118: {  	s22 =	sadd.s32 $0x100, s22;
	v11 =	vld [tilespmem:s23+$0x1D190]  }
0x119: {  	v18 =	vld [tilespmem:s23+$0x19FA0]  }
0x11a: {  	v19 =	vld [tilespmem:s23+$0x1D170]  }
0x11b: {  	v20 =	vld [tilespmem:s23+$0x19F70]  }
0x11c: {  	v21 =	vld [tilespmem:s23+$0x1D180]  }
0x11d: {  	v22 =	vld [tilespmem:s23+$0x19F80]  }
0x11e: {  	v23 =	vld.idx.msk [tilespmem:v16+s17+$0x0], $0xffff  }
0x11f: {  	v24 =	vld.idx.msk [tilespmem:v15+s17+$0x0], $0xffff  }
0x120: {  	v25 =	vld.idx.msk [tilespmem:v14+s17+$0x0], $0xffff  }
0x121: {  	v26 =	vld.idx.msk [tilespmem:v13+s17+$0x0], $0xffff;
	_ =	sdelay $0x1  }
0x122: {  	vm6 =	vne.s32 v20, v16;
	vm4 =	vgt.f32 v19, v23  }
0x123: {  	vm8 =	vmand vm6, vm4;
	vm4 =	vne.s32 v22, v15;
	vm5 =	vgt.f32 v21, v24  }
0x124: {  	vm7 =	vgt.f32 v11, v25;
	vm9 =	vmand vm4, vm5;
	vm5 =	vne.s32 v17, v14  }
0x125: {  	vm11 =	vgt.f32 v10, v26;
	vm10 =	vmand vm5, vm7;
	vm7 =	vne.s32 v18, v13  }
0x126: {  	v9 =	vld.idx.msk [tilespmem:v9+s17+$0x0], $0xffff;
	vm11 =	vmand vm7, vm11  }
0x127: {  	v8 =	vld.idx.msk [tilespmem:v8+s17+$0x0], $0xffff  }
0x128: {  	v4 =	vld.idx.msk [tilespmem:v4+s17+$0x0], $0xffff  }
0x129: {  	v5 =	vld.idx.msk [tilespmem:v5+s17+$0x0], $0xffff;
	[tilespmem:v16+s17+$0x0] =	vst.idx.msk vm8, v19  }
0x12a: {  	[tilespmem:v15+s17+$0x0] =	vst.idx.msk vm9, v21  }
0x12b: {  	[tilespmem:v14+s17+$0x0] =	vst.idx.msk vm10, v11  }
0x12c: {  	[tilespmem:v13+s17+$0x0] =	vst.idx.msk vm11, v10  }
0x12d: {  	vm14 =	vgt.f32 v7, v9;
	vm15 =	vgt.f32 v6, v8;
	vm12 =	vgt.f32 v2, v4;
	v56 =	vld.idx.msk [tilespmem:v16+s17+$0x0], $0xffff  }
0x12e: {  	vm1 =	vmand vm1, vm14;
	vm13 =	vmmov vm6;
	vm0 =	vmand vm0, vm12;
	v59 =	vld.idx.msk [tilespmem:v15+s17+$0x0], $0xffff  }
0x12f: {  	v57 =	vsel vm1, $0x1, v1;
	vm9 =	vmand vm3, vm15;
	vm10 =	vgt.f32 v3, v5;
	v2 =	vld.idx.msk [tilespmem:v14+s17+$0x0], $0xffff  }
0x130: {  	v3 =	vadd.s32 v57, v12;
	v58 =	vsel vm9, $0x1, v1;
	vm11 =	vmand vm2, vm10  }
0x131: {  	vm14 =	vmmov vm4;
	v3 =	vadd.s32 v58, v3;
	v60 =	vsel vm11, $0x1, v1;
	v61 =	vld.idx.msk [tilespmem:v13+s17+$0x0], $0xffff  }
0x132: {  	v62 =	vsel vm0, $0x1, v1;
	vm8 =	vmmov vm5;
	v3 =	vadd.s32 v60, v3  }
0x133: {  	vm9 =	vmmov vm7;
	v3 =	vadd.s32 v62, v3;
	vm15 =	vgt.f32 v19, v56  }
0x134: {  	vm10 =	vgt.f32 v21, v59;
	vm12 =	vgt.f32 v11, v2;
	vm0 =	vmand vm13, vm15  }
0x135: {  	vm11 =	vmand vm14, vm10;
	vm13 =	vmand vm8, vm12;
	v63 =	vsel vm0, $0x1, v1  }
0x136: {  	vm14 =	vgt.f32 v10, v61;
	v2 =	vadd.s32 v63, v3;
	v3 =	vsel vm11, $0x1, v1  }
0x137: {  	vm15 =	vmand vm9, vm14;
	v2 =	vadd.s32 v3, v2;
	v3 =	vsel vm13, $0x1, v1  }
0x138: {  	v2 =	vadd.s32 v3, v2;
	v3 =	vsel vm15, $0x1, v1  }
0x139: {  	v2 =	vadd.s32 v3, v2  }
0x13a: {  	v2 =	vxor.u32 $0x80000000, v2  }
0x13b: {  	(xrf0) =	vmax.scan.msk.u32 $0xffff, v2;
	_ =	sdelay $0x5  }
0x13c: {  	v2, _, _ =	vpop (xrf0)  }
0x13d: {  	(v2sf) =	vpush v2, $0xF;
	_ =	sdelay $0xe  }
0x13e: {  	s22 =	spop (v2sf)  }
0x13f: {  	p2 =	slt.u32 s22, $0x80000001  }
.Ltmp4:
0x140: {  	_ = 	snop;
	(pc) =	sbr.rel @p2 .LBB2_9-.Ltmp4, $1  }
0x141: {  	_ =	sdelay $0x3  }
0x142: {  	s22 =	simm.s32 $0x0;
	v2 =	vimm.s32 $0x0  }
.LBB2_8:
0x143: {  	s23 =	sshll.u32 s22, $0x6  }
0x144: {  	v3 =	vld [tilespmem:s23+$0x1B870]  }
0x145: {  	v4 =	vld [tilespmem:s23+$0x1B880]  }
0x146: {  	v5 =	vld [tilespmem:s23+$0x19F70]  }
0x147: {  	v6 =	vld [tilespmem:s23+$0x1D170]  }
0x148: {  	v7 =	vld [tilespmem:s23+$0x1B890]  }
0x149: {  	v9 =	vld [tilespmem:s23+$0x19F80]  }
0x14a: {  	v10 =	vld [tilespmem:s23+$0x1B8A0]  }
0x14b: {  	v11 =	vld [tilespmem:s23+$0x1D180]  }
0x14c: {  	v13 =	vld [tilespmem:s23+$0x19F90]  }
0x14d: {  	v14 =	vld [tilespmem:s23+$0x1D190]  }
0x14e: {  	v16 =	vld [tilespmem:s23+$0x19FA0]  }
0x14f: {  	v17 =	vld [tilespmem:s23+$0x1D1A0]  }
0x150: {  	v8 =	vld.idx.msk [tilespmem:v3+s17+$0x0], $0xffff  }
0x151: {  	v12 =	vld.idx.msk [tilespmem:v4+s17+$0x0], $0xffff  }
0x152: {  	v15 =	vld.idx.msk [tilespmem:v7+s17+$0x0], $0xffff  }
0x153: {  	v18 =	vld.idx.msk [tilespmem:v10+s17+$0x0], $0xffff;
	_ =	sdelay $0x1  }
0x154: {  	vm0 =	vne.s32 v5, v3;
	vm1 =	vgt.f32 v6, v8  }
0x155: {  	vm2 =	vne.s32 v9, v4;
	vm3 =	vgt.f32 v11, v12;
	vm1 =	vmand vm0, vm1  }
0x156: {  	vm4 =	vne.s32 v13, v7;
	vm5 =	vgt.f32 v14, v15;
	vm3 =	vmand vm2, vm3  }
0x157: {  	vm6 =	vne.s32 v16, v10;
	vm7 =	vgt.f32 v17, v18;
	vm5 =	vmand vm4, vm5  }
0x158: {  	vm7 =	vmand vm6, vm7;
	_ =	sdelay $0x2  }
0x159: {  	[tilespmem:v3+s17+$0x0] =	vst.idx.msk vm1, v6  }
0x15a: {  	[tilespmem:v4+s17+$0x0] =	vst.idx.msk vm3, v11  }
0x15b: {  	[tilespmem:v7+s17+$0x0] =	vst.idx.msk vm5, v14  }
0x15c: {  	[tilespmem:v10+s17+$0x0] =	vst.idx.msk vm7, v17  }
0x15d: {  	v3 =	vld.idx.msk [tilespmem:v3+s17+$0x0], $0xffff  }
0x15e: {  	v4 =	vld.idx.msk [tilespmem:v4+s17+$0x0], $0xffff  }
0x15f: {  	v62 =	vld.idx.msk [tilespmem:v7+s17+$0x0], $0xffff  }
0x160: {  	v63 =	vld.idx.msk [tilespmem:v10+s17+$0x0], $0xffff;
	_ =	sdelay $0x2  }
0x161: {  	vm10 =	vgt.f32 v6, v3  }
0x162: {  	vm11 =	vgt.f32 v11, v4;
	vm12 =	vgt.f32 v14, v62;
	vm0 =	vmand vm0, vm10  }
0x163: {  	vm14 =	vgt.f32 v17, v63;
	v3 =	vsel vm0, $0x1, v1;
	vm0 =	vmand vm2, vm11  }
0x164: {  	vm13 =	vmand vm4, vm12;
	v2 =	vadd.s32 v3, v2;
	v3 =	vsel vm0, $0x1, v1  }
0x165: {  	vm15 =	vmand vm6, vm14;
	v2 =	vadd.s32 v3, v2;
	v3 =	vsel vm13, $0x1, v1  }
0x166: {  	s22 =	sadd.s32 $0x1, s22;
	v2 =	vadd.s32 v3, v2;
	v3 =	vsel vm15, $0x1, v1  }
0x167: {  	p2 =	sne.s32 s22, $0x32;
	v2 =	vadd.s32 v3, v2  }
0x168: {  	v3 =	vxor.u32 @!p2 $0x80000000, v2  }
0x169: {  	(xrf0) =	vmax.scan.msk.u32 @!p2 $0xffff, v3;
	_ =	sdelay $0x5  }
0x16a: {  	v3, _, _ =	vpop @!p2 (xrf0)  }
0x16b: {  	(v2sf) =	vpush @!p2 v3, $0xF;
	_ =	sdelay $0xe  }
0x16c: {  	s23 =	spop @!p2 (v2sf)  }
0x16d: {  	p3 =	sgt.u32 @!p2 s23, $0x80000000  }
0x16e: {  	p3 =	por p2, p3  }
.Ltmp5:
0x16f: {  	_ = 	snop;
	(pc) =	sbr.rel @p3 .LBB2_8-.Ltmp5, $2  }
0x170: {  	_ =	sdelay $0x2  }
0x171: {  	s22 =	simm.s32 @!p2 $0x0;
	v2 =	vpsel !p2, $0x0, v2  }
.LBB2_9:
0x172: {  	s22 =	smul.u32 $0x1900, s21;
	_ =	sdelay $0x1  }
0x173: {  	s22 =	sadd.s32 s22, s9  }
0x174: {  	s23 =	sshrl.u32 @p0 s22, $0x3  }
0x175: {  	s23 =	sadd.s32 @p0 s4, s23  }
0x176: {  	s24 =	simm.s32 @p0 $0x0;
	s25 =	simm.s32 @p0 $0x19F70;
	s23 =	sadd.s32 @p0 $0xC3500, s23  }
0x177: {  	[tilespmem:s25], [sflag:$0x1] =	stream.linear.gather @p0 [hbm4b:s23+s24], $0xC80, $0x38;
	[tilespmem:$0x1EA70] =	vst v63  }
0x178: {  	s23 =	sshrl.u32 @!p0 s22, $0x3  }
0x179: {  	s24 =	simm.s32 @!p0 $0x0;
	s25 =	simm.s32 @!p0 $0x19F70;
	s23 =	sadd.s32 @!p0 s4, s23  }
0x17a: {  	[tilespmem:s25], [sflag:$0x1] =	stream.linear.gather @!p0 [hbm4b:s23+s24], $0xC80, $0x38;
	[tilespmem:$0x1EA70] =	vst v63  }
0x17b: {  	s23 =	sadd.s32 @!p0 $0x61A800, s22  }
0x17c: {  	s23 =	smov.u32 @p0 s22  }
0x17d: {  	s22 =	sshrl.u32 s23, $0x3  }
0x17e: {  	s24 =	simm.s32 $0x0;
	s25 =	simm.s32 $0x1B870;
	s22 =	sadd.s32 s4, s22  }
0x17f: {  	[tilespmem:s25], [sflag:$0x1] =	stream.linear.gather [hbm4b:s22+s24], $0xC80, $0x38;
	[tilespmem:$0x1EA70] =	vst v63  }
0x180: {  	_ =	swait.ge [sflag:s18], $0xC80  }
0x181: {  	[sflag:s18] =	ssyncset.done $0x0  }
0x182: {  	[sflag:s18] =	ssyncadd.s32 $0xFFFFF380  }
0x183: {  	_ =	swait.ge [sflag:s8], $0xC80  }
0x184: {  	[sflag:s8] =	ssyncset.done $0x0  }
0x185: {  	[sflag:s8] =	ssyncadd.s32 $0xFFFFF380  }
0x186: {  	_ =	swait.ge [sflag:s8], $0xC80  }
0x187: {  	[sflag:s8] =	ssyncset.done $0x0  }
0x188: {  	[sflag:s8] =	ssyncadd.s32 $0xFFFFF380  }
0x189: {  	[tilespmem:s14], [sflag:$0x3] =	stream.indirect.gather [spmem:s2], $0x1, s31, s13, $0xb8;
	[tilespmem:$0x1EA70] =	vst v63  }
0x18a: {  	s24 =	simm.s32 $0x19FF0;
	s25 =	simm.s32 $0x1D1F0  }
0x18b: {  	[tilespmem:s25], [sflag:$0x3] =	stream.indirect.gather [spmem:s2], $0x1, s24, s13, $0xb8;
	[tilespmem:$0x1EA70] =	vst v63  }
0x18c: {  	s24 =	simm.s32 $0x1A070;
	s25 =	simm.s32 $0x1D270  }
0x18d: {  	[tilespmem:s25], [sflag:$0x3] =	stream.indirect.gather [spmem:s2], $0x1, s24, s13, $0xb8;
	[tilespmem:$0x1EA70] =	vst v63  }
0x18e: {  	s24 =	simm.s32 $0x1A0F0;
	s25 =	simm.s32 $0x1D2F0  }
0x18f: {  	[tilespmem:s25], [sflag:$0x3] =	stream.indirect.gather [spmem:s2], $0x1, s24, s13, $0xb8;
	[tilespmem:$0x1EA70] =	vst v63  }
0x190: {  	s24 =	simm.s32 $0x1A170;
	s25 =	simm.s32 $0x1D370  }
0x191: {  	[tilespmem:s25], [sflag:$0x3] =	stream.indirect.gather [spmem:s2], $0x1, s24, s13, $0xb8;
	[tilespmem:$0x1EA70] =	vst v63  }
0x192: {  	s24 =	simm.s32 $0x1A1F0;
	s25 =	simm.s32 $0x1D3F0  }
0x193: {  	[tilespmem:s25], [sflag:$0x3] =	stream.indirect.gather [spmem:s2], $0x1, s24, s13, $0xb8;
	[tilespmem:$0x1EA70] =	vst v63  }
0x194: {  	s24 =	simm.s32 $0x1A270;
	s25 =	simm.s32 $0x1D470  }
0x195: {  	[tilespmem:s25], [sflag:$0x3] =	stream.indirect.gather [spmem:s2], $0x1, s24, s13, $0xb8;
	[tilespmem:$0x1EA70] =	vst v63  }
0x196: {  	s24 =	simm.s32 $0x1A2F0;
	s25 =	simm.s32 $0x1D4F0  }
0x197: {  	[tilespmem:s25], [sflag:$0x3] =	stream.indirect.gather [spmem:s2], $0x1, s24, s13, $0xb8;
	[tilespmem:$0x1EA70] =	vst v63  }
0x198: {  	s24 =	simm.s32 $0x1A370;
	s25 =	simm.s32 $0x1D570  }
0x199: {  	[tilespmem:s25], [sflag:$0x3] =	stream.indirect.gather [spmem:s2], $0x1, s24, s13, $0xb8;
	[tilespmem:$0x1EA70] =	vst v63  }
0x19a: {  	s24 =	simm.s32 $0x1A3F0;
	s25 =	simm.s32 $0x1D5F0  }
0x19b: {  	[tilespmem:s25], [sflag:$0x3] =	stream.indirect.gather [spmem:s2], $0x1, s24, s13, $0xb8;
	[tilespmem:$0x1EA70] =	vst v63  }
0x19c: {  	s24 =	simm.s32 $0x1A470;
	s25 =	simm.s32 $0x1D670  }
0x19d: {  	[tilespmem:s25], [sflag:$0x3] =	stream.indirect.gather [spmem:s2], $0x1, s24, s13, $0xb8;
	[tilespmem:$0x1EA70] =	vst v63  }
0x19e: {  	s24 =	simm.s32 $0x1A4F0;
	s25 =	simm.s32 $0x1D6F0  }
0x19f: {  	[tilespmem:s25], [sflag:$0x3] =	stream.indirect.gather [spmem:s2], $0x1, s24, s13, $0xb8;
	[tilespmem:$0x1EA70] =	vst v63  }
0x1a0: {  	s24 =	simm.s32 $0x1A570;
	s25 =	simm.s32 $0x1D770  }
0x1a1: {  	[tilespmem:s25], [sflag:$0x3] =	stream.indirect.gather [spmem:s2], $0x1, s24, s13, $0xb8;
	[tilespmem:$0x1EA70] =	vst v63  }
0x1a2: {  	s24 =	simm.s32 $0x1A5F0;
	s25 =	simm.s32 $0x1D7F0  }
0x1a3: {  	[tilespmem:s25], [sflag:$0x3] =	stream.indirect.gather [spmem:s2], $0x1, s24, s13, $0xb8;
	[tilespmem:$0x1EA70] =	vst v63  }
0x1a4: {  	s24 =	simm.s32 $0x1A670;
	s25 =	simm.s32 $0x1D870  }
0x1a5: {  	[tilespmem:s25], [sflag:$0x3] =	stream.indirect.gather [spmem:s2], $0x1, s24, s13, $0xb8;
	[tilespmem:$0x1EA70] =	vst v63  }
0x1a6: {  	s24 =	simm.s32 $0x1A6F0;
	s25 =	simm.s32 $0x1D8F0  }
0x1a7: {  	[tilespmem:s25], [sflag:$0x3] =	stream.indirect.gather [spmem:s2], $0x1, s24, s13, $0xb8;
	[tilespmem:$0x1EA70] =	vst v63  }
0x1a8: {  	s24 =	simm.s32 $0x1A770;
	s25 =	simm.s32 $0x1D970  }
0x1a9: {  	[tilespmem:s25], [sflag:$0x3] =	stream.indirect.gather [spmem:s2], $0x1, s24, s13, $0xb8;
	[tilespmem:$0x1EA70] =	vst v63  }
0x1aa: {  	s24 =	simm.s32 $0x1A7F0;
	s25 =	simm.s32 $0x1D9F0  }
0x1ab: {  	[tilespmem:s25], [sflag:$0x3] =	stream.indirect.gather [spmem:s2], $0x1, s24, s13, $0xb8;
	[tilespmem:$0x1EA70] =	vst v63  }
0x1ac: {  	s24 =	simm.s32 $0x1A870;
	s25 =	simm.s32 $0x1DA70  }
0x1ad: {  	[tilespmem:s25], [sflag:$0x3] =	stream.indirect.gather [spmem:s2], $0x1, s24, s13, $0xb8;
	[tilespmem:$0x1EA70] =	vst v63  }
0x1ae: {  	s24 =	simm.s32 $0x1A8F0;
	s25 =	simm.s32 $0x1DAF0  }
0x1af: {  	[tilespmem:s25], [sflag:$0x3] =	stream.indirect.gather [spmem:s2], $0x1, s24, s13, $0xb8;
	[tilespmem:$0x1EA70] =	vst v63  }
0x1b0: {  	s24 =	simm.s32 $0x1A970;
	s25 =	simm.s32 $0x1DB70  }
0x1b1: {  	[tilespmem:s25], [sflag:$0x3] =	stream.indirect.gather [spmem:s2], $0x1, s24, s13, $0xb8;
	[tilespmem:$0x1EA70] =	vst v63  }
0x1b2: {  	s24 =	simm.s32 $0x1A9F0;
	s25 =	simm.s32 $0x1DBF0  }
0x1b3: {  	[tilespmem:s25], [sflag:$0x3] =	stream.indirect.gather [spmem:s2], $0x1, s24, s13, $0xb8;
	[tilespmem:$0x1EA70] =	vst v63  }
0x1b4: {  	s24 =	simm.s32 $0x1AA70;
	s25 =	simm.s32 $0x1DC70  }
0x1b5: {  	[tilespmem:s25], [sflag:$0x3] =	stream.indirect.gather [spmem:s2], $0x1, s24, s13, $0xb8;
	[tilespmem:$0x1EA70] =	vst v63  }
0x1b6: {  	s24 =	simm.s32 $0x1AAF0;
	s25 =	simm.s32 $0x1DCF0  }
0x1b7: {  	[tilespmem:s25], [sflag:$0x3] =	stream.indirect.gather [spmem:s2], $0x1, s24, s13, $0xb8;
	[tilespmem:$0x1EA70] =	vst v63  }
0x1b8: {  	s23 =	simm.s32 $0x1AB70;
	s24 =	simm.s32 $0x1DD70;
	s25 =	simm.s32 $0x0  }
0x1b9: {  	[tilespmem:s24], [sflag:$0x3] =	stream.indirect.gather [spmem:s2], $0x1, s23, s13, $0xb8;
	[tilespmem:$0x1EA70] =	vst v63  }
0x1ba: {  	v4 =	vld [tilespmem:s25+$0x1C520]  }
0x1bb: {  	v5 =	vld [tilespmem:s25+$0x1C510]  }
0x1bc: {  	v9 =	vld [tilespmem:s25+$0x1C4F0]  }
0x1bd: {  	v8 =	vld [tilespmem:s25+$0x1C500]  }
0x1be: {  	v2 =	vld [tilespmem:s25+$0x1DE20]  }
0x1bf: {  	v10 =	vld [tilespmem:s25+$0x1AC10]  }
0x1c0: {  	v3 =	vld [tilespmem:s25+$0x1DE10]  }
0x1c1: {  	v11 =	vld [tilespmem:s25+$0x1AC20]  }
0x1c2: {  	v7 =	vld [tilespmem:s25+$0x1DDF0]  }
0x1c3: {  	v12 =	vld [tilespmem:s25+$0x1ABF0]  }
0x1c4: {  	v6 =	vld [tilespmem:s25+$0x1DE00]  }
0x1c5: {  	v13 =	vld [tilespmem:s25+$0x1AC00]  }
0x1c6: {  	v14 =	vld.idx.msk [tilespmem:v9+s17+$0x0], $0xffff  }
0x1c7: {  	v15 =	vld.idx.msk [tilespmem:v8+s17+$0x0], $0xffff  }
0x1c8: {  	v16 =	vld.idx.msk [tilespmem:v5+s17+$0x0], $0xffff  }
0x1c9: {  	v17 =	vld.idx.msk [tilespmem:v4+s17+$0x0], $0xffff;
	_ =	sdelay $0x1  }
0x1ca: {  	vm0 =	vne.s32 v12, v9;
	vm1 =	vgt.f32 v7, v14  }
0x1cb: {  	vm2 =	vne.s32 v13, v8;
	vm3 =	vgt.f32 v6, v15;
	vm1 =	vmand vm0, vm1  }
0x1cc: {  	vm4 =	vne.s32 v10, v5;
	vm5 =	vgt.f32 v3, v16;
	vm3 =	vmand vm2, vm3  }
0x1cd: {  	vm6 =	vne.s32 v11, v4;
	vm7 =	vgt.f32 v2, v17;
	vm5 =	vmand vm4, vm5  }
0x1ce: {  	vm7 =	vmand vm6, vm7;
	_ =	sdelay $0x2  }
0x1cf: {  	[tilespmem:v9+s17+$0x0] =	vst.idx.msk vm1, v7  }
0x1d0: {  	[tilespmem:v8+s17+$0x0] =	vst.idx.msk vm3, v6  }
0x1d1: {  	[tilespmem:v5+s17+$0x0] =	vst.idx.msk vm5, v3  }
0x1d2: {  	s24 =	simm.s32 $0x40;
	[tilespmem:v4+s17+$0x0] =	vst.idx.msk vm7, v2  }
0x1d3: {  	v13 =	vld [tilespmem:s24+$0x1C520]  }
0x1d4: {  	v14 =	vld [tilespmem:s24+$0x1C510]  }
0x1d5: {  	v16 =	vld [tilespmem:s24+$0x1C4F0]  }
0x1d6: {  	v15 =	vld [tilespmem:s24+$0x1C500]  }
0x1d7: {  	v10 =	vld [tilespmem:s24+$0x1DE20]  }
0x1d8: {  	v12 =	vimm.s32 $0x0;
	vm1 =	vmmov vm0;
	v17 =	vld [tilespmem:s24+$0x1AC10]  }
0x1d9: {  	s22 =	sshll.u32 s21, $0x1;
	s23 =	simm.s32 $0x200;
	vm0 =	vmmov vm6;
	vm3 =	vmmov vm2;
	vm2 =	vmmov vm4;
	v11 =	vld [tilespmem:s24+$0x1DE10]  }
.LBB2_10:
0x1da: {  	p2 =	sne.s32 s23, $0x3100;
	v18 =	vld [tilespmem:s24+$0x1AC20]  }
0x1db: {  	v19 =	vld [tilespmem:s24+$0x1DDF0]  }
0x1dc: {  	v20 =	vld [tilespmem:s24+$0x1ABF0]  }
0x1dd: {  	v21 =	vld [tilespmem:s24+$0x1DE00]  }
0x1de: {  	v22 =	vld [tilespmem:s24+$0x1AC00]  }
0x1df: {  	v23 =	vld.idx.msk [tilespmem:v16+s17+$0x0], $0xffff  }
0x1e0: {  	v24 =	vld.idx.msk [tilespmem:v15+s17+$0x0], $0xffff  }
0x1e1: {  	v25 =	vld.idx.msk [tilespmem:v14+s17+$0x0], $0xffff  }
0x1e2: {  	v26 =	vld.idx.msk [tilespmem:v13+s17+$0x0], $0xffff  }
0x1e3: {  	v27 =	vld.idx.msk [tilespmem:v9+s17+$0x0], $0xffff;
	v9 =	vmov v16  }
0x1e4: {  	v16 =	vld.idx.msk [tilespmem:v8+s17+$0x0], $0xffff;
	v8 =	vmov v15  }
0x1e5: {  	vm7 =	vne.s32 v20, v9;
	vm4 =	vgt.f32 v19, v23;
	v15 =	vld.idx.msk [tilespmem:v5+s17+$0x0], $0xffff;
	v5 =	vmov v14  }
0x1e6: {  	vm8 =	vmand vm7, vm4;
	vm4 =	vne.s32 v22, v8;
	vm5 =	vgt.f32 v21, v24;
	v14 =	vld.idx.msk [tilespmem:v4+s17+$0x0], $0xffff;
	v4 =	vmovc v13  }
0x1e7: {  	vm9 =	vmand vm4, vm5;
	vm5 =	vne.s32 v17, v5;
	vm6 =	vgt.f32 v11, v25  }
0x1e8: {  	vm10 =	vmand vm5, vm6;
	vm6 =	vne.s32 v18, v4;
	vm11 =	vgt.f32 v10, v26  }
0x1e9: {  	vm11 =	vmand vm6, vm11;
	vm12 =	vgt.f32 v7, v27;
	v7 =	vmov v19  }
0x1ea: {  	vm12 =	vmand vm1, vm12;
	vm13 =	vgt.f32 v6, v16;
	v6 =	vmovc v21;
	vm1 =	vmmov vm7  }
0x1eb: {  	v13 =	vsel vm12, $0x1, v1;
	vm3 =	vmand vm3, vm13;
	vm7 =	vgt.f32 v3, v15;
	v3 =	vmovc v11  }
0x1ec: {  	v11 =	vadd.s32 v13, v12;
	v12 =	vsel vm3, $0x1, v1;
	vm2 =	vmand vm2, vm7;
	[tilespmem:v9+s17+$0x0] =	vst.idx.msk vm8, v7  }
0x1ed: {  	v11 =	vadd.s32 v12, v11;
	v12 =	vsel vm2, $0x1, v1;
	vm2 =	vgt.f32 v2, v14;
	[tilespmem:v8+s17+$0x0] =	vst.idx.msk vm9, v6  }
0x1ee: {  	vm3 =	vmmov vm4;
	v2 =	vmovc v10;
	v11 =	vadd.s32 v12, v11;
	vm0 =	vmand vm0, vm2;
	[tilespmem:v5+s17+$0x0] =	vst.idx.msk vm10, v3  }
0x1ef: {  	s24 =	sshra.s32 s23, $0x2;
	vm2 =	vmmov vm5;
	v10 =	vsel vm0, $0x1, v1;
	vm0 =	vmmov vm6;
	[tilespmem:v4+s17+$0x0] =	vst.idx.msk vm11, v2  }
0x1f0: {  	v12 =	vadd.s32 v10, v11;
	v13 =	vld [tilespmem:s24+$0x1C520]  }
0x1f1: {  	v14 =	vld [tilespmem:s24+$0x1C510]  }
.Ltmp6:
0x1f2: {  	v16 =	vld [tilespmem:s24+$0x1C4F0];
	(pc) =	sbr.rel @p2 .LBB2_10-.Ltmp6, $4  }
0x1f3: {  	v15 =	vld [tilespmem:s24+$0x1C500]  }
0x1f4: {  	v10 =	vld [tilespmem:s24+$0x1DE20]  }
0x1f5: {  	v17 =	vld [tilespmem:s24+$0x1AC10]  }
0x1f6: {  	s23 =	sadd.s32 $0x100, s23;
	v11 =	vld [tilespmem:s24+$0x1DE10]  }
0x1f7: {  	v18 =	vld [tilespmem:s24+$0x1AC20]  }
0x1f8: {  	v19 =	vld [tilespmem:s24+$0x1DDF0]  }
0x1f9: {  	v20 =	vld [tilespmem:s24+$0x1ABF0]  }
0x1fa: {  	v21 =	vld [tilespmem:s24+$0x1DE00]  }
0x1fb: {  	v22 =	vld [tilespmem:s24+$0x1AC00]  }
0x1fc: {  	v23 =	vld.idx.msk [tilespmem:v16+s17+$0x0], $0xffff  }
0x1fd: {  	v24 =	vld.idx.msk [tilespmem:v15+s17+$0x0], $0xffff  }
0x1fe: {  	v25 =	vld.idx.msk [tilespmem:v14+s17+$0x0], $0xffff  }
0x1ff: {  	v26 =	vld.idx.msk [tilespmem:v13+s17+$0x0], $0xffff;
	_ =	sdelay $0x1  }
0x200: {  	vm6 =	vne.s32 v20, v16;
	vm4 =	vgt.f32 v19, v23  }
0x201: {  	vm8 =	vmand vm6, vm4;
	vm4 =	vne.s32 v22, v15;
	vm5 =	vgt.f32 v21, v24  }
0x202: {  	vm7 =	vgt.f32 v11, v25;
	vm9 =	vmand vm4, vm5;
	vm5 =	vne.s32 v17, v14  }
0x203: {  	vm11 =	vgt.f32 v10, v26;
	vm10 =	vmand vm5, vm7;
	vm7 =	vne.s32 v18, v13  }
0x204: {  	v9 =	vld.idx.msk [tilespmem:v9+s17+$0x0], $0xffff;
	vm11 =	vmand vm7, vm11  }
0x205: {  	v8 =	vld.idx.msk [tilespmem:v8+s17+$0x0], $0xffff  }
0x206: {  	v4 =	vld.idx.msk [tilespmem:v4+s17+$0x0], $0xffff  }
0x207: {  	v5 =	vld.idx.msk [tilespmem:v5+s17+$0x0], $0xffff;
	[tilespmem:v16+s17+$0x0] =	vst.idx.msk vm8, v19  }
0x208: {  	[tilespmem:v15+s17+$0x0] =	vst.idx.msk vm9, v21  }
0x209: {  	[tilespmem:v14+s17+$0x0] =	vst.idx.msk vm10, v11  }
0x20a: {  	[tilespmem:v13+s17+$0x0] =	vst.idx.msk vm11, v10  }
0x20b: {  	vm14 =	vgt.f32 v7, v9;
	vm15 =	vgt.f32 v6, v8;
	vm12 =	vgt.f32 v2, v4;
	v56 =	vld.idx.msk [tilespmem:v16+s17+$0x0], $0xffff  }
0x20c: {  	vm1 =	vmand vm1, vm14;
	vm13 =	vmmov vm6;
	vm0 =	vmand vm0, vm12;
	v59 =	vld.idx.msk [tilespmem:v15+s17+$0x0], $0xffff  }
0x20d: {  	v57 =	vsel vm1, $0x1, v1;
	vm9 =	vmand vm3, vm15;
	vm10 =	vgt.f32 v3, v5;
	v2 =	vld.idx.msk [tilespmem:v14+s17+$0x0], $0xffff  }
0x20e: {  	v3 =	vadd.s32 v57, v12;
	v58 =	vsel vm9, $0x1, v1;
	vm11 =	vmand vm2, vm10  }
0x20f: {  	vm14 =	vmmov vm4;
	v3 =	vadd.s32 v58, v3;
	v60 =	vsel vm11, $0x1, v1;
	v61 =	vld.idx.msk [tilespmem:v13+s17+$0x0], $0xffff  }
0x210: {  	v62 =	vsel vm0, $0x1, v1;
	vm8 =	vmmov vm5;
	v3 =	vadd.s32 v60, v3  }
0x211: {  	vm9 =	vmmov vm7;
	v3 =	vadd.s32 v62, v3;
	vm15 =	vgt.f32 v19, v56  }
0x212: {  	vm10 =	vgt.f32 v21, v59;
	vm12 =	vgt.f32 v11, v2;
	vm0 =	vmand vm13, vm15  }
0x213: {  	vm11 =	vmand vm14, vm10;
	vm13 =	vmand vm8, vm12;
	v63 =	vsel vm0, $0x1, v1  }
0x214: {  	vm14 =	vgt.f32 v10, v61;
	v2 =	vadd.s32 v63, v3;
	v3 =	vsel vm11, $0x1, v1  }
0x215: {  	vm15 =	vmand vm9, vm14;
	v2 =	vadd.s32 v3, v2;
	v3 =	vsel vm13, $0x1, v1  }
0x216: {  	v2 =	vadd.s32 v3, v2;
	v3 =	vsel vm15, $0x1, v1  }
0x217: {  	v2 =	vadd.s32 v3, v2  }
0x218: {  	v2 =	vxor.u32 $0x80000000, v2  }
0x219: {  	(xrf0) =	vmax.scan.msk.u32 $0xffff, v2;
	_ =	sdelay $0x5  }
0x21a: {  	v2, _, _ =	vpop (xrf0)  }
0x21b: {  	(v2sf) =	vpush v2, $0xF;
	_ =	sdelay $0xe  }
0x21c: {  	s23 =	spop (v2sf)  }
0x21d: {  	p2 =	slt.u32 s23, $0x80000001  }
.Ltmp7:
0x21e: {  	_ = 	snop;
	(pc) =	sbr.rel @p2 .LBB2_14-.Ltmp7, $1  }
0x21f: {  	_ =	sdelay $0x3  }
0x220: {  	s23 =	simm.s32 $0x0;
	v2 =	vimm.s32 $0x0  }
.LBB2_13:
0x221: {  	s24 =	sshll.u32 s23, $0x6  }
0x222: {  	v3 =	vld [tilespmem:s24+$0x1C4F0]  }
0x223: {  	v4 =	vld [tilespmem:s24+$0x1C500]  }
0x224: {  	v5 =	vld [tilespmem:s24+$0x1ABF0]  }
0x225: {  	v6 =	vld [tilespmem:s24+$0x1DDF0]  }
0x226: {  	v7 =	vld [tilespmem:s24+$0x1C510]  }
0x227: {  	v9 =	vld [tilespmem:s24+$0x1AC00]  }
0x228: {  	v10 =	vld [tilespmem:s24+$0x1C520]  }
0x229: {  	v11 =	vld [tilespmem:s24+$0x1DE00]  }
0x22a: {  	v13 =	vld [tilespmem:s24+$0x1AC10]  }
0x22b: {  	v14 =	vld [tilespmem:s24+$0x1DE10]  }
0x22c: {  	v16 =	vld [tilespmem:s24+$0x1AC20]  }
0x22d: {  	v17 =	vld [tilespmem:s24+$0x1DE20]  }
0x22e: {  	v8 =	vld.idx.msk [tilespmem:v3+s17+$0x0], $0xffff  }
0x22f: {  	v12 =	vld.idx.msk [tilespmem:v4+s17+$0x0], $0xffff  }
0x230: {  	v15 =	vld.idx.msk [tilespmem:v7+s17+$0x0], $0xffff  }
0x231: {  	v18 =	vld.idx.msk [tilespmem:v10+s17+$0x0], $0xffff;
	_ =	sdelay $0x1  }
0x232: {  	vm0 =	vne.s32 v5, v3;
	vm1 =	vgt.f32 v6, v8  }
0x233: {  	vm2 =	vne.s32 v9, v4;
	vm3 =	vgt.f32 v11, v12;
	vm1 =	vmand vm0, vm1  }
0x234: {  	vm4 =	vne.s32 v13, v7;
	vm5 =	vgt.f32 v14, v15;
	vm3 =	vmand vm2, vm3  }
0x235: {  	vm6 =	vne.s32 v16, v10;
	vm7 =	vgt.f32 v17, v18;
	vm5 =	vmand vm4, vm5  }
0x236: {  	vm7 =	vmand vm6, vm7;
	_ =	sdelay $0x2  }
0x237: {  	[tilespmem:v3+s17+$0x0] =	vst.idx.msk vm1, v6  }
0x238: {  	[tilespmem:v4+s17+$0x0] =	vst.idx.msk vm3, v11  }
0x239: {  	[tilespmem:v7+s17+$0x0] =	vst.idx.msk vm5, v14  }
0x23a: {  	[tilespmem:v10+s17+$0x0] =	vst.idx.msk vm7, v17  }
0x23b: {  	v3 =	vld.idx.msk [tilespmem:v3+s17+$0x0], $0xffff  }
0x23c: {  	v4 =	vld.idx.msk [tilespmem:v4+s17+$0x0], $0xffff  }
0x23d: {  	v62 =	vld.idx.msk [tilespmem:v7+s17+$0x0], $0xffff  }
0x23e: {  	v63 =	vld.idx.msk [tilespmem:v10+s17+$0x0], $0xffff;
	_ =	sdelay $0x2  }
0x23f: {  	vm10 =	vgt.f32 v6, v3  }
0x240: {  	vm11 =	vgt.f32 v11, v4;
	vm12 =	vgt.f32 v14, v62;
	vm0 =	vmand vm0, vm10  }
0x241: {  	vm14 =	vgt.f32 v17, v63;
	v3 =	vsel vm0, $0x1, v1;
	vm0 =	vmand vm2, vm11  }
0x242: {  	vm13 =	vmand vm4, vm12;
	v2 =	vadd.s32 v3, v2;
	v3 =	vsel vm0, $0x1, v1  }
0x243: {  	vm15 =	vmand vm6, vm14;
	v2 =	vadd.s32 v3, v2;
	v3 =	vsel vm13, $0x1, v1  }
0x244: {  	s23 =	sadd.s32 $0x1, s23;
	v2 =	vadd.s32 v3, v2;
	v3 =	vsel vm15, $0x1, v1  }
0x245: {  	p2 =	sne.s32 s23, $0x32;
	v2 =	vadd.s32 v3, v2  }
0x246: {  	v3 =	vxor.u32 @!p2 $0x80000000, v2  }
0x247: {  	(xrf0) =	vmax.scan.msk.u32 @!p2 $0xffff, v3;
	_ =	sdelay $0x5  }
0x248: {  	v3, _, _ =	vpop @!p2 (xrf0)  }
0x249: {  	(v2sf) =	vpush @!p2 v3, $0xF;
	_ =	sdelay $0xe  }
0x24a: {  	s24 =	spop @!p2 (v2sf)  }
0x24b: {  	p3 =	sgt.u32 @!p2 s24, $0x80000000  }
0x24c: {  	p3 =	por p2, p3  }
.Ltmp8:
0x24d: {  	_ = 	snop;
	(pc) =	sbr.rel @p3 .LBB2_13-.Ltmp8, $2  }
0x24e: {  	_ =	sdelay $0x2  }
0x24f: {  	s23 =	simm.s32 @!p2 $0x0;
	v2 =	vpsel !p2, $0x0, v2  }
.Ltmp9:
0x250: {  	_ = 	snop;
	(pc) =	sbr.rel .LBB2_14-.Ltmp9, $1  }
0x251: {  	_ =	sdelay $0x3  }
.LBB2_15:
0x252: {  	_ =	swait.ge [sflag:s26], $0xC80  }
0x253: {  	[sflag:s26] =	ssyncset.done $0x0  }
0x254: {  	[sflag:s26] =	ssyncadd.s32 $0xFFFFF380  }
0x255: {  	_ =	swait.ge [sflag:s28], $0xC80  }
0x256: {  	[sflag:s28] =	ssyncset.done $0x0  }
0x257: {  	[sflag:s28] =	ssyncadd.s32 $0xFFFFF380  }
0x258: {  	_ =	swait.ge [sflag:s28], $0xC80  }
0x259: {  	[sflag:s28] =	ssyncset.done $0x0  }
0x25a: {  	s21 =	simm.s32 $0x1ABF0;
	[sflag:s28] =	ssyncadd.s32 $0xFFFFF380  }
0x25b: {  	[tilespmem:s29], [sflag:$0x4] =	stream.indirect.gather [spmem:s2], $0x1, s21, s13, $0xb8;
	[tilespmem:$0x1EA70] =	vst v63  }
0x25c: {  	s25 =	simm.s32 $0x1AC70;
	s22 =	simm.s32 $0x1DE70  }
0x25d: {  	[tilespmem:s22], [sflag:$0x4] =	stream.indirect.gather [spmem:s2], $0x1, s25, s13, $0xb8;
	[tilespmem:$0x1EA70] =	vst v63  }
0x25e: {  	s23 =	simm.s32 $0x1DEF0;
	s22 =	simm.s32 $0x1ACF0  }
0x25f: {  	[tilespmem:s23], [sflag:$0x4] =	stream.indirect.gather [spmem:s2], $0x1, s22, s13, $0xb8;
	[tilespmem:$0x1EA70] =	vst v63  }
0x260: {  	s24 =	simm.s32 $0x1AD70;
	s25 =	simm.s32 $0x1DF70  }
0x261: {  	[tilespmem:s25], [sflag:$0x4] =	stream.indirect.gather [spmem:s2], $0x1, s24, s13, $0xb8;
	[tilespmem:$0x1EA70] =	vst v63  }
0x262: {  	s22 =	simm.s32 $0x1ADF0;
	s23 =	simm.s32 $0x1DFF0  }
0x263: {  	[tilespmem:s23], [sflag:$0x4] =	stream.indirect.gather [spmem:s2], $0x1, s22, s13, $0xb8;
	[tilespmem:$0x1EA70] =	vst v63  }
0x264: {  	s24 =	simm.s32 $0x1AE70;
	s25 =	simm.s32 $0x1E070  }
0x265: {  	[tilespmem:s25], [sflag:$0x4] =	stream.indirect.gather [spmem:s2], $0x1, s24, s13, $0xb8;
	[tilespmem:$0x1EA70] =	vst v63  }
0x266: {  	s22 =	simm.s32 $0x1AEF0;
	s23 =	simm.s32 $0x1E0F0  }
0x267: {  	[tilespmem:s23], [sflag:$0x4] =	stream.indirect.gather [spmem:s2], $0x1, s22, s13, $0xb8;
	[tilespmem:$0x1EA70] =	vst v63  }
0x268: {  	s24 =	simm.s32 $0x1AF70;
	s25 =	simm.s32 $0x1E170  }
0x269: {  	[tilespmem:s25], [sflag:$0x4] =	stream.indirect.gather [spmem:s2], $0x1, s24, s13, $0xb8;
	[tilespmem:$0x1EA70] =	vst v63  }
0x26a: {  	s22 =	simm.s32 $0x1AFF0;
	s23 =	simm.s32 $0x1E1F0  }
0x26b: {  	[tilespmem:s23], [sflag:$0x4] =	stream.indirect.gather [spmem:s2], $0x1, s22, s13, $0xb8;
	[tilespmem:$0x1EA70] =	vst v63  }
0x26c: {  	s24 =	simm.s32 $0x1B070;
	s25 =	simm.s32 $0x1E270  }
0x26d: {  	[tilespmem:s25], [sflag:$0x4] =	stream.indirect.gather [spmem:s2], $0x1, s24, s13, $0xb8;
	[tilespmem:$0x1EA70] =	vst v63  }
0x26e: {  	s22 =	simm.s32 $0x1B0F0;
	s23 =	simm.s32 $0x1E2F0  }
0x26f: {  	[tilespmem:s23], [sflag:$0x4] =	stream.indirect.gather [spmem:s2], $0x1, s22, s13, $0xb8;
	[tilespmem:$0x1EA70] =	vst v63  }
0x270: {  	s24 =	simm.s32 $0x1B170;
	s25 =	simm.s32 $0x1E370  }
0x271: {  	[tilespmem:s25], [sflag:$0x4] =	stream.indirect.gather [spmem:s2], $0x1, s24, s13, $0xb8;
	[tilespmem:$0x1EA70] =	vst v63  }
0x272: {  	s22 =	simm.s32 $0x1B1F0;
	s23 =	simm.s32 $0x1E3F0  }
0x273: {  	[tilespmem:s23], [sflag:$0x4] =	stream.indirect.gather [spmem:s2], $0x1, s22, s13, $0xb8;
	[tilespmem:$0x1EA70] =	vst v63  }
0x274: {  	s24 =	simm.s32 $0x1B270;
	s25 =	simm.s32 $0x1E470  }
0x275: {  	[tilespmem:s25], [sflag:$0x4] =	stream.indirect.gather [spmem:s2], $0x1, s24, s13, $0xb8;
	[tilespmem:$0x1EA70] =	vst v63  }
0x276: {  	s22 =	simm.s32 $0x1B2F0;
	s23 =	simm.s32 $0x1E4F0  }
0x277: {  	[tilespmem:s23], [sflag:$0x4] =	stream.indirect.gather [spmem:s2], $0x1, s22, s13, $0xb8;
	[tilespmem:$0x1EA70] =	vst v63  }
0x278: {  	s24 =	simm.s32 $0x1B370;
	s25 =	simm.s32 $0x1E570  }
0x279: {  	[tilespmem:s25], [sflag:$0x4] =	stream.indirect.gather [spmem:s2], $0x1, s24, s13, $0xb8;
	[tilespmem:$0x1EA70] =	vst v63  }
0x27a: {  	s22 =	simm.s32 $0x1B3F0;
	s23 =	simm.s32 $0x1E5F0  }
0x27b: {  	[tilespmem:s23], [sflag:$0x4] =	stream.indirect.gather [spmem:s2], $0x1, s22, s13, $0xb8;
	[tilespmem:$0x1EA70] =	vst v63  }
0x27c: {  	s24 =	simm.s32 $0x1B470;
	s25 =	simm.s32 $0x1E670  }
0x27d: {  	[tilespmem:s25], [sflag:$0x4] =	stream.indirect.gather [spmem:s2], $0x1, s24, s13, $0xb8;
	[tilespmem:$0x1EA70] =	vst v63  }
0x27e: {  	s23 =	simm.s32 $0x1B4F0;
	s24 =	simm.s32 $0x1E6F0  }
0x27f: {  	[tilespmem:s24], [sflag:$0x4] =	stream.indirect.gather [spmem:s2], $0x1, s23, s13, $0xb8;
	[tilespmem:$0x1EA70] =	vst v63  }
0x280: {  	_ = 	snop  }
0x281: {  	[tilespmem:s16], [sflag:$0x4] =	stream.indirect.gather [spmem:s2], $0x1, s30, s13, $0xb8;
	[tilespmem:$0x1EA70] =	vst v63  }
0x282: {  	_ = 	snop  }
0x283: {  	[tilespmem:s20], [sflag:$0x4] =	stream.indirect.gather [spmem:s2], $0x1, s19, s13, $0xb8;
	[tilespmem:$0x1EA70] =	vst v63  }
0x284: {  	_ = 	snop  }
0x285: {  	[tilespmem:s11], [sflag:$0x4] =	stream.indirect.gather [spmem:s2], $0x1, s6, s13, $0xb8;
	[tilespmem:$0x1EA70] =	vst v63  }
0x286: {  	_ = 	snop  }
0x287: {  	[tilespmem:s0], [sflag:$0x4] =	stream.indirect.gather [spmem:s2], $0x1, s5, s13, $0xb8;
	[tilespmem:$0x1EA70] =	vst v63  }
0x288: {  	_ = 	snop  }
0x289: {  	[tilespmem:s1], [sflag:$0x4] =	stream.indirect.gather [spmem:s2], $0x1, s12, s13, $0xb8;
	[tilespmem:$0x1EA70] =	vst v63  }
0x28a: {  	s25 =	simm.s32 $0x0  }
0x28b: {  	[tilespmem:s15], [sflag:$0x4] =	stream.indirect.gather [spmem:s2], $0x1, s7, s13, $0xb8;
	[tilespmem:$0x1EA70] =	vst v63  }
0x28c: {  	v4 =	vld [tilespmem:s25+$0x1B8A0]  }
0x28d: {  	v5 =	vld [tilespmem:s25+$0x1B890]  }
0x28e: {  	v9 =	vld [tilespmem:s25+$0x1B870]  }
0x28f: {  	v8 =	vld [tilespmem:s25+$0x1B880]  }
0x290: {  	v2 =	vld [tilespmem:s25+$0x1D1A0]  }
0x291: {  	v10 =	vld [tilespmem:s25+$0x19F90]  }
0x292: {  	v3 =	vld [tilespmem:s25+$0x1D190]  }
0x293: {  	v11 =	vld [tilespmem:s25+$0x19FA0]  }
0x294: {  	v7 =	vld [tilespmem:s25+$0x1D170]  }
0x295: {  	v12 =	vld [tilespmem:s25+$0x19F70]  }
0x296: {  	v6 =	vld [tilespmem:s25+$0x1D180]  }
0x297: {  	v13 =	vld [tilespmem:s25+$0x19F80]  }
0x298: {  	v14 =	vld.idx.msk [tilespmem:v9+s17+$0x0], $0xffff  }
0x299: {  	v15 =	vld.idx.msk [tilespmem:v8+s17+$0x0], $0xffff  }
0x29a: {  	v16 =	vld.idx.msk [tilespmem:v5+s17+$0x0], $0xffff  }
0x29b: {  	v17 =	vld.idx.msk [tilespmem:v4+s17+$0x0], $0xffff;
	_ =	sdelay $0x1  }
0x29c: {  	vm0 =	vne.s32 v12, v9;
	vm1 =	vgt.f32 v7, v14  }
0x29d: {  	vm2 =	vne.s32 v13, v8;
	vm3 =	vgt.f32 v6, v15;
	vm1 =	vmand vm0, vm1  }
0x29e: {  	vm4 =	vne.s32 v10, v5;
	vm5 =	vgt.f32 v3, v16;
	vm3 =	vmand vm2, vm3  }
0x29f: {  	vm6 =	vne.s32 v11, v4;
	vm7 =	vgt.f32 v2, v17;
	vm5 =	vmand vm4, vm5  }
0x2a0: {  	vm7 =	vmand vm6, vm7;
	_ =	sdelay $0x2  }
0x2a1: {  	[tilespmem:v9+s17+$0x0] =	vst.idx.msk vm1, v7  }
0x2a2: {  	[tilespmem:v8+s17+$0x0] =	vst.idx.msk vm3, v6  }
0x2a3: {  	[tilespmem:v5+s17+$0x0] =	vst.idx.msk vm5, v3  }
0x2a4: {  	s22 =	simm.s32 $0x40;
	[tilespmem:v4+s17+$0x0] =	vst.idx.msk vm7, v2  }
0x2a5: {  	v13 =	vld [tilespmem:s22+$0x1B8A0]  }
0x2a6: {  	v14 =	vld [tilespmem:s22+$0x1B890]  }
0x2a7: {  	v16 =	vld [tilespmem:s22+$0x1B870]  }
0x2a8: {  	v15 =	vld [tilespmem:s22+$0x1B880]  }
0x2a9: {  	v10 =	vld [tilespmem:s22+$0x1D1A0]  }
0x2aa: {  	v12 =	vimm.s32 $0x0;
	vm1 =	vmmov vm0;
	v17 =	vld [tilespmem:s22+$0x19F90]  }
0x2ab: {  	s21 =	simm.s32 $0x200;
	vm0 =	vmmov vm6;
	vm3 =	vmmov vm2;
	vm2 =	vmmov vm4;
	v11 =	vld [tilespmem:s22+$0x1D190]  }
.LBB2_16:
0x2ac: {  	p2 =	sne.s32 s21, $0x3100;
	v18 =	vld [tilespmem:s22+$0x19FA0]  }
0x2ad: {  	v19 =	vld [tilespmem:s22+$0x1D170]  }
0x2ae: {  	v20 =	vld [tilespmem:s22+$0x19F70]  }
0x2af: {  	v21 =	vld [tilespmem:s22+$0x1D180]  }
0x2b0: {  	v22 =	vld [tilespmem:s22+$0x19F80]  }
0x2b1: {  	v23 =	vld.idx.msk [tilespmem:v16+s17+$0x0], $0xffff  }
0x2b2: {  	v24 =	vld.idx.msk [tilespmem:v15+s17+$0x0], $0xffff  }
0x2b3: {  	v25 =	vld.idx.msk [tilespmem:v14+s17+$0x0], $0xffff  }
0x2b4: {  	v26 =	vld.idx.msk [tilespmem:v13+s17+$0x0], $0xffff  }
0x2b5: {  	v27 =	vld.idx.msk [tilespmem:v9+s17+$0x0], $0xffff;
	v9 =	vmov v16  }
0x2b6: {  	v16 =	vld.idx.msk [tilespmem:v8+s17+$0x0], $0xffff;
	v8 =	vmov v15  }
0x2b7: {  	vm7 =	vne.s32 v20, v9;
	vm4 =	vgt.f32 v19, v23;
	v15 =	vld.idx.msk [tilespmem:v5+s17+$0x0], $0xffff;
	v5 =	vmov v14  }
0x2b8: {  	vm8 =	vmand vm7, vm4;
	vm4 =	vne.s32 v22, v8;
	vm5 =	vgt.f32 v21, v24;
	v14 =	vld.idx.msk [tilespmem:v4+s17+$0x0], $0xffff;
	v4 =	vmovc v13  }
0x2b9: {  	vm9 =	vmand vm4, vm5;
	vm5 =	vne.s32 v17, v5;
	vm6 =	vgt.f32 v11, v25  }
0x2ba: {  	vm10 =	vmand vm5, vm6;
	vm6 =	vne.s32 v18, v4;
	vm11 =	vgt.f32 v10, v26  }
0x2bb: {  	vm11 =	vmand vm6, vm11;
	vm12 =	vgt.f32 v7, v27;
	v7 =	vmov v19  }
0x2bc: {  	vm12 =	vmand vm1, vm12;
	vm13 =	vgt.f32 v6, v16;
	v6 =	vmovc v21;
	vm1 =	vmmov vm7  }
0x2bd: {  	v13 =	vsel vm12, $0x1, v1;
	vm3 =	vmand vm3, vm13;
	vm7 =	vgt.f32 v3, v15;
	v3 =	vmovc v11  }
0x2be: {  	v11 =	vadd.s32 v13, v12;
	v12 =	vsel vm3, $0x1, v1;
	vm2 =	vmand vm2, vm7;
	[tilespmem:v9+s17+$0x0] =	vst.idx.msk vm8, v7  }
0x2bf: {  	v11 =	vadd.s32 v12, v11;
	v12 =	vsel vm2, $0x1, v1;
	vm2 =	vgt.f32 v2, v14;
	[tilespmem:v8+s17+$0x0] =	vst.idx.msk vm9, v6  }
0x2c0: {  	vm3 =	vmmov vm4;
	v2 =	vmovc v10;
	v11 =	vadd.s32 v12, v11;
	vm0 =	vmand vm0, vm2;
	[tilespmem:v5+s17+$0x0] =	vst.idx.msk vm10, v3  }
0x2c1: {  	s22 =	sshra.s32 s21, $0x2;
	vm2 =	vmmov vm5;
	v10 =	vsel vm0, $0x1, v1;
	vm0 =	vmmov vm6;
	[tilespmem:v4+s17+$0x0] =	vst.idx.msk vm11, v2  }
0x2c2: {  	v12 =	vadd.s32 v10, v11;
	v13 =	vld [tilespmem:s22+$0x1B8A0]  }
0x2c3: {  	v14 =	vld [tilespmem:s22+$0x1B890]  }
.Ltmp10:
0x2c4: {  	v16 =	vld [tilespmem:s22+$0x1B870];
	(pc) =	sbr.rel @p2 .LBB2_16-.Ltmp10, $4  }
0x2c5: {  	v15 =	vld [tilespmem:s22+$0x1B880]  }
0x2c6: {  	v10 =	vld [tilespmem:s22+$0x1D1A0]  }
0x2c7: {  	v17 =	vld [tilespmem:s22+$0x19F90]  }
0x2c8: {  	s21 =	sadd.s32 $0x100, s21;
	v11 =	vld [tilespmem:s22+$0x1D190]  }
0x2c9: {  	v18 =	vld [tilespmem:s22+$0x19FA0]  }
0x2ca: {  	v19 =	vld [tilespmem:s22+$0x1D170]  }
0x2cb: {  	v20 =	vld [tilespmem:s22+$0x19F70]  }
0x2cc: {  	v21 =	vld [tilespmem:s22+$0x1D180]  }
0x2cd: {  	v22 =	vld [tilespmem:s22+$0x19F80]  }
0x2ce: {  	v23 =	vld.idx.msk [tilespmem:v16+s17+$0x0], $0xffff  }
0x2cf: {  	v24 =	vld.idx.msk [tilespmem:v15+s17+$0x0], $0xffff  }
0x2d0: {  	v25 =	vld.idx.msk [tilespmem:v14+s17+$0x0], $0xffff  }
0x2d1: {  	v26 =	vld.idx.msk [tilespmem:v13+s17+$0x0], $0xffff;
	_ =	sdelay $0x1  }
0x2d2: {  	vm6 =	vne.s32 v20, v16;
	vm4 =	vgt.f32 v19, v23  }
0x2d3: {  	vm8 =	vmand vm6, vm4;
	vm4 =	vne.s32 v22, v15;
	vm5 =	vgt.f32 v21, v24  }
0x2d4: {  	vm7 =	vgt.f32 v11, v25;
	vm9 =	vmand vm4, vm5;
	vm5 =	vne.s32 v17, v14  }
0x2d5: {  	vm11 =	vgt.f32 v10, v26;
	vm10 =	vmand vm5, vm7;
	vm7 =	vne.s32 v18, v13  }
0x2d6: {  	v9 =	vld.idx.msk [tilespmem:v9+s17+$0x0], $0xffff;
	vm11 =	vmand vm7, vm11  }
0x2d7: {  	v8 =	vld.idx.msk [tilespmem:v8+s17+$0x0], $0xffff  }
0x2d8: {  	v4 =	vld.idx.msk [tilespmem:v4+s17+$0x0], $0xffff  }
0x2d9: {  	v5 =	vld.idx.msk [tilespmem:v5+s17+$0x0], $0xffff;
	[tilespmem:v16+s17+$0x0] =	vst.idx.msk vm8, v19  }
0x2da: {  	[tilespmem:v15+s17+$0x0] =	vst.idx.msk vm9, v21  }
0x2db: {  	[tilespmem:v14+s17+$0x0] =	vst.idx.msk vm10, v11  }
0x2dc: {  	[tilespmem:v13+s17+$0x0] =	vst.idx.msk vm11, v10  }
0x2dd: {  	vm14 =	vgt.f32 v7, v9;
	vm15 =	vgt.f32 v6, v8;
	vm12 =	vgt.f32 v2, v4;
	v56 =	vld.idx.msk [tilespmem:v16+s17+$0x0], $0xffff  }
0x2de: {  	vm1 =	vmand vm1, vm14;
	vm13 =	vmmov vm6;
	vm0 =	vmand vm0, vm12;
	v59 =	vld.idx.msk [tilespmem:v15+s17+$0x0], $0xffff  }
0x2df: {  	v57 =	vsel vm1, $0x1, v1;
	vm9 =	vmand vm3, vm15;
	vm10 =	vgt.f32 v3, v5;
	v2 =	vld.idx.msk [tilespmem:v14+s17+$0x0], $0xffff  }
0x2e0: {  	v3 =	vadd.s32 v57, v12;
	v58 =	vsel vm9, $0x1, v1;
	vm11 =	vmand vm2, vm10  }
0x2e1: {  	vm14 =	vmmov vm4;
	v3 =	vadd.s32 v58, v3;
	v60 =	vsel vm11, $0x1, v1;
	v61 =	vld.idx.msk [tilespmem:v13+s17+$0x0], $0xffff  }
0x2e2: {  	v62 =	vsel vm0, $0x1, v1;
	vm8 =	vmmov vm5;
	v3 =	vadd.s32 v60, v3  }
0x2e3: {  	vm9 =	vmmov vm7;
	v3 =	vadd.s32 v62, v3;
	vm15 =	vgt.f32 v19, v56  }
0x2e4: {  	vm10 =	vgt.f32 v21, v59;
	vm12 =	vgt.f32 v11, v2;
	vm0 =	vmand vm13, vm15  }
0x2e5: {  	vm11 =	vmand vm14, vm10;
	vm13 =	vmand vm8, vm12;
	v63 =	vsel vm0, $0x1, v1  }
0x2e6: {  	vm14 =	vgt.f32 v10, v61;
	v2 =	vadd.s32 v63, v3;
	v3 =	vsel vm11, $0x1, v1  }
0x2e7: {  	vm15 =	vmand vm9, vm14;
	v2 =	vadd.s32 v3, v2;
	v3 =	vsel vm13, $0x1, v1  }
0x2e8: {  	v2 =	vadd.s32 v3, v2;
	v3 =	vsel vm15, $0x1, v1  }
0x2e9: {  	v2 =	vadd.s32 v3, v2  }
0x2ea: {  	v2 =	vxor.u32 $0x80000000, v2  }
0x2eb: {  	(xrf0) =	vmax.scan.msk.u32 $0xffff, v2;
	_ =	sdelay $0x5  }
0x2ec: {  	v2, _, _ =	vpop (xrf0)  }
0x2ed: {  	(v2sf) =	vpush v2, $0xF;
	_ =	sdelay $0xe  }
0x2ee: {  	s21 =	spop (v2sf)  }
0x2ef: {  	p2 =	slt.u32 s21, $0x80000001  }
.Ltmp11:
0x2f0: {  	_ = 	snop;
	(pc) =	sbr.rel @p2 .LBB2_20-.Ltmp11, $1  }
0x2f1: {  	_ =	sdelay $0x3  }
0x2f2: {  	s21 =	simm.s32 $0x0;
	v2 =	vimm.s32 $0x0  }
.LBB2_19:
0x2f3: {  	s22 =	sshll.u32 s21, $0x6  }
0x2f4: {  	v3 =	vld [tilespmem:s22+$0x1B870]  }
0x2f5: {  	v4 =	vld [tilespmem:s22+$0x1B880]  }
0x2f6: {  	v5 =	vld [tilespmem:s22+$0x19F70]  }
0x2f7: {  	v6 =	vld [tilespmem:s22+$0x1D170]  }
0x2f8: {  	v7 =	vld [tilespmem:s22+$0x1B890]  }
0x2f9: {  	v9 =	vld [tilespmem:s22+$0x19F80]  }
0x2fa: {  	v10 =	vld [tilespmem:s22+$0x1B8A0]  }
0x2fb: {  	v11 =	vld [tilespmem:s22+$0x1D180]  }
0x2fc: {  	v13 =	vld [tilespmem:s22+$0x19F90]  }
0x2fd: {  	v14 =	vld [tilespmem:s22+$0x1D190]  }
0x2fe: {  	v16 =	vld [tilespmem:s22+$0x19FA0]  }
0x2ff: {  	v17 =	vld [tilespmem:s22+$0x1D1A0]  }
0x300: {  	v8 =	vld.idx.msk [tilespmem:v3+s17+$0x0], $0xffff  }
0x301: {  	v12 =	vld.idx.msk [tilespmem:v4+s17+$0x0], $0xffff  }
0x302: {  	v15 =	vld.idx.msk [tilespmem:v7+s17+$0x0], $0xffff  }
0x303: {  	v18 =	vld.idx.msk [tilespmem:v10+s17+$0x0], $0xffff;
	_ =	sdelay $0x1  }
0x304: {  	vm0 =	vne.s32 v5, v3;
	vm1 =	vgt.f32 v6, v8  }
0x305: {  	vm2 =	vne.s32 v9, v4;
	vm3 =	vgt.f32 v11, v12;
	vm1 =	vmand vm0, vm1  }
0x306: {  	vm4 =	vne.s32 v13, v7;
	vm5 =	vgt.f32 v14, v15;
	vm3 =	vmand vm2, vm3  }
0x307: {  	vm6 =	vne.s32 v16, v10;
	vm7 =	vgt.f32 v17, v18;
	vm5 =	vmand vm4, vm5  }
0x308: {  	vm7 =	vmand vm6, vm7;
	_ =	sdelay $0x2  }
0x309: {  	[tilespmem:v3+s17+$0x0] =	vst.idx.msk vm1, v6  }
0x30a: {  	[tilespmem:v4+s17+$0x0] =	vst.idx.msk vm3, v11  }
0x30b: {  	[tilespmem:v7+s17+$0x0] =	vst.idx.msk vm5, v14  }
0x30c: {  	[tilespmem:v10+s17+$0x0] =	vst.idx.msk vm7, v17  }
0x30d: {  	v3 =	vld.idx.msk [tilespmem:v3+s17+$0x0], $0xffff  }
0x30e: {  	v4 =	vld.idx.msk [tilespmem:v4+s17+$0x0], $0xffff  }
0x30f: {  	v62 =	vld.idx.msk [tilespmem:v7+s17+$0x0], $0xffff  }
0x310: {  	v63 =	vld.idx.msk [tilespmem:v10+s17+$0x0], $0xffff;
	_ =	sdelay $0x2  }
0x311: {  	vm10 =	vgt.f32 v6, v3  }
0x312: {  	vm11 =	vgt.f32 v11, v4;
	vm12 =	vgt.f32 v14, v62;
	vm0 =	vmand vm0, vm10  }
0x313: {  	vm14 =	vgt.f32 v17, v63;
	v3 =	vsel vm0, $0x1, v1;
	vm0 =	vmand vm2, vm11  }
0x314: {  	vm13 =	vmand vm4, vm12;
	v2 =	vadd.s32 v3, v2;
	v3 =	vsel vm0, $0x1, v1  }
0x315: {  	vm15 =	vmand vm6, vm14;
	v2 =	vadd.s32 v3, v2;
	v3 =	vsel vm13, $0x1, v1  }
0x316: {  	s21 =	sadd.s32 $0x1, s21;
	v2 =	vadd.s32 v3, v2;
	v3 =	vsel vm15, $0x1, v1  }
0x317: {  	p2 =	sne.s32 s21, $0x32;
	v2 =	vadd.s32 v3, v2  }
0x318: {  	v3 =	vxor.u32 @!p2 $0x80000000, v2  }
0x319: {  	(xrf0) =	vmax.scan.msk.u32 @!p2 $0xffff, v3;
	_ =	sdelay $0x5  }
0x31a: {  	v3, _, _ =	vpop @!p2 (xrf0)  }
0x31b: {  	(v2sf) =	vpush @!p2 v3, $0xF;
	_ =	sdelay $0xe  }
0x31c: {  	s22 =	spop @!p2 (v2sf)  }
0x31d: {  	p3 =	sgt.u32 @!p2 s22, $0x80000000  }
0x31e: {  	p3 =	por p2, p3  }
.Ltmp12:
0x31f: {  	_ = 	snop;
	(pc) =	sbr.rel @p3 .LBB2_19-.Ltmp12, $2  }
0x320: {  	_ =	sdelay $0x2  }
0x321: {  	s21 =	simm.s32 @!p2 $0x0;
	v2 =	vpsel !p2, $0x0, v2  }
.LBB2_20:
0x322: {  	s21 =	simm.s32 $0x0;
	s22 =	rddreg [dreg:$0x10]  }
0x323: {  	[tilespmem:s31], [sflag:$0x1] =	stream.linear.gather [hbm4b:s22+s21], $0xC80, $0x38;
	[tilespmem:$0x1EA70] =	vst v63  }
0x324: {  	s25 =	rddreg [dreg:$0x7];
	s23 =	simm.s32 $0x1B870  }
0x325: {  	[tilespmem:s23], [sflag:$0x1] =	stream.linear.gather [hbm4b:s25+s21], $0xC80, $0x38;
	[tilespmem:$0x1EA70] =	vst v63  }
0x326: {  	_ =	swait.ge [sflag:s8], $0xC80  }
0x327: {  	[sflag:s8] =	ssyncset.done $0x0  }
0x328: {  	[sflag:s8] =	ssyncadd.s32 $0xFFFFF380  }
0x329: {  	_ =	swait.ge [sflag:s8], $0xC80  }
0x32a: {  	[sflag:s8] =	ssyncset.done $0x0  }
0x32b: {  	[sflag:s8] =	ssyncadd.s32 $0xFFFFF380  }
0x32c: {  	_ =	swait.ge [sflag:s18], $0xC80  }
0x32d: {  	[sflag:s18] =	ssyncset.done $0x0  }
0x32e: {  	s24 =	simm.s32 $0x5;
	s23 =	rddreg [dreg:$0x9];
	[sflag:s18] =	ssyncadd.s32 $0xFFFFF380  }
0x32f: {  	[hbm4b:s23+s21] =	stream.linear.scatter [tilespmem:s17], [sflag:$0x5], $0x18700, $0x38;
	[tilespmem:$0x1EA70] =	vst v63  }
0x330: {  	_ =	swait.ge [sflag:s24], $0x18700  }
0x331: {  	[sflag:s24] =	ssyncset.done $0x0  }
0x332: {  	[sflag:s24] =	ssyncadd.s32 $0xFFFE7900  }
0x333: {  	[bflag:$0x0] =	sbarrier.arrive $0xFFFF  }
0x334: {  	s25 =	rddreg [dreg:$0x8]  }
0x335: {  	[tilespmem:s17], [sflag:$0x5] =	stream.linear.gather [hbm4b:s25+s21], $0x1870, $0x38;
	[tilespmem:$0x1EA70] =	vst v63  }
0x336: {  	_ =	swait.ge [sflag:s24], $0x1870  }
0x337: {  	[sflag:s24] =	ssyncset.done $0x0  }
0x338: {  	[sflag:s24] =	ssyncadd.s32 $0xFFFFE790;
	s24 =	rddreg [dreg:$0xa]  }
0x339: {  	[tilespmem:s14], [sflag:$0x1] =	stream.linear.gather [hbm4b:s24+s21], $0xC40, $0x38;
	[tilespmem:$0x1EA70] =	vst v63  }
0x33a: {  	s25 =	rddreg [dreg:$0xb]  }
0x33b: {  	[tilespmem:s29], [sflag:$0x2] =	stream.linear.gather [hbm4b:s25+s21], $0xC30, $0x38;
	[tilespmem:$0x1EA70] =	vst v63  }
0x33c: {  	_ =	swait.ge [sflag:s8], $0xC40  }
0x33d: {  	[sflag:s8] =	ssyncset.done $0x0  }
0x33e: {  	s21 =	simm.s32 $0x0;
	[sflag:s8] =	ssyncadd.s32 $0xFFFFF3C0  }
0x33f: {  	s22 =	simm.s32 $0x40;
	v2 =	vld [tilespmem:s21+$0x1D170]  }
.LBB2_21:
0x340: {  	p2 =	sne.s32 s22, $0x30C0;
	v3 =	vld [tilespmem:s21+$0x1870];
	_ =	sdelay $0x1  }
.Ltmp13:
0x341: {  	(pc) =	sbr.rel @p2 .LBB2_21-.Ltmp13, $3  }
0x342: {  	_ =	sdelay $0x1  }
0x343: {  	s23 =	sshra.s32 s22, $0x2;
	v3 =	vmax.f32 v3, v2  }
0x344: {  	s22 =	sadd.s32 $0x40, s22;
	v2 =	vld [tilespmem:s23+$0x1D170];
	[tilespmem:s21+$0x1870] =	vst v3;
	s21 =	smov.u32 s23  }
0x345: {  	v3 =	vld [tilespmem:s21+$0x1870];
	_ =	sdelay $0x4  }
0x346: {  	v2 =	vmax.f32 v3, v2  }
0x347: {  	s25 =	simm.s32 $0x0;
	s22 =	rddreg [dreg:$0xd];
	[tilespmem:s21+$0x1870] =	vst v2  }
0x348: {  	[tilespmem:s14], [sflag:$0x1] =	stream.linear.gather [hbm4b:s22+s25], $0xC40, $0x38;
	[tilespmem:$0x1EA70] =	vst v63  }
0x349: {  	_ =	swait.ge [sflag:s28], $0xC30  }
0x34a: {  	[sflag:s28] =	ssyncset.done $0x0  }
0x34b: {  	s21 =	simm.s32 $0x0;
	[sflag:s28] =	ssyncadd.s32 $0xFFFFF3D0  }
0x34c: {  	s22 =	simm.s32 $0x40;
	v2 =	vld [tilespmem:s21+$0x1DDF0]  }
.LBB2_23:
0x34d: {  	p2 =	sne.s32 s22, $0x3080;
	v3 =	vld [tilespmem:s21+$0x24B0];
	_ =	sdelay $0x1  }
.Ltmp14:
0x34e: {  	(pc) =	sbr.rel @p2 .LBB2_23-.Ltmp14, $3  }
0x34f: {  	_ =	sdelay $0x1  }
0x350: {  	s23 =	sshra.s32 s22, $0x2;
	v3 =	vmax.f32 v3, v2  }
0x351: {  	s22 =	sadd.s32 $0x40, s22;
	v2 =	vld [tilespmem:s23+$0x1DDF0];
	[tilespmem:s21+$0x24B0] =	vst v3;
	s21 =	smov.u32 s23  }
0x352: {  	v3 =	vld [tilespmem:s21+$0x24B0];
	_ =	sdelay $0x4  }
0x353: {  	v2 =	vmax.f32 v3, v2  }
0x354: {  	s25 =	simm.s32 $0x0;
	s22 =	rddreg [dreg:$0x11];
	[tilespmem:s21+$0x24B0] =	vst v2  }
0x355: {  	[tilespmem:s29], [sflag:$0x2] =	stream.linear.gather [hbm4b:s22+s25], $0xC30, $0x38;
	[tilespmem:$0x1EA70] =	vst v63  }
0x356: {  	_ =	swait.ge [sflag:s8], $0xC40  }
0x357: {  	[sflag:s8] =	ssyncset.done $0x0  }
0x358: {  	s21 =	simm.s32 $0x0;
	[sflag:s8] =	ssyncadd.s32 $0xFFFFF3C0  }
0x359: {  	s22 =	simm.s32 $0x40;
	v2 =	vld [tilespmem:s21+$0x1D170]  }
.LBB2_25:
0x35a: {  	p2 =	sne.s32 s22, $0x30C0;
	v3 =	vld [tilespmem:s21+$0x1870];
	_ =	sdelay $0x1  }
.Ltmp15:
0x35b: {  	(pc) =	sbr.rel @p2 .LBB2_25-.Ltmp15, $3  }
0x35c: {  	_ =	sdelay $0x1  }
0x35d: {  	s23 =	sshra.s32 s22, $0x2;
	v3 =	vmax.f32 v3, v2  }
0x35e: {  	s22 =	sadd.s32 $0x40, s22;
	v2 =	vld [tilespmem:s23+$0x1D170];
	[tilespmem:s21+$0x1870] =	vst v3;
	s21 =	smov.u32 s23  }
0x35f: {  	v3 =	vld [tilespmem:s21+$0x1870];
	_ =	sdelay $0x4  }
0x360: {  	v2 =	vmax.f32 v3, v2  }
0x361: {  	s25 =	simm.s32 $0x0;
	s22 =	rddreg [dreg:$0x12];
	[tilespmem:s21+$0x1870] =	vst v2  }
0x362: {  	[tilespmem:s14], [sflag:$0x1] =	stream.linear.gather [hbm4b:s22+s25], $0xC40, $0x38;
	[tilespmem:$0x1EA70] =	vst v63  }
0x363: {  	_ =	swait.ge [sflag:s28], $0xC30  }
0x364: {  	[sflag:s28] =	ssyncset.done $0x0  }
0x365: {  	s21 =	simm.s32 $0x0;
	[sflag:s28] =	ssyncadd.s32 $0xFFFFF3D0  }
0x366: {  	s22 =	simm.s32 $0x40;
	v2 =	vld [tilespmem:s21+$0x1DDF0]  }
.LBB2_27:
0x367: {  	p2 =	sne.s32 s22, $0x3080;
	v3 =	vld [tilespmem:s21+$0x24B0];
	_ =	sdelay $0x1  }
.Ltmp16:
0x368: {  	(pc) =	sbr.rel @p2 .LBB2_27-.Ltmp16, $3  }
0x369: {  	_ =	sdelay $0x1  }
0x36a: {  	s23 =	sshra.s32 s22, $0x2;
	v3 =	vmax.f32 v3, v2  }
0x36b: {  	s22 =	sadd.s32 $0x40, s22;
	v2 =	vld [tilespmem:s23+$0x1DDF0];
	[tilespmem:s21+$0x24B0] =	vst v3;
	s21 =	smov.u32 s23  }
0x36c: {  	v3 =	vld [tilespmem:s21+$0x24B0];
	_ =	sdelay $0x4  }
0x36d: {  	v2 =	vmax.f32 v3, v2  }
0x36e: {  	s25 =	simm.s32 $0x0;
	s22 =	rddreg [dreg:$0x13];
	[tilespmem:s21+$0x24B0] =	vst v2  }
0x36f: {  	[tilespmem:s29], [sflag:$0x2] =	stream.linear.gather [hbm4b:s22+s25], $0xC30, $0x38;
	[tilespmem:$0x1EA70] =	vst v63  }
0x370: {  	_ =	swait.ge [sflag:s8], $0xC40  }
0x371: {  	[sflag:s8] =	ssyncset.done $0x0  }
0x372: {  	s21 =	simm.s32 $0x0;
	[sflag:s8] =	ssyncadd.s32 $0xFFFFF3C0  }
0x373: {  	s22 =	simm.s32 $0x40;
	v2 =	vld [tilespmem:s21+$0x1D170]  }
.LBB2_29:
0x374: {  	p2 =	sne.s32 s22, $0x30C0;
	v3 =	vld [tilespmem:s21+$0x1870];
	_ =	sdelay $0x1  }
.Ltmp17:
0x375: {  	(pc) =	sbr.rel @p2 .LBB2_29-.Ltmp17, $3  }
0x376: {  	_ =	sdelay $0x1  }
0x377: {  	s23 =	sshra.s32 s22, $0x2;
	v3 =	vmax.f32 v3, v2  }
0x378: {  	s22 =	sadd.s32 $0x40, s22;
	v2 =	vld [tilespmem:s23+$0x1D170];
	[tilespmem:s21+$0x1870] =	vst v3;
	s21 =	smov.u32 s23  }
0x379: {  	v3 =	vld [tilespmem:s21+$0x1870];
	_ =	sdelay $0x4  }
0x37a: {  	v2 =	vmax.f32 v3, v2  }
0x37b: {  	s25 =	simm.s32 $0x0;
	s22 =	rddreg [dreg:$0x14];
	[tilespmem:s21+$0x1870] =	vst v2  }
0x37c: {  	[tilespmem:s14], [sflag:$0x1] =	stream.linear.gather [hbm4b:s22+s25], $0xC40, $0x38;
	[tilespmem:$0x1EA70] =	vst v63  }
0x37d: {  	_ =	swait.ge [sflag:s28], $0xC30  }
0x37e: {  	[sflag:s28] =	ssyncset.done $0x0  }
0x37f: {  	s21 =	simm.s32 $0x0;
	[sflag:s28] =	ssyncadd.s32 $0xFFFFF3D0  }
0x380: {  	s22 =	simm.s32 $0x40;
	v2 =	vld [tilespmem:s21+$0x1DDF0]  }
.LBB2_31:
0x381: {  	p2 =	sne.s32 s22, $0x3080;
	v3 =	vld [tilespmem:s21+$0x24B0];
	_ =	sdelay $0x1  }
.Ltmp18:
0x382: {  	(pc) =	sbr.rel @p2 .LBB2_31-.Ltmp18, $3  }
0x383: {  	_ =	sdelay $0x1  }
0x384: {  	s23 =	sshra.s32 s22, $0x2;
	v3 =	vmax.f32 v3, v2  }
0x385: {  	s22 =	sadd.s32 $0x40, s22;
	v2 =	vld [tilespmem:s23+$0x1DDF0];
	[tilespmem:s21+$0x24B0] =	vst v3;
	s21 =	smov.u32 s23  }
0x386: {  	v3 =	vld [tilespmem:s21+$0x24B0];
	_ =	sdelay $0x4  }
0x387: {  	v2 =	vmax.f32 v3, v2  }
0x388: {  	s25 =	simm.s32 $0x0;
	s22 =	rddreg [dreg:$0x16];
	[tilespmem:s21+$0x24B0] =	vst v2  }
0x389: {  	[tilespmem:s29], [sflag:$0x2] =	stream.linear.gather [hbm4b:s22+s25], $0xC30, $0x38;
	[tilespmem:$0x1EA70] =	vst v63  }
0x38a: {  	_ =	swait.ge [sflag:s8], $0xC40  }
0x38b: {  	[sflag:s8] =	ssyncset.done $0x0  }
0x38c: {  	s21 =	simm.s32 $0x0;
	[sflag:s8] =	ssyncadd.s32 $0xFFFFF3C0  }
0x38d: {  	s22 =	simm.s32 $0x40;
	v2 =	vld [tilespmem:s21+$0x1D170]  }
.LBB2_33:
0x38e: {  	p2 =	sne.s32 s22, $0x30C0;
	v3 =	vld [tilespmem:s21+$0x1870];
	_ =	sdelay $0x1  }
.Ltmp19:
0x38f: {  	(pc) =	sbr.rel @p2 .LBB2_33-.Ltmp19, $3  }
0x390: {  	_ =	sdelay $0x1  }
0x391: {  	s23 =	sshra.s32 s22, $0x2;
	v3 =	vmax.f32 v3, v2  }
0x392: {  	s22 =	sadd.s32 $0x40, s22;
	v2 =	vld [tilespmem:s23+$0x1D170];
	[tilespmem:s21+$0x1870] =	vst v3;
	s21 =	smov.u32 s23  }
0x393: {  	v3 =	vld [tilespmem:s21+$0x1870];
	_ =	sdelay $0x4  }
0x394: {  	v2 =	vmax.f32 v3, v2  }
0x395: {  	s25 =	simm.s32 $0x0;
	s22 =	rddreg [dreg:$0x17];
	[tilespmem:s21+$0x1870] =	vst v2  }
0x396: {  	[tilespmem:s14], [sflag:$0x1] =	stream.linear.gather [hbm4b:s22+s25], $0xC40, $0x38;
	[tilespmem:$0x1EA70] =	vst v63  }
0x397: {  	_ =	swait.ge [sflag:s28], $0xC30  }
0x398: {  	[sflag:s28] =	ssyncset.done $0x0  }
0x399: {  	s21 =	simm.s32 $0x0;
	[sflag:s28] =	ssyncadd.s32 $0xFFFFF3D0  }
0x39a: {  	s22 =	simm.s32 $0x40;
	v2 =	vld [tilespmem:s21+$0x1DDF0]  }
.LBB2_35:
0x39b: {  	p2 =	sne.s32 s22, $0x3080;
	v3 =	vld [tilespmem:s21+$0x24B0];
	_ =	sdelay $0x1  }
.Ltmp20:
0x39c: {  	(pc) =	sbr.rel @p2 .LBB2_35-.Ltmp20, $3  }
0x39d: {  	_ =	sdelay $0x1  }
0x39e: {  	s23 =	sshra.s32 s22, $0x2;
	v3 =	vmax.f32 v3, v2  }
0x39f: {  	s22 =	sadd.s32 $0x40, s22;
	v2 =	vld [tilespmem:s23+$0x1DDF0];
	[tilespmem:s21+$0x24B0] =	vst v3;
	s21 =	smov.u32 s23  }
0x3a0: {  	v3 =	vld [tilespmem:s21+$0x24B0];
	_ =	sdelay $0x4  }
0x3a1: {  	v2 =	vmax.f32 v3, v2  }
0x3a2: {  	s25 =	simm.s32 $0x0;
	s22 =	rddreg [dreg:$0x18];
	[tilespmem:s21+$0x24B0] =	vst v2  }
0x3a3: {  	[tilespmem:s29], [sflag:$0x2] =	stream.linear.gather [hbm4b:s22+s25], $0xC30, $0x38;
	[tilespmem:$0x1EA70] =	vst v63  }
0x3a4: {  	_ =	swait.ge [sflag:s8], $0xC40  }
0x3a5: {  	[sflag:s8] =	ssyncset.done $0x0  }
0x3a6: {  	s21 =	simm.s32 $0x0;
	[sflag:s8] =	ssyncadd.s32 $0xFFFFF3C0  }
0x3a7: {  	s22 =	simm.s32 $0x40;
	v2 =	vld [tilespmem:s21+$0x1D170]  }
.LBB2_37:
0x3a8: {  	p2 =	sne.s32 s22, $0x30C0;
	v3 =	vld [tilespmem:s21+$0x1870];
	_ =	sdelay $0x1  }
.Ltmp21:
0x3a9: {  	(pc) =	sbr.rel @p2 .LBB2_37-.Ltmp21, $3  }
0x3aa: {  	_ =	sdelay $0x1  }
0x3ab: {  	s23 =	sshra.s32 s22, $0x2;
	v3 =	vmax.f32 v3, v2  }
0x3ac: {  	s22 =	sadd.s32 $0x40, s22;
	v2 =	vld [tilespmem:s23+$0x1D170];
	[tilespmem:s21+$0x1870] =	vst v3;
	s21 =	smov.u32 s23  }
0x3ad: {  	v3 =	vld [tilespmem:s21+$0x1870];
	_ =	sdelay $0x4  }
0x3ae: {  	v2 =	vmax.f32 v3, v2  }
0x3af: {  	s25 =	simm.s32 $0x0;
	s22 =	rddreg [dreg:$0x19];
	[tilespmem:s21+$0x1870] =	vst v2  }
0x3b0: {  	[tilespmem:s14], [sflag:$0x1] =	stream.linear.gather [hbm4b:s22+s25], $0xC40, $0x38;
	[tilespmem:$0x1EA70] =	vst v63  }
0x3b1: {  	_ =	swait.ge [sflag:s28], $0xC30  }
0x3b2: {  	[sflag:s28] =	ssyncset.done $0x0  }
0x3b3: {  	s21 =	simm.s32 $0x0;
	[sflag:s28] =	ssyncadd.s32 $0xFFFFF3D0  }
0x3b4: {  	s22 =	simm.s32 $0x40;
	v2 =	vld [tilespmem:s21+$0x1DDF0]  }
.LBB2_39:
0x3b5: {  	p2 =	sne.s32 s22, $0x3080;
	v3 =	vld [tilespmem:s21+$0x24B0];
	_ =	sdelay $0x1  }
.Ltmp22:
0x3b6: {  	(pc) =	sbr.rel @p2 .LBB2_39-.Ltmp22, $3  }
0x3b7: {  	_ =	sdelay $0x1  }
0x3b8: {  	s23 =	sshra.s32 s22, $0x2;
	v3 =	vmax.f32 v3, v2  }
0x3b9: {  	s22 =	sadd.s32 $0x40, s22;
	v2 =	vld [tilespmem:s23+$0x1DDF0];
	[tilespmem:s21+$0x24B0] =	vst v3;
	s21 =	smov.u32 s23  }
0x3ba: {  	v3 =	vld [tilespmem:s21+$0x24B0];
	_ =	sdelay $0x4  }
0x3bb: {  	v2 =	vmax.f32 v3, v2  }
0x3bc: {  	s25 =	simm.s32 $0x0;
	s22 =	rddreg [dreg:$0x1a];
	[tilespmem:s21+$0x24B0] =	vst v2  }
0x3bd: {  	[tilespmem:s29], [sflag:$0x2] =	stream.linear.gather [hbm4b:s22+s25], $0xC30, $0x38;
	[tilespmem:$0x1EA70] =	vst v63  }
0x3be: {  	_ =	swait.ge [sflag:s8], $0xC40  }
0x3bf: {  	[sflag:s8] =	ssyncset.done $0x0  }
0x3c0: {  	s21 =	simm.s32 $0x0;
	[sflag:s8] =	ssyncadd.s32 $0xFFFFF3C0  }
0x3c1: {  	s22 =	simm.s32 $0x40;
	v2 =	vld [tilespmem:s21+$0x1D170]  }
.LBB2_41:
0x3c2: {  	p2 =	sne.s32 s22, $0x30C0;
	v3 =	vld [tilespmem:s21+$0x1870];
	_ =	sdelay $0x1  }
.Ltmp23:
0x3c3: {  	(pc) =	sbr.rel @p2 .LBB2_41-.Ltmp23, $3  }
0x3c4: {  	_ =	sdelay $0x1  }
0x3c5: {  	s23 =	sshra.s32 s22, $0x2;
	v3 =	vmax.f32 v3, v2  }
0x3c6: {  	s22 =	sadd.s32 $0x40, s22;
	v2 =	vld [tilespmem:s23+$0x1D170];
	[tilespmem:s21+$0x1870] =	vst v3;
	s21 =	smov.u32 s23  }
0x3c7: {  	v3 =	vld [tilespmem:s21+$0x1870];
	_ =	sdelay $0x4  }
0x3c8: {  	v2 =	vmax.f32 v3, v2  }
0x3c9: {  	s25 =	simm.s32 $0x0;
	s22 =	rddreg [dreg:$0x1b];
	[tilespmem:s21+$0x1870] =	vst v2  }
0x3ca: {  	[tilespmem:s14], [sflag:$0x1] =	stream.linear.gather [hbm4b:s22+s25], $0xC40, $0x38;
	[tilespmem:$0x1EA70] =	vst v63  }
0x3cb: {  	_ =	swait.ge [sflag:s28], $0xC30  }
0x3cc: {  	[sflag:s28] =	ssyncset.done $0x0  }
0x3cd: {  	s21 =	simm.s32 $0x0;
	[sflag:s28] =	ssyncadd.s32 $0xFFFFF3D0  }
0x3ce: {  	s22 =	simm.s32 $0x40;
	v2 =	vld [tilespmem:s21+$0x1DDF0]  }
.LBB2_43:
0x3cf: {  	p2 =	sne.s32 s22, $0x3080;
	v3 =	vld [tilespmem:s21+$0x24B0];
	_ =	sdelay $0x1  }
.Ltmp24:
0x3d0: {  	(pc) =	sbr.rel @p2 .LBB2_43-.Ltmp24, $3  }
0x3d1: {  	_ =	sdelay $0x1  }
0x3d2: {  	s23 =	sshra.s32 s22, $0x2;
	v3 =	vmax.f32 v3, v2  }
0x3d3: {  	s22 =	sadd.s32 $0x40, s22;
	v2 =	vld [tilespmem:s23+$0x1DDF0];
	[tilespmem:s21+$0x24B0] =	vst v3;
	s21 =	smov.u32 s23  }
0x3d4: {  	v3 =	vld [tilespmem:s21+$0x24B0];
	_ =	sdelay $0x4  }
0x3d5: {  	v2 =	vmax.f32 v3, v2  }
0x3d6: {  	s25 =	simm.s32 $0x0;
	s22 =	rddreg [dreg:$0x1c];
	[tilespmem:s21+$0x24B0] =	vst v2  }
0x3d7: {  	[tilespmem:s29], [sflag:$0x2] =	stream.linear.gather [hbm4b:s22+s25], $0xC30, $0x38;
	[tilespmem:$0x1EA70] =	vst v63  }
0x3d8: {  	_ =	swait.ge [sflag:s8], $0xC40  }
0x3d9: {  	[sflag:s8] =	ssyncset.done $0x0  }
0x3da: {  	s21 =	simm.s32 $0x0;
	[sflag:s8] =	ssyncadd.s32 $0xFFFFF3C0  }
0x3db: {  	s22 =	simm.s32 $0x40;
	v2 =	vld [tilespmem:s21+$0x1D170]  }
.LBB2_45:
0x3dc: {  	p2 =	sne.s32 s22, $0x30C0;
	v3 =	vld [tilespmem:s21+$0x1870];
	_ =	sdelay $0x1  }
.Ltmp25:
0x3dd: {  	(pc) =	sbr.rel @p2 .LBB2_45-.Ltmp25, $3  }
0x3de: {  	_ =	sdelay $0x1  }
0x3df: {  	s23 =	sshra.s32 s22, $0x2;
	v3 =	vmax.f32 v3, v2  }
0x3e0: {  	s22 =	sadd.s32 $0x40, s22;
	v2 =	vld [tilespmem:s23+$0x1D170];
	[tilespmem:s21+$0x1870] =	vst v3;
	s21 =	smov.u32 s23  }
0x3e1: {  	v3 =	vld [tilespmem:s21+$0x1870];
	_ =	sdelay $0x4  }
0x3e2: {  	v2 =	vmax.f32 v3, v2  }
0x3e3: {  	s25 =	simm.s32 $0x0;
	s22 =	rddreg [dreg:$0x1d];
	[tilespmem:s21+$0x1870] =	vst v2  }
0x3e4: {  	[tilespmem:s14], [sflag:$0x1] =	stream.linear.gather [hbm4b:s22+s25], $0xC40, $0x38;
	[tilespmem:$0x1EA70] =	vst v63  }
0x3e5: {  	_ =	swait.ge [sflag:s28], $0xC30  }
0x3e6: {  	[sflag:s28] =	ssyncset.done $0x0  }
0x3e7: {  	s21 =	simm.s32 $0x0;
	[sflag:s28] =	ssyncadd.s32 $0xFFFFF3D0  }
0x3e8: {  	s22 =	simm.s32 $0x40;
	v2 =	vld [tilespmem:s21+$0x1DDF0]  }
.LBB2_47:
0x3e9: {  	p2 =	sne.s32 s22, $0x3080;
	v3 =	vld [tilespmem:s21+$0x24B0];
	_ =	sdelay $0x1  }
.Ltmp26:
0x3ea: {  	(pc) =	sbr.rel @p2 .LBB2_47-.Ltmp26, $3  }
0x3eb: {  	_ =	sdelay $0x1  }
0x3ec: {  	s23 =	sshra.s32 s22, $0x2;
	v3 =	vmax.f32 v3, v2  }
0x3ed: {  	s22 =	sadd.s32 $0x40, s22;
	v2 =	vld [tilespmem:s23+$0x1DDF0];
	[tilespmem:s21+$0x24B0] =	vst v3;
	s21 =	smov.u32 s23  }
0x3ee: {  	v3 =	vld [tilespmem:s21+$0x24B0];
	_ =	sdelay $0x4  }
0x3ef: {  	v2 =	vmax.f32 v3, v2  }
0x3f0: {  	s25 =	simm.s32 $0x0;
	s22 =	rddreg [dreg:$0x1e];
	[tilespmem:s21+$0x24B0] =	vst v2  }
0x3f1: {  	[tilespmem:s29], [sflag:$0x2] =	stream.linear.gather [hbm4b:s22+s25], $0xC30, $0x38;
	[tilespmem:$0x1EA70] =	vst v63  }
0x3f2: {  	_ =	swait.ge [sflag:s8], $0xC40  }
0x3f3: {  	[sflag:s8] =	ssyncset.done $0x0  }
0x3f4: {  	s21 =	simm.s32 $0x0;
	[sflag:s8] =	ssyncadd.s32 $0xFFFFF3C0  }
0x3f5: {  	s22 =	simm.s32 $0x40;
	v2 =	vld [tilespmem:s21+$0x1D170]  }
.LBB2_49:
0x3f6: {  	p2 =	sne.s32 s22, $0x30C0;
	v3 =	vld [tilespmem:s21+$0x1870];
	_ =	sdelay $0x1  }
.Ltmp27:
0x3f7: {  	(pc) =	sbr.rel @p2 .LBB2_49-.Ltmp27, $3  }
0x3f8: {  	_ =	sdelay $0x1  }
0x3f9: {  	s23 =	sshra.s32 s22, $0x2;
	v3 =	vmax.f32 v3, v2  }
0x3fa: {  	s22 =	sadd.s32 $0x40, s22;
	v2 =	vld [tilespmem:s23+$0x1D170];
	[tilespmem:s21+$0x1870] =	vst v3;
	s21 =	smov.u32 s23  }
0x3fb: {  	v3 =	vld [tilespmem:s21+$0x1870];
	_ =	sdelay $0x4  }
0x3fc: {  	v2 =	vmax.f32 v3, v2  }
0x3fd: {  	s25 =	simm.s32 $0x0;
	s22 =	rddreg [dreg:$0x1f];
	[tilespmem:s21+$0x1870] =	vst v2  }
0x3fe: {  	[tilespmem:s14], [sflag:$0x1] =	stream.linear.gather [hbm4b:s22+s25], $0xC40, $0x38;
	[tilespmem:$0x1EA70] =	vst v63  }
0x3ff: {  	_ =	swait.ge [sflag:s28], $0xC30  }
0x400: {  	[sflag:s28] =	ssyncset.done $0x0  }
0x401: {  	s21 =	simm.s32 $0x0;
	[sflag:s28] =	ssyncadd.s32 $0xFFFFF3D0  }
0x402: {  	s22 =	simm.s32 $0x40;
	v2 =	vld [tilespmem:s21+$0x1DDF0]  }
.LBB2_51:
0x403: {  	p2 =	sne.s32 s22, $0x3080;
	v3 =	vld [tilespmem:s21+$0x24B0];
	_ =	sdelay $0x1  }
.Ltmp28:
0x404: {  	(pc) =	sbr.rel @p2 .LBB2_51-.Ltmp28, $3  }
0x405: {  	_ =	sdelay $0x1  }
0x406: {  	s23 =	sshra.s32 s22, $0x2;
	v3 =	vmax.f32 v3, v2  }
0x407: {  	s22 =	sadd.s32 $0x40, s22;
	v2 =	vld [tilespmem:s23+$0x1DDF0];
	[tilespmem:s21+$0x24B0] =	vst v3;
	s21 =	smov.u32 s23  }
0x408: {  	v3 =	vld [tilespmem:s21+$0x24B0];
	_ =	sdelay $0x3  }
0x409: {  	s22 =	sld [smem:$0x7F1]  }
0x40a: {  	v2 =	vmax.f32 v3, v2  }
0x40b: {  	s25 =	simm.s32 $0x0;
	[tilespmem:s21+$0x24B0] =	vst v2  }
0x40c: {  	[tilespmem:s29], [sflag:$0x2] =	stream.linear.gather [hbm4b:s22+s25], $0xC30, $0x38;
	[tilespmem:$0x1EA70] =	vst v63  }
0x40d: {  	_ =	swait.ge [sflag:s8], $0xC40  }
0x40e: {  	[sflag:s8] =	ssyncset.done $0x0  }
0x40f: {  	s21 =	simm.s32 $0x0;
	[sflag:s8] =	ssyncadd.s32 $0xFFFFF3C0  }
0x410: {  	s22 =	simm.s32 $0x40;
	v2 =	vld [tilespmem:s21+$0x1D170]  }
.LBB2_53:
0x411: {  	p2 =	sne.s32 s22, $0x30C0;
	v3 =	vld [tilespmem:s21+$0x1870];
	_ =	sdelay $0x1  }
.Ltmp29:
0x412: {  	(pc) =	sbr.rel @p2 .LBB2_53-.Ltmp29, $3  }
0x413: {  	_ =	sdelay $0x1  }
0x414: {  	s23 =	sshra.s32 s22, $0x2;
	v3 =	vmax.f32 v3, v2  }
0x415: {  	s22 =	sadd.s32 $0x40, s22;
	v2 =	vld [tilespmem:s23+$0x1D170];
	[tilespmem:s21+$0x1870] =	vst v3;
	s21 =	smov.u32 s23  }
0x416: {  	v3 =	vld [tilespmem:s21+$0x1870];
	_ =	sdelay $0x3  }
0x417: {  	s22 =	sld [smem:$0x7F2]  }
0x418: {  	v2 =	vmax.f32 v3, v2  }
0x419: {  	s25 =	simm.s32 $0x0;
	[tilespmem:s21+$0x1870] =	vst v2  }
0x41a: {  	[tilespmem:s14], [sflag:$0x1] =	stream.linear.gather [hbm4b:s22+s25], $0xC40, $0x38;
	[tilespmem:$0x1EA70] =	vst v63  }
0x41b: {  	_ =	swait.ge [sflag:s28], $0xC30  }
0x41c: {  	[sflag:s28] =	ssyncset.done $0x0  }
0x41d: {  	s21 =	simm.s32 $0x0;
	[sflag:s28] =	ssyncadd.s32 $0xFFFFF3D0  }
0x41e: {  	s22 =	simm.s32 $0x40;
	v2 =	vld [tilespmem:s21+$0x1DDF0]  }
.LBB2_55:
0x41f: {  	p2 =	sne.s32 s22, $0x3080;
	v3 =	vld [tilespmem:s21+$0x24B0];
	_ =	sdelay $0x1  }
.Ltmp30:
0x420: {  	(pc) =	sbr.rel @p2 .LBB2_55-.Ltmp30, $3  }
0x421: {  	_ =	sdelay $0x1  }
0x422: {  	s23 =	sshra.s32 s22, $0x2;
	v3 =	vmax.f32 v3, v2  }
0x423: {  	s22 =	sadd.s32 $0x40, s22;
	v2 =	vld [tilespmem:s23+$0x1DDF0];
	[tilespmem:s21+$0x24B0] =	vst v3;
	s21 =	smov.u32 s23  }
0x424: {  	v3 =	vld [tilespmem:s21+$0x24B0];
	_ =	sdelay $0x3  }
0x425: {  	s22 =	sld [smem:$0x7F3]  }
0x426: {  	v2 =	vmax.f32 v3, v2  }
0x427: {  	s25 =	simm.s32 $0x0;
	[tilespmem:s21+$0x24B0] =	vst v2  }
0x428: {  	[tilespmem:s29], [sflag:$0x2] =	stream.linear.gather [hbm4b:s22+s25], $0xC30, $0x38;
	[tilespmem:$0x1EA70] =	vst v63  }
0x429: {  	_ =	swait.ge [sflag:s8], $0xC40  }
0x42a: {  	[sflag:s8] =	ssyncset.done $0x0  }
0x42b: {  	s21 =	simm.s32 $0x0;
	[sflag:s8] =	ssyncadd.s32 $0xFFFFF3C0  }
0x42c: {  	s22 =	simm.s32 $0x40;
	v2 =	vld [tilespmem:s21+$0x1D170]  }
.LBB2_57:
0x42d: {  	p2 =	sne.s32 s22, $0x30C0;
	v3 =	vld [tilespmem:s21+$0x1870];
	_ =	sdelay $0x1  }
.Ltmp31:
0x42e: {  	(pc) =	sbr.rel @p2 .LBB2_57-.Ltmp31, $3  }
0x42f: {  	_ =	sdelay $0x1  }
0x430: {  	s23 =	sshra.s32 s22, $0x2;
	v3 =	vmax.f32 v3, v2  }
0x431: {  	s22 =	sadd.s32 $0x40, s22;
	v2 =	vld [tilespmem:s23+$0x1D170];
	[tilespmem:s21+$0x1870] =	vst v3;
	s21 =	smov.u32 s23  }
0x432: {  	v3 =	vld [tilespmem:s21+$0x1870];
	_ =	sdelay $0x3  }
0x433: {  	s22 =	sld [smem:$0x7F4]  }
0x434: {  	v2 =	vmax.f32 v3, v2  }
0x435: {  	s25 =	simm.s32 $0x0;
	[tilespmem:s21+$0x1870] =	vst v2  }
0x436: {  	[tilespmem:s14], [sflag:$0x1] =	stream.linear.gather [hbm4b:s22+s25], $0xC40, $0x38;
	[tilespmem:$0x1EA70] =	vst v63  }
0x437: {  	_ =	swait.ge [sflag:s28], $0xC30  }
0x438: {  	[sflag:s28] =	ssyncset.done $0x0  }
0x439: {  	s21 =	simm.s32 $0x0;
	[sflag:s28] =	ssyncadd.s32 $0xFFFFF3D0  }
0x43a: {  	s22 =	simm.s32 $0x40;
	v2 =	vld [tilespmem:s21+$0x1DDF0]  }
.LBB2_59:
0x43b: {  	p2 =	sne.s32 s22, $0x3080;
	v3 =	vld [tilespmem:s21+$0x24B0];
	_ =	sdelay $0x1  }
.Ltmp32:
0x43c: {  	(pc) =	sbr.rel @p2 .LBB2_59-.Ltmp32, $3  }
0x43d: {  	_ =	sdelay $0x1  }
0x43e: {  	s23 =	sshra.s32 s22, $0x2;
	v3 =	vmax.f32 v3, v2  }
0x43f: {  	s22 =	sadd.s32 $0x40, s22;
	v2 =	vld [tilespmem:s23+$0x1DDF0];
	[tilespmem:s21+$0x24B0] =	vst v3;
	s21 =	smov.u32 s23  }
0x440: {  	v3 =	vld [tilespmem:s21+$0x24B0];
	_ =	sdelay $0x3  }
0x441: {  	s22 =	sld [smem:$0x7F5]  }
0x442: {  	v2 =	vmax.f32 v3, v2  }
0x443: {  	s25 =	simm.s32 $0x0;
	[tilespmem:s21+$0x24B0] =	vst v2  }
0x444: {  	[tilespmem:s29], [sflag:$0x2] =	stream.linear.gather [hbm4b:s22+s25], $0xC30, $0x38;
	[tilespmem:$0x1EA70] =	vst v63  }
0x445: {  	_ =	swait.ge [sflag:s8], $0xC40  }
0x446: {  	[sflag:s8] =	ssyncset.done $0x0  }
0x447: {  	s21 =	simm.s32 $0x0;
	[sflag:s8] =	ssyncadd.s32 $0xFFFFF3C0  }
0x448: {  	s22 =	simm.s32 $0x40;
	v2 =	vld [tilespmem:s21+$0x1D170]  }
.LBB2_61:
0x449: {  	p2 =	sne.s32 s22, $0x30C0;
	v3 =	vld [tilespmem:s21+$0x1870];
	_ =	sdelay $0x1  }
.Ltmp33:
0x44a: {  	(pc) =	sbr.rel @p2 .LBB2_61-.Ltmp33, $3  }
0x44b: {  	_ =	sdelay $0x1  }
0x44c: {  	s23 =	sshra.s32 s22, $0x2;
	v3 =	vmax.f32 v3, v2  }
0x44d: {  	s22 =	sadd.s32 $0x40, s22;
	v2 =	vld [tilespmem:s23+$0x1D170];
	[tilespmem:s21+$0x1870] =	vst v3;
	s21 =	smov.u32 s23  }
0x44e: {  	v3 =	vld [tilespmem:s21+$0x1870];
	_ =	sdelay $0x3  }
0x44f: {  	s22 =	sld [smem:$0x7F6]  }
0x450: {  	v2 =	vmax.f32 v3, v2  }
0x451: {  	s25 =	simm.s32 $0x0;
	[tilespmem:s21+$0x1870] =	vst v2  }
0x452: {  	[tilespmem:s14], [sflag:$0x1] =	stream.linear.gather [hbm4b:s22+s25], $0xC40, $0x38;
	[tilespmem:$0x1EA70] =	vst v63  }
0x453: {  	_ =	swait.ge [sflag:s28], $0xC30  }
0x454: {  	[sflag:s28] =	ssyncset.done $0x0  }
0x455: {  	s21 =	simm.s32 $0x0;
	[sflag:s28] =	ssyncadd.s32 $0xFFFFF3D0  }
0x456: {  	s22 =	simm.s32 $0x40;
	v2 =	vld [tilespmem:s21+$0x1DDF0]  }
.LBB2_63:
0x457: {  	p2 =	sne.s32 s22, $0x3080;
	v3 =	vld [tilespmem:s21+$0x24B0];
	_ =	sdelay $0x1  }
.Ltmp34:
0x458: {  	(pc) =	sbr.rel @p2 .LBB2_63-.Ltmp34, $3  }
0x459: {  	_ =	sdelay $0x1  }
0x45a: {  	s23 =	sshra.s32 s22, $0x2;
	v3 =	vmax.f32 v3, v2  }
0x45b: {  	s22 =	sadd.s32 $0x40, s22;
	v2 =	vld [tilespmem:s23+$0x1DDF0];
	[tilespmem:s21+$0x24B0] =	vst v3;
	s21 =	smov.u32 s23  }
0x45c: {  	v3 =	vld [tilespmem:s21+$0x24B0];
	_ =	sdelay $0x3  }
0x45d: {  	s22 =	sld [smem:$0x7F7]  }
0x45e: {  	v2 =	vmax.f32 v3, v2  }
0x45f: {  	s25 =	simm.s32 $0x0;
	[tilespmem:s21+$0x24B0] =	vst v2  }
0x460: {  	[tilespmem:s29], [sflag:$0x2] =	stream.linear.gather [hbm4b:s22+s25], $0xC30, $0x38;
	[tilespmem:$0x1EA70] =	vst v63  }
0x461: {  	_ =	swait.ge [sflag:s8], $0xC40  }
0x462: {  	[sflag:s8] =	ssyncset.done $0x0  }
0x463: {  	s21 =	simm.s32 $0x0;
	[sflag:s8] =	ssyncadd.s32 $0xFFFFF3C0  }
0x464: {  	s22 =	simm.s32 $0x40;
	v2 =	vld [tilespmem:s21+$0x1D170]  }
.LBB2_65:
0x465: {  	p2 =	sne.s32 s22, $0x30C0;
	v3 =	vld [tilespmem:s21+$0x1870];
	_ =	sdelay $0x1  }
.Ltmp35:
0x466: {  	(pc) =	sbr.rel @p2 .LBB2_65-.Ltmp35, $3  }
0x467: {  	_ =	sdelay $0x1  }
0x468: {  	s23 =	sshra.s32 s22, $0x2;
	v3 =	vmax.f32 v3, v2  }
0x469: {  	s22 =	sadd.s32 $0x40, s22;
	v2 =	vld [tilespmem:s23+$0x1D170];
	[tilespmem:s21+$0x1870] =	vst v3;
	s21 =	smov.u32 s23  }
0x46a: {  	v3 =	vld [tilespmem:s21+$0x1870];
	_ =	sdelay $0x3  }
0x46b: {  	s22 =	sld [smem:$0x7F8]  }
0x46c: {  	v2 =	vmax.f32 v3, v2  }
0x46d: {  	s25 =	simm.s32 $0x0;
	[tilespmem:s21+$0x1870] =	vst v2  }
0x46e: {  	[tilespmem:s14], [sflag:$0x1] =	stream.linear.gather [hbm4b:s22+s25], $0xC40, $0x38;
	[tilespmem:$0x1EA70] =	vst v63  }
0x46f: {  	_ =	swait.ge [sflag:s28], $0xC30  }
0x470: {  	[sflag:s28] =	ssyncset.done $0x0  }
0x471: {  	s21 =	simm.s32 $0x0;
	[sflag:s28] =	ssyncadd.s32 $0xFFFFF3D0  }
0x472: {  	s22 =	simm.s32 $0x40;
	v2 =	vld [tilespmem:s21+$0x1DDF0]  }
.LBB2_67:
0x473: {  	p2 =	sne.s32 s22, $0x3080;
	v3 =	vld [tilespmem:s21+$0x24B0];
	_ =	sdelay $0x1  }
.Ltmp36:
0x474: {  	(pc) =	sbr.rel @p2 .LBB2_67-.Ltmp36, $3  }
0x475: {  	_ =	sdelay $0x1  }
0x476: {  	s23 =	sshra.s32 s22, $0x2;
	v3 =	vmax.f32 v3, v2  }
0x477: {  	s22 =	sadd.s32 $0x40, s22;
	v2 =	vld [tilespmem:s23+$0x1DDF0];
	[tilespmem:s21+$0x24B0] =	vst v3;
	s21 =	smov.u32 s23  }
0x478: {  	v3 =	vld [tilespmem:s21+$0x24B0];
	_ =	sdelay $0x3  }
0x479: {  	s22 =	sld [smem:$0x7F9]  }
0x47a: {  	v2 =	vmax.f32 v3, v2  }
0x47b: {  	s25 =	simm.s32 $0x0;
	[tilespmem:s21+$0x24B0] =	vst v2  }
0x47c: {  	[tilespmem:s29], [sflag:$0x2] =	stream.linear.gather [hbm4b:s22+s25], $0xC30, $0x38;
	[tilespmem:$0x1EA70] =	vst v63  }
0x47d: {  	_ =	swait.ge [sflag:s8], $0xC40  }
0x47e: {  	[sflag:s8] =	ssyncset.done $0x0  }
0x47f: {  	s21 =	simm.s32 $0x0;
	[sflag:s8] =	ssyncadd.s32 $0xFFFFF3C0  }
0x480: {  	s22 =	simm.s32 $0x40;
	v2 =	vld [tilespmem:s21+$0x1D170]  }
.LBB2_69:
0x481: {  	p2 =	sne.s32 s22, $0x30C0;
	v3 =	vld [tilespmem:s21+$0x1870];
	_ =	sdelay $0x1  }
.Ltmp37:
0x482: {  	(pc) =	sbr.rel @p2 .LBB2_69-.Ltmp37, $3  }
0x483: {  	_ =	sdelay $0x1  }
0x484: {  	s23 =	sshra.s32 s22, $0x2;
	v3 =	vmax.f32 v3, v2  }
0x485: {  	s22 =	sadd.s32 $0x40, s22;
	v2 =	vld [tilespmem:s23+$0x1D170];
	[tilespmem:s21+$0x1870] =	vst v3;
	s21 =	smov.u32 s23  }
0x486: {  	v3 =	vld [tilespmem:s21+$0x1870];
	_ =	sdelay $0x3  }
0x487: {  	s22 =	sld [smem:$0x7FA]  }
0x488: {  	v2 =	vmax.f32 v3, v2  }
0x489: {  	s25 =	simm.s32 $0x0;
	[tilespmem:s21+$0x1870] =	vst v2  }
0x48a: {  	[tilespmem:s14], [sflag:$0x1] =	stream.linear.gather [hbm4b:s22+s25], $0xC40, $0x38;
	[tilespmem:$0x1EA70] =	vst v63  }
0x48b: {  	_ =	swait.ge [sflag:s28], $0xC30  }
0x48c: {  	[sflag:s28] =	ssyncset.done $0x0  }
0x48d: {  	s21 =	simm.s32 $0x0;
	[sflag:s28] =	ssyncadd.s32 $0xFFFFF3D0  }
0x48e: {  	s22 =	simm.s32 $0x40;
	v2 =	vld [tilespmem:s21+$0x1DDF0]  }
.LBB2_71:
0x48f: {  	p2 =	sne.s32 s22, $0x3080;
	v3 =	vld [tilespmem:s21+$0x24B0];
	_ =	sdelay $0x1  }
.Ltmp38:
0x490: {  	(pc) =	sbr.rel @p2 .LBB2_71-.Ltmp38, $3  }
0x491: {  	_ =	sdelay $0x1  }
0x492: {  	s23 =	sshra.s32 s22, $0x2;
	v3 =	vmax.f32 v3, v2  }
0x493: {  	s22 =	sadd.s32 $0x40, s22;
	v2 =	vld [tilespmem:s23+$0x1DDF0];
	[tilespmem:s21+$0x24B0] =	vst v3;
	s21 =	smov.u32 s23  }
0x494: {  	v3 =	vld [tilespmem:s21+$0x24B0];
	_ =	sdelay $0x3  }
0x495: {  	s22 =	sld [smem:$0x7FB]  }
0x496: {  	v2 =	vmax.f32 v3, v2  }
0x497: {  	s25 =	simm.s32 $0x0;
	[tilespmem:s21+$0x24B0] =	vst v2  }
0x498: {  	[tilespmem:s29], [sflag:$0x2] =	stream.linear.gather [hbm4b:s22+s25], $0xC30, $0x38;
	[tilespmem:$0x1EA70] =	vst v63  }
0x499: {  	_ =	swait.ge [sflag:s8], $0xC40  }
0x49a: {  	[sflag:s8] =	ssyncset.done $0x0  }
0x49b: {  	s21 =	simm.s32 $0x0;
	[sflag:s8] =	ssyncadd.s32 $0xFFFFF3C0  }
0x49c: {  	s22 =	simm.s32 $0x40;
	v2 =	vld [tilespmem:s21+$0x1D170]  }
.LBB2_73:
0x49d: {  	p2 =	sne.s32 s22, $0x30C0;
	v3 =	vld [tilespmem:s21+$0x1870];
	_ =	sdelay $0x1  }
.Ltmp39:
0x49e: {  	(pc) =	sbr.rel @p2 .LBB2_73-.Ltmp39, $3  }
0x49f: {  	_ =	sdelay $0x1  }
0x4a0: {  	s23 =	sshra.s32 s22, $0x2;
	v3 =	vmax.f32 v3, v2  }
0x4a1: {  	s22 =	sadd.s32 $0x40, s22;
	v2 =	vld [tilespmem:s23+$0x1D170];
	[tilespmem:s21+$0x1870] =	vst v3;
	s21 =	smov.u32 s23  }
0x4a2: {  	v3 =	vld [tilespmem:s21+$0x1870];
	_ =	sdelay $0x3  }
0x4a3: {  	s22 =	sld [smem:$0x7FC]  }
0x4a4: {  	v2 =	vmax.f32 v3, v2  }
0x4a5: {  	s25 =	simm.s32 $0x0;
	[tilespmem:s21+$0x1870] =	vst v2  }
0x4a6: {  	[tilespmem:s14], [sflag:$0x1] =	stream.linear.gather [hbm4b:s22+s25], $0xC40, $0x38;
	[tilespmem:$0x1EA70] =	vst v63  }
0x4a7: {  	_ =	swait.ge [sflag:s28], $0xC30  }
0x4a8: {  	[sflag:s28] =	ssyncset.done $0x0  }
0x4a9: {  	s21 =	simm.s32 $0x0;
	[sflag:s28] =	ssyncadd.s32 $0xFFFFF3D0  }
0x4aa: {  	s22 =	simm.s32 $0x40;
	v2 =	vld [tilespmem:s21+$0x1DDF0]  }
.LBB2_75:
0x4ab: {  	p2 =	sne.s32 s22, $0x3080;
	v3 =	vld [tilespmem:s21+$0x24B0];
	_ =	sdelay $0x1  }
.Ltmp40:
0x4ac: {  	(pc) =	sbr.rel @p2 .LBB2_75-.Ltmp40, $3  }
0x4ad: {  	_ =	sdelay $0x1  }
0x4ae: {  	s23 =	sshra.s32 s22, $0x2;
	v3 =	vmax.f32 v3, v2  }
0x4af: {  	s22 =	sadd.s32 $0x40, s22;
	v2 =	vld [tilespmem:s23+$0x1DDF0];
	[tilespmem:s21+$0x24B0] =	vst v3;
	s21 =	smov.u32 s23  }
0x4b0: {  	v3 =	vld [tilespmem:s21+$0x24B0];
	_ =	sdelay $0x3  }
0x4b1: {  	s22 =	sld [smem:$0x7FD]  }
0x4b2: {  	v2 =	vmax.f32 v3, v2  }
0x4b3: {  	s25 =	simm.s32 $0x0;
	[tilespmem:s21+$0x24B0] =	vst v2  }
0x4b4: {  	[tilespmem:s29], [sflag:$0x2] =	stream.linear.gather [hbm4b:s22+s25], $0xC30, $0x38;
	[tilespmem:$0x1EA70] =	vst v63  }
0x4b5: {  	_ =	swait.ge [sflag:s8], $0xC40  }
0x4b6: {  	[sflag:s8] =	ssyncset.done $0x0  }
0x4b7: {  	s21 =	simm.s32 $0x0;
	[sflag:s8] =	ssyncadd.s32 $0xFFFFF3C0  }
0x4b8: {  	s22 =	simm.s32 $0x40;
	v2 =	vld [tilespmem:s21+$0x1D170]  }
.LBB2_77:
0x4b9: {  	p2 =	sne.s32 s22, $0x30C0;
	v3 =	vld [tilespmem:s21+$0x1870];
	_ =	sdelay $0x1  }
.Ltmp41:
0x4ba: {  	(pc) =	sbr.rel @p2 .LBB2_77-.Ltmp41, $3  }
0x4bb: {  	_ =	sdelay $0x1  }
0x4bc: {  	s23 =	sshra.s32 s22, $0x2;
	v3 =	vmax.f32 v3, v2  }
0x4bd: {  	s22 =	sadd.s32 $0x40, s22;
	v2 =	vld [tilespmem:s23+$0x1D170];
	[tilespmem:s21+$0x1870] =	vst v3;
	s21 =	smov.u32 s23  }
0x4be: {  	v3 =	vld [tilespmem:s21+$0x1870];
	_ =	sdelay $0x4  }
0x4bf: {  	v2 =	vmax.f32 v3, v2  }
0x4c0: {  	[tilespmem:s21+$0x1870] =	vst v2  }
0x4c1: {  	_ =	swait.ge [sflag:s28], $0xC30  }
0x4c2: {  	[sflag:s28] =	ssyncset.done $0x0  }
0x4c3: {  	s21 =	simm.s32 $0x0;
	[sflag:s28] =	ssyncadd.s32 $0xFFFFF3D0  }
0x4c4: {  	s22 =	simm.s32 $0x40;
	v2 =	vld [tilespmem:s21+$0x1DDF0]  }
.LBB2_79:
0x4c5: {  	p2 =	sne.s32 s22, $0x3080;
	v3 =	vld [tilespmem:s21+$0x24B0];
	_ =	sdelay $0x1  }
.Ltmp42:
0x4c6: {  	(pc) =	sbr.rel @p2 .LBB2_79-.Ltmp42, $3  }
0x4c7: {  	_ =	sdelay $0x1  }
0x4c8: {  	s23 =	sshra.s32 s22, $0x2;
	v3 =	vmax.f32 v3, v2  }
0x4c9: {  	s22 =	sadd.s32 $0x40, s22;
	v2 =	vld [tilespmem:s23+$0x1DDF0];
	[tilespmem:s21+$0x24B0] =	vst v3;
	s21 =	smov.u32 s23  }
0x4ca: {  	v3 =	vld [tilespmem:s21+$0x24B0];
	_ =	sdelay $0x4  }
0x4cb: {  	v2 =	vmax.f32 v3, v2  }
0x4cc: {  	s24 =	rddreg [dreg:$0xe];
	s22 =	simm.s32 $0x5;
	[tilespmem:s21+$0x24B0] =	vst v2  }
0x4cd: {  	[hbm4b:s24+s3] =	stream.linear.scatter [tilespmem:s17], [sflag:$0x5], $0x1870, $0x38;
	[tilespmem:$0x1EA70] =	vst v63  }
0x4ce: {  	_ =	swait.ge [sflag:s22], $0x1870  }
0x4cf: {  	s23 =	sld [smem:$0x7F0];
	_ =	sdelay $0x2  }
0x4d0: {  	s25 =	rddreg [dreg:$0x15];
	s23 =	sadd.s32 $0x1, s23  }
0x4d1: {  	p2 =	sne.s32 s23, s25  }
.Ltmp43:
0x4d2: {  	_ = 	snop;
	(pc) =	sbr.rel @p2 .LBB2_1-.Ltmp43, $3  }
0x4d3: {  	_ =	sdelay $0x1  }
0x4d4: {  	[sflag:s22] =	ssyncset.done $0x0  }
0x4d5: {  	[sflag:s22] =	ssyncadd.s32 $0xFFFFE790  }
0x4d6: {  	_ =	sfence.sel $0x180000  }
0x4d7: {  	[bflag:$0x0] =	sbarrier.arrive $0xFFFF  }
0x4d8: {  	_ =	strace $0x9000004A  }
0x4d9: {  	s0 =	stileid.u32;
	[bflag:$0x2] =	sbarrier.arrive $0xFFFF  }
0x4da: {  	p0 =	sne.s32 s0, $0x0;
	s0 =	rddreg [dreg:$0x2]  }
0x4db: {  	s0 =	sadd.s32 @!p0 $0x100000, s0  }
0x4dc: {  	[sflag:s0] =	ssyncadd.tile.s32 @!p0 $0x1;
	_ =	shalt  }
.Lfunc_end2:
_tile_overlayer_lowered:
.L_overlay_start_2:
0x4dd: {  	(tag) =	ssettag $0x2  }
0x4de: {  	s0 =	rddreg [dreg:$0x0];
	s2 =	stileid.u32  }
0x4df: {  	s1 =	rddreg [dreg:$0x1];
	p0 =	sne.s32 s2, $0x0  }
0x4e0: {  	s3 =	rddreg [dreg:$0x2];
	[bflag:$0x3] =	sbarrier.arrive $0xFFFF;
	s2 =	simm.s32 @!p0 $0x1C05  }
0x4e1: {  	[timem:s3], [sflag:s2] =	dma.local @!p0 [hbm:s0], s1  }
0x4e2: {  	s0 =	simm.s32 @!p0 $0x5  }
0x4e3: {  	_ =	swait.ge @!p0 [sflag:s0], s1  }
0x4e4: {  	s1 =	ssub.s32 @!p0 $0x0, s1;
	[sflag:s0] =	ssyncset.done @!p0 $0x0  }
0x4e5: {  	[sflag:s0] =	ssyncadd.s32 @!p0 s1  }
0x4e6: {  	[bflag:$0x3] =	sbarrier.arrive $0xFFFF  }
0x4e7: {  	_ =	shalt  }

// kernel: sparse-core-data-format-call.cloned.1.call-start
scs
called_computation_lowered:
.L_overlay_start_0:
0x0: {  	s2 =	sld [smem:$0x3FD9]  }
0x1: {  	s3 =	sld [smem:$0x3FFE];
	_ =	sdelay $0x1  }
0x2: {  	s1 =	srdreg.scid  }
0x3: {  	s0 =	sand.u32 $0x1, s1  }
0x4: {  	s18 =	sshll.u32 s0, $0xA;
	s2 =	sadd.s32 s3, s2  }
0x5: {  	s2 =	sadd.s32 s2, s18  }
0x6: {  	[smem:$0x3FC4] =	sst s2  }
0x7: {  	_ = 	snop  }
0x8: {  	s2 =	sld [smem:$0x3FC8];
	(tm) =	ssettm $0x1  }
0x9: {  	s19 =	sld [smem:$0x3FFB];
	_ =	sdelay $0x3  }
0xa: {  	_ =	strace s19  }
0xb: {  	s3 =	sld [smem:$0x3FFC];
	_ =	sdelay $0x3  }
0xc: {  	_ =	strace s3  }
0xd: {  	s3 =	sld [smem:$0x3FFD];
	_ =	sdelay $0x3  }
0xe: {  	_ =	strace s3  }
0xf: {  	_ =	strace $0x8FFFFFFF  }
0x10: {  	s20 =	sld [smem:$0x3FDB];
	_ =	sdelay $0x1  }
0x11: {  	s4 =	simm.s32 $_scs_section_size  }
0x12: {  	s5 =	simm.s32 $_size__tile_overlayer_lowered;
	s6 =	simm.s32 $_tile_overlayer_lowered  }
0x13: {  	s23 =	simm.s32 $0x1BFF;
	s22 =	sshll.u32 s6, $0x1;
	s3 =	sadd.s32 s4, s20  }
0x14: {  	s7 =	simm.s32 $0x0;
	s21 =	sshll.u32 s5, $0x1;
	s5 =	sadd.s32 s22, s3  }
0x15: {  	[timem:s7], [sflag:s23] =	dma.local [hbm:s5], s21  }
0x16: {  	_ =	swait.ge [sflag:s23], s21  }
0x17: {  	s4 =	ssub.s32 $0x0, s21;
	[sflag:s23] =	ssyncset.done $0x0  }
0x18: {  	[sflag:s23] =	ssyncadd.s32 s4;
	_ =	sdelay $0x1  }
0x19: {  	s24 =	simm.s32 $0x1B8B  }
0x1a: {  	_ =	swait.ge [sflag:s24], $0x1  }
0x1b: {  	[sflag:s24] =	ssyncset.done $0x0  }
0x1c: {  	s26 =	simm.s32 $0x1B8E;
	s25 =	sld [smem:$0x3FFE];
	[sflag:s24] =	ssyncadd.s32 $0xFFFFFFFF  }
0x1d: {  	s27 =	simm.s32 $execute0_lowered;
	[smem:$0x3FD2] =	sst s26  }
0x1e: {  	s5 =	sshll.u32 s27, $0x1;
	_ =	strace $0x80000046;
	[dreg:$0x1] =	wrdreg $0xFFFFFFFF  }
0x1f: {  	s28 =	simm.s32 $_size_execute0_lowered;
	s3 =	sadd.s32 s3, s5;
	[dreg:$0x0] =	wrdreg $0x0  }
0x20: {  	s5 =	sshll.u32 s28, $0x1;
	[dreg:$0x2] =	wrdreg s3  }
0x21: {  	[dreg:$0x3] =	wrdreg s5  }
0x22: {  	[dreg:$0x4] =	wrdreg $0xC0  }
0x23: {  	_ =	task [dreg:s7], $0x5FFFF  }
0x24: {  	[dreg:$0x1] =	wrdreg $0xFFFFFFFF  }
0x25: {  	[dreg:$0x0] =	wrdreg $0x60  }
0x26: {  	[dreg:$0x2] =	wrdreg s2  }
0x27: {  	[dreg:$0x3] =	wrdreg s25  }
0x28: {  	[dreg:$0x4] =	wrdreg $0x9  }
0x29: {  	_ =	task.clear_ibuf [dreg:s7], $0x5FFFF;
	_ =	strace $0x90000046  }
0x2a: {  	s29 =	simm.s32 $0x9;
	_ =	strace $0x80000048  }
0x2b: {  	_ =	swait.ge [sflag:s29], $0x1  }
0x2c: {  	[sflag:s29] =	ssyncadd.s32 $0xFFFFFFFF  }
0x2d: {  	_ =	strace $0x90000048  }
0x2e: {  	_ =	sfence  }
0x2f: {  	s30 =	sld [smem:$0x0];
	_ =	sdelay $0x2  }
0x30: {  	s31 =	sshll.u32 s1, $0xD;
	s1 =	sshrl.u32 s1, $0x2  }
0x31: {  	s3 =	sand.u32 $0x4000, s31;
	s1 =	sadd.s32 s1, s30  }
0x32: {  	s0 =	sor.u32 s3, s0;
	s1 =	sshll.u32 s1, $0x11  }
0x33: {  	s0 =	sor.u32 s1, s0  }
0x34: {  	s0 =	sadd.s32 $0x8F2B, s0  }
0x35: {  	[sflag:s0] =	ssyncadd.remote.s32 $0x1  }
0x36: {  	_ =	sfence.sel $0xFFFF  }
0x37: {  	[dreg:$0x0] =	wrdreg $0xFFFFFFFF;
	(pc) =	sbr.abs _section_cstart, $3  }
0x38: {  	[dreg:$0x1] =	wrdreg $0xFFFFFFFF  }
0x39: {  	_ =	task.clear_ibuf [dreg:s7], $0x2FFFF;
	_ =	strace $0x9FFFFFFF  }
0x3a: {  	(tm) =	ssettm $0x7FFFFFFF  }
0x3b: {  	_ =	shalt  }
tec
execute0_lowered:
.L_overlay_start_1:
0x0: {  	(tag) =	ssettag $0x1  }
0x1: {  	s0 =	stileid.u32;
	s7 =	rddreg [dreg:$0x0]  }
0x2: {  	s1 =	srdreg.scid;
	s4 =	rddreg [dreg:$0x1]  }
0x3: {  	s30 =	simm.s32 $0x2;
	s10 =	simm.s32 $0x0;
	s14 =	simm.s32 $0x0  }
0x4: {  	s15 =	simm.s32 $0x0;
	s11 =	simm.s32 $0x0;
	s13 =	simm.s32 $0x0  }
0x5: {  	s2 =	sand.u32 $0x1, s1;
	s3 =	sshll.u32 s0, $0x7;
	s1 =	rddreg [dreg:$0x2]  }
0x6: {  	_ =	strace $0x80000047;
	s5 =	ssub.s32 $0xC300, s3;
	s6 =	ssub.s32 $0x2, s2  }
.Ltmp0:
0x7: {  	s5 =	sshrl.u32 s5, $0xB;
	s8 =	sshrl.u32 s6, $0x1;
	(pc) =	sbr.rel .LBB1_1-.Ltmp0, $4  }
0x8: {  	s4 =	sadd.s32 $0x1200, s4;
	s9 =	sadd.s32 $0x1, s5;
	s6 =	ssub.s32 s6, s8  }
0x9: {  	s31 =	sshll.u32 s2, $0x4;
	s5 =	simm.s32 $0x1;
	s6 =	smul.u32 s9, s6  }
0xa: {  	s12 =	smov.u32 s3;
	s7 =	sadd.s32 s7, s31;
	[sflag:s5] =	ssyncpa.u1 $0x0  }
0xb: {  	s9 =	simm.s32 $0x0;
	[sflag:s30] =	ssyncpa.u1 $0x0;
	s8 =	sadd.s32 $0x1, s6  }
.LBB1_4:
0xc: {  	s21 =	simm.s32 $0x0  }
.LBB1_8:
0xd: {  	_ =	sdelay $0x3  }
0xe: {  	v6 =	vld [tilespmem:s18+$0xFFFFFFC0];
	[tilespmem:v0+s20+$0x30 ss:$0x1] =	vst.idx.msk @p0 $0xffff, v2  }
0xf: {  	v58 =	vld [tilespmem:s18+$0xFFFFFFD0];
	[tilespmem:v0+s20+$0x40 ss:$0x1] =	vst.idx.msk @p0 $0xffff, v3;
	s21 =	sadd.s32 @p0 $0x80, s21  }
0x10: {  	v59 =	vld [tilespmem:s18+$0xFFFFFFE0];
	[tilespmem:v0+s20+$0x50 ss:$0x1] =	vst.idx.msk @p0 $0xffff, v5;
	s19 =	smov.u32 @p0 s21  }
0x11: {  	v60 =	vld [tilespmem:s18+$0xFFFFFFF0];
	[tilespmem:v0+s20+$0x60 ss:$0x1] =	vst.idx.msk @p0 $0xffff, v4;
	s19 =	sand.u32 $0x3F80, s19  }
0x12: {  	v61 =	vld [tilespmem:s18+$0x0];
	[tilespmem:v0+s19+$0x70 ss:$0x1] =	vst.idx.msk $0xffff, v1  }
0x13: {  	v62 =	vld [tilespmem:s18+$0x10];
	[tilespmem:v0+s19+$0x0 ss:$0x1] =	vst.idx.msk $0xffff, v6  }
0x14: {  	v63 =	vld [tilespmem:s18+$0x20];
	[tilespmem:v0+s19+$0x10 ss:$0x1] =	vst.idx.msk $0xffff, v58  }
0x15: {  	[tilespmem:v0+s19+$0x20 ss:$0x1] =	vst.idx.msk $0xffff, v59  }
0x16: {  	[tilespmem:v0+s19+$0x30 ss:$0x1] =	vst.idx.msk $0xffff, v60  }
0x17: {  	[tilespmem:v0+s19+$0x40 ss:$0x1] =	vst.idx.msk $0xffff, v61  }
0x18: {  	[tilespmem:v0+s19+$0x50 ss:$0x1] =	vst.idx.msk $0xffff, v62  }
0x19: {  	[tilespmem:v0+s19+$0x60 ss:$0x1] =	vst.idx.msk $0xffff, v63  }
.LBB1_9:
0x1a: {  	s18 =	sand.u32 $0x1FFFFFF, s11  }
0x1b: {  	s19 =	smulhi.u32 $0x14F8B59, s18;
	_ =	sdelay $0x1  }
0x1c: {  	s19 =	sshrl.u32 s19, $0x8  }
0x1d: {  	s19 =	smul.u32 $0xC350, s19  }
0x1e: {  	s15 =	smul.u32 $0xC3500, s15  }
0x1f: {  	s18 =	ssub.s32 s18, s19  }
0x20: {  	s15 =	sadd.s32 s4, s15;
	s18 =	sshll.u32 s18, $0x4  }
0x21: {  	s15 =	sadd.s32 s18, s15  }
0x22: {  	[hbm4b:s15+s9] =	stream.linear.scatter [tilespmem:s17], [sflag:$0x2], s16, $0x38;
	[tilespmem:$0x10000] =	vst v63  }
.LBB1_10:
0x23: {  	p0 =	slt.u32 s13, $0x2  }
0x24: {  	p1 =	sgt.s32 @!p0 s14, $0xC2D0  }
0x25: {  	s15 =	smov.u32 s14;
	s16 =	sshra.s32 @!p0 s14, $0x1F;
	p1 =	por !p1, p0  }
0x26: {  	s14 =	sand.u32 @!p0 s16, s14;
	s15 =	simm.s32 @p1 $0xC2D0  }
0x27: {  	s14 =	ssub.s32 @!p0 s15, s14  }
0x28: {  	s14 =	sadd.s32 @!p0 $0xFFFF3D30, s14  }
0x29: {  	s15 =	sshll.u32 @!p0 s14, $0x7  }
0x2a: {  	p1 =	sgt.s32 @!p0 s14, $0x7F;
	s14 =	ssub.s32 @!p0 $0x4000, s15  }
0x2b: {  	s16 =	sadd.s32 $0x800, s12;
	p1 =	por !p1, p0;
	s14 =	sand.u32 @!p0 $0x3FFFFF80, s14  }
0x2c: {  	s14 =	simm.s32 @!p1 $0x0;
	p1 =	sgt.s32 s16, $0xC34F  }
0x2d: {  	s16 =	smov.u32 @p1 s3;
	p1 =	sne.s32 s13, s8  }
.Ltmp1:
0x2e: {  	_ = 	snop;
	(pc) =	sbr.rel @!p1 .LBB1_11-.Ltmp1, $4  }
0x2f: {  	s10 =	sadd.s32 $0x4000, s10;
	s15 =	simm.s32 @!p0 $0x2  }
0x30: {  	_ =	swait.ge @!p0 [sflag:s15], s14;
	s17 =	ssub.s32 @!p0 $0x0, s14;
	s14 =	smov.u32 s11  }
0x31: {  	s13 =	sadd.s32 $0x1, s13;
	s11 =	smov.u32 s12;
	[sflag:s15] =	ssyncset.done @!p0 $0x0  }
0x32: {  	s12 =	smov.u32 s16;
	[sflag:s15] =	ssyncadd.s32 @!p0 s17;
	s15 =	smov.u32 s2  }
.LBB1_1:
0x33: {  	p0 =	sge.u32 s13, s6  }
0x34: {  	p1 =	sgt.s32 @!p0 s12, $0xC2D0  }
0x35: {  	s16 =	smov.u32 s12;
	s17 =	sshra.s32 @!p0 s12, $0x1F;
	p1 =	por !p1, p0  }
0x36: {  	s17 =	sand.u32 @!p0 s17, s12;
	s16 =	simm.s32 @p1 $0xC2D0  }
0x37: {  	s16 =	ssub.s32 @!p0 s16, s17  }
0x38: {  	s31 =	sadd.s32 $0xFFFFFFFF, s13;
	s18 =	sxor.u32 @!p0 $0xFFFFFFFF, s13;
	s16 =	sadd.s32 @!p0 $0xFFFF3D30, s16  }
0x39: {  	s19 =	simm.s32 @!p0 $0x80;
	s20 =	simm.s32 @!p0 $0x100;
	s17 =	sshll.u32 @!p0 s16, $0x7  }
0x3a: {  	p1 =	sgt.s32 @!p0 s16, $0x7F;
	s16 =	ssub.s32 @!p0 $0x4000, s17;
	s17 =	sshll.u32 @!p0 s18, $0xE  }
0x3b: {  	p1 =	por !p1, p0;
	s18 =	sshll.u32 @!p0 s12, $0x5;
	s16 =	sand.u32 @!p0 $0x3FFFFF80, s16  }
0x3c: {  	s17 =	sand.u32 @!p0 $0x4000, s17;
	s18 =	sadd.s32 @!p0 s18, s7;
	s16 =	simm.s32 @!p1 $0x0  }
0x3d: {  	[tilespmem:s17], [sflag:$0x1] =	stream.strided.gather @!p0 [hbm4b:s18+s19], s16, s20, s19, $0x38;
	[tilespmem:$0x10000] =	vst v63  }
0x3e: {  	p0 =	sge.u32 s31, s6  }
.Ltmp2:
0x3f: {  	_ = 	snop;
	(pc) =	sbr.rel @p0 .LBB1_10-.Ltmp2, $1  }
0x40: {  	_ =	sdelay $0x3  }
0x41: {  	p0 =	sgt.s32 s11, $0xC2D0;
	s16 =	smov.u32 s11;
	s17 =	sshra.s32 s11, $0x1F  }
0x42: {  	s16 =	simm.s32 @!p0 $0xC2D0;
	s17 =	sand.u32 s17, s11  }
0x43: {  	s16 =	ssub.s32 s16, s17  }
0x44: {  	s16 =	sadd.s32 $0xFFFF3D30, s16  }
0x45: {  	s30 =	sshll.u32 s16, $0x7  }
0x46: {  	s17 =	ssub.s32 $0x4000, s30  }
0x47: {  	p0 =	sgt.s32 s16, $0x7F;
	s16 =	sand.u32 $0x3FFFFF80, s17;
	s17 =	sadd.s32 $0x80, s11  }
0x48: {  	s16 =	simm.s32 @p0 $0x0;
	p0 =	slt.s32 s17, $0xC350  }
0x49: {  	s17 =	simm.s32 @!p0 $0xC350  }
0x4a: {  	s20 =	ssub.s32 s17, s11  }
0x4b: {  	p0 =	slt.s32 s20, $0x1  }
.Ltmp3:
0x4c: {  	_ = 	snop;
	(pc) =	sbr.rel @p0 .LBB1_9-.Ltmp3, $4  }
0x4d: {  	_ = 	snop  }
0x4e: {  	s19 =	sshll.u32 s13, $0xE;
	_ =	swait.ge [sflag:s5], s16  }
0x4f: {  	s31 =	sand.u32 $0x4000, s19;
	s18 =	ssub.s32 $0x0, s16;
	[sflag:s5] =	ssyncset.done $0x0  }
0x50: {  	s17 =	sor.u32 $0x8000, s31;
	[sflag:s5] =	ssyncadd.s32 s18  }
0x51: {  	p1 =	sne.s32 s20, $0x1  }
.Ltmp4:
0x52: {  	v0 =	vmov s17;
	(pc) =	sbr.rel @!p1 .LBB1_4-.Ltmp4, $4  }
0x53: {  	_ = 	snop  }
0x54: {  	s18 =	sand.u32 $0x4000, s10  }
0x55: {  	s18 =	sor.u32 $0x40, s18  }
0x56: {  	s19 =	simm.s32 $0x0;
	s21 =	sadd.s32 $0xFFFFFFFF, s20;
	p0 =	por $0x0, $0x0;
	v1 =	vld [tilespmem:s18+$0x30]  }
0x57: {  	v4 =	vld [tilespmem:s18+$0xFFFFFFC0]  }
0x58: {  	v6 =	vld [tilespmem:s18+$0xFFFFFFD0]  }
0x59: {  	v7 =	vld [tilespmem:s18+$0xFFFFFFE0];
	p1 =	sne.s32 s21, $0x1  }
.Ltmp5:
0x5a: {  	v2 =	vld [tilespmem:s18+$0xFFFFFFF0];
	s20 =	sand.u32 $0x3F80, s19;
	(pc) =	sbr.rel @!p1 .LBB1_6-.Ltmp5, $4  }
0x5b: {  	v3 =	vld [tilespmem:s18+$0x0];
	[tilespmem:v0+s20+$0x70 ss:$0x1] =	vst.idx.msk $0xffff, v1  }
0x5c: {  	v5 =	vld [tilespmem:s18+$0x10];
	[tilespmem:v0+s20+$0x0 ss:$0x1] =	vst.idx.msk $0xffff, v4  }
0x5d: {  	v4 =	vld [tilespmem:s18+$0x20];
	[tilespmem:v0+s20+$0x10 ss:$0x1] =	vst.idx.msk $0xffff, v6;
	s18 =	sadd.s32 $0x80, s18  }
0x5e: {  	s22 =	sadd.s32 $0xFFFFFFFF, s21;
	p0 =	por $0x1, $0x1;
	s21 =	simm.s32 $0x0;
	[tilespmem:v0+s20+$0x20 ss:$0x1] =	vst.idx.msk $0xffff, v7;
	v1 =	vld [tilespmem:s18+$0x30]  }
.LBB1_7:
0x5f: {  	p1 =	sne.s32 s22, $0x1;
	v6 =	vld [tilespmem:s18+$0xFFFFFFC0];
	[tilespmem:v0+s20+$0x30 ss:$0x1] =	vst.idx.msk $0xffff, v2  }
0x60: {  	v7 =	vld [tilespmem:s18+$0xFFFFFFD0];
	[tilespmem:v0+s20+$0x40 ss:$0x1] =	vst.idx.msk $0xffff, v3  }
0x61: {  	s21 =	sadd.s32 $0x80, s21;
	v8 =	vld [tilespmem:s18+$0xFFFFFFE0];
	[tilespmem:v0+s20+$0x50 ss:$0x1] =	vst.idx.msk $0xffff, v5  }
.Ltmp6:
0x62: {  	v2 =	vld [tilespmem:s18+$0xFFFFFFF0];
	[tilespmem:v0+s20+$0x60 ss:$0x1] =	vst.idx.msk $0xffff, v4;
	s20 =	sand.u32 $0x3F80, s21;
	(pc) =	sbr.rel @p1 .LBB1_7-.Ltmp6, $4  }
0x63: {  	v3 =	vld [tilespmem:s18+$0x0];
	[tilespmem:v0+s20+$0x70 ss:$0x1] =	vst.idx.msk $0xffff, v1  }
0x64: {  	[tilespmem:v0+s20+$0x0 ss:$0x1] =	vst.idx.msk $0xffff, v6;
	v5 =	vld [tilespmem:s18+$0x10]  }
0x65: {  	[tilespmem:v0+s20+$0x10 ss:$0x1] =	vst.idx.msk $0xffff, v7;
	v4 =	vld [tilespmem:s18+$0x20];
	s18 =	sadd.s32 $0x80, s18  }
0x66: {  	s22 =	sadd.s32 $0xFFFFFFFF, s22;
	v1 =	vld [tilespmem:s18+$0x30];
	[tilespmem:v0+s20+$0x20 ss:$0x1] =	vst.idx.msk $0xffff, v8  }
.Ltmp7:
0x67: {  	_ = 	snop;
	(pc) =	sbr.rel .LBB1_8-.Ltmp7, $1  }
0x68: {  	_ =	sdelay $0x3  }
.LBB1_6:
.Ltmp8:
0x69: {  	(pc) =	sbr.rel .LBB1_8-.Ltmp8, $2  }
0x6a: {  	_ =	sdelay $0x2  }
0x6b: {  	s21 =	simm.s32 $0x0  }
.LBB1_11:
0x6c: {  	_ =	sfence.sel $0x180000  }
0x6d: {  	s2 =	simm.s32 $0x1;
	[bflag:$0x0] =	sbarrier.arrive $0xFFFF  }
0x6e: {  	s31 =	simm.s32 $0x2;
	[sflag:s2] =	ssyncpa.u1 $0x1  }
0x6f: {  	[sflag:s31] =	ssyncpa.u1 $0x1  }
0x70: {  	p0 =	sne.s32 s0, $0x0;
	_ =	strace $0x90000047  }
0x71: {  	s0 =	sadd.s32 @!p0 $0x100000, s1;
	[bflag:$0x2] =	sbarrier.arrive $0xFFFF  }
0x72: {  	[sflag:s0] =	ssyncadd.tile.s32 @!p0 $0x1;
	_ =	shalt  }
.Lfunc_end1:
_tile_overlayer_lowered:
.L_overlay_start_2:
0x73: {  	(tag) =	ssettag $0x2  }
0x74: {  	s0 =	rddreg [dreg:$0x0];
	s2 =	stileid.u32  }
0x75: {  	s1 =	rddreg [dreg:$0x1];
	p0 =	sne.s32 s2, $0x0  }
0x76: {  	s3 =	rddreg [dreg:$0x2];
	[bflag:$0x3] =	sbarrier.arrive $0xFFFF;
	s2 =	simm.s32 @!p0 $0x1C01  }
0x77: {  	[timem:s3], [sflag:s2] =	dma.local @!p0 [hbm:s0], s1  }
0x78: {  	s0 =	simm.s32 @!p0 $0x1  }
0x79: {  	_ =	swait.ge @!p0 [sflag:s0], s1  }
0x7a: {  	s1 =	ssub.s32 @!p0 $0x0, s1;
	[sflag:s0] =	ssyncset.done @!p0 $0x0  }
0x7b: {  	[sflag:s0] =	ssyncadd.s32 @!p0 s1  }
0x7c: {  	[bflag:$0x3] =	sbarrier.arrive $0xFFFF  }
0x7d: {  	_ =	shalt  }

</sc_bundles>
